<compile_context>
chip_gen: v7x
topology: tpu7x:2x2x1
jax: 0.10.2.dev20260603
libtpu: 0.0.44.dev20260713+nightly
codegen_flags: <defaults>
</compile_context>

<pallas_src>
import functools

import jax
import jax.numpy as jnp
from jax import lax
from jax.experimental import pallas as pl
from jax.experimental.pallas import tpu as pltpu
from jax.experimental.pallas import tpu_sc as plsc

NUM_REL = 3
N = 10000
E = 320000
D = 128

NUM_CORES = 2
NUM_SUBCORES = 16
NW = NUM_CORES * NUM_SUBCORES
CH = 128
NCH0 = 80
NCH1 = 80
NTOT0 = NUM_SUBCORES * NCH0
KCHUNKS = NUM_SUBCORES * (NCH0 + NCH1)
EPAD = KCHUNKS * CH
ACC_ROWS = 10032
ROWS_PER_TILE = 632
MM_BLK = 2000
NB = N // MM_BLK



def _mm_body(x_ref, w_ref, o_ref):
    o_ref[...] = jnp.dot(x_ref[...], w_ref[0],
                         preferred_element_type=jnp.float32)


def _project(x, w):
    return pl.pallas_call(
        _mm_body,
        grid=(NB, NUM_REL),
        in_specs=[
            pl.BlockSpec((MM_BLK, D), lambda n, r: (n, 0)),
            pl.BlockSpec((1, D, D), lambda n, r: (r, 0, 0)),
        ],
        out_specs=pl.BlockSpec((MM_BLK, D), lambda n, r: (r * NB + n, 0)),
        out_shape=jax.ShapeDtypeStruct((NUM_REL * N, D), jnp.float32),
    )(x, w)


def _relu_mm_body(p_ref, w_ref, o_ref):
    h = jnp.maximum(p_ref[0] + p_ref[1], 0.0)
    o_ref[...] = jnp.dot(h, w_ref[0], preferred_element_type=jnp.float32)


def _relu_project(p, w):
    return pl.pallas_call(
        _relu_mm_body,
        grid=(NB, NUM_REL),
        in_specs=[
            pl.BlockSpec((NUM_CORES, MM_BLK, D), lambda n, r: (0, n, 0)),
            pl.BlockSpec((1, D, D), lambda n, r: (r, 0, 0)),
        ],
        out_specs=pl.BlockSpec((MM_BLK, D), lambda n, r: (r * NB + n, 0)),
        out_shape=jax.ShapeDtypeStruct((NUM_REL * N, D), jnp.float32),
    )(p, w)


def _logsoftmax_body(p_ref, o_ref):
    x = p_ref[0] + p_ref[1]
    m = jnp.max(x, axis=1, keepdims=True)
    ex = jnp.exp(x - m)
    lse = jnp.log(jnp.sum(ex, axis=1, keepdims=True)) + m
    o_ref[...] = x - lse


def _sum_logsoftmax(p):
    return pl.pallas_call(
        _logsoftmax_body,
        grid=(NB,),
        in_specs=[pl.BlockSpec((NUM_CORES, MM_BLK, D), lambda n: (0, n, 0))],
        out_specs=pl.BlockSpec((MM_BLK, D), lambda n: (n, 0)),
        out_shape=jax.ShapeDtypeStruct((N, D), jnp.float32),
    )(p)


PK_BLK = 256


def _pack_body(ei_ref, t_ref, o_ref):
    i = pl.program_id(0)
    row = jax.lax.broadcasted_iota(jnp.int32, (PK_BLK, CH), 0)
    col = jax.lax.broadcasted_iota(jnp.int32, (PK_BLK, CH), 1)
    eid = (i * PK_BLK + row) * CH + col
    real = eid < E
    src = jnp.where(real, ei_ref[0].reshape(PK_BLK, CH), eid % N)
    typ = jnp.where(real, t_ref[...], 0)
    dst = jnp.where(real, ei_ref[1].reshape(PK_BLK, CH), N + eid % (ACC_ROWS - N))
    o_ref[:, 0, :] = typ * N + src
    o_ref[:, 1, :] = dst


def _pack_idx(edge_index, edge_type):
    blk = PK_BLK * CH
    return pl.pallas_call(
        _pack_body,
        grid=(KCHUNKS // PK_BLK,),
        in_specs=[
            pl.BlockSpec((2, blk), lambda i: (0, i)),
            pl.BlockSpec((PK_BLK, CH), lambda i: (i, 0)),
        ],
        out_specs=pl.BlockSpec((PK_BLK, 2, CH), lambda i: (i, 0, 0)),
        out_shape=jax.ShapeDtypeStruct((KCHUNKS, 2, CH), jnp.int32),
    )(edge_index, edge_type.reshape(E // CH, CH))



_SC_MESH = plsc.VectorSubcoreMesh(core_axis_name="c", subcore_axis_name="s")


NROW = 3
NPK = 6
NCHUNK = NCH0


@functools.partial(
    pl.kernel,
    out_type=jax.ShapeDtypeStruct((NUM_CORES, ACC_ROWS, D), jnp.float32),
    mesh=_SC_MESH,
    scratch_types=[
        [pltpu.VMEM((2, CH), jnp.int32)] * NPK,
        [pltpu.VMEM((CH, D), jnp.float32)] * NROW,
        pltpu.VMEM_SHARED((ACC_ROWS, D), jnp.float32),
        [pltpu.SemaphoreType.DMA] * NPK,
        [pltpu.SemaphoreType.DMA] * NROW,
        [pltpu.SemaphoreType.DMA] * NROW,
    ],
)
def _sc_aggregate(y_hbm, pk_hbm, zeros_hbm, out_hbm,
                  pk, rows, acc, psem, gsem, ssem):
    c = lax.axis_index("c")
    s = lax.axis_index("s")
    base = (c * NUM_SUBCORES + s) * NCHUNK

    def mk_pk_load(j, q):
        return pltpu.make_async_copy(pk_hbm.at[base + j], pk[q], psem[q])

    def mk_gather(r, q):
        return pltpu.make_async_copy(y_hbm.at[pk[q].at[0]], rows[r], gsem[r])

    def mk_scatter(r, q):
        return pltpu.make_async_copy(rows[r], acc.at[pk[q].at[1]], ssem[r])

    row0 = jnp.minimum(s * ROWS_PER_TILE, ACC_ROWS - ROWS_PER_TILE)

    with jax.named_scope("zero_prime"):
        for j in range(5):
            mk_pk_load(j, j).start()
        pltpu.sync_copy(zeros_hbm, acc.at[pl.ds(row0, ROWS_PER_TILE)])
        plsc.subcore_barrier()

        for j in range(2):
            mk_pk_load(j, j).wait()
            mk_gather(j % NROW, j).start()

    def step(j, u, first, last):
        r, q = u % NROW, u % NPK
        if not (first and u == 0):
            mk_scatter((u - 1) % NROW, (u - 1) % NPK).wait()
        if not (last and u >= NPK - 2):
            mk_pk_load(j + 2, (u + 2) % NPK).wait()
            mk_gather((u + 2) % NROW, (u + 2) % NPK).start()
        mk_gather(r, q).wait()
        mk_scatter(r, q).start(add=True)
        if (not last) or (u + 5 < NPK):
            mk_pk_load(j + 5, (u + 5) % NPK).start()

    NGRP = NCHUNK // NPK

    with jax.named_scope("pipe"):
        for u in range(NPK):
            step(u, u, True, False)

        def body(g, carry):
            for u in range(NPK):
                step(g * NPK + u, u, False, False)
            return carry

        lax.fori_loop(1, NGRP - 1, body, 0)

        for j in range((NGRP - 1) * NPK, NCHUNK):
            u = j % NPK
            first = False
            last_gather = j + 2 >= NCHUNK
            mk_scatter((u - 1) % NROW, (u - 1) % NPK).wait()
            if not last_gather:
                mk_pk_load(j + 2, (u + 2) % NPK).wait()
                mk_gather((u + 2) % NROW, (u + 2) % NPK).start()
            mk_gather(u % NROW, u % NPK).wait()
            mk_scatter(u % NROW, u % NPK).start(add=True)
            if j + 5 < NCHUNK:
                mk_pk_load(j + 5, (u + 5) % NPK).start()

        mk_scatter((NCHUNK - 1) % NROW, (NCHUNK - 1) % NPK).wait()

    with jax.named_scope("pub"):
        plsc.subcore_barrier()

        sl = pl.ds(row0, ROWS_PER_TILE)
        pltpu.sync_copy(acc.at[sl], out_hbm.at[c, sl])



@jax.jit
def kernel(X, edge_index, edge_type, W1, W2):
    pk = _pack_idx(edge_index, edge_type)
    zeros = jnp.zeros((ROWS_PER_TILE, D), jnp.float32)

    y1 = _project(X, W1)
    p1 = _sc_aggregate(y1, pk, zeros)
    y2 = _relu_project(p1, W2)
    p2 = _sc_aggregate(y2, pk, zeros)
    return _sum_logsoftmax(p2)

# --- scband reference (transcript-rebuilt; emitter-appended) ---
"""Pipeline reference for scband-relational-graph-conv-model-81527069213098 (READ-ONLY COPY).

The authoritative reference and input builder live on the scoring server;
editing this copy changes nothing except your own understanding.
"""

import jax, jax.numpy as jnp
import numpy as np

NUM_REL = 3
N = 10000
E = 320000
D_IN = 128
D_HID = 128
D_OUT = 128


def _glorot(key, shape):
    fan_in, fan_out = shape[-2], shape[-1]
    scale = jnp.sqrt(2.0 / (fan_in + fan_out))
    return jax.random.normal(key, shape, dtype=jnp.float32) * scale


def setup_inputs(seed: int = 0) -> dict:
    key = jax.random.key(seed)
    k1, k2, k3, k4, k5 = jax.random.split(key, 5)
    X = jax.random.normal(k1, (N, D_IN), dtype=jnp.float32)
    edge_index = jax.random.randint(k2, (2, E), 0, N, dtype=jnp.int32)
    edge_type = jax.random.randint(k3, (E,), 0, NUM_REL, dtype=jnp.int32)
    # Layer weights: R-GCN with num_bases=0 -> one [in, out] matrix per relation
    W1 = _glorot(k4, (NUM_REL, D_IN, D_HID))
    W2 = _glorot(k5, (NUM_REL, D_HID, D_OUT))
    return {"X": X, "edge_index": edge_index, "edge_type": edge_type, "W1": W1, "W2": W2}


def _rgcn_layer(X, edge_src, edge_dst, edge_type, W):
    # supports_r = A_r @ X  (unweighted adjacency per relation), implemented as
    # gather source features + masked scatter-add (segment_sum) onto destinations.
    msgs = jnp.take(X, edge_src, axis=0)  # [E, d_in]
    supports = []
    for r in range(NUM_REL):
        mask = (edge_type == r).astype(X.dtype)[:, None]
        supports.append(jax.ops.segment_sum(msgs * mask, edge_dst, num_segments=N))
    tmp = jnp.concatenate(supports, axis=1)  # [N, NUM_REL * d_in]
    W_flat = W.reshape(NUM_REL * W.shape[1], W.shape[2])
    return tmp @ W_flat


def reference(X, edge_index, edge_type, W1, W2):
    edge_src = edge_index[0]
    edge_dst = edge_index[1]
    # Layer 1 (bias=False) + ReLU; dropout is identity at eval time
    h = _rgcn_layer(X, edge_src, edge_dst, edge_type, W1)
    h = jax.nn.relu(h)
    # Layer 2 (bias=False); dropout identity at eval time
    h = _rgcn_layer(h, edge_src, edge_dst, edge_type, W2)
    return jax.nn.log_softmax(h, axis=1)

if __name__ == "__main__":
    import jax
    _d = setup_inputs()
    print(jax.jit(kernel)(*tuple(_d.values())))

</pallas_src>

<mosaic_0001>
#map = affine_map<(d0, d1) -> (0, 0)>
#map1 = affine_map<(d0, d1) -> (0, 0, 0)>
module attributes {stable_mosaic.version = 14 : i64} {
  func.func @_sc_aggregate(%arg0: i32, %arg1: i32, %arg2: memref<30000x128xf32, #tpu.memory_space<hbm>>, %arg3: memref<2560x2x128xi32, #tpu.memory_space<hbm>>, %arg4: memref<632x128xf32, #tpu.memory_space<hbm>>, %arg5: memref<2x10032x128xf32, #tpu.memory_space<hbm>>, %arg6: memref<2x128xi32, #tpu.memory_space<vmem>>, %arg7: memref<2x128xi32, #tpu.memory_space<vmem>>, %arg8: memref<2x128xi32, #tpu.memory_space<vmem>>, %arg9: memref<2x128xi32, #tpu.memory_space<vmem>>, %arg10: memref<2x128xi32, #tpu.memory_space<vmem>>, %arg11: memref<2x128xi32, #tpu.memory_space<vmem>>, %arg12: memref<128x128xf32, #tpu.memory_space<vmem>>, %arg13: memref<128x128xf32, #tpu.memory_space<vmem>>, %arg14: memref<128x128xf32, #tpu.memory_space<vmem>>, %arg15: memref<10032x128xf32, #tpu.memory_space<vmem_shared>>, %arg16: memref<!tpu.dma_semaphore, #tpu.memory_space<semaphore_mem>>, %arg17: memref<!tpu.dma_semaphore, #tpu.memory_space<semaphore_mem>>, %arg18: memref<!tpu.dma_semaphore, #tpu.memory_space<semaphore_mem>>, %arg19: memref<!tpu.dma_semaphore, #tpu.memory_space<semaphore_mem>>, %arg20: memref<!tpu.dma_semaphore, #tpu.memory_space<semaphore_mem>>, %arg21: memref<!tpu.dma_semaphore, #tpu.memory_space<semaphore_mem>>, %arg22: memref<!tpu.dma_semaphore, #tpu.memory_space<semaphore_mem>>, %arg23: memref<!tpu.dma_semaphore, #tpu.memory_space<semaphore_mem>>, %arg24: memref<!tpu.dma_semaphore, #tpu.memory_space<semaphore_mem>>, %arg25: memref<!tpu.dma_semaphore, #tpu.memory_space<semaphore_mem>>, %arg26: memref<!tpu.dma_semaphore, #tpu.memory_space<semaphore_mem>>, %arg27: memref<!tpu.dma_semaphore, #tpu.memory_space<semaphore_mem>>) attributes {dimension_semantics = [#tpu.dimension_semantics<core_parallel>, #tpu.dimension_semantics<subcore_parallel>], iteration_bounds = array<i64: 2, 16>, scalar_prefetch = 0 : i64, scratch_operands = 22 : i64, tpu.core_type = #tpu.core_type<sc_vector_subcore>, window_params = [{transform_indices = #map}, {transform_indices = #map1}, {transform_indices = #map}, {transform_indices = #map1}]} {
    %mul3A = arith.constant 16 : i32
    %mul3A_0 = arith.muli %arg0, %mul3A : i32
    %add3A = arith.addi %mul3A_0, %arg1 : i32
    %mul3A_1 = arith.constant 80 : i32
    %mul3A_2 = arith.muli %add3A, %mul3A_1 : i32
    %mul3A_3 = arith.constant 632 : i32
    %mul3A_4 = arith.muli %arg1, %mul3A_3 : i32
    %min3A = arith.constant 9400 : i32
    %min3A_5 = arith.minsi %mul3A_4, %min3A : i32
    "tpu.trace_start"() <{level = 10 : i32, message = "zero_prime"}> : () -> ()
    %add3A_6 = arith.constant 0 : i32
    %add3A_7 = arith.addi %mul3A_2, %add3A_6 : i32
    %dma_start3A = arith.constant 0 : i32
    %dma_start3A_8 = arith.constant 0 : i32
    %dma_start3A_9 = tpu.memref_slice %arg3[%add3A_7, %dma_start3A, %dma_start3A_8] : memref<2560x2x128xi32, #tpu.memory_space<hbm>> -> memref<1x2x128xi32, #tpu.memory_space<hbm>>
    %dma_start3A_10 = tpu.memref_squeeze %dma_start3A_9 : memref<1x2x128xi32, #tpu.memory_space<hbm>> -> memref<2x128xi32, #tpu.memory_space<hbm>>
    %dma_start3A_11 = arith.constant 0 : i32
    %dma_start3A_12 = arith.constant 0 : i32
    %dma_start3A_13 = tpu.memref_slice %arg3[%add3A_7, %dma_start3A_11, %dma_start3A_12] : memref<2560x2x128xi32, #tpu.memory_space<hbm>> -> memref<1x2x128xi32, #tpu.memory_space<hbm>>
    %dma_start3A_14 = tpu.memref_squeeze %dma_start3A_13 : memref<1x2x128xi32, #tpu.memory_space<hbm>> -> memref<2x128xi32, #tpu.memory_space<hbm>>
    tpu.enqueue_dma source(%dma_start3A_14 : memref<2x128xi32, #tpu.memory_space<hbm>>) target(%arg6 : memref<2x128xi32, #tpu.memory_space<vmem>>) target_semaphore(%arg16 : memref<!tpu.dma_semaphore, #tpu.memory_space<semaphore_mem>>)
    %add3A_15 = arith.constant 1 : i32
    %add3A_16 = arith.addi %mul3A_2, %add3A_15 : i32
    %dma_start3A_17 = arith.constant 0 : i32
    %dma_start3A_18 = arith.constant 0 : i32
    %dma_start3A_19 = tpu.memref_slice %arg3[%add3A_16, %dma_start3A_17, %dma_start3A_18] : memref<2560x2x128xi32, #tpu.memory_space<hbm>> -> memref<1x2x128xi32, #tpu.memory_space<hbm>>
    %dma_start3A_20 = tpu.memref_squeeze %dma_start3A_19 : memref<1x2x128xi32, #tpu.memory_space<hbm>> -> memref<2x128xi32, #tpu.memory_space<hbm>>
    %dma_start3A_21 = arith.constant 0 : i32
    %dma_start3A_22 = arith.constant 0 : i32
    %dma_start3A_23 = tpu.memref_slice %arg3[%add3A_16, %dma_start3A_21, %dma_start3A_22] : memref<2560x2x128xi32, #tpu.memory_space<hbm>> -> memref<1x2x128xi32, #tpu.memory_space<hbm>>
    %dma_start3A_24 = tpu.memref_squeeze %dma_start3A_23 : memref<1x2x128xi32, #tpu.memory_space<hbm>> -> memref<2x128xi32, #tpu.memory_space<hbm>>
    tpu.enqueue_dma source(%dma_start3A_24 : memref<2x128xi32, #tpu.memory_space<hbm>>) target(%arg7 : memref<2x128xi32, #tpu.memory_space<vmem>>) target_semaphore(%arg17 : memref<!tpu.dma_semaphore, #tpu.memory_space<semaphore_mem>>)
    %add3A_25 = arith.constant 2 : i32
    %add3A_26 = arith.addi %mul3A_2, %add3A_25 : i32
    %dma_start3A_27 = arith.constant 0 : i32
    %dma_start3A_28 = arith.constant 0 : i32
    %dma_start3A_29 = tpu.memref_slice %arg3[%add3A_26, %dma_start3A_27, %dma_start3A_28] : memref<2560x2x128xi32, #tpu.memory_space<hbm>> -> memref<1x2x128xi32, #tpu.memory_space<hbm>>
    %dma_start3A_30 = tpu.memref_squeeze %dma_start3A_29 : memref<1x2x128xi32, #tpu.memory_space<hbm>> -> memref<2x128xi32, #tpu.memory_space<hbm>>
    %dma_start3A_31 = arith.constant 0 : i32
    %dma_start3A_32 = arith.constant 0 : i32
    %dma_start3A_33 = tpu.memref_slice %arg3[%add3A_26, %dma_start3A_31, %dma_start3A_32] : memref<2560x2x128xi32, #tpu.memory_space<hbm>> -> memref<1x2x128xi32, #tpu.memory_space<hbm>>
    %dma_start3A_34 = tpu.memref_squeeze %dma_start3A_33 : memref<1x2x128xi32, #tpu.memory_space<hbm>> -> memref<2x128xi32, #tpu.memory_space<hbm>>
    tpu.enqueue_dma source(%dma_start3A_34 : memref<2x128xi32, #tpu.memory_space<hbm>>) target(%arg8 : memref<2x128xi32, #tpu.memory_space<vmem>>) target_semaphore(%arg18 : memref<!tpu.dma_semaphore, #tpu.memory_space<semaphore_mem>>)
    %add3A_35 = arith.constant 3 : i32
    %add3A_36 = arith.addi %mul3A_2, %add3A_35 : i32
    %dma_start3A_37 = arith.constant 0 : i32
    %dma_start3A_38 = arith.constant 0 : i32
    %dma_start3A_39 = tpu.memref_slice %arg3[%add3A_36, %dma_start3A_37, %dma_start3A_38] : memref<2560x2x128xi32, #tpu.memory_space<hbm>> -> memref<1x2x128xi32, #tpu.memory_space<hbm>>
    %dma_start3A_40 = tpu.memref_squeeze %dma_start3A_39 : memref<1x2x128xi32, #tpu.memory_space<hbm>> -> memref<2x128xi32, #tpu.memory_space<hbm>>
    %dma_start3A_41 = arith.constant 0 : i32
    %dma_start3A_42 = arith.constant 0 : i32
    %dma_start3A_43 = tpu.memref_slice %arg3[%add3A_36, %dma_start3A_41, %dma_start3A_42] : memref<2560x2x128xi32, #tpu.memory_space<hbm>> -> memref<1x2x128xi32, #tpu.memory_space<hbm>>
    %dma_start3A_44 = tpu.memref_squeeze %dma_start3A_43 : memref<1x2x128xi32, #tpu.memory_space<hbm>> -> memref<2x128xi32, #tpu.memory_space<hbm>>
    tpu.enqueue_dma source(%dma_start3A_44 : memref<2x128xi32, #tpu.memory_space<hbm>>) target(%arg9 : memref<2x128xi32, #tpu.memory_space<vmem>>) target_semaphore(%arg19 : memref<!tpu.dma_semaphore, #tpu.memory_space<semaphore_mem>>)
    %add3A_45 = arith.constant 4 : i32
    %add3A_46 = arith.addi %mul3A_2, %add3A_45 : i32
    %dma_start3A_47 = arith.constant 0 : i32
    %dma_start3A_48 = arith.constant 0 : i32
    %dma_start3A_49 = tpu.memref_slice %arg3[%add3A_46, %dma_start3A_47, %dma_start3A_48] : memref<2560x2x128xi32, #tpu.memory_space<hbm>> -> memref<1x2x128xi32, #tpu.memory_space<hbm>>
    %dma_start3A_50 = tpu.memref_squeeze %dma_start3A_49 : memref<1x2x128xi32, #tpu.memory_space<hbm>> -> memref<2x128xi32, #tpu.memory_space<hbm>>
    %dma_start3A_51 = arith.constant 0 : i32
    %dma_start3A_52 = arith.constant 0 : i32
    %dma_start3A_53 = tpu.memref_slice %arg3[%add3A_46, %dma_start3A_51, %dma_start3A_52] : memref<2560x2x128xi32, #tpu.memory_space<hbm>> -> memref<1x2x128xi32, #tpu.memory_space<hbm>>
    %dma_start3A_54 = tpu.memref_squeeze %dma_start3A_53 : memref<1x2x128xi32, #tpu.memory_space<hbm>> -> memref<2x128xi32, #tpu.memory_space<hbm>>
    tpu.enqueue_dma source(%dma_start3A_54 : memref<2x128xi32, #tpu.memory_space<hbm>>) target(%arg10 : memref<2x128xi32, #tpu.memory_space<vmem>>) target_semaphore(%arg20 : memref<!tpu.dma_semaphore, #tpu.memory_space<semaphore_mem>>)
    "tpu.region"() ({
      %run_scoped3A = tpu.sem_alloc : memref<!tpu.dma_semaphore, #tpu.memory_space<semaphore_mem>>
      %dma_start3A_682 = arith.constant 0 : i32
      %dma_start3A_683 = tpu.memref_slice %arg15[%min3A_5, %dma_start3A_682] : memref<10032x128xf32, #tpu.memory_space<vmem_shared>> -> memref<632x128xf32, #tpu.memory_space<vmem_shared>>
      tpu.enqueue_dma source(%arg4 : memref<632x128xf32, #tpu.memory_space<hbm>>) target(%dma_start3A_683 : memref<632x128xf32, #tpu.memory_space<vmem_shared>>) target_semaphore(%run_scoped3A : memref<!tpu.dma_semaphore, #tpu.memory_space<semaphore_mem>>)
      %dma_wait3A_684 = arith.constant 0 : i32
      %dma_wait3A_685 = tpu.memref_slice %arg15[%min3A_5, %dma_wait3A_684] : memref<10032x128xf32, #tpu.memory_space<vmem_shared>> -> memref<632x128xf32, #tpu.memory_space<vmem_shared>>
      tpu.wait_dma2 semaphore(%run_scoped3A : memref<!tpu.dma_semaphore, #tpu.memory_space<semaphore_mem>>) src(%arg4 : memref<632x128xf32, #tpu.memory_space<hbm>>) dst(%dma_wait3A_685 : memref<632x128xf32, #tpu.memory_space<vmem_shared>>)
      tpu.yield
    }) : () -> ()
    %barrier3A = arith.constant 0 : index
    tpu.barrier barrier_id(%barrier3A)
    %add3A_55 = arith.constant 0 : i32
    %add3A_56 = arith.addi %mul3A_2, %add3A_55 : i32
    %dma_wait3A = arith.constant 0 : i32
    %dma_wait3A_57 = arith.constant 0 : i32
    %dma_wait3A_58 = tpu.memref_slice %arg3[%add3A_56, %dma_wait3A, %dma_wait3A_57] : memref<2560x2x128xi32, #tpu.memory_space<hbm>> -> memref<1x2x128xi32, #tpu.memory_space<hbm>>
    %dma_wait3A_59 = tpu.memref_squeeze %dma_wait3A_58 : memref<1x2x128xi32, #tpu.memory_space<hbm>> -> memref<2x128xi32, #tpu.memory_space<hbm>>
    %dma_wait3A_60 = arith.constant 0 : i32
    %dma_wait3A_61 = arith.constant 0 : i32
    %dma_wait3A_62 = tpu.memref_slice %arg3[%add3A_56, %dma_wait3A_60, %dma_wait3A_61] : memref<2560x2x128xi32, #tpu.memory_space<hbm>> -> memref<1x2x128xi32, #tpu.memory_space<hbm>>
    %dma_wait3A_63 = tpu.memref_squeeze %dma_wait3A_62 : memref<1x2x128xi32, #tpu.memory_space<hbm>> -> memref<2x128xi32, #tpu.memory_space<hbm>>
    tpu.wait_dma2 semaphore(%arg16 : memref<!tpu.dma_semaphore, #tpu.memory_space<semaphore_mem>>) src(%dma_wait3A_63 : memref<2x128xi32, #tpu.memory_space<hbm>>) dst(%arg6 : memref<2x128xi32, #tpu.memory_space<vmem>>)
    %dma_start3A_64 = arith.constant 0 : i32
    %dma_start3A_65 = arith.constant 0 : i32
    %dma_start3A_66 = tpu.memref_slice %arg6[%dma_start3A_64, %dma_start3A_65] : memref<2x128xi32, #tpu.memory_space<vmem>> -> memref<1x128xi32, #tpu.memory_space<vmem>>
    %dma_start3A_67 = tpu.memref_squeeze %dma_start3A_66 : memref<1x128xi32, #tpu.memory_space<vmem>> -> memref<128xi32, #tpu.memory_space<vmem>>
    %dma_start3A_68 = arith.constant 0 : i32
    %dma_start3A_69 = arith.constant 0 : i32
    %dma_start3A_70 = tpu.memref_slice %arg2[%dma_start3A_68, %dma_start3A_69] : memref<30000x128xf32, #tpu.memory_space<hbm>> -> memref<30000x128xf32, #tpu.memory_space<hbm>>
    tpu.enqueue_indirect_dma source(%dma_start3A_70 : memref<30000x128xf32, #tpu.memory_space<hbm>>) target(%arg12 : memref<128x128xf32, #tpu.memory_space<vmem>>) offsets(%dma_start3A_67 : memref<128xi32, #tpu.memory_space<vmem>>) semaphore(%arg22 : memref<!tpu.dma_semaphore, #tpu.memory_space<semaphore_mem>>)
    %add3A_71 = arith.constant 1 : i32
    %add3A_72 = arith.addi %mul3A_2, %add3A_71 : i32
    %dma_wait3A_73 = arith.constant 0 : i32
    %dma_wait3A_74 = arith.constant 0 : i32
    %dma_wait3A_75 = tpu.memref_slice %arg3[%add3A_72, %dma_wait3A_73, %dma_wait3A_74] : memref<2560x2x128xi32, #tpu.memory_space<hbm>> -> memref<1x2x128xi32, #tpu.memory_space<hbm>>
    %dma_wait3A_76 = tpu.memref_squeeze %dma_wait3A_75 : memref<1x2x128xi32, #tpu.memory_space<hbm>> -> memref<2x128xi32, #tpu.memory_space<hbm>>
    %dma_wait3A_77 = arith.constant 0 : i32
    %dma_wait3A_78 = arith.constant 0 : i32
    %dma_wait3A_79 = tpu.memref_slice %arg3[%add3A_72, %dma_wait3A_77, %dma_wait3A_78] : memref<2560x2x128xi32, #tpu.memory_space<hbm>> -> memref<1x2x128xi32, #tpu.memory_space<hbm>>
    %dma_wait3A_80 = tpu.memref_squeeze %dma_wait3A_79 : memref<1x2x128xi32, #tpu.memory_space<hbm>> -> memref<2x128xi32, #tpu.memory_space<hbm>>
    tpu.wait_dma2 semaphore(%arg17 : memref<!tpu.dma_semaphore, #tpu.memory_space<semaphore_mem>>) src(%dma_wait3A_80 : memref<2x128xi32, #tpu.memory_space<hbm>>) dst(%arg7 : memref<2x128xi32, #tpu.memory_space<vmem>>)
    %dma_start3A_81 = arith.constant 0 : i32
    %dma_start3A_82 = arith.constant 0 : i32
    %dma_start3A_83 = tpu.memref_slice %arg7[%dma_start3A_81, %dma_start3A_82] : memref<2x128xi32, #tpu.memory_space<vmem>> -> memref<1x128xi32, #tpu.memory_space<vmem>>
    %dma_start3A_84 = tpu.memref_squeeze %dma_start3A_83 : memref<1x128xi32, #tpu.memory_space<vmem>> -> memref<128xi32, #tpu.memory_space<vmem>>
    %dma_start3A_85 = arith.constant 0 : i32
    %dma_start3A_86 = arith.constant 0 : i32
    %dma_start3A_87 = tpu.memref_slice %arg2[%dma_start3A_85, %dma_start3A_86] : memref<30000x128xf32, #tpu.memory_space<hbm>> -> memref<30000x128xf32, #tpu.memory_space<hbm>>
    tpu.enqueue_indirect_dma source(%dma_start3A_87 : memref<30000x128xf32, #tpu.memory_space<hbm>>) target(%arg13 : memref<128x128xf32, #tpu.memory_space<vmem>>) offsets(%dma_start3A_84 : memref<128xi32, #tpu.memory_space<vmem>>) semaphore(%arg23 : memref<!tpu.dma_semaphore, #tpu.memory_space<semaphore_mem>>)
    "tpu.trace_stop"() : () -> ()
    "tpu.trace_start"() <{level = 10 : i32, message = "pipe"}> : () -> ()
    %add3A_88 = arith.constant 2 : i32
    %add3A_89 = arith.addi %mul3A_2, %add3A_88 : i32
    %dma_wait3A_90 = arith.constant 0 : i32
    %dma_wait3A_91 = arith.constant 0 : i32
    %dma_wait3A_92 = tpu.memref_slice %arg3[%add3A_89, %dma_wait3A_90, %dma_wait3A_91] : memref<2560x2x128xi32, #tpu.memory_space<hbm>> -> memref<1x2x128xi32, #tpu.memory_space<hbm>>
    %dma_wait3A_93 = tpu.memref_squeeze %dma_wait3A_92 : memref<1x2x128xi32, #tpu.memory_space<hbm>> -> memref<2x128xi32, #tpu.memory_space<hbm>>
    %dma_wait3A_94 = arith.constant 0 : i32
    %dma_wait3A_95 = arith.constant 0 : i32
    %dma_wait3A_96 = tpu.memref_slice %arg3[%add3A_89, %dma_wait3A_94, %dma_wait3A_95] : memref<2560x2x128xi32, #tpu.memory_space<hbm>> -> memref<1x2x128xi32, #tpu.memory_space<hbm>>
    %dma_wait3A_97 = tpu.memref_squeeze %dma_wait3A_96 : memref<1x2x128xi32, #tpu.memory_space<hbm>> -> memref<2x128xi32, #tpu.memory_space<hbm>>
    tpu.wait_dma2 semaphore(%arg18 : memref<!tpu.dma_semaphore, #tpu.memory_space<semaphore_mem>>) src(%dma_wait3A_97 : memref<2x128xi32, #tpu.memory_space<hbm>>) dst(%arg8 : memref<2x128xi32, #tpu.memory_space<vmem>>)
    %dma_start3A_98 = arith.constant 0 : i32
    %dma_start3A_99 = arith.constant 0 : i32
    %dma_start3A_100 = tpu.memref_slice %arg8[%dma_start3A_98, %dma_start3A_99] : memref<2x128xi32, #tpu.memory_space<vmem>> -> memref<1x128xi32, #tpu.memory_space<vmem>>
    %dma_start3A_101 = tpu.memref_squeeze %dma_start3A_100 : memref<1x128xi32, #tpu.memory_space<vmem>> -> memref<128xi32, #tpu.memory_space<vmem>>
    %dma_start3A_102 = arith.constant 0 : i32
    %dma_start3A_103 = arith.constant 0 : i32
    %dma_start3A_104 = tpu.memref_slice %arg2[%dma_start3A_102, %dma_start3A_103] : memref<30000x128xf32, #tpu.memory_space<hbm>> -> memref<30000x128xf32, #tpu.memory_space<hbm>>
    tpu.enqueue_indirect_dma source(%dma_start3A_104 : memref<30000x128xf32, #tpu.memory_space<hbm>>) target(%arg14 : memref<128x128xf32, #tpu.memory_space<vmem>>) offsets(%dma_start3A_101 : memref<128xi32, #tpu.memory_space<vmem>>) semaphore(%arg24 : memref<!tpu.dma_semaphore, #tpu.memory_space<semaphore_mem>>)
    %dma_wait3A_105 = arith.constant 0 : i32
    %dma_wait3A_106 = arith.constant 0 : i32
    %dma_wait3A_107 = tpu.memref_slice %arg6[%dma_wait3A_105, %dma_wait3A_106] : memref<2x128xi32, #tpu.memory_space<vmem>> -> memref<1x128xi32, #tpu.memory_space<vmem>>
    %dma_wait3A_108 = tpu.memref_squeeze %dma_wait3A_107 : memref<1x128xi32, #tpu.memory_space<vmem>> -> memref<128xi32, #tpu.memory_space<vmem>>
    %dma_wait3A_109 = arith.constant 0 : i32
    %dma_wait3A_110 = arith.constant 0 : i32
    %dma_wait3A_111 = tpu.memref_slice %arg2[%dma_wait3A_109, %dma_wait3A_110] : memref<30000x128xf32, #tpu.memory_space<hbm>> -> memref<30000x128xf32, #tpu.memory_space<hbm>>
    tpu.wait_indirect_dma semaphore(%arg22 : memref<!tpu.dma_semaphore, #tpu.memory_space<semaphore_mem>>) src(%dma_wait3A_111 : memref<30000x128xf32, #tpu.memory_space<hbm>>) dst(%arg12 : memref<128x128xf32, #tpu.memory_space<vmem>>)
    %dma_start3A_112 = arith.constant 1 : i32
    %dma_start3A_113 = arith.constant 0 : i32
    %dma_start3A_114 = tpu.memref_slice %arg6[%dma_start3A_112, %dma_start3A_113] : memref<2x128xi32, #tpu.memory_space<vmem>> -> memref<1x128xi32, #tpu.memory_space<vmem>>
    %dma_start3A_115 = tpu.memref_squeeze %dma_start3A_114 : memref<1x128xi32, #tpu.memory_space<vmem>> -> memref<128xi32, #tpu.memory_space<vmem>>
    %dma_start3A_116 = arith.constant 0 : i32
    %dma_start3A_117 = arith.constant 0 : i32
    %dma_start3A_118 = tpu.memref_slice %arg15[%dma_start3A_116, %dma_start3A_117] : memref<10032x128xf32, #tpu.memory_space<vmem_shared>> -> memref<10032x128xf32, #tpu.memory_space<vmem_shared>>
    tpu.enqueue_indirect_dma source(%arg12 : memref<128x128xf32, #tpu.memory_space<vmem>>) target(%dma_start3A_118 : memref<10032x128xf32, #tpu.memory_space<vmem_shared>>) offsets(%dma_start3A_115 : memref<128xi32, #tpu.memory_space<vmem>>) semaphore(%arg25 : memref<!tpu.dma_semaphore, #tpu.memory_space<semaphore_mem>>) {add = true}
    %add3A_119 = arith.constant 5 : i32
    %add3A_120 = arith.addi %mul3A_2, %add3A_119 : i32
    %dma_start3A_121 = arith.constant 0 : i32
    %dma_start3A_122 = arith.constant 0 : i32
    %dma_start3A_123 = tpu.memref_slice %arg3[%add3A_120, %dma_start3A_121, %dma_start3A_122] : memref<2560x2x128xi32, #tpu.memory_space<hbm>> -> memref<1x2x128xi32, #tpu.memory_space<hbm>>
    %dma_start3A_124 = tpu.memref_squeeze %dma_start3A_123 : memref<1x2x128xi32, #tpu.memory_space<hbm>> -> memref<2x128xi32, #tpu.memory_space<hbm>>
    %dma_start3A_125 = arith.constant 0 : i32
    %dma_start3A_126 = arith.constant 0 : i32
    %dma_start3A_127 = tpu.memref_slice %arg3[%add3A_120, %dma_start3A_125, %dma_start3A_126] : memref<2560x2x128xi32, #tpu.memory_space<hbm>> -> memref<1x2x128xi32, #tpu.memory_space<hbm>>
    %dma_start3A_128 = tpu.memref_squeeze %dma_start3A_127 : memref<1x2x128xi32, #tpu.memory_space<hbm>> -> memref<2x128xi32, #tpu.memory_space<hbm>>
    tpu.enqueue_dma source(%dma_start3A_128 : memref<2x128xi32, #tpu.memory_space<hbm>>) target(%arg11 : memref<2x128xi32, #tpu.memory_space<vmem>>) target_semaphore(%arg21 : memref<!tpu.dma_semaphore, #tpu.memory_space<semaphore_mem>>)
    %dma_wait3A_129 = arith.constant 1 : i32
    %dma_wait3A_130 = arith.constant 0 : i32
    %dma_wait3A_131 = tpu.memref_slice %arg6[%dma_wait3A_129, %dma_wait3A_130] : memref<2x128xi32, #tpu.memory_space<vmem>> -> memref<1x128xi32, #tpu.memory_space<vmem>>
    %dma_wait3A_132 = tpu.memref_squeeze %dma_wait3A_131 : memref<1x128xi32, #tpu.memory_space<vmem>> -> memref<128xi32, #tpu.memory_space<vmem>>
    %dma_wait3A_133 = arith.constant 0 : i32
    %dma_wait3A_134 = arith.constant 0 : i32
    %dma_wait3A_135 = tpu.memref_slice %arg15[%dma_wait3A_133, %dma_wait3A_134] : memref<10032x128xf32, #tpu.memory_space<vmem_shared>> -> memref<10032x128xf32, #tpu.memory_space<vmem_shared>>
    tpu.wait_indirect_dma semaphore(%arg25 : memref<!tpu.dma_semaphore, #tpu.memory_space<semaphore_mem>>) src(%arg12 : memref<128x128xf32, #tpu.memory_space<vmem>>) dst(%dma_wait3A_135 : memref<10032x128xf32, #tpu.memory_space<vmem_shared>>)
    %add3A_136 = arith.constant 3 : i32
    %add3A_137 = arith.addi %mul3A_2, %add3A_136 : i32
    %dma_wait3A_138 = arith.constant 0 : i32
    %dma_wait3A_139 = arith.constant 0 : i32
    %dma_wait3A_140 = tpu.memref_slice %arg3[%add3A_137, %dma_wait3A_138, %dma_wait3A_139] : memref<2560x2x128xi32, #tpu.memory_space<hbm>> -> memref<1x2x128xi32, #tpu.memory_space<hbm>>
    %dma_wait3A_141 = tpu.memref_squeeze %dma_wait3A_140 : memref<1x2x128xi32, #tpu.memory_space<hbm>> -> memref<2x128xi32, #tpu.memory_space<hbm>>
    %dma_wait3A_142 = arith.constant 0 : i32
    %dma_wait3A_143 = arith.constant 0 : i32
    %dma_wait3A_144 = tpu.memref_slice %arg3[%add3A_137, %dma_wait3A_142, %dma_wait3A_143] : memref<2560x2x128xi32, #tpu.memory_space<hbm>> -> memref<1x2x128xi32, #tpu.memory_space<hbm>>
    %dma_wait3A_145 = tpu.memref_squeeze %dma_wait3A_144 : memref<1x2x128xi32, #tpu.memory_space<hbm>> -> memref<2x128xi32, #tpu.memory_space<hbm>>
    tpu.wait_dma2 semaphore(%arg19 : memref<!tpu.dma_semaphore, #tpu.memory_space<semaphore_mem>>) src(%dma_wait3A_145 : memref<2x128xi32, #tpu.memory_space<hbm>>) dst(%arg9 : memref<2x128xi32, #tpu.memory_space<vmem>>)
    %dma_start3A_146 = arith.constant 0 : i32
    %dma_start3A_147 = arith.constant 0 : i32
    %dma_start3A_148 = tpu.memref_slice %arg9[%dma_start3A_146, %dma_start3A_147] : memref<2x128xi32, #tpu.memory_space<vmem>> -> memref<1x128xi32, #tpu.memory_space<vmem>>
    %dma_start3A_149 = tpu.memref_squeeze %dma_start3A_148 : memref<1x128xi32, #tpu.memory_space<vmem>> -> memref<128xi32, #tpu.memory_space<vmem>>
    %dma_start3A_150 = arith.constant 0 : i32
    %dma_start3A_151 = arith.constant 0 : i32
    %dma_start3A_152 = tpu.memref_slice %arg2[%dma_start3A_150, %dma_start3A_151] : memref<30000x128xf32, #tpu.memory_space<hbm>> -> memref<30000x128xf32, #tpu.memory_space<hbm>>
    tpu.enqueue_indirect_dma source(%dma_start3A_152 : memref<30000x128xf32, #tpu.memory_space<hbm>>) target(%arg12 : memref<128x128xf32, #tpu.memory_space<vmem>>) offsets(%dma_start3A_149 : memref<128xi32, #tpu.memory_space<vmem>>) semaphore(%arg22 : memref<!tpu.dma_semaphore, #tpu.memory_space<semaphore_mem>>)
    %dma_wait3A_153 = arith.constant 0 : i32
    %dma_wait3A_154 = arith.constant 0 : i32
    %dma_wait3A_155 = tpu.memref_slice %arg7[%dma_wait3A_153, %dma_wait3A_154] : memref<2x128xi32, #tpu.memory_space<vmem>> -> memref<1x128xi32, #tpu.memory_space<vmem>>
    %dma_wait3A_156 = tpu.memref_squeeze %dma_wait3A_155 : memref<1x128xi32, #tpu.memory_space<vmem>> -> memref<128xi32, #tpu.memory_space<vmem>>
    %dma_wait3A_157 = arith.constant 0 : i32
    %dma_wait3A_158 = arith.constant 0 : i32
    %dma_wait3A_159 = tpu.memref_slice %arg2[%dma_wait3A_157, %dma_wait3A_158] : memref<30000x128xf32, #tpu.memory_space<hbm>> -> memref<30000x128xf32, #tpu.memory_space<hbm>>
    tpu.wait_indirect_dma semaphore(%arg23 : memref<!tpu.dma_semaphore, #tpu.memory_space<semaphore_mem>>) src(%dma_wait3A_159 : memref<30000x128xf32, #tpu.memory_space<hbm>>) dst(%arg13 : memref<128x128xf32, #tpu.memory_space<vmem>>)
    %dma_start3A_160 = arith.constant 1 : i32
    %dma_start3A_161 = arith.constant 0 : i32
    %dma_start3A_162 = tpu.memref_slice %arg7[%dma_start3A_160, %dma_start3A_161] : memref<2x128xi32, #tpu.memory_space<vmem>> -> memref<1x128xi32, #tpu.memory_space<vmem>>
    %dma_start3A_163 = tpu.memref_squeeze %dma_start3A_162 : memref<1x128xi32, #tpu.memory_space<vmem>> -> memref<128xi32, #tpu.memory_space<vmem>>
    %dma_start3A_164 = arith.constant 0 : i32
    %dma_start3A_165 = arith.constant 0 : i32
    %dma_start3A_166 = tpu.memref_slice %arg15[%dma_start3A_164, %dma_start3A_165] : memref<10032x128xf32, #tpu.memory_space<vmem_shared>> -> memref<10032x128xf32, #tpu.memory_space<vmem_shared>>
    tpu.enqueue_indirect_dma source(%arg13 : memref<128x128xf32, #tpu.memory_space<vmem>>) target(%dma_start3A_166 : memref<10032x128xf32, #tpu.memory_space<vmem_shared>>) offsets(%dma_start3A_163 : memref<128xi32, #tpu.memory_space<vmem>>) semaphore(%arg26 : memref<!tpu.dma_semaphore, #tpu.memory_space<semaphore_mem>>) {add = true}
    %add3A_167 = arith.constant 6 : i32
    %add3A_168 = arith.addi %mul3A_2, %add3A_167 : i32
    %dma_start3A_169 = arith.constant 0 : i32
    %dma_start3A_170 = arith.constant 0 : i32
    %dma_start3A_171 = tpu.memref_slice %arg3[%add3A_168, %dma_start3A_169, %dma_start3A_170] : memref<2560x2x128xi32, #tpu.memory_space<hbm>> -> memref<1x2x128xi32, #tpu.memory_space<hbm>>
    %dma_start3A_172 = tpu.memref_squeeze %dma_start3A_171 : memref<1x2x128xi32, #tpu.memory_space<hbm>> -> memref<2x128xi32, #tpu.memory_space<hbm>>
    %dma_start3A_173 = arith.constant 0 : i32
    %dma_start3A_174 = arith.constant 0 : i32
    %dma_start3A_175 = tpu.memref_slice %arg3[%add3A_168, %dma_start3A_173, %dma_start3A_174] : memref<2560x2x128xi32, #tpu.memory_space<hbm>> -> memref<1x2x128xi32, #tpu.memory_space<hbm>>
    %dma_start3A_176 = tpu.memref_squeeze %dma_start3A_175 : memref<1x2x128xi32, #tpu.memory_space<hbm>> -> memref<2x128xi32, #tpu.memory_space<hbm>>
    tpu.enqueue_dma source(%dma_start3A_176 : memref<2x128xi32, #tpu.memory_space<hbm>>) target(%arg6 : memref<2x128xi32, #tpu.memory_space<vmem>>) target_semaphore(%arg16 : memref<!tpu.dma_semaphore, #tpu.memory_space<semaphore_mem>>)
    %dma_wait3A_177 = arith.constant 1 : i32
    %dma_wait3A_178 = arith.constant 0 : i32
    %dma_wait3A_179 = tpu.memref_slice %arg7[%dma_wait3A_177, %dma_wait3A_178] : memref<2x128xi32, #tpu.memory_space<vmem>> -> memref<1x128xi32, #tpu.memory_space<vmem>>
    %dma_wait3A_180 = tpu.memref_squeeze %dma_wait3A_179 : memref<1x128xi32, #tpu.memory_space<vmem>> -> memref<128xi32, #tpu.memory_space<vmem>>
    %dma_wait3A_181 = arith.constant 0 : i32
    %dma_wait3A_182 = arith.constant 0 : i32
    %dma_wait3A_183 = tpu.memref_slice %arg15[%dma_wait3A_181, %dma_wait3A_182] : memref<10032x128xf32, #tpu.memory_space<vmem_shared>> -> memref<10032x128xf32, #tpu.memory_space<vmem_shared>>
    tpu.wait_indirect_dma semaphore(%arg26 : memref<!tpu.dma_semaphore, #tpu.memory_space<semaphore_mem>>) src(%arg13 : memref<128x128xf32, #tpu.memory_space<vmem>>) dst(%dma_wait3A_183 : memref<10032x128xf32, #tpu.memory_space<vmem_shared>>)
    %add3A_184 = arith.constant 4 : i32
    %add3A_185 = arith.addi %mul3A_2, %add3A_184 : i32
    %dma_wait3A_186 = arith.constant 0 : i32
    %dma_wait3A_187 = arith.constant 0 : i32
    %dma_wait3A_188 = tpu.memref_slice %arg3[%add3A_185, %dma_wait3A_186, %dma_wait3A_187] : memref<2560x2x128xi32, #tpu.memory_space<hbm>> -> memref<1x2x128xi32, #tpu.memory_space<hbm>>
    %dma_wait3A_189 = tpu.memref_squeeze %dma_wait3A_188 : memref<1x2x128xi32, #tpu.memory_space<hbm>> -> memref<2x128xi32, #tpu.memory_space<hbm>>
    %dma_wait3A_190 = arith.constant 0 : i32
    %dma_wait3A_191 = arith.constant 0 : i32
    %dma_wait3A_192 = tpu.memref_slice %arg3[%add3A_185, %dma_wait3A_190, %dma_wait3A_191] : memref<2560x2x128xi32, #tpu.memory_space<hbm>> -> memref<1x2x128xi32, #tpu.memory_space<hbm>>
    %dma_wait3A_193 = tpu.memref_squeeze %dma_wait3A_192 : memref<1x2x128xi32, #tpu.memory_space<hbm>> -> memref<2x128xi32, #tpu.memory_space<hbm>>
    tpu.wait_dma2 semaphore(%arg20 : memref<!tpu.dma_semaphore, #tpu.memory_space<semaphore_mem>>) src(%dma_wait3A_193 : memref<2x128xi32, #tpu.memory_space<hbm>>) dst(%arg10 : memref<2x128xi32, #tpu.memory_space<vmem>>)
    %dma_start3A_194 = arith.constant 0 : i32
    %dma_start3A_195 = arith.constant 0 : i32
    %dma_start3A_196 = tpu.memref_slice %arg10[%dma_start3A_194, %dma_start3A_195] : memref<2x128xi32, #tpu.memory_space<vmem>> -> memref<1x128xi32, #tpu.memory_space<vmem>>
    %dma_start3A_197 = tpu.memref_squeeze %dma_start3A_196 : memref<1x128xi32, #tpu.memory_space<vmem>> -> memref<128xi32, #tpu.memory_space<vmem>>
    %dma_start3A_198 = arith.constant 0 : i32
    %dma_start3A_199 = arith.constant 0 : i32
    %dma_start3A_200 = tpu.memref_slice %arg2[%dma_start3A_198, %dma_start3A_199] : memref<30000x128xf32, #tpu.memory_space<hbm>> -> memref<30000x128xf32, #tpu.memory_space<hbm>>
    tpu.enqueue_indirect_dma source(%dma_start3A_200 : memref<30000x128xf32, #tpu.memory_space<hbm>>) target(%arg13 : memref<128x128xf32, #tpu.memory_space<vmem>>) offsets(%dma_start3A_197 : memref<128xi32, #tpu.memory_space<vmem>>) semaphore(%arg23 : memref<!tpu.dma_semaphore, #tpu.memory_space<semaphore_mem>>)
    %dma_wait3A_201 = arith.constant 0 : i32
    %dma_wait3A_202 = arith.constant 0 : i32
    %dma_wait3A_203 = tpu.memref_slice %arg8[%dma_wait3A_201, %dma_wait3A_202] : memref<2x128xi32, #tpu.memory_space<vmem>> -> memref<1x128xi32, #tpu.memory_space<vmem>>
    %dma_wait3A_204 = tpu.memref_squeeze %dma_wait3A_203 : memref<1x128xi32, #tpu.memory_space<vmem>> -> memref<128xi32, #tpu.memory_space<vmem>>
    %dma_wait3A_205 = arith.constant 0 : i32
    %dma_wait3A_206 = arith.constant 0 : i32
    %dma_wait3A_207 = tpu.memref_slice %arg2[%dma_wait3A_205, %dma_wait3A_206] : memref<30000x128xf32, #tpu.memory_space<hbm>> -> memref<30000x128xf32, #tpu.memory_space<hbm>>
    tpu.wait_indirect_dma semaphore(%arg24 : memref<!tpu.dma_semaphore, #tpu.memory_space<semaphore_mem>>) src(%dma_wait3A_207 : memref<30000x128xf32, #tpu.memory_space<hbm>>) dst(%arg14 : memref<128x128xf32, #tpu.memory_space<vmem>>)
    %dma_start3A_208 = arith.constant 1 : i32
    %dma_start3A_209 = arith.constant 0 : i32
    %dma_start3A_210 = tpu.memref_slice %arg8[%dma_start3A_208, %dma_start3A_209] : memref<2x128xi32, #tpu.memory_space<vmem>> -> memref<1x128xi32, #tpu.memory_space<vmem>>
    %dma_start3A_211 = tpu.memref_squeeze %dma_start3A_210 : memref<1x128xi32, #tpu.memory_space<vmem>> -> memref<128xi32, #tpu.memory_space<vmem>>
    %dma_start3A_212 = arith.constant 0 : i32
    %dma_start3A_213 = arith.constant 0 : i32
    %dma_start3A_214 = tpu.memref_slice %arg15[%dma_start3A_212, %dma_start3A_213] : memref<10032x128xf32, #tpu.memory_space<vmem_shared>> -> memref<10032x128xf32, #tpu.memory_space<vmem_shared>>
    tpu.enqueue_indirect_dma source(%arg14 : memref<128x128xf32, #tpu.memory_space<vmem>>) target(%dma_start3A_214 : memref<10032x128xf32, #tpu.memory_space<vmem_shared>>) offsets(%dma_start3A_211 : memref<128xi32, #tpu.memory_space<vmem>>) semaphore(%arg27 : memref<!tpu.dma_semaphore, #tpu.memory_space<semaphore_mem>>) {add = true}
    %add3A_215 = arith.constant 7 : i32
    %add3A_216 = arith.addi %mul3A_2, %add3A_215 : i32
    %dma_start3A_217 = arith.constant 0 : i32
    %dma_start3A_218 = arith.constant 0 : i32
    %dma_start3A_219 = tpu.memref_slice %arg3[%add3A_216, %dma_start3A_217, %dma_start3A_218] : memref<2560x2x128xi32, #tpu.memory_space<hbm>> -> memref<1x2x128xi32, #tpu.memory_space<hbm>>
    %dma_start3A_220 = tpu.memref_squeeze %dma_start3A_219 : memref<1x2x128xi32, #tpu.memory_space<hbm>> -> memref<2x128xi32, #tpu.memory_space<hbm>>
    %dma_start3A_221 = arith.constant 0 : i32
    %dma_start3A_222 = arith.constant 0 : i32
    %dma_start3A_223 = tpu.memref_slice %arg3[%add3A_216, %dma_start3A_221, %dma_start3A_222] : memref<2560x2x128xi32, #tpu.memory_space<hbm>> -> memref<1x2x128xi32, #tpu.memory_space<hbm>>
    %dma_start3A_224 = tpu.memref_squeeze %dma_start3A_223 : memref<1x2x128xi32, #tpu.memory_space<hbm>> -> memref<2x128xi32, #tpu.memory_space<hbm>>
    tpu.enqueue_dma source(%dma_start3A_224 : memref<2x128xi32, #tpu.memory_space<hbm>>) target(%arg7 : memref<2x128xi32, #tpu.memory_space<vmem>>) target_semaphore(%arg17 : memref<!tpu.dma_semaphore, #tpu.memory_space<semaphore_mem>>)
    %dma_wait3A_225 = arith.constant 1 : i32
    %dma_wait3A_226 = arith.constant 0 : i32
    %dma_wait3A_227 = tpu.memref_slice %arg8[%dma_wait3A_225, %dma_wait3A_226] : memref<2x128xi32, #tpu.memory_space<vmem>> -> memref<1x128xi32, #tpu.memory_space<vmem>>
    %dma_wait3A_228 = tpu.memref_squeeze %dma_wait3A_227 : memref<1x128xi32, #tpu.memory_space<vmem>> -> memref<128xi32, #tpu.memory_space<vmem>>
    %dma_wait3A_229 = arith.constant 0 : i32
    %dma_wait3A_230 = arith.constant 0 : i32
    %dma_wait3A_231 = tpu.memref_slice %arg15[%dma_wait3A_229, %dma_wait3A_230] : memref<10032x128xf32, #tpu.memory_space<vmem_shared>> -> memref<10032x128xf32, #tpu.memory_space<vmem_shared>>
    tpu.wait_indirect_dma semaphore(%arg27 : memref<!tpu.dma_semaphore, #tpu.memory_space<semaphore_mem>>) src(%arg14 : memref<128x128xf32, #tpu.memory_space<vmem>>) dst(%dma_wait3A_231 : memref<10032x128xf32, #tpu.memory_space<vmem_shared>>)
    %add3A_232 = arith.constant 5 : i32
    %add3A_233 = arith.addi %mul3A_2, %add3A_232 : i32
    %dma_wait3A_234 = arith.constant 0 : i32
    %dma_wait3A_235 = arith.constant 0 : i32
    %dma_wait3A_236 = tpu.memref_slice %arg3[%add3A_233, %dma_wait3A_234, %dma_wait3A_235] : memref<2560x2x128xi32, #tpu.memory_space<hbm>> -> memref<1x2x128xi32, #tpu.memory_space<hbm>>
    %dma_wait3A_237 = tpu.memref_squeeze %dma_wait3A_236 : memref<1x2x128xi32, #tpu.memory_space<hbm>> -> memref<2x128xi32, #tpu.memory_space<hbm>>
    %dma_wait3A_238 = arith.constant 0 : i32
    %dma_wait3A_239 = arith.constant 0 : i32
    %dma_wait3A_240 = tpu.memref_slice %arg3[%add3A_233, %dma_wait3A_238, %dma_wait3A_239] : memref<2560x2x128xi32, #tpu.memory_space<hbm>> -> memref<1x2x128xi32, #tpu.memory_space<hbm>>
    %dma_wait3A_241 = tpu.memref_squeeze %dma_wait3A_240 : memref<1x2x128xi32, #tpu.memory_space<hbm>> -> memref<2x128xi32, #tpu.memory_space<hbm>>
    tpu.wait_dma2 semaphore(%arg21 : memref<!tpu.dma_semaphore, #tpu.memory_space<semaphore_mem>>) src(%dma_wait3A_241 : memref<2x128xi32, #tpu.memory_space<hbm>>) dst(%arg11 : memref<2x128xi32, #tpu.memory_space<vmem>>)
    %dma_start3A_242 = arith.constant 0 : i32
    %dma_start3A_243 = arith.constant 0 : i32
    %dma_start3A_244 = tpu.memref_slice %arg11[%dma_start3A_242, %dma_start3A_243] : memref<2x128xi32, #tpu.memory_space<vmem>> -> memref<1x128xi32, #tpu.memory_space<vmem>>
    %dma_start3A_245 = tpu.memref_squeeze %dma_start3A_244 : memref<1x128xi32, #tpu.memory_space<vmem>> -> memref<128xi32, #tpu.memory_space<vmem>>
    %dma_start3A_246 = arith.constant 0 : i32
    %dma_start3A_247 = arith.constant 0 : i32
    %dma_start3A_248 = tpu.memref_slice %arg2[%dma_start3A_246, %dma_start3A_247] : memref<30000x128xf32, #tpu.memory_space<hbm>> -> memref<30000x128xf32, #tpu.memory_space<hbm>>
    tpu.enqueue_indirect_dma source(%dma_start3A_248 : memref<30000x128xf32, #tpu.memory_space<hbm>>) target(%arg14 : memref<128x128xf32, #tpu.memory_space<vmem>>) offsets(%dma_start3A_245 : memref<128xi32, #tpu.memory_space<vmem>>) semaphore(%arg24 : memref<!tpu.dma_semaphore, #tpu.memory_space<semaphore_mem>>)
    %dma_wait3A_249 = arith.constant 0 : i32
    %dma_wait3A_250 = arith.constant 0 : i32
    %dma_wait3A_251 = tpu.memref_slice %arg9[%dma_wait3A_249, %dma_wait3A_250] : memref<2x128xi32, #tpu.memory_space<vmem>> -> memref<1x128xi32, #tpu.memory_space<vmem>>
    %dma_wait3A_252 = tpu.memref_squeeze %dma_wait3A_251 : memref<1x128xi32, #tpu.memory_space<vmem>> -> memref<128xi32, #tpu.memory_space<vmem>>
    %dma_wait3A_253 = arith.constant 0 : i32
    %dma_wait3A_254 = arith.constant 0 : i32
    %dma_wait3A_255 = tpu.memref_slice %arg2[%dma_wait3A_253, %dma_wait3A_254] : memref<30000x128xf32, #tpu.memory_space<hbm>> -> memref<30000x128xf32, #tpu.memory_space<hbm>>
    tpu.wait_indirect_dma semaphore(%arg22 : memref<!tpu.dma_semaphore, #tpu.memory_space<semaphore_mem>>) src(%dma_wait3A_255 : memref<30000x128xf32, #tpu.memory_space<hbm>>) dst(%arg12 : memref<128x128xf32, #tpu.memory_space<vmem>>)
    %dma_start3A_256 = arith.constant 1 : i32
    %dma_start3A_257 = arith.constant 0 : i32
    %dma_start3A_258 = tpu.memref_slice %arg9[%dma_start3A_256, %dma_start3A_257] : memref<2x128xi32, #tpu.memory_space<vmem>> -> memref<1x128xi32, #tpu.memory_space<vmem>>
    %dma_start3A_259 = tpu.memref_squeeze %dma_start3A_258 : memref<1x128xi32, #tpu.memory_space<vmem>> -> memref<128xi32, #tpu.memory_space<vmem>>
    %dma_start3A_260 = arith.constant 0 : i32
    %dma_start3A_261 = arith.constant 0 : i32
    %dma_start3A_262 = tpu.memref_slice %arg15[%dma_start3A_260, %dma_start3A_261] : memref<10032x128xf32, #tpu.memory_space<vmem_shared>> -> memref<10032x128xf32, #tpu.memory_space<vmem_shared>>
    tpu.enqueue_indirect_dma source(%arg12 : memref<128x128xf32, #tpu.memory_space<vmem>>) target(%dma_start3A_262 : memref<10032x128xf32, #tpu.memory_space<vmem_shared>>) offsets(%dma_start3A_259 : memref<128xi32, #tpu.memory_space<vmem>>) semaphore(%arg25 : memref<!tpu.dma_semaphore, #tpu.memory_space<semaphore_mem>>) {add = true}
    %add3A_263 = arith.constant 8 : i32
    %add3A_264 = arith.addi %mul3A_2, %add3A_263 : i32
    %dma_start3A_265 = arith.constant 0 : i32
    %dma_start3A_266 = arith.constant 0 : i32
    %dma_start3A_267 = tpu.memref_slice %arg3[%add3A_264, %dma_start3A_265, %dma_start3A_266] : memref<2560x2x128xi32, #tpu.memory_space<hbm>> -> memref<1x2x128xi32, #tpu.memory_space<hbm>>
    %dma_start3A_268 = tpu.memref_squeeze %dma_start3A_267 : memref<1x2x128xi32, #tpu.memory_space<hbm>> -> memref<2x128xi32, #tpu.memory_space<hbm>>
    %dma_start3A_269 = arith.constant 0 : i32
    %dma_start3A_270 = arith.constant 0 : i32
    %dma_start3A_271 = tpu.memref_slice %arg3[%add3A_264, %dma_start3A_269, %dma_start3A_270] : memref<2560x2x128xi32, #tpu.memory_space<hbm>> -> memref<1x2x128xi32, #tpu.memory_space<hbm>>
    %dma_start3A_272 = tpu.memref_squeeze %dma_start3A_271 : memref<1x2x128xi32, #tpu.memory_space<hbm>> -> memref<2x128xi32, #tpu.memory_space<hbm>>
    tpu.enqueue_dma source(%dma_start3A_272 : memref<2x128xi32, #tpu.memory_space<hbm>>) target(%arg8 : memref<2x128xi32, #tpu.memory_space<vmem>>) target_semaphore(%arg18 : memref<!tpu.dma_semaphore, #tpu.memory_space<semaphore_mem>>)
    %dma_wait3A_273 = arith.constant 1 : i32
    %dma_wait3A_274 = arith.constant 0 : i32
    %dma_wait3A_275 = tpu.memref_slice %arg9[%dma_wait3A_273, %dma_wait3A_274] : memref<2x128xi32, #tpu.memory_space<vmem>> -> memref<1x128xi32, #tpu.memory_space<vmem>>
    %dma_wait3A_276 = tpu.memref_squeeze %dma_wait3A_275 : memref<1x128xi32, #tpu.memory_space<vmem>> -> memref<128xi32, #tpu.memory_space<vmem>>
    %dma_wait3A_277 = arith.constant 0 : i32
    %dma_wait3A_278 = arith.constant 0 : i32
    %dma_wait3A_279 = tpu.memref_slice %arg15[%dma_wait3A_277, %dma_wait3A_278] : memref<10032x128xf32, #tpu.memory_space<vmem_shared>> -> memref<10032x128xf32, #tpu.memory_space<vmem_shared>>
    tpu.wait_indirect_dma semaphore(%arg25 : memref<!tpu.dma_semaphore, #tpu.memory_space<semaphore_mem>>) src(%arg12 : memref<128x128xf32, #tpu.memory_space<vmem>>) dst(%dma_wait3A_279 : memref<10032x128xf32, #tpu.memory_space<vmem_shared>>)
    %add3A_280 = arith.constant 6 : i32
    %add3A_281 = arith.addi %mul3A_2, %add3A_280 : i32
    %dma_wait3A_282 = arith.constant 0 : i32
    %dma_wait3A_283 = arith.constant 0 : i32
    %dma_wait3A_284 = tpu.memref_slice %arg3[%add3A_281, %dma_wait3A_282, %dma_wait3A_283] : memref<2560x2x128xi32, #tpu.memory_space<hbm>> -> memref<1x2x128xi32, #tpu.memory_space<hbm>>
    %dma_wait3A_285 = tpu.memref_squeeze %dma_wait3A_284 : memref<1x2x128xi32, #tpu.memory_space<hbm>> -> memref<2x128xi32, #tpu.memory_space<hbm>>
    %dma_wait3A_286 = arith.constant 0 : i32
    %dma_wait3A_287 = arith.constant 0 : i32
    %dma_wait3A_288 = tpu.memref_slice %arg3[%add3A_281, %dma_wait3A_286, %dma_wait3A_287] : memref<2560x2x128xi32, #tpu.memory_space<hbm>> -> memref<1x2x128xi32, #tpu.memory_space<hbm>>
    %dma_wait3A_289 = tpu.memref_squeeze %dma_wait3A_288 : memref<1x2x128xi32, #tpu.memory_space<hbm>> -> memref<2x128xi32, #tpu.memory_space<hbm>>
    tpu.wait_dma2 semaphore(%arg16 : memref<!tpu.dma_semaphore, #tpu.memory_space<semaphore_mem>>) src(%dma_wait3A_289 : memref<2x128xi32, #tpu.memory_space<hbm>>) dst(%arg6 : memref<2x128xi32, #tpu.memory_space<vmem>>)
    %dma_start3A_290 = arith.constant 0 : i32
    %dma_start3A_291 = arith.constant 0 : i32
    %dma_start3A_292 = tpu.memref_slice %arg6[%dma_start3A_290, %dma_start3A_291] : memref<2x128xi32, #tpu.memory_space<vmem>> -> memref<1x128xi32, #tpu.memory_space<vmem>>
    %dma_start3A_293 = tpu.memref_squeeze %dma_start3A_292 : memref<1x128xi32, #tpu.memory_space<vmem>> -> memref<128xi32, #tpu.memory_space<vmem>>
    %dma_start3A_294 = arith.constant 0 : i32
    %dma_start3A_295 = arith.constant 0 : i32
    %dma_start3A_296 = tpu.memref_slice %arg2[%dma_start3A_294, %dma_start3A_295] : memref<30000x128xf32, #tpu.memory_space<hbm>> -> memref<30000x128xf32, #tpu.memory_space<hbm>>
    tpu.enqueue_indirect_dma source(%dma_start3A_296 : memref<30000x128xf32, #tpu.memory_space<hbm>>) target(%arg12 : memref<128x128xf32, #tpu.memory_space<vmem>>) offsets(%dma_start3A_293 : memref<128xi32, #tpu.memory_space<vmem>>) semaphore(%arg22 : memref<!tpu.dma_semaphore, #tpu.memory_space<semaphore_mem>>)
    %dma_wait3A_297 = arith.constant 0 : i32
    %dma_wait3A_298 = arith.constant 0 : i32
    %dma_wait3A_299 = tpu.memref_slice %arg10[%dma_wait3A_297, %dma_wait3A_298] : memref<2x128xi32, #tpu.memory_space<vmem>> -> memref<1x128xi32, #tpu.memory_space<vmem>>
    %dma_wait3A_300 = tpu.memref_squeeze %dma_wait3A_299 : memref<1x128xi32, #tpu.memory_space<vmem>> -> memref<128xi32, #tpu.memory_space<vmem>>
    %dma_wait3A_301 = arith.constant 0 : i32
    %dma_wait3A_302 = arith.constant 0 : i32
    %dma_wait3A_303 = tpu.memref_slice %arg2[%dma_wait3A_301, %dma_wait3A_302] : memref<30000x128xf32, #tpu.memory_space<hbm>> -> memref<30000x128xf32, #tpu.memory_space<hbm>>
    tpu.wait_indirect_dma semaphore(%arg23 : memref<!tpu.dma_semaphore, #tpu.memory_space<semaphore_mem>>) src(%dma_wait3A_303 : memref<30000x128xf32, #tpu.memory_space<hbm>>) dst(%arg13 : memref<128x128xf32, #tpu.memory_space<vmem>>)
    %dma_start3A_304 = arith.constant 1 : i32
    %dma_start3A_305 = arith.constant 0 : i32
    %dma_start3A_306 = tpu.memref_slice %arg10[%dma_start3A_304, %dma_start3A_305] : memref<2x128xi32, #tpu.memory_space<vmem>> -> memref<1x128xi32, #tpu.memory_space<vmem>>
    %dma_start3A_307 = tpu.memref_squeeze %dma_start3A_306 : memref<1x128xi32, #tpu.memory_space<vmem>> -> memref<128xi32, #tpu.memory_space<vmem>>
    %dma_start3A_308 = arith.constant 0 : i32
    %dma_start3A_309 = arith.constant 0 : i32
    %dma_start3A_310 = tpu.memref_slice %arg15[%dma_start3A_308, %dma_start3A_309] : memref<10032x128xf32, #tpu.memory_space<vmem_shared>> -> memref<10032x128xf32, #tpu.memory_space<vmem_shared>>
    tpu.enqueue_indirect_dma source(%arg13 : memref<128x128xf32, #tpu.memory_space<vmem>>) target(%dma_start3A_310 : memref<10032x128xf32, #tpu.memory_space<vmem_shared>>) offsets(%dma_start3A_307 : memref<128xi32, #tpu.memory_space<vmem>>) semaphore(%arg26 : memref<!tpu.dma_semaphore, #tpu.memory_space<semaphore_mem>>) {add = true}
    %add3A_311 = arith.constant 9 : i32
    %add3A_312 = arith.addi %mul3A_2, %add3A_311 : i32
    %dma_start3A_313 = arith.constant 0 : i32
    %dma_start3A_314 = arith.constant 0 : i32
    %dma_start3A_315 = tpu.memref_slice %arg3[%add3A_312, %dma_start3A_313, %dma_start3A_314] : memref<2560x2x128xi32, #tpu.memory_space<hbm>> -> memref<1x2x128xi32, #tpu.memory_space<hbm>>
    %dma_start3A_316 = tpu.memref_squeeze %dma_start3A_315 : memref<1x2x128xi32, #tpu.memory_space<hbm>> -> memref<2x128xi32, #tpu.memory_space<hbm>>
    %dma_start3A_317 = arith.constant 0 : i32
    %dma_start3A_318 = arith.constant 0 : i32
    %dma_start3A_319 = tpu.memref_slice %arg3[%add3A_312, %dma_start3A_317, %dma_start3A_318] : memref<2560x2x128xi32, #tpu.memory_space<hbm>> -> memref<1x2x128xi32, #tpu.memory_space<hbm>>
    %dma_start3A_320 = tpu.memref_squeeze %dma_start3A_319 : memref<1x2x128xi32, #tpu.memory_space<hbm>> -> memref<2x128xi32, #tpu.memory_space<hbm>>
    tpu.enqueue_dma source(%dma_start3A_320 : memref<2x128xi32, #tpu.memory_space<hbm>>) target(%arg9 : memref<2x128xi32, #tpu.memory_space<vmem>>) target_semaphore(%arg19 : memref<!tpu.dma_semaphore, #tpu.memory_space<semaphore_mem>>)
    %dma_wait3A_321 = arith.constant 1 : i32
    %dma_wait3A_322 = arith.constant 0 : i32
    %dma_wait3A_323 = tpu.memref_slice %arg10[%dma_wait3A_321, %dma_wait3A_322] : memref<2x128xi32, #tpu.memory_space<vmem>> -> memref<1x128xi32, #tpu.memory_space<vmem>>
    %dma_wait3A_324 = tpu.memref_squeeze %dma_wait3A_323 : memref<1x128xi32, #tpu.memory_space<vmem>> -> memref<128xi32, #tpu.memory_space<vmem>>
    %dma_wait3A_325 = arith.constant 0 : i32
    %dma_wait3A_326 = arith.constant 0 : i32
    %dma_wait3A_327 = tpu.memref_slice %arg15[%dma_wait3A_325, %dma_wait3A_326] : memref<10032x128xf32, #tpu.memory_space<vmem_shared>> -> memref<10032x128xf32, #tpu.memory_space<vmem_shared>>
    tpu.wait_indirect_dma semaphore(%arg26 : memref<!tpu.dma_semaphore, #tpu.memory_space<semaphore_mem>>) src(%arg13 : memref<128x128xf32, #tpu.memory_space<vmem>>) dst(%dma_wait3A_327 : memref<10032x128xf32, #tpu.memory_space<vmem_shared>>)
    %add3A_328 = arith.constant 7 : i32
    %add3A_329 = arith.addi %mul3A_2, %add3A_328 : i32
    %dma_wait3A_330 = arith.constant 0 : i32
    %dma_wait3A_331 = arith.constant 0 : i32
    %dma_wait3A_332 = tpu.memref_slice %arg3[%add3A_329, %dma_wait3A_330, %dma_wait3A_331] : memref<2560x2x128xi32, #tpu.memory_space<hbm>> -> memref<1x2x128xi32, #tpu.memory_space<hbm>>
    %dma_wait3A_333 = tpu.memref_squeeze %dma_wait3A_332 : memref<1x2x128xi32, #tpu.memory_space<hbm>> -> memref<2x128xi32, #tpu.memory_space<hbm>>
    %dma_wait3A_334 = arith.constant 0 : i32
    %dma_wait3A_335 = arith.constant 0 : i32
    %dma_wait3A_336 = tpu.memref_slice %arg3[%add3A_329, %dma_wait3A_334, %dma_wait3A_335] : memref<2560x2x128xi32, #tpu.memory_space<hbm>> -> memref<1x2x128xi32, #tpu.memory_space<hbm>>
    %dma_wait3A_337 = tpu.memref_squeeze %dma_wait3A_336 : memref<1x2x128xi32, #tpu.memory_space<hbm>> -> memref<2x128xi32, #tpu.memory_space<hbm>>
    tpu.wait_dma2 semaphore(%arg17 : memref<!tpu.dma_semaphore, #tpu.memory_space<semaphore_mem>>) src(%dma_wait3A_337 : memref<2x128xi32, #tpu.memory_space<hbm>>) dst(%arg7 : memref<2x128xi32, #tpu.memory_space<vmem>>)
    %dma_start3A_338 = arith.constant 0 : i32
    %dma_start3A_339 = arith.constant 0 : i32
    %dma_start3A_340 = tpu.memref_slice %arg7[%dma_start3A_338, %dma_start3A_339] : memref<2x128xi32, #tpu.memory_space<vmem>> -> memref<1x128xi32, #tpu.memory_space<vmem>>
    %dma_start3A_341 = tpu.memref_squeeze %dma_start3A_340 : memref<1x128xi32, #tpu.memory_space<vmem>> -> memref<128xi32, #tpu.memory_space<vmem>>
    %dma_start3A_342 = arith.constant 0 : i32
    %dma_start3A_343 = arith.constant 0 : i32
    %dma_start3A_344 = tpu.memref_slice %arg2[%dma_start3A_342, %dma_start3A_343] : memref<30000x128xf32, #tpu.memory_space<hbm>> -> memref<30000x128xf32, #tpu.memory_space<hbm>>
    tpu.enqueue_indirect_dma source(%dma_start3A_344 : memref<30000x128xf32, #tpu.memory_space<hbm>>) target(%arg13 : memref<128x128xf32, #tpu.memory_space<vmem>>) offsets(%dma_start3A_341 : memref<128xi32, #tpu.memory_space<vmem>>) semaphore(%arg23 : memref<!tpu.dma_semaphore, #tpu.memory_space<semaphore_mem>>)
    %dma_wait3A_345 = arith.constant 0 : i32
    %dma_wait3A_346 = arith.constant 0 : i32
    %dma_wait3A_347 = tpu.memref_slice %arg11[%dma_wait3A_345, %dma_wait3A_346] : memref<2x128xi32, #tpu.memory_space<vmem>> -> memref<1x128xi32, #tpu.memory_space<vmem>>
    %dma_wait3A_348 = tpu.memref_squeeze %dma_wait3A_347 : memref<1x128xi32, #tpu.memory_space<vmem>> -> memref<128xi32, #tpu.memory_space<vmem>>
    %dma_wait3A_349 = arith.constant 0 : i32
    %dma_wait3A_350 = arith.constant 0 : i32
    %dma_wait3A_351 = tpu.memref_slice %arg2[%dma_wait3A_349, %dma_wait3A_350] : memref<30000x128xf32, #tpu.memory_space<hbm>> -> memref<30000x128xf32, #tpu.memory_space<hbm>>
    tpu.wait_indirect_dma semaphore(%arg24 : memref<!tpu.dma_semaphore, #tpu.memory_space<semaphore_mem>>) src(%dma_wait3A_351 : memref<30000x128xf32, #tpu.memory_space<hbm>>) dst(%arg14 : memref<128x128xf32, #tpu.memory_space<vmem>>)
    %dma_start3A_352 = arith.constant 1 : i32
    %dma_start3A_353 = arith.constant 0 : i32
    %dma_start3A_354 = tpu.memref_slice %arg11[%dma_start3A_352, %dma_start3A_353] : memref<2x128xi32, #tpu.memory_space<vmem>> -> memref<1x128xi32, #tpu.memory_space<vmem>>
    %dma_start3A_355 = tpu.memref_squeeze %dma_start3A_354 : memref<1x128xi32, #tpu.memory_space<vmem>> -> memref<128xi32, #tpu.memory_space<vmem>>
    %dma_start3A_356 = arith.constant 0 : i32
    %dma_start3A_357 = arith.constant 0 : i32
    %dma_start3A_358 = tpu.memref_slice %arg15[%dma_start3A_356, %dma_start3A_357] : memref<10032x128xf32, #tpu.memory_space<vmem_shared>> -> memref<10032x128xf32, #tpu.memory_space<vmem_shared>>
    tpu.enqueue_indirect_dma source(%arg14 : memref<128x128xf32, #tpu.memory_space<vmem>>) target(%dma_start3A_358 : memref<10032x128xf32, #tpu.memory_space<vmem_shared>>) offsets(%dma_start3A_355 : memref<128xi32, #tpu.memory_space<vmem>>) semaphore(%arg27 : memref<!tpu.dma_semaphore, #tpu.memory_space<semaphore_mem>>) {add = true}
    %add3A_359 = arith.constant 10 : i32
    %add3A_360 = arith.addi %mul3A_2, %add3A_359 : i32
    %dma_start3A_361 = arith.constant 0 : i32
    %dma_start3A_362 = arith.constant 0 : i32
    %dma_start3A_363 = tpu.memref_slice %arg3[%add3A_360, %dma_start3A_361, %dma_start3A_362] : memref<2560x2x128xi32, #tpu.memory_space<hbm>> -> memref<1x2x128xi32, #tpu.memory_space<hbm>>
    %dma_start3A_364 = tpu.memref_squeeze %dma_start3A_363 : memref<1x2x128xi32, #tpu.memory_space<hbm>> -> memref<2x128xi32, #tpu.memory_space<hbm>>
    %dma_start3A_365 = arith.constant 0 : i32
    %dma_start3A_366 = arith.constant 0 : i32
    %dma_start3A_367 = tpu.memref_slice %arg3[%add3A_360, %dma_start3A_365, %dma_start3A_366] : memref<2560x2x128xi32, #tpu.memory_space<hbm>> -> memref<1x2x128xi32, #tpu.memory_space<hbm>>
    %dma_start3A_368 = tpu.memref_squeeze %dma_start3A_367 : memref<1x2x128xi32, #tpu.memory_space<hbm>> -> memref<2x128xi32, #tpu.memory_space<hbm>>
    tpu.enqueue_dma source(%dma_start3A_368 : memref<2x128xi32, #tpu.memory_space<hbm>>) target(%arg10 : memref<2x128xi32, #tpu.memory_space<vmem>>) target_semaphore(%arg20 : memref<!tpu.dma_semaphore, #tpu.memory_space<semaphore_mem>>)
    %scan3A = arith.constant 0 : i32
    %scan3A_369 = arith.constant 1 : i32
    %scan3A_370 = arith.constant 11 : i32
    %scan3A_371 = arith.addi %scan3A_369, %scan3A_370 : i32
    %scan3A_372 = arith.constant 1 : i32
    scf.for %scan3A_682 = %scan3A_369 to %scan3A_371 step %scan3A_372  : i32 {
      %mul3A_683 = arith.constant 6 : i32
      %mul3A_684 = arith.muli %scan3A_682, %mul3A_683 : i32
      %add3A_685 = arith.constant 0 : i32
      %add3A_686 = arith.addi %mul3A_684, %add3A_685 : i32
      %dma_wait3A_687 = arith.constant 1 : i32
      %dma_wait3A_688 = arith.constant 0 : i32
      %dma_wait3A_689 = tpu.memref_slice %arg11[%dma_wait3A_687, %dma_wait3A_688] : memref<2x128xi32, #tpu.memory_space<vmem>> -> memref<1x128xi32, #tpu.memory_space<vmem>>
      %dma_wait3A_690 = tpu.memref_squeeze %dma_wait3A_689 : memref<1x128xi32, #tpu.memory_space<vmem>> -> memref<128xi32, #tpu.memory_space<vmem>>
      %dma_wait3A_691 = arith.constant 0 : i32
      %dma_wait3A_692 = arith.constant 0 : i32
      %dma_wait3A_693 = tpu.memref_slice %arg15[%dma_wait3A_691, %dma_wait3A_692] : memref<10032x128xf32, #tpu.memory_space<vmem_shared>> -> memref<10032x128xf32, #tpu.memory_space<vmem_shared>>
      tpu.wait_indirect_dma semaphore(%arg27 : memref<!tpu.dma_semaphore, #tpu.memory_space<semaphore_mem>>) src(%arg14 : memref<128x128xf32, #tpu.memory_space<vmem>>) dst(%dma_wait3A_693 : memref<10032x128xf32, #tpu.memory_space<vmem_shared>>)
      %add3A_694 = arith.constant 2 : i32
      %add3A_695 = arith.addi %add3A_686, %add3A_694 : i32
      %add3A_696 = arith.addi %mul3A_2, %add3A_695 : i32
      %dma_wait3A_697 = arith.constant 0 : i32
      %dma_wait3A_698 = arith.constant 0 : i32
      %dma_wait3A_699 = tpu.memref_slice %arg3[%add3A_696, %dma_wait3A_697, %dma_wait3A_698] : memref<2560x2x128xi32, #tpu.memory_space<hbm>> -> memref<1x2x128xi32, #tpu.memory_space<hbm>>
      %dma_wait3A_700 = tpu.memref_squeeze %dma_wait3A_699 : memref<1x2x128xi32, #tpu.memory_space<hbm>> -> memref<2x128xi32, #tpu.memory_space<hbm>>
      %dma_wait3A_701 = arith.constant 0 : i32
      %dma_wait3A_702 = arith.constant 0 : i32
      %dma_wait3A_703 = tpu.memref_slice %arg3[%add3A_696, %dma_wait3A_701, %dma_wait3A_702] : memref<2560x2x128xi32, #tpu.memory_space<hbm>> -> memref<1x2x128xi32, #tpu.memory_space<hbm>>
      %dma_wait3A_704 = tpu.memref_squeeze %dma_wait3A_703 : memref<1x2x128xi32, #tpu.memory_space<hbm>> -> memref<2x128xi32, #tpu.memory_space<hbm>>
      tpu.wait_dma2 semaphore(%arg18 : memref<!tpu.dma_semaphore, #tpu.memory_space<semaphore_mem>>) src(%dma_wait3A_704 : memref<2x128xi32, #tpu.memory_space<hbm>>) dst(%arg8 : memref<2x128xi32, #tpu.memory_space<vmem>>)
      %dma_start3A_705 = arith.constant 0 : i32
      %dma_start3A_706 = arith.constant 0 : i32
      %dma_start3A_707 = tpu.memref_slice %arg8[%dma_start3A_705, %dma_start3A_706] : memref<2x128xi32, #tpu.memory_space<vmem>> -> memref<1x128xi32, #tpu.memory_space<vmem>>
      %dma_start3A_708 = tpu.memref_squeeze %dma_start3A_707 : memref<1x128xi32, #tpu.memory_space<vmem>> -> memref<128xi32, #tpu.memory_space<vmem>>
      %dma_start3A_709 = arith.constant 0 : i32
      %dma_start3A_710 = arith.constant 0 : i32
      %dma_start3A_711 = tpu.memref_slice %arg2[%dma_start3A_709, %dma_start3A_710] : memref<30000x128xf32, #tpu.memory_space<hbm>> -> memref<30000x128xf32, #tpu.memory_space<hbm>>
      tpu.enqueue_indirect_dma source(%dma_start3A_711 : memref<30000x128xf32, #tpu.memory_space<hbm>>) target(%arg14 : memref<128x128xf32, #tpu.memory_space<vmem>>) offsets(%dma_start3A_708 : memref<128xi32, #tpu.memory_space<vmem>>) semaphore(%arg24 : memref<!tpu.dma_semaphore, #tpu.memory_space<semaphore_mem>>)
      %dma_wait3A_712 = arith.constant 0 : i32
      %dma_wait3A_713 = arith.constant 0 : i32
      %dma_wait3A_714 = tpu.memref_slice %arg6[%dma_wait3A_712, %dma_wait3A_713] : memref<2x128xi32, #tpu.memory_space<vmem>> -> memref<1x128xi32, #tpu.memory_space<vmem>>
      %dma_wait3A_715 = tpu.memref_squeeze %dma_wait3A_714 : memref<1x128xi32, #tpu.memory_space<vmem>> -> memref<128xi32, #tpu.memory_space<vmem>>
      %dma_wait3A_716 = arith.constant 0 : i32
      %dma_wait3A_717 = arith.constant 0 : i32
      %dma_wait3A_718 = tpu.memref_slice %arg2[%dma_wait3A_716, %dma_wait3A_717] : memref<30000x128xf32, #tpu.memory_space<hbm>> -> memref<30000x128xf32, #tpu.memory_space<hbm>>
      tpu.wait_indirect_dma semaphore(%arg22 : memref<!tpu.dma_semaphore, #tpu.memory_space<semaphore_mem>>) src(%dma_wait3A_718 : memref<30000x128xf32, #tpu.memory_space<hbm>>) dst(%arg12 : memref<128x128xf32, #tpu.memory_space<vmem>>)
      %dma_start3A_719 = arith.constant 1 : i32
      %dma_start3A_720 = arith.constant 0 : i32
      %dma_start3A_721 = tpu.memref_slice %arg6[%dma_start3A_719, %dma_start3A_720] : memref<2x128xi32, #tpu.memory_space<vmem>> -> memref<1x128xi32, #tpu.memory_space<vmem>>
      %dma_start3A_722 = tpu.memref_squeeze %dma_start3A_721 : memref<1x128xi32, #tpu.memory_space<vmem>> -> memref<128xi32, #tpu.memory_space<vmem>>
      %dma_start3A_723 = arith.constant 0 : i32
      %dma_start3A_724 = arith.constant 0 : i32
      %dma_start3A_725 = tpu.memref_slice %arg15[%dma_start3A_723, %dma_start3A_724] : memref<10032x128xf32, #tpu.memory_space<vmem_shared>> -> memref<10032x128xf32, #tpu.memory_space<vmem_shared>>
      tpu.enqueue_indirect_dma source(%arg12 : memref<128x128xf32, #tpu.memory_space<vmem>>) target(%dma_start3A_725 : memref<10032x128xf32, #tpu.memory_space<vmem_shared>>) offsets(%dma_start3A_722 : memref<128xi32, #tpu.memory_space<vmem>>) semaphore(%arg25 : memref<!tpu.dma_semaphore, #tpu.memory_space<semaphore_mem>>) {add = true}
      %add3A_726 = arith.constant 5 : i32
      %add3A_727 = arith.addi %add3A_686, %add3A_726 : i32
      %add3A_728 = arith.addi %mul3A_2, %add3A_727 : i32
      %dma_start3A_729 = arith.constant 0 : i32
      %dma_start3A_730 = arith.constant 0 : i32
      %dma_start3A_731 = tpu.memref_slice %arg3[%add3A_728, %dma_start3A_729, %dma_start3A_730] : memref<2560x2x128xi32, #tpu.memory_space<hbm>> -> memref<1x2x128xi32, #tpu.memory_space<hbm>>
      %dma_start3A_732 = tpu.memref_squeeze %dma_start3A_731 : memref<1x2x128xi32, #tpu.memory_space<hbm>> -> memref<2x128xi32, #tpu.memory_space<hbm>>
      %dma_start3A_733 = arith.constant 0 : i32
      %dma_start3A_734 = arith.constant 0 : i32
      %dma_start3A_735 = tpu.memref_slice %arg3[%add3A_728, %dma_start3A_733, %dma_start3A_734] : memref<2560x2x128xi32, #tpu.memory_space<hbm>> -> memref<1x2x128xi32, #tpu.memory_space<hbm>>
      %dma_start3A_736 = tpu.memref_squeeze %dma_start3A_735 : memref<1x2x128xi32, #tpu.memory_space<hbm>> -> memref<2x128xi32, #tpu.memory_space<hbm>>
      tpu.enqueue_dma source(%dma_start3A_736 : memref<2x128xi32, #tpu.memory_space<hbm>>) target(%arg11 : memref<2x128xi32, #tpu.memory_space<vmem>>) target_semaphore(%arg21 : memref<!tpu.dma_semaphore, #tpu.memory_space<semaphore_mem>>)
      %mul3A_737 = arith.constant 6 : i32
      %mul3A_738 = arith.muli %scan3A_682, %mul3A_737 : i32
      %add3A_739 = arith.constant 1 : i32
      %add3A_740 = arith.addi %mul3A_738, %add3A_739 : i32
      %dma_wait3A_741 = arith.constant 1 : i32
      %dma_wait3A_742 = arith.constant 0 : i32
      %dma_wait3A_743 = tpu.memref_slice %arg6[%dma_wait3A_741, %dma_wait3A_742] : memref<2x128xi32, #tpu.memory_space<vmem>> -> memref<1x128xi32, #tpu.memory_space<vmem>>
      %dma_wait3A_744 = tpu.memref_squeeze %dma_wait3A_743 : memref<1x128xi32, #tpu.memory_space<vmem>> -> memref<128xi32, #tpu.memory_space<vmem>>
      %dma_wait3A_745 = arith.constant 0 : i32
      %dma_wait3A_746 = arith.constant 0 : i32
      %dma_wait3A_747 = tpu.memref_slice %arg15[%dma_wait3A_745, %dma_wait3A_746] : memref<10032x128xf32, #tpu.memory_space<vmem_shared>> -> memref<10032x128xf32, #tpu.memory_space<vmem_shared>>
      tpu.wait_indirect_dma semaphore(%arg25 : memref<!tpu.dma_semaphore, #tpu.memory_space<semaphore_mem>>) src(%arg12 : memref<128x128xf32, #tpu.memory_space<vmem>>) dst(%dma_wait3A_747 : memref<10032x128xf32, #tpu.memory_space<vmem_shared>>)
      %add3A_748 = arith.constant 2 : i32
      %add3A_749 = arith.addi %add3A_740, %add3A_748 : i32
      %add3A_750 = arith.addi %mul3A_2, %add3A_749 : i32
      %dma_wait3A_751 = arith.constant 0 : i32
      %dma_wait3A_752 = arith.constant 0 : i32
      %dma_wait3A_753 = tpu.memref_slice %arg3[%add3A_750, %dma_wait3A_751, %dma_wait3A_752] : memref<2560x2x128xi32, #tpu.memory_space<hbm>> -> memref<1x2x128xi32, #tpu.memory_space<hbm>>
      %dma_wait3A_754 = tpu.memref_squeeze %dma_wait3A_753 : memref<1x2x128xi32, #tpu.memory_space<hbm>> -> memref<2x128xi32, #tpu.memory_space<hbm>>
      %dma_wait3A_755 = arith.constant 0 : i32
      %dma_wait3A_756 = arith.constant 0 : i32
      %dma_wait3A_757 = tpu.memref_slice %arg3[%add3A_750, %dma_wait3A_755, %dma_wait3A_756] : memref<2560x2x128xi32, #tpu.memory_space<hbm>> -> memref<1x2x128xi32, #tpu.memory_space<hbm>>
      %dma_wait3A_758 = tpu.memref_squeeze %dma_wait3A_757 : memref<1x2x128xi32, #tpu.memory_space<hbm>> -> memref<2x128xi32, #tpu.memory_space<hbm>>
      tpu.wait_dma2 semaphore(%arg19 : memref<!tpu.dma_semaphore, #tpu.memory_space<semaphore_mem>>) src(%dma_wait3A_758 : memref<2x128xi32, #tpu.memory_space<hbm>>) dst(%arg9 : memref<2x128xi32, #tpu.memory_space<vmem>>)
      %dma_start3A_759 = arith.constant 0 : i32
      %dma_start3A_760 = arith.constant 0 : i32
      %dma_start3A_761 = tpu.memref_slice %arg9[%dma_start3A_759, %dma_start3A_760] : memref<2x128xi32, #tpu.memory_space<vmem>> -> memref<1x128xi32, #tpu.memory_space<vmem>>
      %dma_start3A_762 = tpu.memref_squeeze %dma_start3A_761 : memref<1x128xi32, #tpu.memory_space<vmem>> -> memref<128xi32, #tpu.memory_space<vmem>>
      %dma_start3A_763 = arith.constant 0 : i32
      %dma_start3A_764 = arith.constant 0 : i32
      %dma_start3A_765 = tpu.memref_slice %arg2[%dma_start3A_763, %dma_start3A_764] : memref<30000x128xf32, #tpu.memory_space<hbm>> -> memref<30000x128xf32, #tpu.memory_space<hbm>>
      tpu.enqueue_indirect_dma source(%dma_start3A_765 : memref<30000x128xf32, #tpu.memory_space<hbm>>) target(%arg12 : memref<128x128xf32, #tpu.memory_space<vmem>>) offsets(%dma_start3A_762 : memref<128xi32, #tpu.memory_space<vmem>>) semaphore(%arg22 : memref<!tpu.dma_semaphore, #tpu.memory_space<semaphore_mem>>)
      %dma_wait3A_766 = arith.constant 0 : i32
      %dma_wait3A_767 = arith.constant 0 : i32
      %dma_wait3A_768 = tpu.memref_slice %arg7[%dma_wait3A_766, %dma_wait3A_767] : memref<2x128xi32, #tpu.memory_space<vmem>> -> memref<1x128xi32, #tpu.memory_space<vmem>>
      %dma_wait3A_769 = tpu.memref_squeeze %dma_wait3A_768 : memref<1x128xi32, #tpu.memory_space<vmem>> -> memref<128xi32, #tpu.memory_space<vmem>>
      %dma_wait3A_770 = arith.constant 0 : i32
      %dma_wait3A_771 = arith.constant 0 : i32
      %dma_wait3A_772 = tpu.memref_slice %arg2[%dma_wait3A_770, %dma_wait3A_771] : memref<30000x128xf32, #tpu.memory_space<hbm>> -> memref<30000x128xf32, #tpu.memory_space<hbm>>
      tpu.wait_indirect_dma semaphore(%arg23 : memref<!tpu.dma_semaphore, #tpu.memory_space<semaphore_mem>>) src(%dma_wait3A_772 : memref<30000x128xf32, #tpu.memory_space<hbm>>) dst(%arg13 : memref<128x128xf32, #tpu.memory_space<vmem>>)
      %dma_start3A_773 = arith.constant 1 : i32
      %dma_start3A_774 = arith.constant 0 : i32
      %dma_start3A_775 = tpu.memref_slice %arg7[%dma_start3A_773, %dma_start3A_774] : memref<2x128xi32, #tpu.memory_space<vmem>> -> memref<1x128xi32, #tpu.memory_space<vmem>>
      %dma_start3A_776 = tpu.memref_squeeze %dma_start3A_775 : memref<1x128xi32, #tpu.memory_space<vmem>> -> memref<128xi32, #tpu.memory_space<vmem>>
      %dma_start3A_777 = arith.constant 0 : i32
      %dma_start3A_778 = arith.constant 0 : i32
      %dma_start3A_779 = tpu.memref_slice %arg15[%dma_start3A_777, %dma_start3A_778] : memref<10032x128xf32, #tpu.memory_space<vmem_shared>> -> memref<10032x128xf32, #tpu.memory_space<vmem_shared>>
      tpu.enqueue_indirect_dma source(%arg13 : memref<128x128xf32, #tpu.memory_space<vmem>>) target(%dma_start3A_779 : memref<10032x128xf32, #tpu.memory_space<vmem_shared>>) offsets(%dma_start3A_776 : memref<128xi32, #tpu.memory_space<vmem>>) semaphore(%arg26 : memref<!tpu.dma_semaphore, #tpu.memory_space<semaphore_mem>>) {add = true}
      %add3A_780 = arith.constant 5 : i32
      %add3A_781 = arith.addi %add3A_740, %add3A_780 : i32
      %add3A_782 = arith.addi %mul3A_2, %add3A_781 : i32
      %dma_start3A_783 = arith.constant 0 : i32
      %dma_start3A_784 = arith.constant 0 : i32
      %dma_start3A_785 = tpu.memref_slice %arg3[%add3A_782, %dma_start3A_783, %dma_start3A_784] : memref<2560x2x128xi32, #tpu.memory_space<hbm>> -> memref<1x2x128xi32, #tpu.memory_space<hbm>>
      %dma_start3A_786 = tpu.memref_squeeze %dma_start3A_785 : memref<1x2x128xi32, #tpu.memory_space<hbm>> -> memref<2x128xi32, #tpu.memory_space<hbm>>
      %dma_start3A_787 = arith.constant 0 : i32
      %dma_start3A_788 = arith.constant 0 : i32
      %dma_start3A_789 = tpu.memref_slice %arg3[%add3A_782, %dma_start3A_787, %dma_start3A_788] : memref<2560x2x128xi32, #tpu.memory_space<hbm>> -> memref<1x2x128xi32, #tpu.memory_space<hbm>>
      %dma_start3A_790 = tpu.memref_squeeze %dma_start3A_789 : memref<1x2x128xi32, #tpu.memory_space<hbm>> -> memref<2x128xi32, #tpu.memory_space<hbm>>
      tpu.enqueue_dma source(%dma_start3A_790 : memref<2x128xi32, #tpu.memory_space<hbm>>) target(%arg6 : memref<2x128xi32, #tpu.memory_space<vmem>>) target_semaphore(%arg16 : memref<!tpu.dma_semaphore, #tpu.memory_space<semaphore_mem>>)
      %mul3A_791 = arith.constant 6 : i32
      %mul3A_792 = arith.muli %scan3A_682, %mul3A_791 : i32
      %add3A_793 = arith.constant 2 : i32
      %add3A_794 = arith.addi %mul3A_792, %add3A_793 : i32
      %dma_wait3A_795 = arith.constant 1 : i32
      %dma_wait3A_796 = arith.constant 0 : i32
      %dma_wait3A_797 = tpu.memref_slice %arg7[%dma_wait3A_795, %dma_wait3A_796] : memref<2x128xi32, #tpu.memory_space<vmem>> -> memref<1x128xi32, #tpu.memory_space<vmem>>
      %dma_wait3A_798 = tpu.memref_squeeze %dma_wait3A_797 : memref<1x128xi32, #tpu.memory_space<vmem>> -> memref<128xi32, #tpu.memory_space<vmem>>
      %dma_wait3A_799 = arith.constant 0 : i32
      %dma_wait3A_800 = arith.constant 0 : i32
      %dma_wait3A_801 = tpu.memref_slice %arg15[%dma_wait3A_799, %dma_wait3A_800] : memref<10032x128xf32, #tpu.memory_space<vmem_shared>> -> memref<10032x128xf32, #tpu.memory_space<vmem_shared>>
      tpu.wait_indirect_dma semaphore(%arg26 : memref<!tpu.dma_semaphore, #tpu.memory_space<semaphore_mem>>) src(%arg13 : memref<128x128xf32, #tpu.memory_space<vmem>>) dst(%dma_wait3A_801 : memref<10032x128xf32, #tpu.memory_space<vmem_shared>>)
      %add3A_802 = arith.constant 2 : i32
      %add3A_803 = arith.addi %add3A_794, %add3A_802 : i32
      %add3A_804 = arith.addi %mul3A_2, %add3A_803 : i32
      %dma_wait3A_805 = arith.constant 0 : i32
      %dma_wait3A_806 = arith.constant 0 : i32
      %dma_wait3A_807 = tpu.memref_slice %arg3[%add3A_804, %dma_wait3A_805, %dma_wait3A_806] : memref<2560x2x128xi32, #tpu.memory_space<hbm>> -> memref<1x2x128xi32, #tpu.memory_space<hbm>>
      %dma_wait3A_808 = tpu.memref_squeeze %dma_wait3A_807 : memref<1x2x128xi32, #tpu.memory_space<hbm>> -> memref<2x128xi32, #tpu.memory_space<hbm>>
      %dma_wait3A_809 = arith.constant 0 : i32
      %dma_wait3A_810 = arith.constant 0 : i32
      %dma_wait3A_811 = tpu.memref_slice %arg3[%add3A_804, %dma_wait3A_809, %dma_wait3A_810] : memref<2560x2x128xi32, #tpu.memory_space<hbm>> -> memref<1x2x128xi32, #tpu.memory_space<hbm>>
      %dma_wait3A_812 = tpu.memref_squeeze %dma_wait3A_811 : memref<1x2x128xi32, #tpu.memory_space<hbm>> -> memref<2x128xi32, #tpu.memory_space<hbm>>
      tpu.wait_dma2 semaphore(%arg20 : memref<!tpu.dma_semaphore, #tpu.memory_space<semaphore_mem>>) src(%dma_wait3A_812 : memref<2x128xi32, #tpu.memory_space<hbm>>) dst(%arg10 : memref<2x128xi32, #tpu.memory_space<vmem>>)
      %dma_start3A_813 = arith.constant 0 : i32
      %dma_start3A_814 = arith.constant 0 : i32
      %dma_start3A_815 = tpu.memref_slice %arg10[%dma_start3A_813, %dma_start3A_814] : memref<2x128xi32, #tpu.memory_space<vmem>> -> memref<1x128xi32, #tpu.memory_space<vmem>>
      %dma_start3A_816 = tpu.memref_squeeze %dma_start3A_815 : memref<1x128xi32, #tpu.memory_space<vmem>> -> memref<128xi32, #tpu.memory_space<vmem>>
      %dma_start3A_817 = arith.constant 0 : i32
      %dma_start3A_818 = arith.constant 0 : i32
      %dma_start3A_819 = tpu.memref_slice %arg2[%dma_start3A_817, %dma_start3A_818] : memref<30000x128xf32, #tpu.memory_space<hbm>> -> memref<30000x128xf32, #tpu.memory_space<hbm>>
      tpu.enqueue_indirect_dma source(%dma_start3A_819 : memref<30000x128xf32, #tpu.memory_space<hbm>>) target(%arg13 : memref<128x128xf32, #tpu.memory_space<vmem>>) offsets(%dma_start3A_816 : memref<128xi32, #tpu.memory_space<vmem>>) semaphore(%arg23 : memref<!tpu.dma_semaphore, #tpu.memory_space<semaphore_mem>>)
      %dma_wait3A_820 = arith.constant 0 : i32
      %dma_wait3A_821 = arith.constant 0 : i32
      %dma_wait3A_822 = tpu.memref_slice %arg8[%dma_wait3A_820, %dma_wait3A_821] : memref<2x128xi32, #tpu.memory_space<vmem>> -> memref<1x128xi32, #tpu.memory_space<vmem>>
      %dma_wait3A_823 = tpu.memref_squeeze %dma_wait3A_822 : memref<1x128xi32, #tpu.memory_space<vmem>> -> memref<128xi32, #tpu.memory_space<vmem>>
      %dma_wait3A_824 = arith.constant 0 : i32
      %dma_wait3A_825 = arith.constant 0 : i32
      %dma_wait3A_826 = tpu.memref_slice %arg2[%dma_wait3A_824, %dma_wait3A_825] : memref<30000x128xf32, #tpu.memory_space<hbm>> -> memref<30000x128xf32, #tpu.memory_space<hbm>>
      tpu.wait_indirect_dma semaphore(%arg24 : memref<!tpu.dma_semaphore, #tpu.memory_space<semaphore_mem>>) src(%dma_wait3A_826 : memref<30000x128xf32, #tpu.memory_space<hbm>>) dst(%arg14 : memref<128x128xf32, #tpu.memory_space<vmem>>)
      %dma_start3A_827 = arith.constant 1 : i32
      %dma_start3A_828 = arith.constant 0 : i32
      %dma_start3A_829 = tpu.memref_slice %arg8[%dma_start3A_827, %dma_start3A_828] : memref<2x128xi32, #tpu.memory_space<vmem>> -> memref<1x128xi32, #tpu.memory_space<vmem>>
      %dma_start3A_830 = tpu.memref_squeeze %dma_start3A_829 : memref<1x128xi32, #tpu.memory_space<vmem>> -> memref<128xi32, #tpu.memory_space<vmem>>
      %dma_start3A_831 = arith.constant 0 : i32
      %dma_start3A_832 = arith.constant 0 : i32
      %dma_start3A_833 = tpu.memref_slice %arg15[%dma_start3A_831, %dma_start3A_832] : memref<10032x128xf32, #tpu.memory_space<vmem_shared>> -> memref<10032x128xf32, #tpu.memory_space<vmem_shared>>
      tpu.enqueue_indirect_dma source(%arg14 : memref<128x128xf32, #tpu.memory_space<vmem>>) target(%dma_start3A_833 : memref<10032x128xf32, #tpu.memory_space<vmem_shared>>) offsets(%dma_start3A_830 : memref<128xi32, #tpu.memory_space<vmem>>) semaphore(%arg27 : memref<!tpu.dma_semaphore, #tpu.memory_space<semaphore_mem>>) {add = true}
      %add3A_834 = arith.constant 5 : i32
      %add3A_835 = arith.addi %add3A_794, %add3A_834 : i32
      %add3A_836 = arith.addi %mul3A_2, %add3A_835 : i32
      %dma_start3A_837 = arith.constant 0 : i32
      %dma_start3A_838 = arith.constant 0 : i32
      %dma_start3A_839 = tpu.memref_slice %arg3[%add3A_836, %dma_start3A_837, %dma_start3A_838] : memref<2560x2x128xi32, #tpu.memory_space<hbm>> -> memref<1x2x128xi32, #tpu.memory_space<hbm>>
      %dma_start3A_840 = tpu.memref_squeeze %dma_start3A_839 : memref<1x2x128xi32, #tpu.memory_space<hbm>> -> memref<2x128xi32, #tpu.memory_space<hbm>>
      %dma_start3A_841 = arith.constant 0 : i32
      %dma_start3A_842 = arith.constant 0 : i32
      %dma_start3A_843 = tpu.memref_slice %arg3[%add3A_836, %dma_start3A_841, %dma_start3A_842] : memref<2560x2x128xi32, #tpu.memory_space<hbm>> -> memref<1x2x128xi32, #tpu.memory_space<hbm>>
      %dma_start3A_844 = tpu.memref_squeeze %dma_start3A_843 : memref<1x2x128xi32, #tpu.memory_space<hbm>> -> memref<2x128xi32, #tpu.memory_space<hbm>>
      tpu.enqueue_dma source(%dma_start3A_844 : memref<2x128xi32, #tpu.memory_space<hbm>>) target(%arg7 : memref<2x128xi32, #tpu.memory_space<vmem>>) target_semaphore(%arg17 : memref<!tpu.dma_semaphore, #tpu.memory_space<semaphore_mem>>)
      %mul3A_845 = arith.constant 6 : i32
      %mul3A_846 = arith.muli %scan3A_682, %mul3A_845 : i32
      %add3A_847 = arith.constant 3 : i32
      %add3A_848 = arith.addi %mul3A_846, %add3A_847 : i32
      %dma_wait3A_849 = arith.constant 1 : i32
      %dma_wait3A_850 = arith.constant 0 : i32
      %dma_wait3A_851 = tpu.memref_slice %arg8[%dma_wait3A_849, %dma_wait3A_850] : memref<2x128xi32, #tpu.memory_space<vmem>> -> memref<1x128xi32, #tpu.memory_space<vmem>>
      %dma_wait3A_852 = tpu.memref_squeeze %dma_wait3A_851 : memref<1x128xi32, #tpu.memory_space<vmem>> -> memref<128xi32, #tpu.memory_space<vmem>>
      %dma_wait3A_853 = arith.constant 0 : i32
      %dma_wait3A_854 = arith.constant 0 : i32
      %dma_wait3A_855 = tpu.memref_slice %arg15[%dma_wait3A_853, %dma_wait3A_854] : memref<10032x128xf32, #tpu.memory_space<vmem_shared>> -> memref<10032x128xf32, #tpu.memory_space<vmem_shared>>
      tpu.wait_indirect_dma semaphore(%arg27 : memref<!tpu.dma_semaphore, #tpu.memory_space<semaphore_mem>>) src(%arg14 : memref<128x128xf32, #tpu.memory_space<vmem>>) dst(%dma_wait3A_855 : memref<10032x128xf32, #tpu.memory_space<vmem_shared>>)
      %add3A_856 = arith.constant 2 : i32
      %add3A_857 = arith.addi %add3A_848, %add3A_856 : i32
      %add3A_858 = arith.addi %mul3A_2, %add3A_857 : i32
      %dma_wait3A_859 = arith.constant 0 : i32
      %dma_wait3A_860 = arith.constant 0 : i32
      %dma_wait3A_861 = tpu.memref_slice %arg3[%add3A_858, %dma_wait3A_859, %dma_wait3A_860] : memref<2560x2x128xi32, #tpu.memory_space<hbm>> -> memref<1x2x128xi32, #tpu.memory_space<hbm>>
      %dma_wait3A_862 = tpu.memref_squeeze %dma_wait3A_861 : memref<1x2x128xi32, #tpu.memory_space<hbm>> -> memref<2x128xi32, #tpu.memory_space<hbm>>
      %dma_wait3A_863 = arith.constant 0 : i32
      %dma_wait3A_864 = arith.constant 0 : i32
      %dma_wait3A_865 = tpu.memref_slice %arg3[%add3A_858, %dma_wait3A_863, %dma_wait3A_864] : memref<2560x2x128xi32, #tpu.memory_space<hbm>> -> memref<1x2x128xi32, #tpu.memory_space<hbm>>
      %dma_wait3A_866 = tpu.memref_squeeze %dma_wait3A_865 : memref<1x2x128xi32, #tpu.memory_space<hbm>> -> memref<2x128xi32, #tpu.memory_space<hbm>>
      tpu.wait_dma2 semaphore(%arg21 : memref<!tpu.dma_semaphore, #tpu.memory_space<semaphore_mem>>) src(%dma_wait3A_866 : memref<2x128xi32, #tpu.memory_space<hbm>>) dst(%arg11 : memref<2x128xi32, #tpu.memory_space<vmem>>)
      %dma_start3A_867 = arith.constant 0 : i32
      %dma_start3A_868 = arith.constant 0 : i32
      %dma_start3A_869 = tpu.memref_slice %arg11[%dma_start3A_867, %dma_start3A_868] : memref<2x128xi32, #tpu.memory_space<vmem>> -> memref<1x128xi32, #tpu.memory_space<vmem>>
      %dma_start3A_870 = tpu.memref_squeeze %dma_start3A_869 : memref<1x128xi32, #tpu.memory_space<vmem>> -> memref<128xi32, #tpu.memory_space<vmem>>
      %dma_start3A_871 = arith.constant 0 : i32
      %dma_start3A_872 = arith.constant 0 : i32
      %dma_start3A_873 = tpu.memref_slice %arg2[%dma_start3A_871, %dma_start3A_872] : memref<30000x128xf32, #tpu.memory_space<hbm>> -> memref<30000x128xf32, #tpu.memory_space<hbm>>
      tpu.enqueue_indirect_dma source(%dma_start3A_873 : memref<30000x128xf32, #tpu.memory_space<hbm>>) target(%arg14 : memref<128x128xf32, #tpu.memory_space<vmem>>) offsets(%dma_start3A_870 : memref<128xi32, #tpu.memory_space<vmem>>) semaphore(%arg24 : memref<!tpu.dma_semaphore, #tpu.memory_space<semaphore_mem>>)
      %dma_wait3A_874 = arith.constant 0 : i32
      %dma_wait3A_875 = arith.constant 0 : i32
      %dma_wait3A_876 = tpu.memref_slice %arg9[%dma_wait3A_874, %dma_wait3A_875] : memref<2x128xi32, #tpu.memory_space<vmem>> -> memref<1x128xi32, #tpu.memory_space<vmem>>
      %dma_wait3A_877 = tpu.memref_squeeze %dma_wait3A_876 : memref<1x128xi32, #tpu.memory_space<vmem>> -> memref<128xi32, #tpu.memory_space<vmem>>
      %dma_wait3A_878 = arith.constant 0 : i32
      %dma_wait3A_879 = arith.constant 0 : i32
      %dma_wait3A_880 = tpu.memref_slice %arg2[%dma_wait3A_878, %dma_wait3A_879] : memref<30000x128xf32, #tpu.memory_space<hbm>> -> memref<30000x128xf32, #tpu.memory_space<hbm>>
      tpu.wait_indirect_dma semaphore(%arg22 : memref<!tpu.dma_semaphore, #tpu.memory_space<semaphore_mem>>) src(%dma_wait3A_880 : memref<30000x128xf32, #tpu.memory_space<hbm>>) dst(%arg12 : memref<128x128xf32, #tpu.memory_space<vmem>>)
      %dma_start3A_881 = arith.constant 1 : i32
      %dma_start3A_882 = arith.constant 0 : i32
      %dma_start3A_883 = tpu.memref_slice %arg9[%dma_start3A_881, %dma_start3A_882] : memref<2x128xi32, #tpu.memory_space<vmem>> -> memref<1x128xi32, #tpu.memory_space<vmem>>
      %dma_start3A_884 = tpu.memref_squeeze %dma_start3A_883 : memref<1x128xi32, #tpu.memory_space<vmem>> -> memref<128xi32, #tpu.memory_space<vmem>>
      %dma_start3A_885 = arith.constant 0 : i32
      %dma_start3A_886 = arith.constant 0 : i32
      %dma_start3A_887 = tpu.memref_slice %arg15[%dma_start3A_885, %dma_start3A_886] : memref<10032x128xf32, #tpu.memory_space<vmem_shared>> -> memref<10032x128xf32, #tpu.memory_space<vmem_shared>>
      tpu.enqueue_indirect_dma source(%arg12 : memref<128x128xf32, #tpu.memory_space<vmem>>) target(%dma_start3A_887 : memref<10032x128xf32, #tpu.memory_space<vmem_shared>>) offsets(%dma_start3A_884 : memref<128xi32, #tpu.memory_space<vmem>>) semaphore(%arg25 : memref<!tpu.dma_semaphore, #tpu.memory_space<semaphore_mem>>) {add = true}
      %add3A_888 = arith.constant 5 : i32
      %add3A_889 = arith.addi %add3A_848, %add3A_888 : i32
      %add3A_890 = arith.addi %mul3A_2, %add3A_889 : i32
      %dma_start3A_891 = arith.constant 0 : i32
      %dma_start3A_892 = arith.constant 0 : i32
      %dma_start3A_893 = tpu.memref_slice %arg3[%add3A_890, %dma_start3A_891, %dma_start3A_892] : memref<2560x2x128xi32, #tpu.memory_space<hbm>> -> memref<1x2x128xi32, #tpu.memory_space<hbm>>
      %dma_start3A_894 = tpu.memref_squeeze %dma_start3A_893 : memref<1x2x128xi32, #tpu.memory_space<hbm>> -> memref<2x128xi32, #tpu.memory_space<hbm>>
      %dma_start3A_895 = arith.constant 0 : i32
      %dma_start3A_896 = arith.constant 0 : i32
      %dma_start3A_897 = tpu.memref_slice %arg3[%add3A_890, %dma_start3A_895, %dma_start3A_896] : memref<2560x2x128xi32, #tpu.memory_space<hbm>> -> memref<1x2x128xi32, #tpu.memory_space<hbm>>
      %dma_start3A_898 = tpu.memref_squeeze %dma_start3A_897 : memref<1x2x128xi32, #tpu.memory_space<hbm>> -> memref<2x128xi32, #tpu.memory_space<hbm>>
      tpu.enqueue_dma source(%dma_start3A_898 : memref<2x128xi32, #tpu.memory_space<hbm>>) target(%arg8 : memref<2x128xi32, #tpu.memory_space<vmem>>) target_semaphore(%arg18 : memref<!tpu.dma_semaphore, #tpu.memory_space<semaphore_mem>>)
      %mul3A_899 = arith.constant 6 : i32
      %mul3A_900 = arith.muli %scan3A_682, %mul3A_899 : i32
      %add3A_901 = arith.constant 4 : i32
      %add3A_902 = arith.addi %mul3A_900, %add3A_901 : i32
      %dma_wait3A_903 = arith.constant 1 : i32
      %dma_wait3A_904 = arith.constant 0 : i32
      %dma_wait3A_905 = tpu.memref_slice %arg9[%dma_wait3A_903, %dma_wait3A_904] : memref<2x128xi32, #tpu.memory_space<vmem>> -> memref<1x128xi32, #tpu.memory_space<vmem>>
      %dma_wait3A_906 = tpu.memref_squeeze %dma_wait3A_905 : memref<1x128xi32, #tpu.memory_space<vmem>> -> memref<128xi32, #tpu.memory_space<vmem>>
      %dma_wait3A_907 = arith.constant 0 : i32
      %dma_wait3A_908 = arith.constant 0 : i32
      %dma_wait3A_909 = tpu.memref_slice %arg15[%dma_wait3A_907, %dma_wait3A_908] : memref<10032x128xf32, #tpu.memory_space<vmem_shared>> -> memref<10032x128xf32, #tpu.memory_space<vmem_shared>>
      tpu.wait_indirect_dma semaphore(%arg25 : memref<!tpu.dma_semaphore, #tpu.memory_space<semaphore_mem>>) src(%arg12 : memref<128x128xf32, #tpu.memory_space<vmem>>) dst(%dma_wait3A_909 : memref<10032x128xf32, #tpu.memory_space<vmem_shared>>)
      %add3A_910 = arith.constant 2 : i32
      %add3A_911 = arith.addi %add3A_902, %add3A_910 : i32
      %add3A_912 = arith.addi %mul3A_2, %add3A_911 : i32
      %dma_wait3A_913 = arith.constant 0 : i32
      %dma_wait3A_914 = arith.constant 0 : i32
      %dma_wait3A_915 = tpu.memref_slice %arg3[%add3A_912, %dma_wait3A_913, %dma_wait3A_914] : memref<2560x2x128xi32, #tpu.memory_space<hbm>> -> memref<1x2x128xi32, #tpu.memory_space<hbm>>
      %dma_wait3A_916 = tpu.memref_squeeze %dma_wait3A_915 : memref<1x2x128xi32, #tpu.memory_space<hbm>> -> memref<2x128xi32, #tpu.memory_space<hbm>>
      %dma_wait3A_917 = arith.constant 0 : i32
      %dma_wait3A_918 = arith.constant 0 : i32
      %dma_wait3A_919 = tpu.memref_slice %arg3[%add3A_912, %dma_wait3A_917, %dma_wait3A_918] : memref<2560x2x128xi32, #tpu.memory_space<hbm>> -> memref<1x2x128xi32, #tpu.memory_space<hbm>>
      %dma_wait3A_920 = tpu.memref_squeeze %dma_wait3A_919 : memref<1x2x128xi32, #tpu.memory_space<hbm>> -> memref<2x128xi32, #tpu.memory_space<hbm>>
      tpu.wait_dma2 semaphore(%arg16 : memref<!tpu.dma_semaphore, #tpu.memory_space<semaphore_mem>>) src(%dma_wait3A_920 : memref<2x128xi32, #tpu.memory_space<hbm>>) dst(%arg6 : memref<2x128xi32, #tpu.memory_space<vmem>>)
      %dma_start3A_921 = arith.constant 0 : i32
      %dma_start3A_922 = arith.constant 0 : i32
      %dma_start3A_923 = tpu.memref_slice %arg6[%dma_start3A_921, %dma_start3A_922] : memref<2x128xi32, #tpu.memory_space<vmem>> -> memref<1x128xi32, #tpu.memory_space<vmem>>
      %dma_start3A_924 = tpu.memref_squeeze %dma_start3A_923 : memref<1x128xi32, #tpu.memory_space<vmem>> -> memref<128xi32, #tpu.memory_space<vmem>>
      %dma_start3A_925 = arith.constant 0 : i32
      %dma_start3A_926 = arith.constant 0 : i32
      %dma_start3A_927 = tpu.memref_slice %arg2[%dma_start3A_925, %dma_start3A_926] : memref<30000x128xf32, #tpu.memory_space<hbm>> -> memref<30000x128xf32, #tpu.memory_space<hbm>>
      tpu.enqueue_indirect_dma source(%dma_start3A_927 : memref<30000x128xf32, #tpu.memory_space<hbm>>) target(%arg12 : memref<128x128xf32, #tpu.memory_space<vmem>>) offsets(%dma_start3A_924 : memref<128xi32, #tpu.memory_space<vmem>>) semaphore(%arg22 : memref<!tpu.dma_semaphore, #tpu.memory_space<semaphore_mem>>)
      %dma_wait3A_928 = arith.constant 0 : i32
      %dma_wait3A_929 = arith.constant 0 : i32
      %dma_wait3A_930 = tpu.memref_slice %arg10[%dma_wait3A_928, %dma_wait3A_929] : memref<2x128xi32, #tpu.memory_space<vmem>> -> memref<1x128xi32, #tpu.memory_space<vmem>>
      %dma_wait3A_931 = tpu.memref_squeeze %dma_wait3A_930 : memref<1x128xi32, #tpu.memory_space<vmem>> -> memref<128xi32, #tpu.memory_space<vmem>>
      %dma_wait3A_932 = arith.constant 0 : i32
      %dma_wait3A_933 = arith.constant 0 : i32
      %dma_wait3A_934 = tpu.memref_slice %arg2[%dma_wait3A_932, %dma_wait3A_933] : memref<30000x128xf32, #tpu.memory_space<hbm>> -> memref<30000x128xf32, #tpu.memory_space<hbm>>
      tpu.wait_indirect_dma semaphore(%arg23 : memref<!tpu.dma_semaphore, #tpu.memory_space<semaphore_mem>>) src(%dma_wait3A_934 : memref<30000x128xf32, #tpu.memory_space<hbm>>) dst(%arg13 : memref<128x128xf32, #tpu.memory_space<vmem>>)
      %dma_start3A_935 = arith.constant 1 : i32
      %dma_start3A_936 = arith.constant 0 : i32
      %dma_start3A_937 = tpu.memref_slice %arg10[%dma_start3A_935, %dma_start3A_936] : memref<2x128xi32, #tpu.memory_space<vmem>> -> memref<1x128xi32, #tpu.memory_space<vmem>>
      %dma_start3A_938 = tpu.memref_squeeze %dma_start3A_937 : memref<1x128xi32, #tpu.memory_space<vmem>> -> memref<128xi32, #tpu.memory_space<vmem>>
      %dma_start3A_939 = arith.constant 0 : i32
      %dma_start3A_940 = arith.constant 0 : i32
      %dma_start3A_941 = tpu.memref_slice %arg15[%dma_start3A_939, %dma_start3A_940] : memref<10032x128xf32, #tpu.memory_space<vmem_shared>> -> memref<10032x128xf32, #tpu.memory_space<vmem_shared>>
      tpu.enqueue_indirect_dma source(%arg13 : memref<128x128xf32, #tpu.memory_space<vmem>>) target(%dma_start3A_941 : memref<10032x128xf32, #tpu.memory_space<vmem_shared>>) offsets(%dma_start3A_938 : memref<128xi32, #tpu.memory_space<vmem>>) semaphore(%arg26 : memref<!tpu.dma_semaphore, #tpu.memory_space<semaphore_mem>>) {add = true}
      %add3A_942 = arith.constant 5 : i32
      %add3A_943 = arith.addi %add3A_902, %add3A_942 : i32
      %add3A_944 = arith.addi %mul3A_2, %add3A_943 : i32
      %dma_start3A_945 = arith.constant 0 : i32
      %dma_start3A_946 = arith.constant 0 : i32
      %dma_start3A_947 = tpu.memref_slice %arg3[%add3A_944, %dma_start3A_945, %dma_start3A_946] : memref<2560x2x128xi32, #tpu.memory_space<hbm>> -> memref<1x2x128xi32, #tpu.memory_space<hbm>>
      %dma_start3A_948 = tpu.memref_squeeze %dma_start3A_947 : memref<1x2x128xi32, #tpu.memory_space<hbm>> -> memref<2x128xi32, #tpu.memory_space<hbm>>
      %dma_start3A_949 = arith.constant 0 : i32
      %dma_start3A_950 = arith.constant 0 : i32
      %dma_start3A_951 = tpu.memref_slice %arg3[%add3A_944, %dma_start3A_949, %dma_start3A_950] : memref<2560x2x128xi32, #tpu.memory_space<hbm>> -> memref<1x2x128xi32, #tpu.memory_space<hbm>>
      %dma_start3A_952 = tpu.memref_squeeze %dma_start3A_951 : memref<1x2x128xi32, #tpu.memory_space<hbm>> -> memref<2x128xi32, #tpu.memory_space<hbm>>
      tpu.enqueue_dma source(%dma_start3A_952 : memref<2x128xi32, #tpu.memory_space<hbm>>) target(%arg9 : memref<2x128xi32, #tpu.memory_space<vmem>>) target_semaphore(%arg19 : memref<!tpu.dma_semaphore, #tpu.memory_space<semaphore_mem>>)
      %mul3A_953 = arith.constant 6 : i32
      %mul3A_954 = arith.muli %scan3A_682, %mul3A_953 : i32
      %add3A_955 = arith.constant 5 : i32
      %add3A_956 = arith.addi %mul3A_954, %add3A_955 : i32
      %dma_wait3A_957 = arith.constant 1 : i32
      %dma_wait3A_958 = arith.constant 0 : i32
      %dma_wait3A_959 = tpu.memref_slice %arg10[%dma_wait3A_957, %dma_wait3A_958] : memref<2x128xi32, #tpu.memory_space<vmem>> -> memref<1x128xi32, #tpu.memory_space<vmem>>
      %dma_wait3A_960 = tpu.memref_squeeze %dma_wait3A_959 : memref<1x128xi32, #tpu.memory_space<vmem>> -> memref<128xi32, #tpu.memory_space<vmem>>
      %dma_wait3A_961 = arith.constant 0 : i32
      %dma_wait3A_962 = arith.constant 0 : i32
      %dma_wait3A_963 = tpu.memref_slice %arg15[%dma_wait3A_961, %dma_wait3A_962] : memref<10032x128xf32, #tpu.memory_space<vmem_shared>> -> memref<10032x128xf32, #tpu.memory_space<vmem_shared>>
      tpu.wait_indirect_dma semaphore(%arg26 : memref<!tpu.dma_semaphore, #tpu.memory_space<semaphore_mem>>) src(%arg13 : memref<128x128xf32, #tpu.memory_space<vmem>>) dst(%dma_wait3A_963 : memref<10032x128xf32, #tpu.memory_space<vmem_shared>>)
      %add3A_964 = arith.constant 2 : i32
      %add3A_965 = arith.addi %add3A_956, %add3A_964 : i32
      %add3A_966 = arith.addi %mul3A_2, %add3A_965 : i32
      %dma_wait3A_967 = arith.constant 0 : i32
      %dma_wait3A_968 = arith.constant 0 : i32
      %dma_wait3A_969 = tpu.memref_slice %arg3[%add3A_966, %dma_wait3A_967, %dma_wait3A_968] : memref<2560x2x128xi32, #tpu.memory_space<hbm>> -> memref<1x2x128xi32, #tpu.memory_space<hbm>>
      %dma_wait3A_970 = tpu.memref_squeeze %dma_wait3A_969 : memref<1x2x128xi32, #tpu.memory_space<hbm>> -> memref<2x128xi32, #tpu.memory_space<hbm>>
      %dma_wait3A_971 = arith.constant 0 : i32
      %dma_wait3A_972 = arith.constant 0 : i32
      %dma_wait3A_973 = tpu.memref_slice %arg3[%add3A_966, %dma_wait3A_971, %dma_wait3A_972] : memref<2560x2x128xi32, #tpu.memory_space<hbm>> -> memref<1x2x128xi32, #tpu.memory_space<hbm>>
      %dma_wait3A_974 = tpu.memref_squeeze %dma_wait3A_973 : memref<1x2x128xi32, #tpu.memory_space<hbm>> -> memref<2x128xi32, #tpu.memory_space<hbm>>
      tpu.wait_dma2 semaphore(%arg17 : memref<!tpu.dma_semaphore, #tpu.memory_space<semaphore_mem>>) src(%dma_wait3A_974 : memref<2x128xi32, #tpu.memory_space<hbm>>) dst(%arg7 : memref<2x128xi32, #tpu.memory_space<vmem>>)
      %dma_start3A_975 = arith.constant 0 : i32
      %dma_start3A_976 = arith.constant 0 : i32
      %dma_start3A_977 = tpu.memref_slice %arg7[%dma_start3A_975, %dma_start3A_976] : memref<2x128xi32, #tpu.memory_space<vmem>> -> memref<1x128xi32, #tpu.memory_space<vmem>>
      %dma_start3A_978 = tpu.memref_squeeze %dma_start3A_977 : memref<1x128xi32, #tpu.memory_space<vmem>> -> memref<128xi32, #tpu.memory_space<vmem>>
      %dma_start3A_979 = arith.constant 0 : i32
      %dma_start3A_980 = arith.constant 0 : i32
      %dma_start3A_981 = tpu.memref_slice %arg2[%dma_start3A_979, %dma_start3A_980] : memref<30000x128xf32, #tpu.memory_space<hbm>> -> memref<30000x128xf32, #tpu.memory_space<hbm>>
      tpu.enqueue_indirect_dma source(%dma_start3A_981 : memref<30000x128xf32, #tpu.memory_space<hbm>>) target(%arg13 : memref<128x128xf32, #tpu.memory_space<vmem>>) offsets(%dma_start3A_978 : memref<128xi32, #tpu.memory_space<vmem>>) semaphore(%arg23 : memref<!tpu.dma_semaphore, #tpu.memory_space<semaphore_mem>>)
      %dma_wait3A_982 = arith.constant 0 : i32
      %dma_wait3A_983 = arith.constant 0 : i32
      %dma_wait3A_984 = tpu.memref_slice %arg11[%dma_wait3A_982, %dma_wait3A_983] : memref<2x128xi32, #tpu.memory_space<vmem>> -> memref<1x128xi32, #tpu.memory_space<vmem>>
      %dma_wait3A_985 = tpu.memref_squeeze %dma_wait3A_984 : memref<1x128xi32, #tpu.memory_space<vmem>> -> memref<128xi32, #tpu.memory_space<vmem>>
      %dma_wait3A_986 = arith.constant 0 : i32
      %dma_wait3A_987 = arith.constant 0 : i32
      %dma_wait3A_988 = tpu.memref_slice %arg2[%dma_wait3A_986, %dma_wait3A_987] : memref<30000x128xf32, #tpu.memory_space<hbm>> -> memref<30000x128xf32, #tpu.memory_space<hbm>>
      tpu.wait_indirect_dma semaphore(%arg24 : memref<!tpu.dma_semaphore, #tpu.memory_space<semaphore_mem>>) src(%dma_wait3A_988 : memref<30000x128xf32, #tpu.memory_space<hbm>>) dst(%arg14 : memref<128x128xf32, #tpu.memory_space<vmem>>)
      %dma_start3A_989 = arith.constant 1 : i32
      %dma_start3A_990 = arith.constant 0 : i32
      %dma_start3A_991 = tpu.memref_slice %arg11[%dma_start3A_989, %dma_start3A_990] : memref<2x128xi32, #tpu.memory_space<vmem>> -> memref<1x128xi32, #tpu.memory_space<vmem>>
      %dma_start3A_992 = tpu.memref_squeeze %dma_start3A_991 : memref<1x128xi32, #tpu.memory_space<vmem>> -> memref<128xi32, #tpu.memory_space<vmem>>
      %dma_start3A_993 = arith.constant 0 : i32
      %dma_start3A_994 = arith.constant 0 : i32
      %dma_start3A_995 = tpu.memref_slice %arg15[%dma_start3A_993, %dma_start3A_994] : memref<10032x128xf32, #tpu.memory_space<vmem_shared>> -> memref<10032x128xf32, #tpu.memory_space<vmem_shared>>
      tpu.enqueue_indirect_dma source(%arg14 : memref<128x128xf32, #tpu.memory_space<vmem>>) target(%dma_start3A_995 : memref<10032x128xf32, #tpu.memory_space<vmem_shared>>) offsets(%dma_start3A_992 : memref<128xi32, #tpu.memory_space<vmem>>) semaphore(%arg27 : memref<!tpu.dma_semaphore, #tpu.memory_space<semaphore_mem>>) {add = true}
      %add3A_996 = arith.constant 5 : i32
      %add3A_997 = arith.addi %add3A_956, %add3A_996 : i32
      %add3A_998 = arith.addi %mul3A_2, %add3A_997 : i32
      %dma_start3A_999 = arith.constant 0 : i32
      %dma_start3A_1000 = arith.constant 0 : i32
      %dma_start3A_1001 = tpu.memref_slice %arg3[%add3A_998, %dma_start3A_999, %dma_start3A_1000] : memref<2560x2x128xi32, #tpu.memory_space<hbm>> -> memref<1x2x128xi32, #tpu.memory_space<hbm>>
      %dma_start3A_1002 = tpu.memref_squeeze %dma_start3A_1001 : memref<1x2x128xi32, #tpu.memory_space<hbm>> -> memref<2x128xi32, #tpu.memory_space<hbm>>
      %dma_start3A_1003 = arith.constant 0 : i32
      %dma_start3A_1004 = arith.constant 0 : i32
      %dma_start3A_1005 = tpu.memref_slice %arg3[%add3A_998, %dma_start3A_1003, %dma_start3A_1004] : memref<2560x2x128xi32, #tpu.memory_space<hbm>> -> memref<1x2x128xi32, #tpu.memory_space<hbm>>
      %dma_start3A_1006 = tpu.memref_squeeze %dma_start3A_1005 : memref<1x2x128xi32, #tpu.memory_space<hbm>> -> memref<2x128xi32, #tpu.memory_space<hbm>>
      tpu.enqueue_dma source(%dma_start3A_1006 : memref<2x128xi32, #tpu.memory_space<hbm>>) target(%arg10 : memref<2x128xi32, #tpu.memory_space<vmem>>) target_semaphore(%arg20 : memref<!tpu.dma_semaphore, #tpu.memory_space<semaphore_mem>>)
    }
    %scan3A_373 = arith.constant 11 : i32
    %dma_wait3A_374 = arith.constant 1 : i32
    %dma_wait3A_375 = arith.constant 0 : i32
    %dma_wait3A_376 = tpu.memref_slice %arg11[%dma_wait3A_374, %dma_wait3A_375] : memref<2x128xi32, #tpu.memory_space<vmem>> -> memref<1x128xi32, #tpu.memory_space<vmem>>
    %dma_wait3A_377 = tpu.memref_squeeze %dma_wait3A_376 : memref<1x128xi32, #tpu.memory_space<vmem>> -> memref<128xi32, #tpu.memory_space<vmem>>
    %dma_wait3A_378 = arith.constant 0 : i32
    %dma_wait3A_379 = arith.constant 0 : i32
    %dma_wait3A_380 = tpu.memref_slice %arg15[%dma_wait3A_378, %dma_wait3A_379] : memref<10032x128xf32, #tpu.memory_space<vmem_shared>> -> memref<10032x128xf32, #tpu.memory_space<vmem_shared>>
    tpu.wait_indirect_dma semaphore(%arg27 : memref<!tpu.dma_semaphore, #tpu.memory_space<semaphore_mem>>) src(%arg14 : memref<128x128xf32, #tpu.memory_space<vmem>>) dst(%dma_wait3A_380 : memref<10032x128xf32, #tpu.memory_space<vmem_shared>>)
    %add3A_381 = arith.constant 74 : i32
    %add3A_382 = arith.addi %mul3A_2, %add3A_381 : i32
    %dma_wait3A_383 = arith.constant 0 : i32
    %dma_wait3A_384 = arith.constant 0 : i32
    %dma_wait3A_385 = tpu.memref_slice %arg3[%add3A_382, %dma_wait3A_383, %dma_wait3A_384] : memref<2560x2x128xi32, #tpu.memory_space<hbm>> -> memref<1x2x128xi32, #tpu.memory_space<hbm>>
    %dma_wait3A_386 = tpu.memref_squeeze %dma_wait3A_385 : memref<1x2x128xi32, #tpu.memory_space<hbm>> -> memref<2x128xi32, #tpu.memory_space<hbm>>
    %dma_wait3A_387 = arith.constant 0 : i32
    %dma_wait3A_388 = arith.constant 0 : i32
    %dma_wait3A_389 = tpu.memref_slice %arg3[%add3A_382, %dma_wait3A_387, %dma_wait3A_388] : memref<2560x2x128xi32, #tpu.memory_space<hbm>> -> memref<1x2x128xi32, #tpu.memory_space<hbm>>
    %dma_wait3A_390 = tpu.memref_squeeze %dma_wait3A_389 : memref<1x2x128xi32, #tpu.memory_space<hbm>> -> memref<2x128xi32, #tpu.memory_space<hbm>>
    tpu.wait_dma2 semaphore(%arg18 : memref<!tpu.dma_semaphore, #tpu.memory_space<semaphore_mem>>) src(%dma_wait3A_390 : memref<2x128xi32, #tpu.memory_space<hbm>>) dst(%arg8 : memref<2x128xi32, #tpu.memory_space<vmem>>)
    %dma_start3A_391 = arith.constant 0 : i32
    %dma_start3A_392 = arith.constant 0 : i32
    %dma_start3A_393 = tpu.memref_slice %arg8[%dma_start3A_391, %dma_start3A_392] : memref<2x128xi32, #tpu.memory_space<vmem>> -> memref<1x128xi32, #tpu.memory_space<vmem>>
    %dma_start3A_394 = tpu.memref_squeeze %dma_start3A_393 : memref<1x128xi32, #tpu.memory_space<vmem>> -> memref<128xi32, #tpu.memory_space<vmem>>
    %dma_start3A_395 = arith.constant 0 : i32
    %dma_start3A_396 = arith.constant 0 : i32
    %dma_start3A_397 = tpu.memref_slice %arg2[%dma_start3A_395, %dma_start3A_396] : memref<30000x128xf32, #tpu.memory_space<hbm>> -> memref<30000x128xf32, #tpu.memory_space<hbm>>
    tpu.enqueue_indirect_dma source(%dma_start3A_397 : memref<30000x128xf32, #tpu.memory_space<hbm>>) target(%arg14 : memref<128x128xf32, #tpu.memory_space<vmem>>) offsets(%dma_start3A_394 : memref<128xi32, #tpu.memory_space<vmem>>) semaphore(%arg24 : memref<!tpu.dma_semaphore, #tpu.memory_space<semaphore_mem>>)
    %dma_wait3A_398 = arith.constant 0 : i32
    %dma_wait3A_399 = arith.constant 0 : i32
    %dma_wait3A_400 = tpu.memref_slice %arg6[%dma_wait3A_398, %dma_wait3A_399] : memref<2x128xi32, #tpu.memory_space<vmem>> -> memref<1x128xi32, #tpu.memory_space<vmem>>
    %dma_wait3A_401 = tpu.memref_squeeze %dma_wait3A_400 : memref<1x128xi32, #tpu.memory_space<vmem>> -> memref<128xi32, #tpu.memory_space<vmem>>
    %dma_wait3A_402 = arith.constant 0 : i32
    %dma_wait3A_403 = arith.constant 0 : i32
    %dma_wait3A_404 = tpu.memref_slice %arg2[%dma_wait3A_402, %dma_wait3A_403] : memref<30000x128xf32, #tpu.memory_space<hbm>> -> memref<30000x128xf32, #tpu.memory_space<hbm>>
    tpu.wait_indirect_dma semaphore(%arg22 : memref<!tpu.dma_semaphore, #tpu.memory_space<semaphore_mem>>) src(%dma_wait3A_404 : memref<30000x128xf32, #tpu.memory_space<hbm>>) dst(%arg12 : memref<128x128xf32, #tpu.memory_space<vmem>>)
    %dma_start3A_405 = arith.constant 1 : i32
    %dma_start3A_406 = arith.constant 0 : i32
    %dma_start3A_407 = tpu.memref_slice %arg6[%dma_start3A_405, %dma_start3A_406] : memref<2x128xi32, #tpu.memory_space<vmem>> -> memref<1x128xi32, #tpu.memory_space<vmem>>
    %dma_start3A_408 = tpu.memref_squeeze %dma_start3A_407 : memref<1x128xi32, #tpu.memory_space<vmem>> -> memref<128xi32, #tpu.memory_space<vmem>>
    %dma_start3A_409 = arith.constant 0 : i32
    %dma_start3A_410 = arith.constant 0 : i32
    %dma_start3A_411 = tpu.memref_slice %arg15[%dma_start3A_409, %dma_start3A_410] : memref<10032x128xf32, #tpu.memory_space<vmem_shared>> -> memref<10032x128xf32, #tpu.memory_space<vmem_shared>>
    tpu.enqueue_indirect_dma source(%arg12 : memref<128x128xf32, #tpu.memory_space<vmem>>) target(%dma_start3A_411 : memref<10032x128xf32, #tpu.memory_space<vmem_shared>>) offsets(%dma_start3A_408 : memref<128xi32, #tpu.memory_space<vmem>>) semaphore(%arg25 : memref<!tpu.dma_semaphore, #tpu.memory_space<semaphore_mem>>) {add = true}
    %add3A_412 = arith.constant 77 : i32
    %add3A_413 = arith.addi %mul3A_2, %add3A_412 : i32
    %dma_start3A_414 = arith.constant 0 : i32
    %dma_start3A_415 = arith.constant 0 : i32
    %dma_start3A_416 = tpu.memref_slice %arg3[%add3A_413, %dma_start3A_414, %dma_start3A_415] : memref<2560x2x128xi32, #tpu.memory_space<hbm>> -> memref<1x2x128xi32, #tpu.memory_space<hbm>>
    %dma_start3A_417 = tpu.memref_squeeze %dma_start3A_416 : memref<1x2x128xi32, #tpu.memory_space<hbm>> -> memref<2x128xi32, #tpu.memory_space<hbm>>
    %dma_start3A_418 = arith.constant 0 : i32
    %dma_start3A_419 = arith.constant 0 : i32
    %dma_start3A_420 = tpu.memref_slice %arg3[%add3A_413, %dma_start3A_418, %dma_start3A_419] : memref<2560x2x128xi32, #tpu.memory_space<hbm>> -> memref<1x2x128xi32, #tpu.memory_space<hbm>>
    %dma_start3A_421 = tpu.memref_squeeze %dma_start3A_420 : memref<1x2x128xi32, #tpu.memory_space<hbm>> -> memref<2x128xi32, #tpu.memory_space<hbm>>
    tpu.enqueue_dma source(%dma_start3A_421 : memref<2x128xi32, #tpu.memory_space<hbm>>) target(%arg11 : memref<2x128xi32, #tpu.memory_space<vmem>>) target_semaphore(%arg21 : memref<!tpu.dma_semaphore, #tpu.memory_space<semaphore_mem>>)
    %dma_wait3A_422 = arith.constant 1 : i32
    %dma_wait3A_423 = arith.constant 0 : i32
    %dma_wait3A_424 = tpu.memref_slice %arg6[%dma_wait3A_422, %dma_wait3A_423] : memref<2x128xi32, #tpu.memory_space<vmem>> -> memref<1x128xi32, #tpu.memory_space<vmem>>
    %dma_wait3A_425 = tpu.memref_squeeze %dma_wait3A_424 : memref<1x128xi32, #tpu.memory_space<vmem>> -> memref<128xi32, #tpu.memory_space<vmem>>
    %dma_wait3A_426 = arith.constant 0 : i32
    %dma_wait3A_427 = arith.constant 0 : i32
    %dma_wait3A_428 = tpu.memref_slice %arg15[%dma_wait3A_426, %dma_wait3A_427] : memref<10032x128xf32, #tpu.memory_space<vmem_shared>> -> memref<10032x128xf32, #tpu.memory_space<vmem_shared>>
    tpu.wait_indirect_dma semaphore(%arg25 : memref<!tpu.dma_semaphore, #tpu.memory_space<semaphore_mem>>) src(%arg12 : memref<128x128xf32, #tpu.memory_space<vmem>>) dst(%dma_wait3A_428 : memref<10032x128xf32, #tpu.memory_space<vmem_shared>>)
    %add3A_429 = arith.constant 75 : i32
    %add3A_430 = arith.addi %mul3A_2, %add3A_429 : i32
    %dma_wait3A_431 = arith.constant 0 : i32
    %dma_wait3A_432 = arith.constant 0 : i32
    %dma_wait3A_433 = tpu.memref_slice %arg3[%add3A_430, %dma_wait3A_431, %dma_wait3A_432] : memref<2560x2x128xi32, #tpu.memory_space<hbm>> -> memref<1x2x128xi32, #tpu.memory_space<hbm>>
    %dma_wait3A_434 = tpu.memref_squeeze %dma_wait3A_433 : memref<1x2x128xi32, #tpu.memory_space<hbm>> -> memref<2x128xi32, #tpu.memory_space<hbm>>
    %dma_wait3A_435 = arith.constant 0 : i32
    %dma_wait3A_436 = arith.constant 0 : i32
    %dma_wait3A_437 = tpu.memref_slice %arg3[%add3A_430, %dma_wait3A_435, %dma_wait3A_436] : memref<2560x2x128xi32, #tpu.memory_space<hbm>> -> memref<1x2x128xi32, #tpu.memory_space<hbm>>
    %dma_wait3A_438 = tpu.memref_squeeze %dma_wait3A_437 : memref<1x2x128xi32, #tpu.memory_space<hbm>> -> memref<2x128xi32, #tpu.memory_space<hbm>>
    tpu.wait_dma2 semaphore(%arg19 : memref<!tpu.dma_semaphore, #tpu.memory_space<semaphore_mem>>) src(%dma_wait3A_438 : memref<2x128xi32, #tpu.memory_space<hbm>>) dst(%arg9 : memref<2x128xi32, #tpu.memory_space<vmem>>)
    %dma_start3A_439 = arith.constant 0 : i32
    %dma_start3A_440 = arith.constant 0 : i32
    %dma_start3A_441 = tpu.memref_slice %arg9[%dma_start3A_439, %dma_start3A_440] : memref<2x128xi32, #tpu.memory_space<vmem>> -> memref<1x128xi32, #tpu.memory_space<vmem>>
    %dma_start3A_442 = tpu.memref_squeeze %dma_start3A_441 : memref<1x128xi32, #tpu.memory_space<vmem>> -> memref<128xi32, #tpu.memory_space<vmem>>
    %dma_start3A_443 = arith.constant 0 : i32
    %dma_start3A_444 = arith.constant 0 : i32
    %dma_start3A_445 = tpu.memref_slice %arg2[%dma_start3A_443, %dma_start3A_444] : memref<30000x128xf32, #tpu.memory_space<hbm>> -> memref<30000x128xf32, #tpu.memory_space<hbm>>
    tpu.enqueue_indirect_dma source(%dma_start3A_445 : memref<30000x128xf32, #tpu.memory_space<hbm>>) target(%arg12 : memref<128x128xf32, #tpu.memory_space<vmem>>) offsets(%dma_start3A_442 : memref<128xi32, #tpu.memory_space<vmem>>) semaphore(%arg22 : memref<!tpu.dma_semaphore, #tpu.memory_space<semaphore_mem>>)
    %dma_wait3A_446 = arith.constant 0 : i32
    %dma_wait3A_447 = arith.constant 0 : i32
    %dma_wait3A_448 = tpu.memref_slice %arg7[%dma_wait3A_446, %dma_wait3A_447] : memref<2x128xi32, #tpu.memory_space<vmem>> -> memref<1x128xi32, #tpu.memory_space<vmem>>
    %dma_wait3A_449 = tpu.memref_squeeze %dma_wait3A_448 : memref<1x128xi32, #tpu.memory_space<vmem>> -> memref<128xi32, #tpu.memory_space<vmem>>
    %dma_wait3A_450 = arith.constant 0 : i32
    %dma_wait3A_451 = arith.constant 0 : i32
    %dma_wait3A_452 = tpu.memref_slice %arg2[%dma_wait3A_450, %dma_wait3A_451] : memref<30000x128xf32, #tpu.memory_space<hbm>> -> memref<30000x128xf32, #tpu.memory_space<hbm>>
    tpu.wait_indirect_dma semaphore(%arg23 : memref<!tpu.dma_semaphore, #tpu.memory_space<semaphore_mem>>) src(%dma_wait3A_452 : memref<30000x128xf32, #tpu.memory_space<hbm>>) dst(%arg13 : memref<128x128xf32, #tpu.memory_space<vmem>>)
    %dma_start3A_453 = arith.constant 1 : i32
    %dma_start3A_454 = arith.constant 0 : i32
    %dma_start3A_455 = tpu.memref_slice %arg7[%dma_start3A_453, %dma_start3A_454] : memref<2x128xi32, #tpu.memory_space<vmem>> -> memref<1x128xi32, #tpu.memory_space<vmem>>
    %dma_start3A_456 = tpu.memref_squeeze %dma_start3A_455 : memref<1x128xi32, #tpu.memory_space<vmem>> -> memref<128xi32, #tpu.memory_space<vmem>>
    %dma_start3A_457 = arith.constant 0 : i32
    %dma_start3A_458 = arith.constant 0 : i32
    %dma_start3A_459 = tpu.memref_slice %arg15[%dma_start3A_457, %dma_start3A_458] : memref<10032x128xf32, #tpu.memory_space<vmem_shared>> -> memref<10032x128xf32, #tpu.memory_space<vmem_shared>>
    tpu.enqueue_indirect_dma source(%arg13 : memref<128x128xf32, #tpu.memory_space<vmem>>) target(%dma_start3A_459 : memref<10032x128xf32, #tpu.memory_space<vmem_shared>>) offsets(%dma_start3A_456 : memref<128xi32, #tpu.memory_space<vmem>>) semaphore(%arg26 : memref<!tpu.dma_semaphore, #tpu.memory_space<semaphore_mem>>) {add = true}
    %add3A_460 = arith.constant 78 : i32
    %add3A_461 = arith.addi %mul3A_2, %add3A_460 : i32
    %dma_start3A_462 = arith.constant 0 : i32
    %dma_start3A_463 = arith.constant 0 : i32
    %dma_start3A_464 = tpu.memref_slice %arg3[%add3A_461, %dma_start3A_462, %dma_start3A_463] : memref<2560x2x128xi32, #tpu.memory_space<hbm>> -> memref<1x2x128xi32, #tpu.memory_space<hbm>>
    %dma_start3A_465 = tpu.memref_squeeze %dma_start3A_464 : memref<1x2x128xi32, #tpu.memory_space<hbm>> -> memref<2x128xi32, #tpu.memory_space<hbm>>
    %dma_start3A_466 = arith.constant 0 : i32
    %dma_start3A_467 = arith.constant 0 : i32
    %dma_start3A_468 = tpu.memref_slice %arg3[%add3A_461, %dma_start3A_466, %dma_start3A_467] : memref<2560x2x128xi32, #tpu.memory_space<hbm>> -> memref<1x2x128xi32, #tpu.memory_space<hbm>>
    %dma_start3A_469 = tpu.memref_squeeze %dma_start3A_468 : memref<1x2x128xi32, #tpu.memory_space<hbm>> -> memref<2x128xi32, #tpu.memory_space<hbm>>
    tpu.enqueue_dma source(%dma_start3A_469 : memref<2x128xi32, #tpu.memory_space<hbm>>) target(%arg6 : memref<2x128xi32, #tpu.memory_space<vmem>>) target_semaphore(%arg16 : memref<!tpu.dma_semaphore, #tpu.memory_space<semaphore_mem>>)
    %dma_wait3A_470 = arith.constant 1 : i32
    %dma_wait3A_471 = arith.constant 0 : i32
    %dma_wait3A_472 = tpu.memref_slice %arg7[%dma_wait3A_470, %dma_wait3A_471] : memref<2x128xi32, #tpu.memory_space<vmem>> -> memref<1x128xi32, #tpu.memory_space<vmem>>
    %dma_wait3A_473 = tpu.memref_squeeze %dma_wait3A_472 : memref<1x128xi32, #tpu.memory_space<vmem>> -> memref<128xi32, #tpu.memory_space<vmem>>
    %dma_wait3A_474 = arith.constant 0 : i32
    %dma_wait3A_475 = arith.constant 0 : i32
    %dma_wait3A_476 = tpu.memref_slice %arg15[%dma_wait3A_474, %dma_wait3A_475] : memref<10032x128xf32, #tpu.memory_space<vmem_shared>> -> memref<10032x128xf32, #tpu.memory_space<vmem_shared>>
    tpu.wait_indirect_dma semaphore(%arg26 : memref<!tpu.dma_semaphore, #tpu.memory_space<semaphore_mem>>) src(%arg13 : memref<128x128xf32, #tpu.memory_space<vmem>>) dst(%dma_wait3A_476 : memref<10032x128xf32, #tpu.memory_space<vmem_shared>>)
    %add3A_477 = arith.constant 76 : i32
    %add3A_478 = arith.addi %mul3A_2, %add3A_477 : i32
    %dma_wait3A_479 = arith.constant 0 : i32
    %dma_wait3A_480 = arith.constant 0 : i32
    %dma_wait3A_481 = tpu.memref_slice %arg3[%add3A_478, %dma_wait3A_479, %dma_wait3A_480] : memref<2560x2x128xi32, #tpu.memory_space<hbm>> -> memref<1x2x128xi32, #tpu.memory_space<hbm>>
    %dma_wait3A_482 = tpu.memref_squeeze %dma_wait3A_481 : memref<1x2x128xi32, #tpu.memory_space<hbm>> -> memref<2x128xi32, #tpu.memory_space<hbm>>
    %dma_wait3A_483 = arith.constant 0 : i32
    %dma_wait3A_484 = arith.constant 0 : i32
    %dma_wait3A_485 = tpu.memref_slice %arg3[%add3A_478, %dma_wait3A_483, %dma_wait3A_484] : memref<2560x2x128xi32, #tpu.memory_space<hbm>> -> memref<1x2x128xi32, #tpu.memory_space<hbm>>
    %dma_wait3A_486 = tpu.memref_squeeze %dma_wait3A_485 : memref<1x2x128xi32, #tpu.memory_space<hbm>> -> memref<2x128xi32, #tpu.memory_space<hbm>>
    tpu.wait_dma2 semaphore(%arg20 : memref<!tpu.dma_semaphore, #tpu.memory_space<semaphore_mem>>) src(%dma_wait3A_486 : memref<2x128xi32, #tpu.memory_space<hbm>>) dst(%arg10 : memref<2x128xi32, #tpu.memory_space<vmem>>)
    %dma_start3A_487 = arith.constant 0 : i32
    %dma_start3A_488 = arith.constant 0 : i32
    %dma_start3A_489 = tpu.memref_slice %arg10[%dma_start3A_487, %dma_start3A_488] : memref<2x128xi32, #tpu.memory_space<vmem>> -> memref<1x128xi32, #tpu.memory_space<vmem>>
    %dma_start3A_490 = tpu.memref_squeeze %dma_start3A_489 : memref<1x128xi32, #tpu.memory_space<vmem>> -> memref<128xi32, #tpu.memory_space<vmem>>
    %dma_start3A_491 = arith.constant 0 : i32
    %dma_start3A_492 = arith.constant 0 : i32
    %dma_start3A_493 = tpu.memref_slice %arg2[%dma_start3A_491, %dma_start3A_492] : memref<30000x128xf32, #tpu.memory_space<hbm>> -> memref<30000x128xf32, #tpu.memory_space<hbm>>
    tpu.enqueue_indirect_dma source(%dma_start3A_493 : memref<30000x128xf32, #tpu.memory_space<hbm>>) target(%arg13 : memref<128x128xf32, #tpu.memory_space<vmem>>) offsets(%dma_start3A_490 : memref<128xi32, #tpu.memory_space<vmem>>) semaphore(%arg23 : memref<!tpu.dma_semaphore, #tpu.memory_space<semaphore_mem>>)
    %dma_wait3A_494 = arith.constant 0 : i32
    %dma_wait3A_495 = arith.constant 0 : i32
    %dma_wait3A_496 = tpu.memref_slice %arg8[%dma_wait3A_494, %dma_wait3A_495] : memref<2x128xi32, #tpu.memory_space<vmem>> -> memref<1x128xi32, #tpu.memory_space<vmem>>
    %dma_wait3A_497 = tpu.memref_squeeze %dma_wait3A_496 : memref<1x128xi32, #tpu.memory_space<vmem>> -> memref<128xi32, #tpu.memory_space<vmem>>
    %dma_wait3A_498 = arith.constant 0 : i32
    %dma_wait3A_499 = arith.constant 0 : i32
    %dma_wait3A_500 = tpu.memref_slice %arg2[%dma_wait3A_498, %dma_wait3A_499] : memref<30000x128xf32, #tpu.memory_space<hbm>> -> memref<30000x128xf32, #tpu.memory_space<hbm>>
    tpu.wait_indirect_dma semaphore(%arg24 : memref<!tpu.dma_semaphore, #tpu.memory_space<semaphore_mem>>) src(%dma_wait3A_500 : memref<30000x128xf32, #tpu.memory_space<hbm>>) dst(%arg14 : memref<128x128xf32, #tpu.memory_space<vmem>>)
    %dma_start3A_501 = arith.constant 1 : i32
    %dma_start3A_502 = arith.constant 0 : i32
    %dma_start3A_503 = tpu.memref_slice %arg8[%dma_start3A_501, %dma_start3A_502] : memref<2x128xi32, #tpu.memory_space<vmem>> -> memref<1x128xi32, #tpu.memory_space<vmem>>
    %dma_start3A_504 = tpu.memref_squeeze %dma_start3A_503 : memref<1x128xi32, #tpu.memory_space<vmem>> -> memref<128xi32, #tpu.memory_space<vmem>>
    %dma_start3A_505 = arith.constant 0 : i32
    %dma_start3A_506 = arith.constant 0 : i32
    %dma_start3A_507 = tpu.memref_slice %arg15[%dma_start3A_505, %dma_start3A_506] : memref<10032x128xf32, #tpu.memory_space<vmem_shared>> -> memref<10032x128xf32, #tpu.memory_space<vmem_shared>>
    tpu.enqueue_indirect_dma source(%arg14 : memref<128x128xf32, #tpu.memory_space<vmem>>) target(%dma_start3A_507 : memref<10032x128xf32, #tpu.memory_space<vmem_shared>>) offsets(%dma_start3A_504 : memref<128xi32, #tpu.memory_space<vmem>>) semaphore(%arg27 : memref<!tpu.dma_semaphore, #tpu.memory_space<semaphore_mem>>) {add = true}
    %add3A_508 = arith.constant 79 : i32
    %add3A_509 = arith.addi %mul3A_2, %add3A_508 : i32
    %dma_start3A_510 = arith.constant 0 : i32
    %dma_start3A_511 = arith.constant 0 : i32
    %dma_start3A_512 = tpu.memref_slice %arg3[%add3A_509, %dma_start3A_510, %dma_start3A_511] : memref<2560x2x128xi32, #tpu.memory_space<hbm>> -> memref<1x2x128xi32, #tpu.memory_space<hbm>>
    %dma_start3A_513 = tpu.memref_squeeze %dma_start3A_512 : memref<1x2x128xi32, #tpu.memory_space<hbm>> -> memref<2x128xi32, #tpu.memory_space<hbm>>
    %dma_start3A_514 = arith.constant 0 : i32
    %dma_start3A_515 = arith.constant 0 : i32
    %dma_start3A_516 = tpu.memref_slice %arg3[%add3A_509, %dma_start3A_514, %dma_start3A_515] : memref<2560x2x128xi32, #tpu.memory_space<hbm>> -> memref<1x2x128xi32, #tpu.memory_space<hbm>>
    %dma_start3A_517 = tpu.memref_squeeze %dma_start3A_516 : memref<1x2x128xi32, #tpu.memory_space<hbm>> -> memref<2x128xi32, #tpu.memory_space<hbm>>
    tpu.enqueue_dma source(%dma_start3A_517 : memref<2x128xi32, #tpu.memory_space<hbm>>) target(%arg7 : memref<2x128xi32, #tpu.memory_space<vmem>>) target_semaphore(%arg17 : memref<!tpu.dma_semaphore, #tpu.memory_space<semaphore_mem>>)
    %dma_wait3A_518 = arith.constant 1 : i32
    %dma_wait3A_519 = arith.constant 0 : i32
    %dma_wait3A_520 = tpu.memref_slice %arg8[%dma_wait3A_518, %dma_wait3A_519] : memref<2x128xi32, #tpu.memory_space<vmem>> -> memref<1x128xi32, #tpu.memory_space<vmem>>
    %dma_wait3A_521 = tpu.memref_squeeze %dma_wait3A_520 : memref<1x128xi32, #tpu.memory_space<vmem>> -> memref<128xi32, #tpu.memory_space<vmem>>
    %dma_wait3A_522 = arith.constant 0 : i32
    %dma_wait3A_523 = arith.constant 0 : i32
    %dma_wait3A_524 = tpu.memref_slice %arg15[%dma_wait3A_522, %dma_wait3A_523] : memref<10032x128xf32, #tpu.memory_space<vmem_shared>> -> memref<10032x128xf32, #tpu.memory_space<vmem_shared>>
    tpu.wait_indirect_dma semaphore(%arg27 : memref<!tpu.dma_semaphore, #tpu.memory_space<semaphore_mem>>) src(%arg14 : memref<128x128xf32, #tpu.memory_space<vmem>>) dst(%dma_wait3A_524 : memref<10032x128xf32, #tpu.memory_space<vmem_shared>>)
    %add3A_525 = arith.constant 77 : i32
    %add3A_526 = arith.addi %mul3A_2, %add3A_525 : i32
    %dma_wait3A_527 = arith.constant 0 : i32
    %dma_wait3A_528 = arith.constant 0 : i32
    %dma_wait3A_529 = tpu.memref_slice %arg3[%add3A_526, %dma_wait3A_527, %dma_wait3A_528] : memref<2560x2x128xi32, #tpu.memory_space<hbm>> -> memref<1x2x128xi32, #tpu.memory_space<hbm>>
    %dma_wait3A_530 = tpu.memref_squeeze %dma_wait3A_529 : memref<1x2x128xi32, #tpu.memory_space<hbm>> -> memref<2x128xi32, #tpu.memory_space<hbm>>
    %dma_wait3A_531 = arith.constant 0 : i32
    %dma_wait3A_532 = arith.constant 0 : i32
    %dma_wait3A_533 = tpu.memref_slice %arg3[%add3A_526, %dma_wait3A_531, %dma_wait3A_532] : memref<2560x2x128xi32, #tpu.memory_space<hbm>> -> memref<1x2x128xi32, #tpu.memory_space<hbm>>
    %dma_wait3A_534 = tpu.memref_squeeze %dma_wait3A_533 : memref<1x2x128xi32, #tpu.memory_space<hbm>> -> memref<2x128xi32, #tpu.memory_space<hbm>>
    tpu.wait_dma2 semaphore(%arg21 : memref<!tpu.dma_semaphore, #tpu.memory_space<semaphore_mem>>) src(%dma_wait3A_534 : memref<2x128xi32, #tpu.memory_space<hbm>>) dst(%arg11 : memref<2x128xi32, #tpu.memory_space<vmem>>)
    %dma_start3A_535 = arith.constant 0 : i32
    %dma_start3A_536 = arith.constant 0 : i32
    %dma_start3A_537 = tpu.memref_slice %arg11[%dma_start3A_535, %dma_start3A_536] : memref<2x128xi32, #tpu.memory_space<vmem>> -> memref<1x128xi32, #tpu.memory_space<vmem>>
    %dma_start3A_538 = tpu.memref_squeeze %dma_start3A_537 : memref<1x128xi32, #tpu.memory_space<vmem>> -> memref<128xi32, #tpu.memory_space<vmem>>
    %dma_start3A_539 = arith.constant 0 : i32
    %dma_start3A_540 = arith.constant 0 : i32
    %dma_start3A_541 = tpu.memref_slice %arg2[%dma_start3A_539, %dma_start3A_540] : memref<30000x128xf32, #tpu.memory_space<hbm>> -> memref<30000x128xf32, #tpu.memory_space<hbm>>
    tpu.enqueue_indirect_dma source(%dma_start3A_541 : memref<30000x128xf32, #tpu.memory_space<hbm>>) target(%arg14 : memref<128x128xf32, #tpu.memory_space<vmem>>) offsets(%dma_start3A_538 : memref<128xi32, #tpu.memory_space<vmem>>) semaphore(%arg24 : memref<!tpu.dma_semaphore, #tpu.memory_space<semaphore_mem>>)
    %dma_wait3A_542 = arith.constant 0 : i32
    %dma_wait3A_543 = arith.constant 0 : i32
    %dma_wait3A_544 = tpu.memref_slice %arg9[%dma_wait3A_542, %dma_wait3A_543] : memref<2x128xi32, #tpu.memory_space<vmem>> -> memref<1x128xi32, #tpu.memory_space<vmem>>
    %dma_wait3A_545 = tpu.memref_squeeze %dma_wait3A_544 : memref<1x128xi32, #tpu.memory_space<vmem>> -> memref<128xi32, #tpu.memory_space<vmem>>
    %dma_wait3A_546 = arith.constant 0 : i32
    %dma_wait3A_547 = arith.constant 0 : i32
    %dma_wait3A_548 = tpu.memref_slice %arg2[%dma_wait3A_546, %dma_wait3A_547] : memref<30000x128xf32, #tpu.memory_space<hbm>> -> memref<30000x128xf32, #tpu.memory_space<hbm>>
    tpu.wait_indirect_dma semaphore(%arg22 : memref<!tpu.dma_semaphore, #tpu.memory_space<semaphore_mem>>) src(%dma_wait3A_548 : memref<30000x128xf32, #tpu.memory_space<hbm>>) dst(%arg12 : memref<128x128xf32, #tpu.memory_space<vmem>>)
    %dma_start3A_549 = arith.constant 1 : i32
    %dma_start3A_550 = arith.constant 0 : i32
    %dma_start3A_551 = tpu.memref_slice %arg9[%dma_start3A_549, %dma_start3A_550] : memref<2x128xi32, #tpu.memory_space<vmem>> -> memref<1x128xi32, #tpu.memory_space<vmem>>
    %dma_start3A_552 = tpu.memref_squeeze %dma_start3A_551 : memref<1x128xi32, #tpu.memory_space<vmem>> -> memref<128xi32, #tpu.memory_space<vmem>>
    %dma_start3A_553 = arith.constant 0 : i32
    %dma_start3A_554 = arith.constant 0 : i32
    %dma_start3A_555 = tpu.memref_slice %arg15[%dma_start3A_553, %dma_start3A_554] : memref<10032x128xf32, #tpu.memory_space<vmem_shared>> -> memref<10032x128xf32, #tpu.memory_space<vmem_shared>>
    tpu.enqueue_indirect_dma source(%arg12 : memref<128x128xf32, #tpu.memory_space<vmem>>) target(%dma_start3A_555 : memref<10032x128xf32, #tpu.memory_space<vmem_shared>>) offsets(%dma_start3A_552 : memref<128xi32, #tpu.memory_space<vmem>>) semaphore(%arg25 : memref<!tpu.dma_semaphore, #tpu.memory_space<semaphore_mem>>) {add = true}
    %dma_wait3A_556 = arith.constant 1 : i32
    %dma_wait3A_557 = arith.constant 0 : i32
    %dma_wait3A_558 = tpu.memref_slice %arg9[%dma_wait3A_556, %dma_wait3A_557] : memref<2x128xi32, #tpu.memory_space<vmem>> -> memref<1x128xi32, #tpu.memory_space<vmem>>
    %dma_wait3A_559 = tpu.memref_squeeze %dma_wait3A_558 : memref<1x128xi32, #tpu.memory_space<vmem>> -> memref<128xi32, #tpu.memory_space<vmem>>
    %dma_wait3A_560 = arith.constant 0 : i32
    %dma_wait3A_561 = arith.constant 0 : i32
    %dma_wait3A_562 = tpu.memref_slice %arg15[%dma_wait3A_560, %dma_wait3A_561] : memref<10032x128xf32, #tpu.memory_space<vmem_shared>> -> memref<10032x128xf32, #tpu.memory_space<vmem_shared>>
    tpu.wait_indirect_dma semaphore(%arg25 : memref<!tpu.dma_semaphore, #tpu.memory_space<semaphore_mem>>) src(%arg12 : memref<128x128xf32, #tpu.memory_space<vmem>>) dst(%dma_wait3A_562 : memref<10032x128xf32, #tpu.memory_space<vmem_shared>>)
    %add3A_563 = arith.constant 78 : i32
    %add3A_564 = arith.addi %mul3A_2, %add3A_563 : i32
    %dma_wait3A_565 = arith.constant 0 : i32
    %dma_wait3A_566 = arith.constant 0 : i32
    %dma_wait3A_567 = tpu.memref_slice %arg3[%add3A_564, %dma_wait3A_565, %dma_wait3A_566] : memref<2560x2x128xi32, #tpu.memory_space<hbm>> -> memref<1x2x128xi32, #tpu.memory_space<hbm>>
    %dma_wait3A_568 = tpu.memref_squeeze %dma_wait3A_567 : memref<1x2x128xi32, #tpu.memory_space<hbm>> -> memref<2x128xi32, #tpu.memory_space<hbm>>
    %dma_wait3A_569 = arith.constant 0 : i32
    %dma_wait3A_570 = arith.constant 0 : i32
    %dma_wait3A_571 = tpu.memref_slice %arg3[%add3A_564, %dma_wait3A_569, %dma_wait3A_570] : memref<2560x2x128xi32, #tpu.memory_space<hbm>> -> memref<1x2x128xi32, #tpu.memory_space<hbm>>
    %dma_wait3A_572 = tpu.memref_squeeze %dma_wait3A_571 : memref<1x2x128xi32, #tpu.memory_space<hbm>> -> memref<2x128xi32, #tpu.memory_space<hbm>>
    tpu.wait_dma2 semaphore(%arg16 : memref<!tpu.dma_semaphore, #tpu.memory_space<semaphore_mem>>) src(%dma_wait3A_572 : memref<2x128xi32, #tpu.memory_space<hbm>>) dst(%arg6 : memref<2x128xi32, #tpu.memory_space<vmem>>)
    %dma_start3A_573 = arith.constant 0 : i32
    %dma_start3A_574 = arith.constant 0 : i32
    %dma_start3A_575 = tpu.memref_slice %arg6[%dma_start3A_573, %dma_start3A_574] : memref<2x128xi32, #tpu.memory_space<vmem>> -> memref<1x128xi32, #tpu.memory_space<vmem>>
    %dma_start3A_576 = tpu.memref_squeeze %dma_start3A_575 : memref<1x128xi32, #tpu.memory_space<vmem>> -> memref<128xi32, #tpu.memory_space<vmem>>
    %dma_start3A_577 = arith.constant 0 : i32
    %dma_start3A_578 = arith.constant 0 : i32
    %dma_start3A_579 = tpu.memref_slice %arg2[%dma_start3A_577, %dma_start3A_578] : memref<30000x128xf32, #tpu.memory_space<hbm>> -> memref<30000x128xf32, #tpu.memory_space<hbm>>
    tpu.enqueue_indirect_dma source(%dma_start3A_579 : memref<30000x128xf32, #tpu.memory_space<hbm>>) target(%arg12 : memref<128x128xf32, #tpu.memory_space<vmem>>) offsets(%dma_start3A_576 : memref<128xi32, #tpu.memory_space<vmem>>) semaphore(%arg22 : memref<!tpu.dma_semaphore, #tpu.memory_space<semaphore_mem>>)
    %dma_wait3A_580 = arith.constant 0 : i32
    %dma_wait3A_581 = arith.constant 0 : i32
    %dma_wait3A_582 = tpu.memref_slice %arg10[%dma_wait3A_580, %dma_wait3A_581] : memref<2x128xi32, #tpu.memory_space<vmem>> -> memref<1x128xi32, #tpu.memory_space<vmem>>
    %dma_wait3A_583 = tpu.memref_squeeze %dma_wait3A_582 : memref<1x128xi32, #tpu.memory_space<vmem>> -> memref<128xi32, #tpu.memory_space<vmem>>
    %dma_wait3A_584 = arith.constant 0 : i32
    %dma_wait3A_585 = arith.constant 0 : i32
    %dma_wait3A_586 = tpu.memref_slice %arg2[%dma_wait3A_584, %dma_wait3A_585] : memref<30000x128xf32, #tpu.memory_space<hbm>> -> memref<30000x128xf32, #tpu.memory_space<hbm>>
    tpu.wait_indirect_dma semaphore(%arg23 : memref<!tpu.dma_semaphore, #tpu.memory_space<semaphore_mem>>) src(%dma_wait3A_586 : memref<30000x128xf32, #tpu.memory_space<hbm>>) dst(%arg13 : memref<128x128xf32, #tpu.memory_space<vmem>>)
    %dma_start3A_587 = arith.constant 1 : i32
    %dma_start3A_588 = arith.constant 0 : i32
    %dma_start3A_589 = tpu.memref_slice %arg10[%dma_start3A_587, %dma_start3A_588] : memref<2x128xi32, #tpu.memory_space<vmem>> -> memref<1x128xi32, #tpu.memory_space<vmem>>
    %dma_start3A_590 = tpu.memref_squeeze %dma_start3A_589 : memref<1x128xi32, #tpu.memory_space<vmem>> -> memref<128xi32, #tpu.memory_space<vmem>>
    %dma_start3A_591 = arith.constant 0 : i32
    %dma_start3A_592 = arith.constant 0 : i32
    %dma_start3A_593 = tpu.memref_slice %arg15[%dma_start3A_591, %dma_start3A_592] : memref<10032x128xf32, #tpu.memory_space<vmem_shared>> -> memref<10032x128xf32, #tpu.memory_space<vmem_shared>>
    tpu.enqueue_indirect_dma source(%arg13 : memref<128x128xf32, #tpu.memory_space<vmem>>) target(%dma_start3A_593 : memref<10032x128xf32, #tpu.memory_space<vmem_shared>>) offsets(%dma_start3A_590 : memref<128xi32, #tpu.memory_space<vmem>>) semaphore(%arg26 : memref<!tpu.dma_semaphore, #tpu.memory_space<semaphore_mem>>) {add = true}
    %dma_wait3A_594 = arith.constant 1 : i32
    %dma_wait3A_595 = arith.constant 0 : i32
    %dma_wait3A_596 = tpu.memref_slice %arg10[%dma_wait3A_594, %dma_wait3A_595] : memref<2x128xi32, #tpu.memory_space<vmem>> -> memref<1x128xi32, #tpu.memory_space<vmem>>
    %dma_wait3A_597 = tpu.memref_squeeze %dma_wait3A_596 : memref<1x128xi32, #tpu.memory_space<vmem>> -> memref<128xi32, #tpu.memory_space<vmem>>
    %dma_wait3A_598 = arith.constant 0 : i32
    %dma_wait3A_599 = arith.constant 0 : i32
    %dma_wait3A_600 = tpu.memref_slice %arg15[%dma_wait3A_598, %dma_wait3A_599] : memref<10032x128xf32, #tpu.memory_space<vmem_shared>> -> memref<10032x128xf32, #tpu.memory_space<vmem_shared>>
    tpu.wait_indirect_dma semaphore(%arg26 : memref<!tpu.dma_semaphore, #tpu.memory_space<semaphore_mem>>) src(%arg13 : memref<128x128xf32, #tpu.memory_space<vmem>>) dst(%dma_wait3A_600 : memref<10032x128xf32, #tpu.memory_space<vmem_shared>>)
    %add3A_601 = arith.constant 79 : i32
    %add3A_602 = arith.addi %mul3A_2, %add3A_601 : i32
    %dma_wait3A_603 = arith.constant 0 : i32
    %dma_wait3A_604 = arith.constant 0 : i32
    %dma_wait3A_605 = tpu.memref_slice %arg3[%add3A_602, %dma_wait3A_603, %dma_wait3A_604] : memref<2560x2x128xi32, #tpu.memory_space<hbm>> -> memref<1x2x128xi32, #tpu.memory_space<hbm>>
    %dma_wait3A_606 = tpu.memref_squeeze %dma_wait3A_605 : memref<1x2x128xi32, #tpu.memory_space<hbm>> -> memref<2x128xi32, #tpu.memory_space<hbm>>
    %dma_wait3A_607 = arith.constant 0 : i32
    %dma_wait3A_608 = arith.constant 0 : i32
    %dma_wait3A_609 = tpu.memref_slice %arg3[%add3A_602, %dma_wait3A_607, %dma_wait3A_608] : memref<2560x2x128xi32, #tpu.memory_space<hbm>> -> memref<1x2x128xi32, #tpu.memory_space<hbm>>
    %dma_wait3A_610 = tpu.memref_squeeze %dma_wait3A_609 : memref<1x2x128xi32, #tpu.memory_space<hbm>> -> memref<2x128xi32, #tpu.memory_space<hbm>>
    tpu.wait_dma2 semaphore(%arg17 : memref<!tpu.dma_semaphore, #tpu.memory_space<semaphore_mem>>) src(%dma_wait3A_610 : memref<2x128xi32, #tpu.memory_space<hbm>>) dst(%arg7 : memref<2x128xi32, #tpu.memory_space<vmem>>)
    %dma_start3A_611 = arith.constant 0 : i32
    %dma_start3A_612 = arith.constant 0 : i32
    %dma_start3A_613 = tpu.memref_slice %arg7[%dma_start3A_611, %dma_start3A_612] : memref<2x128xi32, #tpu.memory_space<vmem>> -> memref<1x128xi32, #tpu.memory_space<vmem>>
    %dma_start3A_614 = tpu.memref_squeeze %dma_start3A_613 : memref<1x128xi32, #tpu.memory_space<vmem>> -> memref<128xi32, #tpu.memory_space<vmem>>
    %dma_start3A_615 = arith.constant 0 : i32
    %dma_start3A_616 = arith.constant 0 : i32
    %dma_start3A_617 = tpu.memref_slice %arg2[%dma_start3A_615, %dma_start3A_616] : memref<30000x128xf32, #tpu.memory_space<hbm>> -> memref<30000x128xf32, #tpu.memory_space<hbm>>
    tpu.enqueue_indirect_dma source(%dma_start3A_617 : memref<30000x128xf32, #tpu.memory_space<hbm>>) target(%arg13 : memref<128x128xf32, #tpu.memory_space<vmem>>) offsets(%dma_start3A_614 : memref<128xi32, #tpu.memory_space<vmem>>) semaphore(%arg23 : memref<!tpu.dma_semaphore, #tpu.memory_space<semaphore_mem>>)
    %dma_wait3A_618 = arith.constant 0 : i32
    %dma_wait3A_619 = arith.constant 0 : i32
    %dma_wait3A_620 = tpu.memref_slice %arg11[%dma_wait3A_618, %dma_wait3A_619] : memref<2x128xi32, #tpu.memory_space<vmem>> -> memref<1x128xi32, #tpu.memory_space<vmem>>
    %dma_wait3A_621 = tpu.memref_squeeze %dma_wait3A_620 : memref<1x128xi32, #tpu.memory_space<vmem>> -> memref<128xi32, #tpu.memory_space<vmem>>
    %dma_wait3A_622 = arith.constant 0 : i32
    %dma_wait3A_623 = arith.constant 0 : i32
    %dma_wait3A_624 = tpu.memref_slice %arg2[%dma_wait3A_622, %dma_wait3A_623] : memref<30000x128xf32, #tpu.memory_space<hbm>> -> memref<30000x128xf32, #tpu.memory_space<hbm>>
    tpu.wait_indirect_dma semaphore(%arg24 : memref<!tpu.dma_semaphore, #tpu.memory_space<semaphore_mem>>) src(%dma_wait3A_624 : memref<30000x128xf32, #tpu.memory_space<hbm>>) dst(%arg14 : memref<128x128xf32, #tpu.memory_space<vmem>>)
    %dma_start3A_625 = arith.constant 1 : i32
    %dma_start3A_626 = arith.constant 0 : i32
    %dma_start3A_627 = tpu.memref_slice %arg11[%dma_start3A_625, %dma_start3A_626] : memref<2x128xi32, #tpu.memory_space<vmem>> -> memref<1x128xi32, #tpu.memory_space<vmem>>
    %dma_start3A_628 = tpu.memref_squeeze %dma_start3A_627 : memref<1x128xi32, #tpu.memory_space<vmem>> -> memref<128xi32, #tpu.memory_space<vmem>>
    %dma_start3A_629 = arith.constant 0 : i32
    %dma_start3A_630 = arith.constant 0 : i32
    %dma_start3A_631 = tpu.memref_slice %arg15[%dma_start3A_629, %dma_start3A_630] : memref<10032x128xf32, #tpu.memory_space<vmem_shared>> -> memref<10032x128xf32, #tpu.memory_space<vmem_shared>>
    tpu.enqueue_indirect_dma source(%arg14 : memref<128x128xf32, #tpu.memory_space<vmem>>) target(%dma_start3A_631 : memref<10032x128xf32, #tpu.memory_space<vmem_shared>>) offsets(%dma_start3A_628 : memref<128xi32, #tpu.memory_space<vmem>>) semaphore(%arg27 : memref<!tpu.dma_semaphore, #tpu.memory_space<semaphore_mem>>) {add = true}
    %dma_wait3A_632 = arith.constant 1 : i32
    %dma_wait3A_633 = arith.constant 0 : i32
    %dma_wait3A_634 = tpu.memref_slice %arg11[%dma_wait3A_632, %dma_wait3A_633] : memref<2x128xi32, #tpu.memory_space<vmem>> -> memref<1x128xi32, #tpu.memory_space<vmem>>
    %dma_wait3A_635 = tpu.memref_squeeze %dma_wait3A_634 : memref<1x128xi32, #tpu.memory_space<vmem>> -> memref<128xi32, #tpu.memory_space<vmem>>
    %dma_wait3A_636 = arith.constant 0 : i32
    %dma_wait3A_637 = arith.constant 0 : i32
    %dma_wait3A_638 = tpu.memref_slice %arg15[%dma_wait3A_636, %dma_wait3A_637] : memref<10032x128xf32, #tpu.memory_space<vmem_shared>> -> memref<10032x128xf32, #tpu.memory_space<vmem_shared>>
    tpu.wait_indirect_dma semaphore(%arg27 : memref<!tpu.dma_semaphore, #tpu.memory_space<semaphore_mem>>) src(%arg14 : memref<128x128xf32, #tpu.memory_space<vmem>>) dst(%dma_wait3A_638 : memref<10032x128xf32, #tpu.memory_space<vmem_shared>>)
    %dma_wait3A_639 = arith.constant 0 : i32
    %dma_wait3A_640 = arith.constant 0 : i32
    %dma_wait3A_641 = tpu.memref_slice %arg6[%dma_wait3A_639, %dma_wait3A_640] : memref<2x128xi32, #tpu.memory_space<vmem>> -> memref<1x128xi32, #tpu.memory_space<vmem>>
    %dma_wait3A_642 = tpu.memref_squeeze %dma_wait3A_641 : memref<1x128xi32, #tpu.memory_space<vmem>> -> memref<128xi32, #tpu.memory_space<vmem>>
    %dma_wait3A_643 = arith.constant 0 : i32
    %dma_wait3A_644 = arith.constant 0 : i32
    %dma_wait3A_645 = tpu.memref_slice %arg2[%dma_wait3A_643, %dma_wait3A_644] : memref<30000x128xf32, #tpu.memory_space<hbm>> -> memref<30000x128xf32, #tpu.memory_space<hbm>>
    tpu.wait_indirect_dma semaphore(%arg22 : memref<!tpu.dma_semaphore, #tpu.memory_space<semaphore_mem>>) src(%dma_wait3A_645 : memref<30000x128xf32, #tpu.memory_space<hbm>>) dst(%arg12 : memref<128x128xf32, #tpu.memory_space<vmem>>)
    %dma_start3A_646 = arith.constant 1 : i32
    %dma_start3A_647 = arith.constant 0 : i32
    %dma_start3A_648 = tpu.memref_slice %arg6[%dma_start3A_646, %dma_start3A_647] : memref<2x128xi32, #tpu.memory_space<vmem>> -> memref<1x128xi32, #tpu.memory_space<vmem>>
    %dma_start3A_649 = tpu.memref_squeeze %dma_start3A_648 : memref<1x128xi32, #tpu.memory_space<vmem>> -> memref<128xi32, #tpu.memory_space<vmem>>
    %dma_start3A_650 = arith.constant 0 : i32
    %dma_start3A_651 = arith.constant 0 : i32
    %dma_start3A_652 = tpu.memref_slice %arg15[%dma_start3A_650, %dma_start3A_651] : memref<10032x128xf32, #tpu.memory_space<vmem_shared>> -> memref<10032x128xf32, #tpu.memory_space<vmem_shared>>
    tpu.enqueue_indirect_dma source(%arg12 : memref<128x128xf32, #tpu.memory_space<vmem>>) target(%dma_start3A_652 : memref<10032x128xf32, #tpu.memory_space<vmem_shared>>) offsets(%dma_start3A_649 : memref<128xi32, #tpu.memory_space<vmem>>) semaphore(%arg25 : memref<!tpu.dma_semaphore, #tpu.memory_space<semaphore_mem>>) {add = true}
    %dma_wait3A_653 = arith.constant 1 : i32
    %dma_wait3A_654 = arith.constant 0 : i32
    %dma_wait3A_655 = tpu.memref_slice %arg6[%dma_wait3A_653, %dma_wait3A_654] : memref<2x128xi32, #tpu.memory_space<vmem>> -> memref<1x128xi32, #tpu.memory_space<vmem>>
    %dma_wait3A_656 = tpu.memref_squeeze %dma_wait3A_655 : memref<1x128xi32, #tpu.memory_space<vmem>> -> memref<128xi32, #tpu.memory_space<vmem>>
    %dma_wait3A_657 = arith.constant 0 : i32
    %dma_wait3A_658 = arith.constant 0 : i32
    %dma_wait3A_659 = tpu.memref_slice %arg15[%dma_wait3A_657, %dma_wait3A_658] : memref<10032x128xf32, #tpu.memory_space<vmem_shared>> -> memref<10032x128xf32, #tpu.memory_space<vmem_shared>>
    tpu.wait_indirect_dma semaphore(%arg25 : memref<!tpu.dma_semaphore, #tpu.memory_space<semaphore_mem>>) src(%arg12 : memref<128x128xf32, #tpu.memory_space<vmem>>) dst(%dma_wait3A_659 : memref<10032x128xf32, #tpu.memory_space<vmem_shared>>)
    %dma_wait3A_660 = arith.constant 0 : i32
    %dma_wait3A_661 = arith.constant 0 : i32
    %dma_wait3A_662 = tpu.memref_slice %arg7[%dma_wait3A_660, %dma_wait3A_661] : memref<2x128xi32, #tpu.memory_space<vmem>> -> memref<1x128xi32, #tpu.memory_space<vmem>>
    %dma_wait3A_663 = tpu.memref_squeeze %dma_wait3A_662 : memref<1x128xi32, #tpu.memory_space<vmem>> -> memref<128xi32, #tpu.memory_space<vmem>>
    %dma_wait3A_664 = arith.constant 0 : i32
    %dma_wait3A_665 = arith.constant 0 : i32
    %dma_wait3A_666 = tpu.memref_slice %arg2[%dma_wait3A_664, %dma_wait3A_665] : memref<30000x128xf32, #tpu.memory_space<hbm>> -> memref<30000x128xf32, #tpu.memory_space<hbm>>
    tpu.wait_indirect_dma semaphore(%arg23 : memref<!tpu.dma_semaphore, #tpu.memory_space<semaphore_mem>>) src(%dma_wait3A_666 : memref<30000x128xf32, #tpu.memory_space<hbm>>) dst(%arg13 : memref<128x128xf32, #tpu.memory_space<vmem>>)
    %dma_start3A_667 = arith.constant 1 : i32
    %dma_start3A_668 = arith.constant 0 : i32
    %dma_start3A_669 = tpu.memref_slice %arg7[%dma_start3A_667, %dma_start3A_668] : memref<2x128xi32, #tpu.memory_space<vmem>> -> memref<1x128xi32, #tpu.memory_space<vmem>>
    %dma_start3A_670 = tpu.memref_squeeze %dma_start3A_669 : memref<1x128xi32, #tpu.memory_space<vmem>> -> memref<128xi32, #tpu.memory_space<vmem>>
    %dma_start3A_671 = arith.constant 0 : i32
    %dma_start3A_672 = arith.constant 0 : i32
    %dma_start3A_673 = tpu.memref_slice %arg15[%dma_start3A_671, %dma_start3A_672] : memref<10032x128xf32, #tpu.memory_space<vmem_shared>> -> memref<10032x128xf32, #tpu.memory_space<vmem_shared>>
    tpu.enqueue_indirect_dma source(%arg13 : memref<128x128xf32, #tpu.memory_space<vmem>>) target(%dma_start3A_673 : memref<10032x128xf32, #tpu.memory_space<vmem_shared>>) offsets(%dma_start3A_670 : memref<128xi32, #tpu.memory_space<vmem>>) semaphore(%arg26 : memref<!tpu.dma_semaphore, #tpu.memory_space<semaphore_mem>>) {add = true}
    %dma_wait3A_674 = arith.constant 1 : i32
    %dma_wait3A_675 = arith.constant 0 : i32
    %dma_wait3A_676 = tpu.memref_slice %arg7[%dma_wait3A_674, %dma_wait3A_675] : memref<2x128xi32, #tpu.memory_space<vmem>> -> memref<1x128xi32, #tpu.memory_space<vmem>>
    %dma_wait3A_677 = tpu.memref_squeeze %dma_wait3A_676 : memref<1x128xi32, #tpu.memory_space<vmem>> -> memref<128xi32, #tpu.memory_space<vmem>>
    %dma_wait3A_678 = arith.constant 0 : i32
    %dma_wait3A_679 = arith.constant 0 : i32
    %dma_wait3A_680 = tpu.memref_slice %arg15[%dma_wait3A_678, %dma_wait3A_679] : memref<10032x128xf32, #tpu.memory_space<vmem_shared>> -> memref<10032x128xf32, #tpu.memory_space<vmem_shared>>
    tpu.wait_indirect_dma semaphore(%arg26 : memref<!tpu.dma_semaphore, #tpu.memory_space<semaphore_mem>>) src(%arg13 : memref<128x128xf32, #tpu.memory_space<vmem>>) dst(%dma_wait3A_680 : memref<10032x128xf32, #tpu.memory_space<vmem_shared>>)
    "tpu.trace_stop"() : () -> ()
    "tpu.trace_start"() <{level = 10 : i32, message = "pub"}> : () -> ()
    %barrier3A_681 = arith.constant 0 : index
    tpu.barrier barrier_id(%barrier3A_681)
    "tpu.region"() ({
      %run_scoped3A = tpu.sem_alloc : memref<!tpu.dma_semaphore, #tpu.memory_space<semaphore_mem>>
      %dma_start3A_682 = arith.constant 0 : i32
      %dma_start3A_683 = tpu.memref_slice %arg5[%arg0, %min3A_5, %dma_start3A_682] : memref<2x10032x128xf32, #tpu.memory_space<hbm>> -> memref<1x632x128xf32, #tpu.memory_space<hbm>>
      %dma_start3A_684 = tpu.memref_squeeze %dma_start3A_683 : memref<1x632x128xf32, #tpu.memory_space<hbm>> -> memref<632x128xf32, #tpu.memory_space<hbm>>
      %dma_start3A_685 = arith.constant 0 : i32
      %dma_start3A_686 = tpu.memref_slice %arg15[%min3A_5, %dma_start3A_685] : memref<10032x128xf32, #tpu.memory_space<vmem_shared>> -> memref<632x128xf32, #tpu.memory_space<vmem_shared>>
      tpu.enqueue_dma source(%dma_start3A_686 : memref<632x128xf32, #tpu.memory_space<vmem_shared>>) target(%dma_start3A_684 : memref<632x128xf32, #tpu.memory_space<hbm>>) target_semaphore(%run_scoped3A : memref<!tpu.dma_semaphore, #tpu.memory_space<semaphore_mem>>)
      %dma_wait3A_687 = arith.constant 0 : i32
      %dma_wait3A_688 = tpu.memref_slice %arg5[%arg0, %min3A_5, %dma_wait3A_687] : memref<2x10032x128xf32, #tpu.memory_space<hbm>> -> memref<1x632x128xf32, #tpu.memory_space<hbm>>
      %dma_wait3A_689 = tpu.memref_squeeze %dma_wait3A_688 : memref<1x632x128xf32, #tpu.memory_space<hbm>> -> memref<632x128xf32, #tpu.memory_space<hbm>>
      %dma_wait3A_690 = arith.constant 0 : i32
      %dma_wait3A_691 = tpu.memref_slice %arg15[%min3A_5, %dma_wait3A_690] : memref<10032x128xf32, #tpu.memory_space<vmem_shared>> -> memref<632x128xf32, #tpu.memory_space<vmem_shared>>
      tpu.wait_dma2 semaphore(%run_scoped3A : memref<!tpu.dma_semaphore, #tpu.memory_space<semaphore_mem>>) src(%dma_wait3A_691 : memref<632x128xf32, #tpu.memory_space<vmem_shared>>) dst(%dma_wait3A_689 : memref<632x128xf32, #tpu.memory_space<hbm>>)
      tpu.yield
    }) : () -> ()
    "tpu.trace_stop"() : () -> ()
    return
  }
}

#map = affine_map<(d0, d1) -> (0, 0)>
#map1 = affine_map<(d0, d1) -> (0, 0, 0)>
module attributes {stable_mosaic.version = 14 : i64} {
  func.func @_sc_aggregate(%arg0: i32, %arg1: i32, %arg2: memref<30000x128xf32, #tpu.memory_space<hbm>>, %arg3: memref<2560x2x128xi32, #tpu.memory_space<hbm>>, %arg4: memref<632x128xf32, #tpu.memory_space<hbm>>, %arg5: memref<2x10032x128xf32, #tpu.memory_space<hbm>>, %arg6: memref<2x128xi32, #tpu.memory_space<vmem>>, %arg7: memref<2x128xi32, #tpu.memory_space<vmem>>, %arg8: memref<2x128xi32, #tpu.memory_space<vmem>>, %arg9: memref<2x128xi32, #tpu.memory_space<vmem>>, %arg10: memref<2x128xi32, #tpu.memory_space<vmem>>, %arg11: memref<2x128xi32, #tpu.memory_space<vmem>>, %arg12: memref<128x128xf32, #tpu.memory_space<vmem>>, %arg13: memref<128x128xf32, #tpu.memory_space<vmem>>, %arg14: memref<128x128xf32, #tpu.memory_space<vmem>>, %arg15: memref<10032x128xf32, #tpu.memory_space<vmem_shared>>, %arg16: memref<!tpu.dma_semaphore, #tpu.memory_space<semaphore_mem>>, %arg17: memref<!tpu.dma_semaphore, #tpu.memory_space<semaphore_mem>>, %arg18: memref<!tpu.dma_semaphore, #tpu.memory_space<semaphore_mem>>, %arg19: memref<!tpu.dma_semaphore, #tpu.memory_space<semaphore_mem>>, %arg20: memref<!tpu.dma_semaphore, #tpu.memory_space<semaphore_mem>>, %arg21: memref<!tpu.dma_semaphore, #tpu.memory_space<semaphore_mem>>, %arg22: memref<!tpu.dma_semaphore, #tpu.memory_space<semaphore_mem>>, %arg23: memref<!tpu.dma_semaphore, #tpu.memory_space<semaphore_mem>>, %arg24: memref<!tpu.dma_semaphore, #tpu.memory_space<semaphore_mem>>, %arg25: memref<!tpu.dma_semaphore, #tpu.memory_space<semaphore_mem>>, %arg26: memref<!tpu.dma_semaphore, #tpu.memory_space<semaphore_mem>>, %arg27: memref<!tpu.dma_semaphore, #tpu.memory_space<semaphore_mem>>) attributes {dimension_semantics = [#tpu.dimension_semantics<core_parallel>, #tpu.dimension_semantics<subcore_parallel>], iteration_bounds = array<i64: 2, 16>, scalar_prefetch = 0 : i64, scratch_operands = 22 : i64, tpu.core_type = #tpu.core_type<sc_vector_subcore>, window_params = [{transform_indices = #map}, {transform_indices = #map1}, {transform_indices = #map}, {transform_indices = #map1}]} {
    %mul3A = arith.constant 16 : i32
    %mul3A_0 = arith.muli %arg0, %mul3A : i32
    %add3A = arith.addi %mul3A_0, %arg1 : i32
    %mul3A_1 = arith.constant 80 : i32
    %mul3A_2 = arith.muli %add3A, %mul3A_1 : i32
    %mul3A_3 = arith.constant 632 : i32
    %mul3A_4 = arith.muli %arg1, %mul3A_3 : i32
    %min3A = arith.constant 9400 : i32
    %min3A_5 = arith.minsi %mul3A_4, %min3A : i32
    "tpu.trace_start"() <{level = 10 : i32, message = "zero_prime"}> : () -> ()
    %add3A_6 = arith.constant 0 : i32
    %add3A_7 = arith.addi %mul3A_2, %add3A_6 : i32
    %dma_start3A = arith.constant 0 : i32
    %dma_start3A_8 = arith.constant 0 : i32
    %dma_start3A_9 = tpu.memref_slice %arg3[%add3A_7, %dma_start3A, %dma_start3A_8] : memref<2560x2x128xi32, #tpu.memory_space<hbm>> -> memref<1x2x128xi32, #tpu.memory_space<hbm>>
    %dma_start3A_10 = tpu.memref_squeeze %dma_start3A_9 : memref<1x2x128xi32, #tpu.memory_space<hbm>> -> memref<2x128xi32, #tpu.memory_space<hbm>>
    %dma_start3A_11 = arith.constant 0 : i32
    %dma_start3A_12 = arith.constant 0 : i32
    %dma_start3A_13 = tpu.memref_slice %arg3[%add3A_7, %dma_start3A_11, %dma_start3A_12] : memref<2560x2x128xi32, #tpu.memory_space<hbm>> -> memref<1x2x128xi32, #tpu.memory_space<hbm>>
    %dma_start3A_14 = tpu.memref_squeeze %dma_start3A_13 : memref<1x2x128xi32, #tpu.memory_space<hbm>> -> memref<2x128xi32, #tpu.memory_space<hbm>>
    tpu.enqueue_dma source(%dma_start3A_14 : memref<2x128xi32, #tpu.memory_space<hbm>>) target(%arg6 : memref<2x128xi32, #tpu.memory_space<vmem>>) target_semaphore(%arg16 : memref<!tpu.dma_semaphore, #tpu.memory_space<semaphore_mem>>)
    %add3A_15 = arith.constant 1 : i32
    %add3A_16 = arith.addi %mul3A_2, %add3A_15 : i32
    %dma_start3A_17 = arith.constant 0 : i32
    %dma_start3A_18 = arith.constant 0 : i32
    %dma_start3A_19 = tpu.memref_slice %arg3[%add3A_16, %dma_start3A_17, %dma_start3A_18] : memref<2560x2x128xi32, #tpu.memory_space<hbm>> -> memref<1x2x128xi32, #tpu.memory_space<hbm>>
    %dma_start3A_20 = tpu.memref_squeeze %dma_start3A_19 : memref<1x2x128xi32, #tpu.memory_space<hbm>> -> memref<2x128xi32, #tpu.memory_space<hbm>>
    %dma_start3A_21 = arith.constant 0 : i32
    %dma_start3A_22 = arith.constant 0 : i32
    %dma_start3A_23 = tpu.memref_slice %arg3[%add3A_16, %dma_start3A_21, %dma_start3A_22] : memref<2560x2x128xi32, #tpu.memory_space<hbm>> -> memref<1x2x128xi32, #tpu.memory_space<hbm>>
    %dma_start3A_24 = tpu.memref_squeeze %dma_start3A_23 : memref<1x2x128xi32, #tpu.memory_space<hbm>> -> memref<2x128xi32, #tpu.memory_space<hbm>>
    tpu.enqueue_dma source(%dma_start3A_24 : memref<2x128xi32, #tpu.memory_space<hbm>>) target(%arg7 : memref<2x128xi32, #tpu.memory_space<vmem>>) target_semaphore(%arg17 : memref<!tpu.dma_semaphore, #tpu.memory_space<semaphore_mem>>)
    %add3A_25 = arith.constant 2 : i32
    %add3A_26 = arith.addi %mul3A_2, %add3A_25 : i32
    %dma_start3A_27 = arith.constant 0 : i32
    %dma_start3A_28 = arith.constant 0 : i32
    %dma_start3A_29 = tpu.memref_slice %arg3[%add3A_26, %dma_start3A_27, %dma_start3A_28] : memref<2560x2x128xi32, #tpu.memory_space<hbm>> -> memref<1x2x128xi32, #tpu.memory_space<hbm>>
    %dma_start3A_30 = tpu.memref_squeeze %dma_start3A_29 : memref<1x2x128xi32, #tpu.memory_space<hbm>> -> memref<2x128xi32, #tpu.memory_space<hbm>>
    %dma_start3A_31 = arith.constant 0 : i32
    %dma_start3A_32 = arith.constant 0 : i32
    %dma_start3A_33 = tpu.memref_slice %arg3[%add3A_26, %dma_start3A_31, %dma_start3A_32] : memref<2560x2x128xi32, #tpu.memory_space<hbm>> -> memref<1x2x128xi32, #tpu.memory_space<hbm>>
    %dma_start3A_34 = tpu.memref_squeeze %dma_start3A_33 : memref<1x2x128xi32, #tpu.memory_space<hbm>> -> memref<2x128xi32, #tpu.memory_space<hbm>>
    tpu.enqueue_dma source(%dma_start3A_34 : memref<2x128xi32, #tpu.memory_space<hbm>>) target(%arg8 : memref<2x128xi32, #tpu.memory_space<vmem>>) target_semaphore(%arg18 : memref<!tpu.dma_semaphore, #tpu.memory_space<semaphore_mem>>)
    %add3A_35 = arith.constant 3 : i32
    %add3A_36 = arith.addi %mul3A_2, %add3A_35 : i32
    %dma_start3A_37 = arith.constant 0 : i32
    %dma_start3A_38 = arith.constant 0 : i32
    %dma_start3A_39 = tpu.memref_slice %arg3[%add3A_36, %dma_start3A_37, %dma_start3A_38] : memref<2560x2x128xi32, #tpu.memory_space<hbm>> -> memref<1x2x128xi32, #tpu.memory_space<hbm>>
    %dma_start3A_40 = tpu.memref_squeeze %dma_start3A_39 : memref<1x2x128xi32, #tpu.memory_space<hbm>> -> memref<2x128xi32, #tpu.memory_space<hbm>>
    %dma_start3A_41 = arith.constant 0 : i32
    %dma_start3A_42 = arith.constant 0 : i32
    %dma_start3A_43 = tpu.memref_slice %arg3[%add3A_36, %dma_start3A_41, %dma_start3A_42] : memref<2560x2x128xi32, #tpu.memory_space<hbm>> -> memref<1x2x128xi32, #tpu.memory_space<hbm>>
    %dma_start3A_44 = tpu.memref_squeeze %dma_start3A_43 : memref<1x2x128xi32, #tpu.memory_space<hbm>> -> memref<2x128xi32, #tpu.memory_space<hbm>>
    tpu.enqueue_dma source(%dma_start3A_44 : memref<2x128xi32, #tpu.memory_space<hbm>>) target(%arg9 : memref<2x128xi32, #tpu.memory_space<vmem>>) target_semaphore(%arg19 : memref<!tpu.dma_semaphore, #tpu.memory_space<semaphore_mem>>)
    %add3A_45 = arith.constant 4 : i32
    %add3A_46 = arith.addi %mul3A_2, %add3A_45 : i32
    %dma_start3A_47 = arith.constant 0 : i32
    %dma_start3A_48 = arith.constant 0 : i32
    %dma_start3A_49 = tpu.memref_slice %arg3[%add3A_46, %dma_start3A_47, %dma_start3A_48] : memref<2560x2x128xi32, #tpu.memory_space<hbm>> -> memref<1x2x128xi32, #tpu.memory_space<hbm>>
    %dma_start3A_50 = tpu.memref_squeeze %dma_start3A_49 : memref<1x2x128xi32, #tpu.memory_space<hbm>> -> memref<2x128xi32, #tpu.memory_space<hbm>>
    %dma_start3A_51 = arith.constant 0 : i32
    %dma_start3A_52 = arith.constant 0 : i32
    %dma_start3A_53 = tpu.memref_slice %arg3[%add3A_46, %dma_start3A_51, %dma_start3A_52] : memref<2560x2x128xi32, #tpu.memory_space<hbm>> -> memref<1x2x128xi32, #tpu.memory_space<hbm>>
    %dma_start3A_54 = tpu.memref_squeeze %dma_start3A_53 : memref<1x2x128xi32, #tpu.memory_space<hbm>> -> memref<2x128xi32, #tpu.memory_space<hbm>>
    tpu.enqueue_dma source(%dma_start3A_54 : memref<2x128xi32, #tpu.memory_space<hbm>>) target(%arg10 : memref<2x128xi32, #tpu.memory_space<vmem>>) target_semaphore(%arg20 : memref<!tpu.dma_semaphore, #tpu.memory_space<semaphore_mem>>)
    "tpu.region"() ({
      %run_scoped3A = tpu.sem_alloc : memref<!tpu.dma_semaphore, #tpu.memory_space<semaphore_mem>>
      %dma_start3A_682 = arith.constant 0 : i32
      %dma_start3A_683 = tpu.memref_slice %arg15[%min3A_5, %dma_start3A_682] : memref<10032x128xf32, #tpu.memory_space<vmem_shared>> -> memref<632x128xf32, #tpu.memory_space<vmem_shared>>
      tpu.enqueue_dma source(%arg4 : memref<632x128xf32, #tpu.memory_space<hbm>>) target(%dma_start3A_683 : memref<632x128xf32, #tpu.memory_space<vmem_shared>>) target_semaphore(%run_scoped3A : memref<!tpu.dma_semaphore, #tpu.memory_space<semaphore_mem>>)
      %dma_wait3A_684 = arith.constant 0 : i32
      %dma_wait3A_685 = tpu.memref_slice %arg15[%min3A_5, %dma_wait3A_684] : memref<10032x128xf32, #tpu.memory_space<vmem_shared>> -> memref<632x128xf32, #tpu.memory_space<vmem_shared>>
      tpu.wait_dma2 semaphore(%run_scoped3A : memref<!tpu.dma_semaphore, #tpu.memory_space<semaphore_mem>>) src(%arg4 : memref<632x128xf32, #tpu.memory_space<hbm>>) dst(%dma_wait3A_685 : memref<632x128xf32, #tpu.memory_space<vmem_shared>>)
      tpu.yield
    }) : () -> ()
    %barrier3A = arith.constant 0 : index
    tpu.barrier barrier_id(%barrier3A)
    %add3A_55 = arith.constant 0 : i32
    %add3A_56 = arith.addi %mul3A_2, %add3A_55 : i32
    %dma_wait3A = arith.constant 0 : i32
    %dma_wait3A_57 = arith.constant 0 : i32
    %dma_wait3A_58 = tpu.memref_slice %arg3[%add3A_56, %dma_wait3A, %dma_wait3A_57] : memref<2560x2x128xi32, #tpu.memory_space<hbm>> -> memref<1x2x128xi32, #tpu.memory_space<hbm>>
    %dma_wait3A_59 = tpu.memref_squeeze %dma_wait3A_58 : memref<1x2x128xi32, #tpu.memory_space<hbm>> -> memref<2x128xi32, #tpu.memory_space<hbm>>
    %dma_wait3A_60 = arith.constant 0 : i32
    %dma_wait3A_61 = arith.constant 0 : i32
    %dma_wait3A_62 = tpu.memref_slice %arg3[%add3A_56, %dma_wait3A_60, %dma_wait3A_61] : memref<2560x2x128xi32, #tpu.memory_space<hbm>> -> memref<1x2x128xi32, #tpu.memory_space<hbm>>
    %dma_wait3A_63 = tpu.memref_squeeze %dma_wait3A_62 : memref<1x2x128xi32, #tpu.memory_space<hbm>> -> memref<2x128xi32, #tpu.memory_space<hbm>>
    tpu.wait_dma2 semaphore(%arg16 : memref<!tpu.dma_semaphore, #tpu.memory_space<semaphore_mem>>) src(%dma_wait3A_63 : memref<2x128xi32, #tpu.memory_space<hbm>>) dst(%arg6 : memref<2x128xi32, #tpu.memory_space<vmem>>)
    %dma_start3A_64 = arith.constant 0 : i32
    %dma_start3A_65 = arith.constant 0 : i32
    %dma_start3A_66 = tpu.memref_slice %arg6[%dma_start3A_64, %dma_start3A_65] : memref<2x128xi32, #tpu.memory_space<vmem>> -> memref<1x128xi32, #tpu.memory_space<vmem>>
    %dma_start3A_67 = tpu.memref_squeeze %dma_start3A_66 : memref<1x128xi32, #tpu.memory_space<vmem>> -> memref<128xi32, #tpu.memory_space<vmem>>
    %dma_start3A_68 = arith.constant 0 : i32
    %dma_start3A_69 = arith.constant 0 : i32
    %dma_start3A_70 = tpu.memref_slice %arg2[%dma_start3A_68, %dma_start3A_69] : memref<30000x128xf32, #tpu.memory_space<hbm>> -> memref<30000x128xf32, #tpu.memory_space<hbm>>
    tpu.enqueue_indirect_dma source(%dma_start3A_70 : memref<30000x128xf32, #tpu.memory_space<hbm>>) target(%arg12 : memref<128x128xf32, #tpu.memory_space<vmem>>) offsets(%dma_start3A_67 : memref<128xi32, #tpu.memory_space<vmem>>) semaphore(%arg22 : memref<!tpu.dma_semaphore, #tpu.memory_space<semaphore_mem>>)
    %add3A_71 = arith.constant 1 : i32
    %add3A_72 = arith.addi %mul3A_2, %add3A_71 : i32
    %dma_wait3A_73 = arith.constant 0 : i32
    %dma_wait3A_74 = arith.constant 0 : i32
    %dma_wait3A_75 = tpu.memref_slice %arg3[%add3A_72, %dma_wait3A_73, %dma_wait3A_74] : memref<2560x2x128xi32, #tpu.memory_space<hbm>> -> memref<1x2x128xi32, #tpu.memory_space<hbm>>
    %dma_wait3A_76 = tpu.memref_squeeze %dma_wait3A_75 : memref<1x2x128xi32, #tpu.memory_space<hbm>> -> memref<2x128xi32, #tpu.memory_space<hbm>>
    %dma_wait3A_77 = arith.constant 0 : i32
    %dma_wait3A_78 = arith.constant 0 : i32
    %dma_wait3A_79 = tpu.memref_slice %arg3[%add3A_72, %dma_wait3A_77, %dma_wait3A_78] : memref<2560x2x128xi32, #tpu.memory_space<hbm>> -> memref<1x2x128xi32, #tpu.memory_space<hbm>>
    %dma_wait3A_80 = tpu.memref_squeeze %dma_wait3A_79 : memref<1x2x128xi32, #tpu.memory_space<hbm>> -> memref<2x128xi32, #tpu.memory_space<hbm>>
    tpu.wait_dma2 semaphore(%arg17 : memref<!tpu.dma_semaphore, #tpu.memory_space<semaphore_mem>>) src(%dma_wait3A_80 : memref<2x128xi32, #tpu.memory_space<hbm>>) dst(%arg7 : memref<2x128xi32, #tpu.memory_space<vmem>>)
    %dma_start3A_81 = arith.constant 0 : i32
    %dma_start3A_82 = arith.constant 0 : i32
    %dma_start3A_83 = tpu.memref_slice %arg7[%dma_start3A_81, %dma_start3A_82] : memref<2x128xi32, #tpu.memory_space<vmem>> -> memref<1x128xi32, #tpu.memory_space<vmem>>
    %dma_start3A_84 = tpu.memref_squeeze %dma_start3A_83 : memref<1x128xi32, #tpu.memory_space<vmem>> -> memref<128xi32, #tpu.memory_space<vmem>>
    %dma_start3A_85 = arith.constant 0 : i32
    %dma_start3A_86 = arith.constant 0 : i32
    %dma_start3A_87 = tpu.memref_slice %arg2[%dma_start3A_85, %dma_start3A_86] : memref<30000x128xf32, #tpu.memory_space<hbm>> -> memref<30000x128xf32, #tpu.memory_space<hbm>>
    tpu.enqueue_indirect_dma source(%dma_start3A_87 : memref<30000x128xf32, #tpu.memory_space<hbm>>) target(%arg13 : memref<128x128xf32, #tpu.memory_space<vmem>>) offsets(%dma_start3A_84 : memref<128xi32, #tpu.memory_space<vmem>>) semaphore(%arg23 : memref<!tpu.dma_semaphore, #tpu.memory_space<semaphore_mem>>)
    "tpu.trace_stop"() : () -> ()
    "tpu.trace_start"() <{level = 10 : i32, message = "pipe"}> : () -> ()
    %add3A_88 = arith.constant 2 : i32
    %add3A_89 = arith.addi %mul3A_2, %add3A_88 : i32
    %dma_wait3A_90 = arith.constant 0 : i32
    %dma_wait3A_91 = arith.constant 0 : i32
    %dma_wait3A_92 = tpu.memref_slice %arg3[%add3A_89, %dma_wait3A_90, %dma_wait3A_91] : memref<2560x2x128xi32, #tpu.memory_space<hbm>> -> memref<1x2x128xi32, #tpu.memory_space<hbm>>
    %dma_wait3A_93 = tpu.memref_squeeze %dma_wait3A_92 : memref<1x2x128xi32, #tpu.memory_space<hbm>> -> memref<2x128xi32, #tpu.memory_space<hbm>>
    %dma_wait3A_94 = arith.constant 0 : i32
    %dma_wait3A_95 = arith.constant 0 : i32
    %dma_wait3A_96 = tpu.memref_slice %arg3[%add3A_89, %dma_wait3A_94, %dma_wait3A_95] : memref<2560x2x128xi32, #tpu.memory_space<hbm>> -> memref<1x2x128xi32, #tpu.memory_space<hbm>>
    %dma_wait3A_97 = tpu.memref_squeeze %dma_wait3A_96 : memref<1x2x128xi32, #tpu.memory_space<hbm>> -> memref<2x128xi32, #tpu.memory_space<hbm>>
    tpu.wait_dma2 semaphore(%arg18 : memref<!tpu.dma_semaphore, #tpu.memory_space<semaphore_mem>>) src(%dma_wait3A_97 : memref<2x128xi32, #tpu.memory_space<hbm>>) dst(%arg8 : memref<2x128xi32, #tpu.memory_space<vmem>>)
    %dma_start3A_98 = arith.constant 0 : i32
    %dma_start3A_99 = arith.constant 0 : i32
    %dma_start3A_100 = tpu.memref_slice %arg8[%dma_start3A_98, %dma_start3A_99] : memref<2x128xi32, #tpu.memory_space<vmem>> -> memref<1x128xi32, #tpu.memory_space<vmem>>
    %dma_start3A_101 = tpu.memref_squeeze %dma_start3A_100 : memref<1x128xi32, #tpu.memory_space<vmem>> -> memref<128xi32, #tpu.memory_space<vmem>>
    %dma_start3A_102 = arith.constant 0 : i32
    %dma_start3A_103 = arith.constant 0 : i32
    %dma_start3A_104 = tpu.memref_slice %arg2[%dma_start3A_102, %dma_start3A_103] : memref<30000x128xf32, #tpu.memory_space<hbm>> -> memref<30000x128xf32, #tpu.memory_space<hbm>>
    tpu.enqueue_indirect_dma source(%dma_start3A_104 : memref<30000x128xf32, #tpu.memory_space<hbm>>) target(%arg14 : memref<128x128xf32, #tpu.memory_space<vmem>>) offsets(%dma_start3A_101 : memref<128xi32, #tpu.memory_space<vmem>>) semaphore(%arg24 : memref<!tpu.dma_semaphore, #tpu.memory_space<semaphore_mem>>)
    %dma_wait3A_105 = arith.constant 0 : i32
    %dma_wait3A_106 = arith.constant 0 : i32
    %dma_wait3A_107 = tpu.memref_slice %arg6[%dma_wait3A_105, %dma_wait3A_106] : memref<2x128xi32, #tpu.memory_space<vmem>> -> memref<1x128xi32, #tpu.memory_space<vmem>>
    %dma_wait3A_108 = tpu.memref_squeeze %dma_wait3A_107 : memref<1x128xi32, #tpu.memory_space<vmem>> -> memref<128xi32, #tpu.memory_space<vmem>>
    %dma_wait3A_109 = arith.constant 0 : i32
    %dma_wait3A_110 = arith.constant 0 : i32
    %dma_wait3A_111 = tpu.memref_slice %arg2[%dma_wait3A_109, %dma_wait3A_110] : memref<30000x128xf32, #tpu.memory_space<hbm>> -> memref<30000x128xf32, #tpu.memory_space<hbm>>
    tpu.wait_indirect_dma semaphore(%arg22 : memref<!tpu.dma_semaphore, #tpu.memory_space<semaphore_mem>>) src(%dma_wait3A_111 : memref<30000x128xf32, #tpu.memory_space<hbm>>) dst(%arg12 : memref<128x128xf32, #tpu.memory_space<vmem>>)
    %dma_start3A_112 = arith.constant 1 : i32
    %dma_start3A_113 = arith.constant 0 : i32
    %dma_start3A_114 = tpu.memref_slice %arg6[%dma_start3A_112, %dma_start3A_113] : memref<2x128xi32, #tpu.memory_space<vmem>> -> memref<1x128xi32, #tpu.memory_space<vmem>>
    %dma_start3A_115 = tpu.memref_squeeze %dma_start3A_114 : memref<1x128xi32, #tpu.memory_space<vmem>> -> memref<128xi32, #tpu.memory_space<vmem>>
    %dma_start3A_116 = arith.constant 0 : i32
    %dma_start3A_117 = arith.constant 0 : i32
    %dma_start3A_118 = tpu.memref_slice %arg15[%dma_start3A_116, %dma_start3A_117] : memref<10032x128xf32, #tpu.memory_space<vmem_shared>> -> memref<10032x128xf32, #tpu.memory_space<vmem_shared>>
    tpu.enqueue_indirect_dma source(%arg12 : memref<128x128xf32, #tpu.memory_space<vmem>>) target(%dma_start3A_118 : memref<10032x128xf32, #tpu.memory_space<vmem_shared>>) offsets(%dma_start3A_115 : memref<128xi32, #tpu.memory_space<vmem>>) semaphore(%arg25 : memref<!tpu.dma_semaphore, #tpu.memory_space<semaphore_mem>>) {add = true}
    %add3A_119 = arith.constant 5 : i32
    %add3A_120 = arith.addi %mul3A_2, %add3A_119 : i32
    %dma_start3A_121 = arith.constant 0 : i32
    %dma_start3A_122 = arith.constant 0 : i32
    %dma_start3A_123 = tpu.memref_slice %arg3[%add3A_120, %dma_start3A_121, %dma_start3A_122] : memref<2560x2x128xi32, #tpu.memory_space<hbm>> -> memref<1x2x128xi32, #tpu.memory_space<hbm>>
    %dma_start3A_124 = tpu.memref_squeeze %dma_start3A_123 : memref<1x2x128xi32, #tpu.memory_space<hbm>> -> memref<2x128xi32, #tpu.memory_space<hbm>>
    %dma_start3A_125 = arith.constant 0 : i32
    %dma_start3A_126 = arith.constant 0 : i32
    %dma_start3A_127 = tpu.memref_slice %arg3[%add3A_120, %dma_start3A_125, %dma_start3A_126] : memref<2560x2x128xi32, #tpu.memory_space<hbm>> -> memref<1x2x128xi32, #tpu.memory_space<hbm>>
    %dma_start3A_128 = tpu.memref_squeeze %dma_start3A_127 : memref<1x2x128xi32, #tpu.memory_space<hbm>> -> memref<2x128xi32, #tpu.memory_space<hbm>>
    tpu.enqueue_dma source(%dma_start3A_128 : memref<2x128xi32, #tpu.memory_space<hbm>>) target(%arg11 : memref<2x128xi32, #tpu.memory_space<vmem>>) target_semaphore(%arg21 : memref<!tpu.dma_semaphore, #tpu.memory_space<semaphore_mem>>)
    %dma_wait3A_129 = arith.constant 1 : i32
    %dma_wait3A_130 = arith.constant 0 : i32
    %dma_wait3A_131 = tpu.memref_slice %arg6[%dma_wait3A_129, %dma_wait3A_130] : memref<2x128xi32, #tpu.memory_space<vmem>> -> memref<1x128xi32, #tpu.memory_space<vmem>>
    %dma_wait3A_132 = tpu.memref_squeeze %dma_wait3A_131 : memref<1x128xi32, #tpu.memory_space<vmem>> -> memref<128xi32, #tpu.memory_space<vmem>>
    %dma_wait3A_133 = arith.constant 0 : i32
    %dma_wait3A_134 = arith.constant 0 : i32
    %dma_wait3A_135 = tpu.memref_slice %arg15[%dma_wait3A_133, %dma_wait3A_134] : memref<10032x128xf32, #tpu.memory_space<vmem_shared>> -> memref<10032x128xf32, #tpu.memory_space<vmem_shared>>
    tpu.wait_indirect_dma semaphore(%arg25 : memref<!tpu.dma_semaphore, #tpu.memory_space<semaphore_mem>>) src(%arg12 : memref<128x128xf32, #tpu.memory_space<vmem>>) dst(%dma_wait3A_135 : memref<10032x128xf32, #tpu.memory_space<vmem_shared>>)
    %add3A_136 = arith.constant 3 : i32
    %add3A_137 = arith.addi %mul3A_2, %add3A_136 : i32
    %dma_wait3A_138 = arith.constant 0 : i32
    %dma_wait3A_139 = arith.constant 0 : i32
    %dma_wait3A_140 = tpu.memref_slice %arg3[%add3A_137, %dma_wait3A_138, %dma_wait3A_139] : memref<2560x2x128xi32, #tpu.memory_space<hbm>> -> memref<1x2x128xi32, #tpu.memory_space<hbm>>
    %dma_wait3A_141 = tpu.memref_squeeze %dma_wait3A_140 : memref<1x2x128xi32, #tpu.memory_space<hbm>> -> memref<2x128xi32, #tpu.memory_space<hbm>>
    %dma_wait3A_142 = arith.constant 0 : i32
    %dma_wait3A_143 = arith.constant 0 : i32
    %dma_wait3A_144 = tpu.memref_slice %arg3[%add3A_137, %dma_wait3A_142, %dma_wait3A_143] : memref<2560x2x128xi32, #tpu.memory_space<hbm>> -> memref<1x2x128xi32, #tpu.memory_space<hbm>>
    %dma_wait3A_145 = tpu.memref_squeeze %dma_wait3A_144 : memref<1x2x128xi32, #tpu.memory_space<hbm>> -> memref<2x128xi32, #tpu.memory_space<hbm>>
    tpu.wait_dma2 semaphore(%arg19 : memref<!tpu.dma_semaphore, #tpu.memory_space<semaphore_mem>>) src(%dma_wait3A_145 : memref<2x128xi32, #tpu.memory_space<hbm>>) dst(%arg9 : memref<2x128xi32, #tpu.memory_space<vmem>>)
    %dma_start3A_146 = arith.constant 0 : i32
    %dma_start3A_147 = arith.constant 0 : i32
    %dma_start3A_148 = tpu.memref_slice %arg9[%dma_start3A_146, %dma_start3A_147] : memref<2x128xi32, #tpu.memory_space<vmem>> -> memref<1x128xi32, #tpu.memory_space<vmem>>
    %dma_start3A_149 = tpu.memref_squeeze %dma_start3A_148 : memref<1x128xi32, #tpu.memory_space<vmem>> -> memref<128xi32, #tpu.memory_space<vmem>>
    %dma_start3A_150 = arith.constant 0 : i32
    %dma_start3A_151 = arith.constant 0 : i32
    %dma_start3A_152 = tpu.memref_slice %arg2[%dma_start3A_150, %dma_start3A_151] : memref<30000x128xf32, #tpu.memory_space<hbm>> -> memref<30000x128xf32, #tpu.memory_space<hbm>>
    tpu.enqueue_indirect_dma source(%dma_start3A_152 : memref<30000x128xf32, #tpu.memory_space<hbm>>) target(%arg12 : memref<128x128xf32, #tpu.memory_space<vmem>>) offsets(%dma_start3A_149 : memref<128xi32, #tpu.memory_space<vmem>>) semaphore(%arg22 : memref<!tpu.dma_semaphore, #tpu.memory_space<semaphore_mem>>)
    %dma_wait3A_153 = arith.constant 0 : i32
    %dma_wait3A_154 = arith.constant 0 : i32
    %dma_wait3A_155 = tpu.memref_slice %arg7[%dma_wait3A_153, %dma_wait3A_154] : memref<2x128xi32, #tpu.memory_space<vmem>> -> memref<1x128xi32, #tpu.memory_space<vmem>>
    %dma_wait3A_156 = tpu.memref_squeeze %dma_wait3A_155 : memref<1x128xi32, #tpu.memory_space<vmem>> -> memref<128xi32, #tpu.memory_space<vmem>>
    %dma_wait3A_157 = arith.constant 0 : i32
    %dma_wait3A_158 = arith.constant 0 : i32
    %dma_wait3A_159 = tpu.memref_slice %arg2[%dma_wait3A_157, %dma_wait3A_158] : memref<30000x128xf32, #tpu.memory_space<hbm>> -> memref<30000x128xf32, #tpu.memory_space<hbm>>
    tpu.wait_indirect_dma semaphore(%arg23 : memref<!tpu.dma_semaphore, #tpu.memory_space<semaphore_mem>>) src(%dma_wait3A_159 : memref<30000x128xf32, #tpu.memory_space<hbm>>) dst(%arg13 : memref<128x128xf32, #tpu.memory_space<vmem>>)
    %dma_start3A_160 = arith.constant 1 : i32
    %dma_start3A_161 = arith.constant 0 : i32
    %dma_start3A_162 = tpu.memref_slice %arg7[%dma_start3A_160, %dma_start3A_161] : memref<2x128xi32, #tpu.memory_space<vmem>> -> memref<1x128xi32, #tpu.memory_space<vmem>>
    %dma_start3A_163 = tpu.memref_squeeze %dma_start3A_162 : memref<1x128xi32, #tpu.memory_space<vmem>> -> memref<128xi32, #tpu.memory_space<vmem>>
    %dma_start3A_164 = arith.constant 0 : i32
    %dma_start3A_165 = arith.constant 0 : i32
    %dma_start3A_166 = tpu.memref_slice %arg15[%dma_start3A_164, %dma_start3A_165] : memref<10032x128xf32, #tpu.memory_space<vmem_shared>> -> memref<10032x128xf32, #tpu.memory_space<vmem_shared>>
    tpu.enqueue_indirect_dma source(%arg13 : memref<128x128xf32, #tpu.memory_space<vmem>>) target(%dma_start3A_166 : memref<10032x128xf32, #tpu.memory_space<vmem_shared>>) offsets(%dma_start3A_163 : memref<128xi32, #tpu.memory_space<vmem>>) semaphore(%arg26 : memref<!tpu.dma_semaphore, #tpu.memory_space<semaphore_mem>>) {add = true}
    %add3A_167 = arith.constant 6 : i32
    %add3A_168 = arith.addi %mul3A_2, %add3A_167 : i32
    %dma_start3A_169 = arith.constant 0 : i32
    %dma_start3A_170 = arith.constant 0 : i32
    %dma_start3A_171 = tpu.memref_slice %arg3[%add3A_168, %dma_start3A_169, %dma_start3A_170] : memref<2560x2x128xi32, #tpu.memory_space<hbm>> -> memref<1x2x128xi32, #tpu.memory_space<hbm>>
    %dma_start3A_172 = tpu.memref_squeeze %dma_start3A_171 : memref<1x2x128xi32, #tpu.memory_space<hbm>> -> memref<2x128xi32, #tpu.memory_space<hbm>>
    %dma_start3A_173 = arith.constant 0 : i32
    %dma_start3A_174 = arith.constant 0 : i32
    %dma_start3A_175 = tpu.memref_slice %arg3[%add3A_168, %dma_start3A_173, %dma_start3A_174] : memref<2560x2x128xi32, #tpu.memory_space<hbm>> -> memref<1x2x128xi32, #tpu.memory_space<hbm>>
    %dma_start3A_176 = tpu.memref_squeeze %dma_start3A_175 : memref<1x2x128xi32, #tpu.memory_space<hbm>> -> memref<2x128xi32, #tpu.memory_space<hbm>>
    tpu.enqueue_dma source(%dma_start3A_176 : memref<2x128xi32, #tpu.memory_space<hbm>>) target(%arg6 : memref<2x128xi32, #tpu.memory_space<vmem>>) target_semaphore(%arg16 : memref<!tpu.dma_semaphore, #tpu.memory_space<semaphore_mem>>)
    %dma_wait3A_177 = arith.constant 1 : i32
    %dma_wait3A_178 = arith.constant 0 : i32
    %dma_wait3A_179 = tpu.memref_slice %arg7[%dma_wait3A_177, %dma_wait3A_178] : memref<2x128xi32, #tpu.memory_space<vmem>> -> memref<1x128xi32, #tpu.memory_space<vmem>>
    %dma_wait3A_180 = tpu.memref_squeeze %dma_wait3A_179 : memref<1x128xi32, #tpu.memory_space<vmem>> -> memref<128xi32, #tpu.memory_space<vmem>>
    %dma_wait3A_181 = arith.constant 0 : i32
    %dma_wait3A_182 = arith.constant 0 : i32
    %dma_wait3A_183 = tpu.memref_slice %arg15[%dma_wait3A_181, %dma_wait3A_182] : memref<10032x128xf32, #tpu.memory_space<vmem_shared>> -> memref<10032x128xf32, #tpu.memory_space<vmem_shared>>
    tpu.wait_indirect_dma semaphore(%arg26 : memref<!tpu.dma_semaphore, #tpu.memory_space<semaphore_mem>>) src(%arg13 : memref<128x128xf32, #tpu.memory_space<vmem>>) dst(%dma_wait3A_183 : memref<10032x128xf32, #tpu.memory_space<vmem_shared>>)
    %add3A_184 = arith.constant 4 : i32
    %add3A_185 = arith.addi %mul3A_2, %add3A_184 : i32
    %dma_wait3A_186 = arith.constant 0 : i32
    %dma_wait3A_187 = arith.constant 0 : i32
    %dma_wait3A_188 = tpu.memref_slice %arg3[%add3A_185, %dma_wait3A_186, %dma_wait3A_187] : memref<2560x2x128xi32, #tpu.memory_space<hbm>> -> memref<1x2x128xi32, #tpu.memory_space<hbm>>
    %dma_wait3A_189 = tpu.memref_squeeze %dma_wait3A_188 : memref<1x2x128xi32, #tpu.memory_space<hbm>> -> memref<2x128xi32, #tpu.memory_space<hbm>>
    %dma_wait3A_190 = arith.constant 0 : i32
    %dma_wait3A_191 = arith.constant 0 : i32
    %dma_wait3A_192 = tpu.memref_slice %arg3[%add3A_185, %dma_wait3A_190, %dma_wait3A_191] : memref<2560x2x128xi32, #tpu.memory_space<hbm>> -> memref<1x2x128xi32, #tpu.memory_space<hbm>>
    %dma_wait3A_193 = tpu.memref_squeeze %dma_wait3A_192 : memref<1x2x128xi32, #tpu.memory_space<hbm>> -> memref<2x128xi32, #tpu.memory_space<hbm>>
    tpu.wait_dma2 semaphore(%arg20 : memref<!tpu.dma_semaphore, #tpu.memory_space<semaphore_mem>>) src(%dma_wait3A_193 : memref<2x128xi32, #tpu.memory_space<hbm>>) dst(%arg10 : memref<2x128xi32, #tpu.memory_space<vmem>>)
    %dma_start3A_194 = arith.constant 0 : i32
    %dma_start3A_195 = arith.constant 0 : i32
    %dma_start3A_196 = tpu.memref_slice %arg10[%dma_start3A_194, %dma_start3A_195] : memref<2x128xi32, #tpu.memory_space<vmem>> -> memref<1x128xi32, #tpu.memory_space<vmem>>
    %dma_start3A_197 = tpu.memref_squeeze %dma_start3A_196 : memref<1x128xi32, #tpu.memory_space<vmem>> -> memref<128xi32, #tpu.memory_space<vmem>>
    %dma_start3A_198 = arith.constant 0 : i32
    %dma_start3A_199 = arith.constant 0 : i32
    %dma_start3A_200 = tpu.memref_slice %arg2[%dma_start3A_198, %dma_start3A_199] : memref<30000x128xf32, #tpu.memory_space<hbm>> -> memref<30000x128xf32, #tpu.memory_space<hbm>>
    tpu.enqueue_indirect_dma source(%dma_start3A_200 : memref<30000x128xf32, #tpu.memory_space<hbm>>) target(%arg13 : memref<128x128xf32, #tpu.memory_space<vmem>>) offsets(%dma_start3A_197 : memref<128xi32, #tpu.memory_space<vmem>>) semaphore(%arg23 : memref<!tpu.dma_semaphore, #tpu.memory_space<semaphore_mem>>)
    %dma_wait3A_201 = arith.constant 0 : i32
    %dma_wait3A_202 = arith.constant 0 : i32
    %dma_wait3A_203 = tpu.memref_slice %arg8[%dma_wait3A_201, %dma_wait3A_202] : memref<2x128xi32, #tpu.memory_space<vmem>> -> memref<1x128xi32, #tpu.memory_space<vmem>>
    %dma_wait3A_204 = tpu.memref_squeeze %dma_wait3A_203 : memref<1x128xi32, #tpu.memory_space<vmem>> -> memref<128xi32, #tpu.memory_space<vmem>>
    %dma_wait3A_205 = arith.constant 0 : i32
    %dma_wait3A_206 = arith.constant 0 : i32
    %dma_wait3A_207 = tpu.memref_slice %arg2[%dma_wait3A_205, %dma_wait3A_206] : memref<30000x128xf32, #tpu.memory_space<hbm>> -> memref<30000x128xf32, #tpu.memory_space<hbm>>
    tpu.wait_indirect_dma semaphore(%arg24 : memref<!tpu.dma_semaphore, #tpu.memory_space<semaphore_mem>>) src(%dma_wait3A_207 : memref<30000x128xf32, #tpu.memory_space<hbm>>) dst(%arg14 : memref<128x128xf32, #tpu.memory_space<vmem>>)
    %dma_start3A_208 = arith.constant 1 : i32
    %dma_start3A_209 = arith.constant 0 : i32
    %dma_start3A_210 = tpu.memref_slice %arg8[%dma_start3A_208, %dma_start3A_209] : memref<2x128xi32, #tpu.memory_space<vmem>> -> memref<1x128xi32, #tpu.memory_space<vmem>>
    %dma_start3A_211 = tpu.memref_squeeze %dma_start3A_210 : memref<1x128xi32, #tpu.memory_space<vmem>> -> memref<128xi32, #tpu.memory_space<vmem>>
    %dma_start3A_212 = arith.constant 0 : i32
    %dma_start3A_213 = arith.constant 0 : i32
    %dma_start3A_214 = tpu.memref_slice %arg15[%dma_start3A_212, %dma_start3A_213] : memref<10032x128xf32, #tpu.memory_space<vmem_shared>> -> memref<10032x128xf32, #tpu.memory_space<vmem_shared>>
    tpu.enqueue_indirect_dma source(%arg14 : memref<128x128xf32, #tpu.memory_space<vmem>>) target(%dma_start3A_214 : memref<10032x128xf32, #tpu.memory_space<vmem_shared>>) offsets(%dma_start3A_211 : memref<128xi32, #tpu.memory_space<vmem>>) semaphore(%arg27 : memref<!tpu.dma_semaphore, #tpu.memory_space<semaphore_mem>>) {add = true}
    %add3A_215 = arith.constant 7 : i32
    %add3A_216 = arith.addi %mul3A_2, %add3A_215 : i32
    %dma_start3A_217 = arith.constant 0 : i32
    %dma_start3A_218 = arith.constant 0 : i32
    %dma_start3A_219 = tpu.memref_slice %arg3[%add3A_216, %dma_start3A_217, %dma_start3A_218] : memref<2560x2x128xi32, #tpu.memory_space<hbm>> -> memref<1x2x128xi32, #tpu.memory_space<hbm>>
    %dma_start3A_220 = tpu.memref_squeeze %dma_start3A_219 : memref<1x2x128xi32, #tpu.memory_space<hbm>> -> memref<2x128xi32, #tpu.memory_space<hbm>>
    %dma_start3A_221 = arith.constant 0 : i32
    %dma_start3A_222 = arith.constant 0 : i32
    %dma_start3A_223 = tpu.memref_slice %arg3[%add3A_216, %dma_start3A_221, %dma_start3A_222] : memref<2560x2x128xi32, #tpu.memory_space<hbm>> -> memref<1x2x128xi32, #tpu.memory_space<hbm>>
    %dma_start3A_224 = tpu.memref_squeeze %dma_start3A_223 : memref<1x2x128xi32, #tpu.memory_space<hbm>> -> memref<2x128xi32, #tpu.memory_space<hbm>>
    tpu.enqueue_dma source(%dma_start3A_224 : memref<2x128xi32, #tpu.memory_space<hbm>>) target(%arg7 : memref<2x128xi32, #tpu.memory_space<vmem>>) target_semaphore(%arg17 : memref<!tpu.dma_semaphore, #tpu.memory_space<semaphore_mem>>)
    %dma_wait3A_225 = arith.constant 1 : i32
    %dma_wait3A_226 = arith.constant 0 : i32
    %dma_wait3A_227 = tpu.memref_slice %arg8[%dma_wait3A_225, %dma_wait3A_226] : memref<2x128xi32, #tpu.memory_space<vmem>> -> memref<1x128xi32, #tpu.memory_space<vmem>>
    %dma_wait3A_228 = tpu.memref_squeeze %dma_wait3A_227 : memref<1x128xi32, #tpu.memory_space<vmem>> -> memref<128xi32, #tpu.memory_space<vmem>>
    %dma_wait3A_229 = arith.constant 0 : i32
    %dma_wait3A_230 = arith.constant 0 : i32
    %dma_wait3A_231 = tpu.memref_slice %arg15[%dma_wait3A_229, %dma_wait3A_230] : memref<10032x128xf32, #tpu.memory_space<vmem_shared>> -> memref<10032x128xf32, #tpu.memory_space<vmem_shared>>
    tpu.wait_indirect_dma semaphore(%arg27 : memref<!tpu.dma_semaphore, #tpu.memory_space<semaphore_mem>>) src(%arg14 : memref<128x128xf32, #tpu.memory_space<vmem>>) dst(%dma_wait3A_231 : memref<10032x128xf32, #tpu.memory_space<vmem_shared>>)
    %add3A_232 = arith.constant 5 : i32
    %add3A_233 = arith.addi %mul3A_2, %add3A_232 : i32
    %dma_wait3A_234 = arith.constant 0 : i32
    %dma_wait3A_235 = arith.constant 0 : i32
    %dma_wait3A_236 = tpu.memref_slice %arg3[%add3A_233, %dma_wait3A_234, %dma_wait3A_235] : memref<2560x2x128xi32, #tpu.memory_space<hbm>> -> memref<1x2x128xi32, #tpu.memory_space<hbm>>
    %dma_wait3A_237 = tpu.memref_squeeze %dma_wait3A_236 : memref<1x2x128xi32, #tpu.memory_space<hbm>> -> memref<2x128xi32, #tpu.memory_space<hbm>>
    %dma_wait3A_238 = arith.constant 0 : i32
    %dma_wait3A_239 = arith.constant 0 : i32
    %dma_wait3A_240 = tpu.memref_slice %arg3[%add3A_233, %dma_wait3A_238, %dma_wait3A_239] : memref<2560x2x128xi32, #tpu.memory_space<hbm>> -> memref<1x2x128xi32, #tpu.memory_space<hbm>>
    %dma_wait3A_241 = tpu.memref_squeeze %dma_wait3A_240 : memref<1x2x128xi32, #tpu.memory_space<hbm>> -> memref<2x128xi32, #tpu.memory_space<hbm>>
    tpu.wait_dma2 semaphore(%arg21 : memref<!tpu.dma_semaphore, #tpu.memory_space<semaphore_mem>>) src(%dma_wait3A_241 : memref<2x128xi32, #tpu.memory_space<hbm>>) dst(%arg11 : memref<2x128xi32, #tpu.memory_space<vmem>>)
    %dma_start3A_242 = arith.constant 0 : i32
    %dma_start3A_243 = arith.constant 0 : i32
    %dma_start3A_244 = tpu.memref_slice %arg11[%dma_start3A_242, %dma_start3A_243] : memref<2x128xi32, #tpu.memory_space<vmem>> -> memref<1x128xi32, #tpu.memory_space<vmem>>
    %dma_start3A_245 = tpu.memref_squeeze %dma_start3A_244 : memref<1x128xi32, #tpu.memory_space<vmem>> -> memref<128xi32, #tpu.memory_space<vmem>>
    %dma_start3A_246 = arith.constant 0 : i32
    %dma_start3A_247 = arith.constant 0 : i32
    %dma_start3A_248 = tpu.memref_slice %arg2[%dma_start3A_246, %dma_start3A_247] : memref<30000x128xf32, #tpu.memory_space<hbm>> -> memref<30000x128xf32, #tpu.memory_space<hbm>>
    tpu.enqueue_indirect_dma source(%dma_start3A_248 : memref<30000x128xf32, #tpu.memory_space<hbm>>) target(%arg14 : memref<128x128xf32, #tpu.memory_space<vmem>>) offsets(%dma_start3A_245 : memref<128xi32, #tpu.memory_space<vmem>>) semaphore(%arg24 : memref<!tpu.dma_semaphore, #tpu.memory_space<semaphore_mem>>)
    %dma_wait3A_249 = arith.constant 0 : i32
    %dma_wait3A_250 = arith.constant 0 : i32
    %dma_wait3A_251 = tpu.memref_slice %arg9[%dma_wait3A_249, %dma_wait3A_250] : memref<2x128xi32, #tpu.memory_space<vmem>> -> memref<1x128xi32, #tpu.memory_space<vmem>>
    %dma_wait3A_252 = tpu.memref_squeeze %dma_wait3A_251 : memref<1x128xi32, #tpu.memory_space<vmem>> -> memref<128xi32, #tpu.memory_space<vmem>>
    %dma_wait3A_253 = arith.constant 0 : i32
    %dma_wait3A_254 = arith.constant 0 : i32
    %dma_wait3A_255 = tpu.memref_slice %arg2[%dma_wait3A_253, %dma_wait3A_254] : memref<30000x128xf32, #tpu.memory_space<hbm>> -> memref<30000x128xf32, #tpu.memory_space<hbm>>
    tpu.wait_indirect_dma semaphore(%arg22 : memref<!tpu.dma_semaphore, #tpu.memory_space<semaphore_mem>>) src(%dma_wait3A_255 : memref<30000x128xf32, #tpu.memory_space<hbm>>) dst(%arg12 : memref<128x128xf32, #tpu.memory_space<vmem>>)
    %dma_start3A_256 = arith.constant 1 : i32
    %dma_start3A_257 = arith.constant 0 : i32
    %dma_start3A_258 = tpu.memref_slice %arg9[%dma_start3A_256, %dma_start3A_257] : memref<2x128xi32, #tpu.memory_space<vmem>> -> memref<1x128xi32, #tpu.memory_space<vmem>>
    %dma_start3A_259 = tpu.memref_squeeze %dma_start3A_258 : memref<1x128xi32, #tpu.memory_space<vmem>> -> memref<128xi32, #tpu.memory_space<vmem>>
    %dma_start3A_260 = arith.constant 0 : i32
    %dma_start3A_261 = arith.constant 0 : i32
    %dma_start3A_262 = tpu.memref_slice %arg15[%dma_start3A_260, %dma_start3A_261] : memref<10032x128xf32, #tpu.memory_space<vmem_shared>> -> memref<10032x128xf32, #tpu.memory_space<vmem_shared>>
    tpu.enqueue_indirect_dma source(%arg12 : memref<128x128xf32, #tpu.memory_space<vmem>>) target(%dma_start3A_262 : memref<10032x128xf32, #tpu.memory_space<vmem_shared>>) offsets(%dma_start3A_259 : memref<128xi32, #tpu.memory_space<vmem>>) semaphore(%arg25 : memref<!tpu.dma_semaphore, #tpu.memory_space<semaphore_mem>>) {add = true}
    %add3A_263 = arith.constant 8 : i32
    %add3A_264 = arith.addi %mul3A_2, %add3A_263 : i32
    %dma_start3A_265 = arith.constant 0 : i32
    %dma_start3A_266 = arith.constant 0 : i32
    %dma_start3A_267 = tpu.memref_slice %arg3[%add3A_264, %dma_start3A_265, %dma_start3A_266] : memref<2560x2x128xi32, #tpu.memory_space<hbm>> -> memref<1x2x128xi32, #tpu.memory_space<hbm>>
    %dma_start3A_268 = tpu.memref_squeeze %dma_start3A_267 : memref<1x2x128xi32, #tpu.memory_space<hbm>> -> memref<2x128xi32, #tpu.memory_space<hbm>>
    %dma_start3A_269 = arith.constant 0 : i32
    %dma_start3A_270 = arith.constant 0 : i32
    %dma_start3A_271 = tpu.memref_slice %arg3[%add3A_264, %dma_start3A_269, %dma_start3A_270] : memref<2560x2x128xi32, #tpu.memory_space<hbm>> -> memref<1x2x128xi32, #tpu.memory_space<hbm>>
    %dma_start3A_272 = tpu.memref_squeeze %dma_start3A_271 : memref<1x2x128xi32, #tpu.memory_space<hbm>> -> memref<2x128xi32, #tpu.memory_space<hbm>>
    tpu.enqueue_dma source(%dma_start3A_272 : memref<2x128xi32, #tpu.memory_space<hbm>>) target(%arg8 : memref<2x128xi32, #tpu.memory_space<vmem>>) target_semaphore(%arg18 : memref<!tpu.dma_semaphore, #tpu.memory_space<semaphore_mem>>)
    %dma_wait3A_273 = arith.constant 1 : i32
    %dma_wait3A_274 = arith.constant 0 : i32
    %dma_wait3A_275 = tpu.memref_slice %arg9[%dma_wait3A_273, %dma_wait3A_274] : memref<2x128xi32, #tpu.memory_space<vmem>> -> memref<1x128xi32, #tpu.memory_space<vmem>>
    %dma_wait3A_276 = tpu.memref_squeeze %dma_wait3A_275 : memref<1x128xi32, #tpu.memory_space<vmem>> -> memref<128xi32, #tpu.memory_space<vmem>>
    %dma_wait3A_277 = arith.constant 0 : i32
    %dma_wait3A_278 = arith.constant 0 : i32
    %dma_wait3A_279 = tpu.memref_slice %arg15[%dma_wait3A_277, %dma_wait3A_278] : memref<10032x128xf32, #tpu.memory_space<vmem_shared>> -> memref<10032x128xf32, #tpu.memory_space<vmem_shared>>
    tpu.wait_indirect_dma semaphore(%arg25 : memref<!tpu.dma_semaphore, #tpu.memory_space<semaphore_mem>>) src(%arg12 : memref<128x128xf32, #tpu.memory_space<vmem>>) dst(%dma_wait3A_279 : memref<10032x128xf32, #tpu.memory_space<vmem_shared>>)
    %add3A_280 = arith.constant 6 : i32
    %add3A_281 = arith.addi %mul3A_2, %add3A_280 : i32
    %dma_wait3A_282 = arith.constant 0 : i32
    %dma_wait3A_283 = arith.constant 0 : i32
    %dma_wait3A_284 = tpu.memref_slice %arg3[%add3A_281, %dma_wait3A_282, %dma_wait3A_283] : memref<2560x2x128xi32, #tpu.memory_space<hbm>> -> memref<1x2x128xi32, #tpu.memory_space<hbm>>
    %dma_wait3A_285 = tpu.memref_squeeze %dma_wait3A_284 : memref<1x2x128xi32, #tpu.memory_space<hbm>> -> memref<2x128xi32, #tpu.memory_space<hbm>>
    %dma_wait3A_286 = arith.constant 0 : i32
    %dma_wait3A_287 = arith.constant 0 : i32
    %dma_wait3A_288 = tpu.memref_slice %arg3[%add3A_281, %dma_wait3A_286, %dma_wait3A_287] : memref<2560x2x128xi32, #tpu.memory_space<hbm>> -> memref<1x2x128xi32, #tpu.memory_space<hbm>>
    %dma_wait3A_289 = tpu.memref_squeeze %dma_wait3A_288 : memref<1x2x128xi32, #tpu.memory_space<hbm>> -> memref<2x128xi32, #tpu.memory_space<hbm>>
    tpu.wait_dma2 semaphore(%arg16 : memref<!tpu.dma_semaphore, #tpu.memory_space<semaphore_mem>>) src(%dma_wait3A_289 : memref<2x128xi32, #tpu.memory_space<hbm>>) dst(%arg6 : memref<2x128xi32, #tpu.memory_space<vmem>>)
    %dma_start3A_290 = arith.constant 0 : i32
    %dma_start3A_291 = arith.constant 0 : i32
    %dma_start3A_292 = tpu.memref_slice %arg6[%dma_start3A_290, %dma_start3A_291] : memref<2x128xi32, #tpu.memory_space<vmem>> -> memref<1x128xi32, #tpu.memory_space<vmem>>
    %dma_start3A_293 = tpu.memref_squeeze %dma_start3A_292 : memref<1x128xi32, #tpu.memory_space<vmem>> -> memref<128xi32, #tpu.memory_space<vmem>>
    %dma_start3A_294 = arith.constant 0 : i32
    %dma_start3A_295 = arith.constant 0 : i32
    %dma_start3A_296 = tpu.memref_slice %arg2[%dma_start3A_294, %dma_start3A_295] : memref<30000x128xf32, #tpu.memory_space<hbm>> -> memref<30000x128xf32, #tpu.memory_space<hbm>>
    tpu.enqueue_indirect_dma source(%dma_start3A_296 : memref<30000x128xf32, #tpu.memory_space<hbm>>) target(%arg12 : memref<128x128xf32, #tpu.memory_space<vmem>>) offsets(%dma_start3A_293 : memref<128xi32, #tpu.memory_space<vmem>>) semaphore(%arg22 : memref<!tpu.dma_semaphore, #tpu.memory_space<semaphore_mem>>)
    %dma_wait3A_297 = arith.constant 0 : i32
    %dma_wait3A_298 = arith.constant 0 : i32
    %dma_wait3A_299 = tpu.memref_slice %arg10[%dma_wait3A_297, %dma_wait3A_298] : memref<2x128xi32, #tpu.memory_space<vmem>> -> memref<1x128xi32, #tpu.memory_space<vmem>>
    %dma_wait3A_300 = tpu.memref_squeeze %dma_wait3A_299 : memref<1x128xi32, #tpu.memory_space<vmem>> -> memref<128xi32, #tpu.memory_space<vmem>>
    %dma_wait3A_301 = arith.constant 0 : i32
    %dma_wait3A_302 = arith.constant 0 : i32
    %dma_wait3A_303 = tpu.memref_slice %arg2[%dma_wait3A_301, %dma_wait3A_302] : memref<30000x128xf32, #tpu.memory_space<hbm>> -> memref<30000x128xf32, #tpu.memory_space<hbm>>
    tpu.wait_indirect_dma semaphore(%arg23 : memref<!tpu.dma_semaphore, #tpu.memory_space<semaphore_mem>>) src(%dma_wait3A_303 : memref<30000x128xf32, #tpu.memory_space<hbm>>) dst(%arg13 : memref<128x128xf32, #tpu.memory_space<vmem>>)
    %dma_start3A_304 = arith.constant 1 : i32
    %dma_start3A_305 = arith.constant 0 : i32
    %dma_start3A_306 = tpu.memref_slice %arg10[%dma_start3A_304, %dma_start3A_305] : memref<2x128xi32, #tpu.memory_space<vmem>> -> memref<1x128xi32, #tpu.memory_space<vmem>>
    %dma_start3A_307 = tpu.memref_squeeze %dma_start3A_306 : memref<1x128xi32, #tpu.memory_space<vmem>> -> memref<128xi32, #tpu.memory_space<vmem>>
    %dma_start3A_308 = arith.constant 0 : i32
    %dma_start3A_309 = arith.constant 0 : i32
    %dma_start3A_310 = tpu.memref_slice %arg15[%dma_start3A_308, %dma_start3A_309] : memref<10032x128xf32, #tpu.memory_space<vmem_shared>> -> memref<10032x128xf32, #tpu.memory_space<vmem_shared>>
    tpu.enqueue_indirect_dma source(%arg13 : memref<128x128xf32, #tpu.memory_space<vmem>>) target(%dma_start3A_310 : memref<10032x128xf32, #tpu.memory_space<vmem_shared>>) offsets(%dma_start3A_307 : memref<128xi32, #tpu.memory_space<vmem>>) semaphore(%arg26 : memref<!tpu.dma_semaphore, #tpu.memory_space<semaphore_mem>>) {add = true}
    %add3A_311 = arith.constant 9 : i32
    %add3A_312 = arith.addi %mul3A_2, %add3A_311 : i32
    %dma_start3A_313 = arith.constant 0 : i32
    %dma_start3A_314 = arith.constant 0 : i32
    %dma_start3A_315 = tpu.memref_slice %arg3[%add3A_312, %dma_start3A_313, %dma_start3A_314] : memref<2560x2x128xi32, #tpu.memory_space<hbm>> -> memref<1x2x128xi32, #tpu.memory_space<hbm>>
    %dma_start3A_316 = tpu.memref_squeeze %dma_start3A_315 : memref<1x2x128xi32, #tpu.memory_space<hbm>> -> memref<2x128xi32, #tpu.memory_space<hbm>>
    %dma_start3A_317 = arith.constant 0 : i32
    %dma_start3A_318 = arith.constant 0 : i32
    %dma_start3A_319 = tpu.memref_slice %arg3[%add3A_312, %dma_start3A_317, %dma_start3A_318] : memref<2560x2x128xi32, #tpu.memory_space<hbm>> -> memref<1x2x128xi32, #tpu.memory_space<hbm>>
    %dma_start3A_320 = tpu.memref_squeeze %dma_start3A_319 : memref<1x2x128xi32, #tpu.memory_space<hbm>> -> memref<2x128xi32, #tpu.memory_space<hbm>>
    tpu.enqueue_dma source(%dma_start3A_320 : memref<2x128xi32, #tpu.memory_space<hbm>>) target(%arg9 : memref<2x128xi32, #tpu.memory_space<vmem>>) target_semaphore(%arg19 : memref<!tpu.dma_semaphore, #tpu.memory_space<semaphore_mem>>)
    %dma_wait3A_321 = arith.constant 1 : i32
    %dma_wait3A_322 = arith.constant 0 : i32
    %dma_wait3A_323 = tpu.memref_slice %arg10[%dma_wait3A_321, %dma_wait3A_322] : memref<2x128xi32, #tpu.memory_space<vmem>> -> memref<1x128xi32, #tpu.memory_space<vmem>>
    %dma_wait3A_324 = tpu.memref_squeeze %dma_wait3A_323 : memref<1x128xi32, #tpu.memory_space<vmem>> -> memref<128xi32, #tpu.memory_space<vmem>>
    %dma_wait3A_325 = arith.constant 0 : i32
    %dma_wait3A_326 = arith.constant 0 : i32
    %dma_wait3A_327 = tpu.memref_slice %arg15[%dma_wait3A_325, %dma_wait3A_326] : memref<10032x128xf32, #tpu.memory_space<vmem_shared>> -> memref<10032x128xf32, #tpu.memory_space<vmem_shared>>
    tpu.wait_indirect_dma semaphore(%arg26 : memref<!tpu.dma_semaphore, #tpu.memory_space<semaphore_mem>>) src(%arg13 : memref<128x128xf32, #tpu.memory_space<vmem>>) dst(%dma_wait3A_327 : memref<10032x128xf32, #tpu.memory_space<vmem_shared>>)
    %add3A_328 = arith.constant 7 : i32
    %add3A_329 = arith.addi %mul3A_2, %add3A_328 : i32
    %dma_wait3A_330 = arith.constant 0 : i32
    %dma_wait3A_331 = arith.constant 0 : i32
    %dma_wait3A_332 = tpu.memref_slice %arg3[%add3A_329, %dma_wait3A_330, %dma_wait3A_331] : memref<2560x2x128xi32, #tpu.memory_space<hbm>> -> memref<1x2x128xi32, #tpu.memory_space<hbm>>
    %dma_wait3A_333 = tpu.memref_squeeze %dma_wait3A_332 : memref<1x2x128xi32, #tpu.memory_space<hbm>> -> memref<2x128xi32, #tpu.memory_space<hbm>>
    %dma_wait3A_334 = arith.constant 0 : i32
    %dma_wait3A_335 = arith.constant 0 : i32
    %dma_wait3A_336 = tpu.memref_slice %arg3[%add3A_329, %dma_wait3A_334, %dma_wait3A_335] : memref<2560x2x128xi32, #tpu.memory_space<hbm>> -> memref<1x2x128xi32, #tpu.memory_space<hbm>>
    %dma_wait3A_337 = tpu.memref_squeeze %dma_wait3A_336 : memref<1x2x128xi32, #tpu.memory_space<hbm>> -> memref<2x128xi32, #tpu.memory_space<hbm>>
    tpu.wait_dma2 semaphore(%arg17 : memref<!tpu.dma_semaphore, #tpu.memory_space<semaphore_mem>>) src(%dma_wait3A_337 : memref<2x128xi32, #tpu.memory_space<hbm>>) dst(%arg7 : memref<2x128xi32, #tpu.memory_space<vmem>>)
    %dma_start3A_338 = arith.constant 0 : i32
    %dma_start3A_339 = arith.constant 0 : i32
    %dma_start3A_340 = tpu.memref_slice %arg7[%dma_start3A_338, %dma_start3A_339] : memref<2x128xi32, #tpu.memory_space<vmem>> -> memref<1x128xi32, #tpu.memory_space<vmem>>
    %dma_start3A_341 = tpu.memref_squeeze %dma_start3A_340 : memref<1x128xi32, #tpu.memory_space<vmem>> -> memref<128xi32, #tpu.memory_space<vmem>>
    %dma_start3A_342 = arith.constant 0 : i32
    %dma_start3A_343 = arith.constant 0 : i32
    %dma_start3A_344 = tpu.memref_slice %arg2[%dma_start3A_342, %dma_start3A_343] : memref<30000x128xf32, #tpu.memory_space<hbm>> -> memref<30000x128xf32, #tpu.memory_space<hbm>>
    tpu.enqueue_indirect_dma source(%dma_start3A_344 : memref<30000x128xf32, #tpu.memory_space<hbm>>) target(%arg13 : memref<128x128xf32, #tpu.memory_space<vmem>>) offsets(%dma_start3A_341 : memref<128xi32, #tpu.memory_space<vmem>>) semaphore(%arg23 : memref<!tpu.dma_semaphore, #tpu.memory_space<semaphore_mem>>)
    %dma_wait3A_345 = arith.constant 0 : i32
    %dma_wait3A_346 = arith.constant 0 : i32
    %dma_wait3A_347 = tpu.memref_slice %arg11[%dma_wait3A_345, %dma_wait3A_346] : memref<2x128xi32, #tpu.memory_space<vmem>> -> memref<1x128xi32, #tpu.memory_space<vmem>>
    %dma_wait3A_348 = tpu.memref_squeeze %dma_wait3A_347 : memref<1x128xi32, #tpu.memory_space<vmem>> -> memref<128xi32, #tpu.memory_space<vmem>>
    %dma_wait3A_349 = arith.constant 0 : i32
    %dma_wait3A_350 = arith.constant 0 : i32
    %dma_wait3A_351 = tpu.memref_slice %arg2[%dma_wait3A_349, %dma_wait3A_350] : memref<30000x128xf32, #tpu.memory_space<hbm>> -> memref<30000x128xf32, #tpu.memory_space<hbm>>
    tpu.wait_indirect_dma semaphore(%arg24 : memref<!tpu.dma_semaphore, #tpu.memory_space<semaphore_mem>>) src(%dma_wait3A_351 : memref<30000x128xf32, #tpu.memory_space<hbm>>) dst(%arg14 : memref<128x128xf32, #tpu.memory_space<vmem>>)
    %dma_start3A_352 = arith.constant 1 : i32
    %dma_start3A_353 = arith.constant 0 : i32
    %dma_start3A_354 = tpu.memref_slice %arg11[%dma_start3A_352, %dma_start3A_353] : memref<2x128xi32, #tpu.memory_space<vmem>> -> memref<1x128xi32, #tpu.memory_space<vmem>>
    %dma_start3A_355 = tpu.memref_squeeze %dma_start3A_354 : memref<1x128xi32, #tpu.memory_space<vmem>> -> memref<128xi32, #tpu.memory_space<vmem>>
    %dma_start3A_356 = arith.constant 0 : i32
    %dma_start3A_357 = arith.constant 0 : i32
    %dma_start3A_358 = tpu.memref_slice %arg15[%dma_start3A_356, %dma_start3A_357] : memref<10032x128xf32, #tpu.memory_space<vmem_shared>> -> memref<10032x128xf32, #tpu.memory_space<vmem_shared>>
    tpu.enqueue_indirect_dma source(%arg14 : memref<128x128xf32, #tpu.memory_space<vmem>>) target(%dma_start3A_358 : memref<10032x128xf32, #tpu.memory_space<vmem_shared>>) offsets(%dma_start3A_355 : memref<128xi32, #tpu.memory_space<vmem>>) semaphore(%arg27 : memref<!tpu.dma_semaphore, #tpu.memory_space<semaphore_mem>>) {add = true}
    %add3A_359 = arith.constant 10 : i32
    %add3A_360 = arith.addi %mul3A_2, %add3A_359 : i32
    %dma_start3A_361 = arith.constant 0 : i32
    %dma_start3A_362 = arith.constant 0 : i32
    %dma_start3A_363 = tpu.memref_slice %arg3[%add3A_360, %dma_start3A_361, %dma_start3A_362] : memref<2560x2x128xi32, #tpu.memory_space<hbm>> -> memref<1x2x128xi32, #tpu.memory_space<hbm>>
    %dma_start3A_364 = tpu.memref_squeeze %dma_start3A_363 : memref<1x2x128xi32, #tpu.memory_space<hbm>> -> memref<2x128xi32, #tpu.memory_space<hbm>>
    %dma_start3A_365 = arith.constant 0 : i32
    %dma_start3A_366 = arith.constant 0 : i32
    %dma_start3A_367 = tpu.memref_slice %arg3[%add3A_360, %dma_start3A_365, %dma_start3A_366] : memref<2560x2x128xi32, #tpu.memory_space<hbm>> -> memref<1x2x128xi32, #tpu.memory_space<hbm>>
    %dma_start3A_368 = tpu.memref_squeeze %dma_start3A_367 : memref<1x2x128xi32, #tpu.memory_space<hbm>> -> memref<2x128xi32, #tpu.memory_space<hbm>>
    tpu.enqueue_dma source(%dma_start3A_368 : memref<2x128xi32, #tpu.memory_space<hbm>>) target(%arg10 : memref<2x128xi32, #tpu.memory_space<vmem>>) target_semaphore(%arg20 : memref<!tpu.dma_semaphore, #tpu.memory_space<semaphore_mem>>)
    %scan3A = arith.constant 0 : i32
    %scan3A_369 = arith.constant 1 : i32
    %scan3A_370 = arith.constant 11 : i32
    %scan3A_371 = arith.addi %scan3A_369, %scan3A_370 : i32
    %scan3A_372 = arith.constant 1 : i32
    scf.for %scan3A_682 = %scan3A_369 to %scan3A_371 step %scan3A_372  : i32 {
      %mul3A_683 = arith.constant 6 : i32
      %mul3A_684 = arith.muli %scan3A_682, %mul3A_683 : i32
      %add3A_685 = arith.constant 0 : i32
      %add3A_686 = arith.addi %mul3A_684, %add3A_685 : i32
      %dma_wait3A_687 = arith.constant 1 : i32
      %dma_wait3A_688 = arith.constant 0 : i32
      %dma_wait3A_689 = tpu.memref_slice %arg11[%dma_wait3A_687, %dma_wait3A_688] : memref<2x128xi32, #tpu.memory_space<vmem>> -> memref<1x128xi32, #tpu.memory_space<vmem>>
      %dma_wait3A_690 = tpu.memref_squeeze %dma_wait3A_689 : memref<1x128xi32, #tpu.memory_space<vmem>> -> memref<128xi32, #tpu.memory_space<vmem>>
      %dma_wait3A_691 = arith.constant 0 : i32
      %dma_wait3A_692 = arith.constant 0 : i32
      %dma_wait3A_693 = tpu.memref_slice %arg15[%dma_wait3A_691, %dma_wait3A_692] : memref<10032x128xf32, #tpu.memory_space<vmem_shared>> -> memref<10032x128xf32, #tpu.memory_space<vmem_shared>>
      tpu.wait_indirect_dma semaphore(%arg27 : memref<!tpu.dma_semaphore, #tpu.memory_space<semaphore_mem>>) src(%arg14 : memref<128x128xf32, #tpu.memory_space<vmem>>) dst(%dma_wait3A_693 : memref<10032x128xf32, #tpu.memory_space<vmem_shared>>)
      %add3A_694 = arith.constant 2 : i32
      %add3A_695 = arith.addi %add3A_686, %add3A_694 : i32
      %add3A_696 = arith.addi %mul3A_2, %add3A_695 : i32
      %dma_wait3A_697 = arith.constant 0 : i32
      %dma_wait3A_698 = arith.constant 0 : i32
      %dma_wait3A_699 = tpu.memref_slice %arg3[%add3A_696, %dma_wait3A_697, %dma_wait3A_698] : memref<2560x2x128xi32, #tpu.memory_space<hbm>> -> memref<1x2x128xi32, #tpu.memory_space<hbm>>
      %dma_wait3A_700 = tpu.memref_squeeze %dma_wait3A_699 : memref<1x2x128xi32, #tpu.memory_space<hbm>> -> memref<2x128xi32, #tpu.memory_space<hbm>>
      %dma_wait3A_701 = arith.constant 0 : i32
      %dma_wait3A_702 = arith.constant 0 : i32
      %dma_wait3A_703 = tpu.memref_slice %arg3[%add3A_696, %dma_wait3A_701, %dma_wait3A_702] : memref<2560x2x128xi32, #tpu.memory_space<hbm>> -> memref<1x2x128xi32, #tpu.memory_space<hbm>>
      %dma_wait3A_704 = tpu.memref_squeeze %dma_wait3A_703 : memref<1x2x128xi32, #tpu.memory_space<hbm>> -> memref<2x128xi32, #tpu.memory_space<hbm>>
      tpu.wait_dma2 semaphore(%arg18 : memref<!tpu.dma_semaphore, #tpu.memory_space<semaphore_mem>>) src(%dma_wait3A_704 : memref<2x128xi32, #tpu.memory_space<hbm>>) dst(%arg8 : memref<2x128xi32, #tpu.memory_space<vmem>>)
      %dma_start3A_705 = arith.constant 0 : i32
      %dma_start3A_706 = arith.constant 0 : i32
      %dma_start3A_707 = tpu.memref_slice %arg8[%dma_start3A_705, %dma_start3A_706] : memref<2x128xi32, #tpu.memory_space<vmem>> -> memref<1x128xi32, #tpu.memory_space<vmem>>
      %dma_start3A_708 = tpu.memref_squeeze %dma_start3A_707 : memref<1x128xi32, #tpu.memory_space<vmem>> -> memref<128xi32, #tpu.memory_space<vmem>>
      %dma_start3A_709 = arith.constant 0 : i32
      %dma_start3A_710 = arith.constant 0 : i32
      %dma_start3A_711 = tpu.memref_slice %arg2[%dma_start3A_709, %dma_start3A_710] : memref<30000x128xf32, #tpu.memory_space<hbm>> -> memref<30000x128xf32, #tpu.memory_space<hbm>>
      tpu.enqueue_indirect_dma source(%dma_start3A_711 : memref<30000x128xf32, #tpu.memory_space<hbm>>) target(%arg14 : memref<128x128xf32, #tpu.memory_space<vmem>>) offsets(%dma_start3A_708 : memref<128xi32, #tpu.memory_space<vmem>>) semaphore(%arg24 : memref<!tpu.dma_semaphore, #tpu.memory_space<semaphore_mem>>)
      %dma_wait3A_712 = arith.constant 0 : i32
      %dma_wait3A_713 = arith.constant 0 : i32
      %dma_wait3A_714 = tpu.memref_slice %arg6[%dma_wait3A_712, %dma_wait3A_713] : memref<2x128xi32, #tpu.memory_space<vmem>> -> memref<1x128xi32, #tpu.memory_space<vmem>>
      %dma_wait3A_715 = tpu.memref_squeeze %dma_wait3A_714 : memref<1x128xi32, #tpu.memory_space<vmem>> -> memref<128xi32, #tpu.memory_space<vmem>>
      %dma_wait3A_716 = arith.constant 0 : i32
      %dma_wait3A_717 = arith.constant 0 : i32
      %dma_wait3A_718 = tpu.memref_slice %arg2[%dma_wait3A_716, %dma_wait3A_717] : memref<30000x128xf32, #tpu.memory_space<hbm>> -> memref<30000x128xf32, #tpu.memory_space<hbm>>
      tpu.wait_indirect_dma semaphore(%arg22 : memref<!tpu.dma_semaphore, #tpu.memory_space<semaphore_mem>>) src(%dma_wait3A_718 : memref<30000x128xf32, #tpu.memory_space<hbm>>) dst(%arg12 : memref<128x128xf32, #tpu.memory_space<vmem>>)
      %dma_start3A_719 = arith.constant 1 : i32
      %dma_start3A_720 = arith.constant 0 : i32
      %dma_start3A_721 = tpu.memref_slice %arg6[%dma_start3A_719, %dma_start3A_720] : memref<2x128xi32, #tpu.memory_space<vmem>> -> memref<1x128xi32, #tpu.memory_space<vmem>>
      %dma_start3A_722 = tpu.memref_squeeze %dma_start3A_721 : memref<1x128xi32, #tpu.memory_space<vmem>> -> memref<128xi32, #tpu.memory_space<vmem>>
      %dma_start3A_723 = arith.constant 0 : i32
      %dma_start3A_724 = arith.constant 0 : i32
      %dma_start3A_725 = tpu.memref_slice %arg15[%dma_start3A_723, %dma_start3A_724] : memref<10032x128xf32, #tpu.memory_space<vmem_shared>> -> memref<10032x128xf32, #tpu.memory_space<vmem_shared>>
      tpu.enqueue_indirect_dma source(%arg12 : memref<128x128xf32, #tpu.memory_space<vmem>>) target(%dma_start3A_725 : memref<10032x128xf32, #tpu.memory_space<vmem_shared>>) offsets(%dma_start3A_722 : memref<128xi32, #tpu.memory_space<vmem>>) semaphore(%arg25 : memref<!tpu.dma_semaphore, #tpu.memory_space<semaphore_mem>>) {add = true}
      %add3A_726 = arith.constant 5 : i32
      %add3A_727 = arith.addi %add3A_686, %add3A_726 : i32
      %add3A_728 = arith.addi %mul3A_2, %add3A_727 : i32
      %dma_start3A_729 = arith.constant 0 : i32
      %dma_start3A_730 = arith.constant 0 : i32
      %dma_start3A_731 = tpu.memref_slice %arg3[%add3A_728, %dma_start3A_729, %dma_start3A_730] : memref<2560x2x128xi32, #tpu.memory_space<hbm>> -> memref<1x2x128xi32, #tpu.memory_space<hbm>>
      %dma_start3A_732 = tpu.memref_squeeze %dma_start3A_731 : memref<1x2x128xi32, #tpu.memory_space<hbm>> -> memref<2x128xi32, #tpu.memory_space<hbm>>
      %dma_start3A_733 = arith.constant 0 : i32
      %dma_start3A_734 = arith.constant 0 : i32
      %dma_start3A_735 = tpu.memref_slice %arg3[%add3A_728, %dma_start3A_733, %dma_start3A_734] : memref<2560x2x128xi32, #tpu.memory_space<hbm>> -> memref<1x2x128xi32, #tpu.memory_space<hbm>>
      %dma_start3A_736 = tpu.memref_squeeze %dma_start3A_735 : memref<1x2x128xi32, #tpu.memory_space<hbm>> -> memref<2x128xi32, #tpu.memory_space<hbm>>
      tpu.enqueue_dma source(%dma_start3A_736 : memref<2x128xi32, #tpu.memory_space<hbm>>) target(%arg11 : memref<2x128xi32, #tpu.memory_space<vmem>>) target_semaphore(%arg21 : memref<!tpu.dma_semaphore, #tpu.memory_space<semaphore_mem>>)
      %mul3A_737 = arith.constant 6 : i32
      %mul3A_738 = arith.muli %scan3A_682, %mul3A_737 : i32
      %add3A_739 = arith.constant 1 : i32
      %add3A_740 = arith.addi %mul3A_738, %add3A_739 : i32
      %dma_wait3A_741 = arith.constant 1 : i32
      %dma_wait3A_742 = arith.constant 0 : i32
      %dma_wait3A_743 = tpu.memref_slice %arg6[%dma_wait3A_741, %dma_wait3A_742] : memref<2x128xi32, #tpu.memory_space<vmem>> -> memref<1x128xi32, #tpu.memory_space<vmem>>
      %dma_wait3A_744 = tpu.memref_squeeze %dma_wait3A_743 : memref<1x128xi32, #tpu.memory_space<vmem>> -> memref<128xi32, #tpu.memory_space<vmem>>
      %dma_wait3A_745 = arith.constant 0 : i32
      %dma_wait3A_746 = arith.constant 0 : i32
      %dma_wait3A_747 = tpu.memref_slice %arg15[%dma_wait3A_745, %dma_wait3A_746] : memref<10032x128xf32, #tpu.memory_space<vmem_shared>> -> memref<10032x128xf32, #tpu.memory_space<vmem_shared>>
      tpu.wait_indirect_dma semaphore(%arg25 : memref<!tpu.dma_semaphore, #tpu.memory_space<semaphore_mem>>) src(%arg12 : memref<128x128xf32, #tpu.memory_space<vmem>>) dst(%dma_wait3A_747 : memref<10032x128xf32, #tpu.memory_space<vmem_shared>>)
      %add3A_748 = arith.constant 2 : i32
      %add3A_749 = arith.addi %add3A_740, %add3A_748 : i32
      %add3A_750 = arith.addi %mul3A_2, %add3A_749 : i32
      %dma_wait3A_751 = arith.constant 0 : i32
      %dma_wait3A_752 = arith.constant 0 : i32
      %dma_wait3A_753 = tpu.memref_slice %arg3[%add3A_750, %dma_wait3A_751, %dma_wait3A_752] : memref<2560x2x128xi32, #tpu.memory_space<hbm>> -> memref<1x2x128xi32, #tpu.memory_space<hbm>>
      %dma_wait3A_754 = tpu.memref_squeeze %dma_wait3A_753 : memref<1x2x128xi32, #tpu.memory_space<hbm>> -> memref<2x128xi32, #tpu.memory_space<hbm>>
      %dma_wait3A_755 = arith.constant 0 : i32
      %dma_wait3A_756 = arith.constant 0 : i32
      %dma_wait3A_757 = tpu.memref_slice %arg3[%add3A_750, %dma_wait3A_755, %dma_wait3A_756] : memref<2560x2x128xi32, #tpu.memory_space<hbm>> -> memref<1x2x128xi32, #tpu.memory_space<hbm>>
      %dma_wait3A_758 = tpu.memref_squeeze %dma_wait3A_757 : memref<1x2x128xi32, #tpu.memory_space<hbm>> -> memref<2x128xi32, #tpu.memory_space<hbm>>
      tpu.wait_dma2 semaphore(%arg19 : memref<!tpu.dma_semaphore, #tpu.memory_space<semaphore_mem>>) src(%dma_wait3A_758 : memref<2x128xi32, #tpu.memory_space<hbm>>) dst(%arg9 : memref<2x128xi32, #tpu.memory_space<vmem>>)
      %dma_start3A_759 = arith.constant 0 : i32
      %dma_start3A_760 = arith.constant 0 : i32
      %dma_start3A_761 = tpu.memref_slice %arg9[%dma_start3A_759, %dma_start3A_760] : memref<2x128xi32, #tpu.memory_space<vmem>> -> memref<1x128xi32, #tpu.memory_space<vmem>>
      %dma_start3A_762 = tpu.memref_squeeze %dma_start3A_761 : memref<1x128xi32, #tpu.memory_space<vmem>> -> memref<128xi32, #tpu.memory_space<vmem>>
      %dma_start3A_763 = arith.constant 0 : i32
      %dma_start3A_764 = arith.constant 0 : i32
      %dma_start3A_765 = tpu.memref_slice %arg2[%dma_start3A_763, %dma_start3A_764] : memref<30000x128xf32, #tpu.memory_space<hbm>> -> memref<30000x128xf32, #tpu.memory_space<hbm>>
      tpu.enqueue_indirect_dma source(%dma_start3A_765 : memref<30000x128xf32, #tpu.memory_space<hbm>>) target(%arg12 : memref<128x128xf32, #tpu.memory_space<vmem>>) offsets(%dma_start3A_762 : memref<128xi32, #tpu.memory_space<vmem>>) semaphore(%arg22 : memref<!tpu.dma_semaphore, #tpu.memory_space<semaphore_mem>>)
      %dma_wait3A_766 = arith.constant 0 : i32
      %dma_wait3A_767 = arith.constant 0 : i32
      %dma_wait3A_768 = tpu.memref_slice %arg7[%dma_wait3A_766, %dma_wait3A_767] : memref<2x128xi32, #tpu.memory_space<vmem>> -> memref<1x128xi32, #tpu.memory_space<vmem>>
      %dma_wait3A_769 = tpu.memref_squeeze %dma_wait3A_768 : memref<1x128xi32, #tpu.memory_space<vmem>> -> memref<128xi32, #tpu.memory_space<vmem>>
      %dma_wait3A_770 = arith.constant 0 : i32
      %dma_wait3A_771 = arith.constant 0 : i32
      %dma_wait3A_772 = tpu.memref_slice %arg2[%dma_wait3A_770, %dma_wait3A_771] : memref<30000x128xf32, #tpu.memory_space<hbm>> -> memref<30000x128xf32, #tpu.memory_space<hbm>>
      tpu.wait_indirect_dma semaphore(%arg23 : memref<!tpu.dma_semaphore, #tpu.memory_space<semaphore_mem>>) src(%dma_wait3A_772 : memref<30000x128xf32, #tpu.memory_space<hbm>>) dst(%arg13 : memref<128x128xf32, #tpu.memory_space<vmem>>)
      %dma_start3A_773 = arith.constant 1 : i32
      %dma_start3A_774 = arith.constant 0 : i32
      %dma_start3A_775 = tpu.memref_slice %arg7[%dma_start3A_773, %dma_start3A_774] : memref<2x128xi32, #tpu.memory_space<vmem>> -> memref<1x128xi32, #tpu.memory_space<vmem>>
      %dma_start3A_776 = tpu.memref_squeeze %dma_start3A_775 : memref<1x128xi32, #tpu.memory_space<vmem>> -> memref<128xi32, #tpu.memory_space<vmem>>
      %dma_start3A_777 = arith.constant 0 : i32
      %dma_start3A_778 = arith.constant 0 : i32
      %dma_start3A_779 = tpu.memref_slice %arg15[%dma_start3A_777, %dma_start3A_778] : memref<10032x128xf32, #tpu.memory_space<vmem_shared>> -> memref<10032x128xf32, #tpu.memory_space<vmem_shared>>
      tpu.enqueue_indirect_dma source(%arg13 : memref<128x128xf32, #tpu.memory_space<vmem>>) target(%dma_start3A_779 : memref<10032x128xf32, #tpu.memory_space<vmem_shared>>) offsets(%dma_start3A_776 : memref<128xi32, #tpu.memory_space<vmem>>) semaphore(%arg26 : memref<!tpu.dma_semaphore, #tpu.memory_space<semaphore_mem>>) {add = true}
      %add3A_780 = arith.constant 5 : i32
      %add3A_781 = arith.addi %add3A_740, %add3A_780 : i32
      %add3A_782 = arith.addi %mul3A_2, %add3A_781 : i32
      %dma_start3A_783 = arith.constant 0 : i32
      %dma_start3A_784 = arith.constant 0 : i32
      %dma_start3A_785 = tpu.memref_slice %arg3[%add3A_782, %dma_start3A_783, %dma_start3A_784] : memref<2560x2x128xi32, #tpu.memory_space<hbm>> -> memref<1x2x128xi32, #tpu.memory_space<hbm>>
      %dma_start3A_786 = tpu.memref_squeeze %dma_start3A_785 : memref<1x2x128xi32, #tpu.memory_space<hbm>> -> memref<2x128xi32, #tpu.memory_space<hbm>>
      %dma_start3A_787 = arith.constant 0 : i32
      %dma_start3A_788 = arith.constant 0 : i32
      %dma_start3A_789 = tpu.memref_slice %arg3[%add3A_782, %dma_start3A_787, %dma_start3A_788] : memref<2560x2x128xi32, #tpu.memory_space<hbm>> -> memref<1x2x128xi32, #tpu.memory_space<hbm>>
      %dma_start3A_790 = tpu.memref_squeeze %dma_start3A_789 : memref<1x2x128xi32, #tpu.memory_space<hbm>> -> memref<2x128xi32, #tpu.memory_space<hbm>>
      tpu.enqueue_dma source(%dma_start3A_790 : memref<2x128xi32, #tpu.memory_space<hbm>>) target(%arg6 : memref<2x128xi32, #tpu.memory_space<vmem>>) target_semaphore(%arg16 : memref<!tpu.dma_semaphore, #tpu.memory_space<semaphore_mem>>)
      %mul3A_791 = arith.constant 6 : i32
      %mul3A_792 = arith.muli %scan3A_682, %mul3A_791 : i32
      %add3A_793 = arith.constant 2 : i32
      %add3A_794 = arith.addi %mul3A_792, %add3A_793 : i32
      %dma_wait3A_795 = arith.constant 1 : i32
      %dma_wait3A_796 = arith.constant 0 : i32
      %dma_wait3A_797 = tpu.memref_slice %arg7[%dma_wait3A_795, %dma_wait3A_796] : memref<2x128xi32, #tpu.memory_space<vmem>> -> memref<1x128xi32, #tpu.memory_space<vmem>>
      %dma_wait3A_798 = tpu.memref_squeeze %dma_wait3A_797 : memref<1x128xi32, #tpu.memory_space<vmem>> -> memref<128xi32, #tpu.memory_space<vmem>>
      %dma_wait3A_799 = arith.constant 0 : i32
      %dma_wait3A_800 = arith.constant 0 : i32
      %dma_wait3A_801 = tpu.memref_slice %arg15[%dma_wait3A_799, %dma_wait3A_800] : memref<10032x128xf32, #tpu.memory_space<vmem_shared>> -> memref<10032x128xf32, #tpu.memory_space<vmem_shared>>
      tpu.wait_indirect_dma semaphore(%arg26 : memref<!tpu.dma_semaphore, #tpu.memory_space<semaphore_mem>>) src(%arg13 : memref<128x128xf32, #tpu.memory_space<vmem>>) dst(%dma_wait3A_801 : memref<10032x128xf32, #tpu.memory_space<vmem_shared>>)
      %add3A_802 = arith.constant 2 : i32
      %add3A_803 = arith.addi %add3A_794, %add3A_802 : i32
      %add3A_804 = arith.addi %mul3A_2, %add3A_803 : i32
      %dma_wait3A_805 = arith.constant 0 : i32
      %dma_wait3A_806 = arith.constant 0 : i32
      %dma_wait3A_807 = tpu.memref_slice %arg3[%add3A_804, %dma_wait3A_805, %dma_wait3A_806] : memref<2560x2x128xi32, #tpu.memory_space<hbm>> -> memref<1x2x128xi32, #tpu.memory_space<hbm>>
      %dma_wait3A_808 = tpu.memref_squeeze %dma_wait3A_807 : memref<1x2x128xi32, #tpu.memory_space<hbm>> -> memref<2x128xi32, #tpu.memory_space<hbm>>
      %dma_wait3A_809 = arith.constant 0 : i32
      %dma_wait3A_810 = arith.constant 0 : i32
      %dma_wait3A_811 = tpu.memref_slice %arg3[%add3A_804, %dma_wait3A_809, %dma_wait3A_810] : memref<2560x2x128xi32, #tpu.memory_space<hbm>> -> memref<1x2x128xi32, #tpu.memory_space<hbm>>
      %dma_wait3A_812 = tpu.memref_squeeze %dma_wait3A_811 : memref<1x2x128xi32, #tpu.memory_space<hbm>> -> memref<2x128xi32, #tpu.memory_space<hbm>>
      tpu.wait_dma2 semaphore(%arg20 : memref<!tpu.dma_semaphore, #tpu.memory_space<semaphore_mem>>) src(%dma_wait3A_812 : memref<2x128xi32, #tpu.memory_space<hbm>>) dst(%arg10 : memref<2x128xi32, #tpu.memory_space<vmem>>)
      %dma_start3A_813 = arith.constant 0 : i32
      %dma_start3A_814 = arith.constant 0 : i32
      %dma_start3A_815 = tpu.memref_slice %arg10[%dma_start3A_813, %dma_start3A_814] : memref<2x128xi32, #tpu.memory_space<vmem>> -> memref<1x128xi32, #tpu.memory_space<vmem>>
      %dma_start3A_816 = tpu.memref_squeeze %dma_start3A_815 : memref<1x128xi32, #tpu.memory_space<vmem>> -> memref<128xi32, #tpu.memory_space<vmem>>
      %dma_start3A_817 = arith.constant 0 : i32
      %dma_start3A_818 = arith.constant 0 : i32
      %dma_start3A_819 = tpu.memref_slice %arg2[%dma_start3A_817, %dma_start3A_818] : memref<30000x128xf32, #tpu.memory_space<hbm>> -> memref<30000x128xf32, #tpu.memory_space<hbm>>
      tpu.enqueue_indirect_dma source(%dma_start3A_819 : memref<30000x128xf32, #tpu.memory_space<hbm>>) target(%arg13 : memref<128x128xf32, #tpu.memory_space<vmem>>) offsets(%dma_start3A_816 : memref<128xi32, #tpu.memory_space<vmem>>) semaphore(%arg23 : memref<!tpu.dma_semaphore, #tpu.memory_space<semaphore_mem>>)
      %dma_wait3A_820 = arith.constant 0 : i32
      %dma_wait3A_821 = arith.constant 0 : i32
      %dma_wait3A_822 = tpu.memref_slice %arg8[%dma_wait3A_820, %dma_wait3A_821] : memref<2x128xi32, #tpu.memory_space<vmem>> -> memref<1x128xi32, #tpu.memory_space<vmem>>
      %dma_wait3A_823 = tpu.memref_squeeze %dma_wait3A_822 : memref<1x128xi32, #tpu.memory_space<vmem>> -> memref<128xi32, #tpu.memory_space<vmem>>
      %dma_wait3A_824 = arith.constant 0 : i32
      %dma_wait3A_825 = arith.constant 0 : i32
      %dma_wait3A_826 = tpu.memref_slice %arg2[%dma_wait3A_824, %dma_wait3A_825] : memref<30000x128xf32, #tpu.memory_space<hbm>> -> memref<30000x128xf32, #tpu.memory_space<hbm>>
      tpu.wait_indirect_dma semaphore(%arg24 : memref<!tpu.dma_semaphore, #tpu.memory_space<semaphore_mem>>) src(%dma_wait3A_826 : memref<30000x128xf32, #tpu.memory_space<hbm>>) dst(%arg14 : memref<128x128xf32, #tpu.memory_space<vmem>>)
      %dma_start3A_827 = arith.constant 1 : i32
      %dma_start3A_828 = arith.constant 0 : i32
      %dma_start3A_829 = tpu.memref_slice %arg8[%dma_start3A_827, %dma_start3A_828] : memref<2x128xi32, #tpu.memory_space<vmem>> -> memref<1x128xi32, #tpu.memory_space<vmem>>
      %dma_start3A_830 = tpu.memref_squeeze %dma_start3A_829 : memref<1x128xi32, #tpu.memory_space<vmem>> -> memref<128xi32, #tpu.memory_space<vmem>>
      %dma_start3A_831 = arith.constant 0 : i32
      %dma_start3A_832 = arith.constant 0 : i32
      %dma_start3A_833 = tpu.memref_slice %arg15[%dma_start3A_831, %dma_start3A_832] : memref<10032x128xf32, #tpu.memory_space<vmem_shared>> -> memref<10032x128xf32, #tpu.memory_space<vmem_shared>>
      tpu.enqueue_indirect_dma source(%arg14 : memref<128x128xf32, #tpu.memory_space<vmem>>) target(%dma_start3A_833 : memref<10032x128xf32, #tpu.memory_space<vmem_shared>>) offsets(%dma_start3A_830 : memref<128xi32, #tpu.memory_space<vmem>>) semaphore(%arg27 : memref<!tpu.dma_semaphore, #tpu.memory_space<semaphore_mem>>) {add = true}
      %add3A_834 = arith.constant 5 : i32
      %add3A_835 = arith.addi %add3A_794, %add3A_834 : i32
      %add3A_836 = arith.addi %mul3A_2, %add3A_835 : i32
      %dma_start3A_837 = arith.constant 0 : i32
      %dma_start3A_838 = arith.constant 0 : i32
      %dma_start3A_839 = tpu.memref_slice %arg3[%add3A_836, %dma_start3A_837, %dma_start3A_838] : memref<2560x2x128xi32, #tpu.memory_space<hbm>> -> memref<1x2x128xi32, #tpu.memory_space<hbm>>
      %dma_start3A_840 = tpu.memref_squeeze %dma_start3A_839 : memref<1x2x128xi32, #tpu.memory_space<hbm>> -> memref<2x128xi32, #tpu.memory_space<hbm>>
      %dma_start3A_841 = arith.constant 0 : i32
      %dma_start3A_842 = arith.constant 0 : i32
      %dma_start3A_843 = tpu.memref_slice %arg3[%add3A_836, %dma_start3A_841, %dma_start3A_842] : memref<2560x2x128xi32, #tpu.memory_space<hbm>> -> memref<1x2x128xi32, #tpu.memory_space<hbm>>
      %dma_start3A_844 = tpu.memref_squeeze %dma_start3A_843 : memref<1x2x128xi32, #tpu.memory_space<hbm>> -> memref<2x128xi32, #tpu.memory_space<hbm>>
      tpu.enqueue_dma source(%dma_start3A_844 : memref<2x128xi32, #tpu.memory_space<hbm>>) target(%arg7 : memref<2x128xi32, #tpu.memory_space<vmem>>) target_semaphore(%arg17 : memref<!tpu.dma_semaphore, #tpu.memory_space<semaphore_mem>>)
      %mul3A_845 = arith.constant 6 : i32
      %mul3A_846 = arith.muli %scan3A_682, %mul3A_845 : i32
      %add3A_847 = arith.constant 3 : i32
      %add3A_848 = arith.addi %mul3A_846, %add3A_847 : i32
      %dma_wait3A_849 = arith.constant 1 : i32
      %dma_wait3A_850 = arith.constant 0 : i32
      %dma_wait3A_851 = tpu.memref_slice %arg8[%dma_wait3A_849, %dma_wait3A_850] : memref<2x128xi32, #tpu.memory_space<vmem>> -> memref<1x128xi32, #tpu.memory_space<vmem>>
      %dma_wait3A_852 = tpu.memref_squeeze %dma_wait3A_851 : memref<1x128xi32, #tpu.memory_space<vmem>> -> memref<128xi32, #tpu.memory_space<vmem>>
      %dma_wait3A_853 = arith.constant 0 : i32
      %dma_wait3A_854 = arith.constant 0 : i32
      %dma_wait3A_855 = tpu.memref_slice %arg15[%dma_wait3A_853, %dma_wait3A_854] : memref<10032x128xf32, #tpu.memory_space<vmem_shared>> -> memref<10032x128xf32, #tpu.memory_space<vmem_shared>>
      tpu.wait_indirect_dma semaphore(%arg27 : memref<!tpu.dma_semaphore, #tpu.memory_space<semaphore_mem>>) src(%arg14 : memref<128x128xf32, #tpu.memory_space<vmem>>) dst(%dma_wait3A_855 : memref<10032x128xf32, #tpu.memory_space<vmem_shared>>)
      %add3A_856 = arith.constant 2 : i32
      %add3A_857 = arith.addi %add3A_848, %add3A_856 : i32
      %add3A_858 = arith.addi %mul3A_2, %add3A_857 : i32
      %dma_wait3A_859 = arith.constant 0 : i32
      %dma_wait3A_860 = arith.constant 0 : i32
      %dma_wait3A_861 = tpu.memref_slice %arg3[%add3A_858, %dma_wait3A_859, %dma_wait3A_860] : memref<2560x2x128xi32, #tpu.memory_space<hbm>> -> memref<1x2x128xi32, #tpu.memory_space<hbm>>
      %dma_wait3A_862 = tpu.memref_squeeze %dma_wait3A_861 : memref<1x2x128xi32, #tpu.memory_space<hbm>> -> memref<2x128xi32, #tpu.memory_space<hbm>>
      %dma_wait3A_863 = arith.constant 0 : i32
      %dma_wait3A_864 = arith.constant 0 : i32
      %dma_wait3A_865 = tpu.memref_slice %arg3[%add3A_858, %dma_wait3A_863, %dma_wait3A_864] : memref<2560x2x128xi32, #tpu.memory_space<hbm>> -> memref<1x2x128xi32, #tpu.memory_space<hbm>>
      %dma_wait3A_866 = tpu.memref_squeeze %dma_wait3A_865 : memref<1x2x128xi32, #tpu.memory_space<hbm>> -> memref<2x128xi32, #tpu.memory_space<hbm>>
      tpu.wait_dma2 semaphore(%arg21 : memref<!tpu.dma_semaphore, #tpu.memory_space<semaphore_mem>>) src(%dma_wait3A_866 : memref<2x128xi32, #tpu.memory_space<hbm>>) dst(%arg11 : memref<2x128xi32, #tpu.memory_space<vmem>>)
      %dma_start3A_867 = arith.constant 0 : i32
      %dma_start3A_868 = arith.constant 0 : i32
      %dma_start3A_869 = tpu.memref_slice %arg11[%dma_start3A_867, %dma_start3A_868] : memref<2x128xi32, #tpu.memory_space<vmem>> -> memref<1x128xi32, #tpu.memory_space<vmem>>
      %dma_start3A_870 = tpu.memref_squeeze %dma_start3A_869 : memref<1x128xi32, #tpu.memory_space<vmem>> -> memref<128xi32, #tpu.memory_space<vmem>>
      %dma_start3A_871 = arith.constant 0 : i32
      %dma_start3A_872 = arith.constant 0 : i32
      %dma_start3A_873 = tpu.memref_slice %arg2[%dma_start3A_871, %dma_start3A_872] : memref<30000x128xf32, #tpu.memory_space<hbm>> -> memref<30000x128xf32, #tpu.memory_space<hbm>>
      tpu.enqueue_indirect_dma source(%dma_start3A_873 : memref<30000x128xf32, #tpu.memory_space<hbm>>) target(%arg14 : memref<128x128xf32, #tpu.memory_space<vmem>>) offsets(%dma_start3A_870 : memref<128xi32, #tpu.memory_space<vmem>>) semaphore(%arg24 : memref<!tpu.dma_semaphore, #tpu.memory_space<semaphore_mem>>)
      %dma_wait3A_874 = arith.constant 0 : i32
      %dma_wait3A_875 = arith.constant 0 : i32
      %dma_wait3A_876 = tpu.memref_slice %arg9[%dma_wait3A_874, %dma_wait3A_875] : memref<2x128xi32, #tpu.memory_space<vmem>> -> memref<1x128xi32, #tpu.memory_space<vmem>>
      %dma_wait3A_877 = tpu.memref_squeeze %dma_wait3A_876 : memref<1x128xi32, #tpu.memory_space<vmem>> -> memref<128xi32, #tpu.memory_space<vmem>>
      %dma_wait3A_878 = arith.constant 0 : i32
      %dma_wait3A_879 = arith.constant 0 : i32
      %dma_wait3A_880 = tpu.memref_slice %arg2[%dma_wait3A_878, %dma_wait3A_879] : memref<30000x128xf32, #tpu.memory_space<hbm>> -> memref<30000x128xf32, #tpu.memory_space<hbm>>
      tpu.wait_indirect_dma semaphore(%arg22 : memref<!tpu.dma_semaphore, #tpu.memory_space<semaphore_mem>>) src(%dma_wait3A_880 : memref<30000x128xf32, #tpu.memory_space<hbm>>) dst(%arg12 : memref<128x128xf32, #tpu.memory_space<vmem>>)
      %dma_start3A_881 = arith.constant 1 : i32
      %dma_start3A_882 = arith.constant 0 : i32
      %dma_start3A_883 = tpu.memref_slice %arg9[%dma_start3A_881, %dma_start3A_882] : memref<2x128xi32, #tpu.memory_space<vmem>> -> memref<1x128xi32, #tpu.memory_space<vmem>>
      %dma_start3A_884 = tpu.memref_squeeze %dma_start3A_883 : memref<1x128xi32, #tpu.memory_space<vmem>> -> memref<128xi32, #tpu.memory_space<vmem>>
      %dma_start3A_885 = arith.constant 0 : i32
      %dma_start3A_886 = arith.constant 0 : i32
      %dma_start3A_887 = tpu.memref_slice %arg15[%dma_start3A_885, %dma_start3A_886] : memref<10032x128xf32, #tpu.memory_space<vmem_shared>> -> memref<10032x128xf32, #tpu.memory_space<vmem_shared>>
      tpu.enqueue_indirect_dma source(%arg12 : memref<128x128xf32, #tpu.memory_space<vmem>>) target(%dma_start3A_887 : memref<10032x128xf32, #tpu.memory_space<vmem_shared>>) offsets(%dma_start3A_884 : memref<128xi32, #tpu.memory_space<vmem>>) semaphore(%arg25 : memref<!tpu.dma_semaphore, #tpu.memory_space<semaphore_mem>>) {add = true}
      %add3A_888 = arith.constant 5 : i32
      %add3A_889 = arith.addi %add3A_848, %add3A_888 : i32
      %add3A_890 = arith.addi %mul3A_2, %add3A_889 : i32
      %dma_start3A_891 = arith.constant 0 : i32
      %dma_start3A_892 = arith.constant 0 : i32
      %dma_start3A_893 = tpu.memref_slice %arg3[%add3A_890, %dma_start3A_891, %dma_start3A_892] : memref<2560x2x128xi32, #tpu.memory_space<hbm>> -> memref<1x2x128xi32, #tpu.memory_space<hbm>>
      %dma_start3A_894 = tpu.memref_squeeze %dma_start3A_893 : memref<1x2x128xi32, #tpu.memory_space<hbm>> -> memref<2x128xi32, #tpu.memory_space<hbm>>
      %dma_start3A_895 = arith.constant 0 : i32
      %dma_start3A_896 = arith.constant 0 : i32
      %dma_start3A_897 = tpu.memref_slice %arg3[%add3A_890, %dma_start3A_895, %dma_start3A_896] : memref<2560x2x128xi32, #tpu.memory_space<hbm>> -> memref<1x2x128xi32, #tpu.memory_space<hbm>>
      %dma_start3A_898 = tpu.memref_squeeze %dma_start3A_897 : memref<1x2x128xi32, #tpu.memory_space<hbm>> -> memref<2x128xi32, #tpu.memory_space<hbm>>
      tpu.enqueue_dma source(%dma_start3A_898 : memref<2x128xi32, #tpu.memory_space<hbm>>) target(%arg8 : memref<2x128xi32, #tpu.memory_space<vmem>>) target_semaphore(%arg18 : memref<!tpu.dma_semaphore, #tpu.memory_space<semaphore_mem>>)
      %mul3A_899 = arith.constant 6 : i32
      %mul3A_900 = arith.muli %scan3A_682, %mul3A_899 : i32
      %add3A_901 = arith.constant 4 : i32
      %add3A_902 = arith.addi %mul3A_900, %add3A_901 : i32
      %dma_wait3A_903 = arith.constant 1 : i32
      %dma_wait3A_904 = arith.constant 0 : i32
      %dma_wait3A_905 = tpu.memref_slice %arg9[%dma_wait3A_903, %dma_wait3A_904] : memref<2x128xi32, #tpu.memory_space<vmem>> -> memref<1x128xi32, #tpu.memory_space<vmem>>
      %dma_wait3A_906 = tpu.memref_squeeze %dma_wait3A_905 : memref<1x128xi32, #tpu.memory_space<vmem>> -> memref<128xi32, #tpu.memory_space<vmem>>
      %dma_wait3A_907 = arith.constant 0 : i32
      %dma_wait3A_908 = arith.constant 0 : i32
      %dma_wait3A_909 = tpu.memref_slice %arg15[%dma_wait3A_907, %dma_wait3A_908] : memref<10032x128xf32, #tpu.memory_space<vmem_shared>> -> memref<10032x128xf32, #tpu.memory_space<vmem_shared>>
      tpu.wait_indirect_dma semaphore(%arg25 : memref<!tpu.dma_semaphore, #tpu.memory_space<semaphore_mem>>) src(%arg12 : memref<128x128xf32, #tpu.memory_space<vmem>>) dst(%dma_wait3A_909 : memref<10032x128xf32, #tpu.memory_space<vmem_shared>>)
      %add3A_910 = arith.constant 2 : i32
      %add3A_911 = arith.addi %add3A_902, %add3A_910 : i32
      %add3A_912 = arith.addi %mul3A_2, %add3A_911 : i32
      %dma_wait3A_913 = arith.constant 0 : i32
      %dma_wait3A_914 = arith.constant 0 : i32
      %dma_wait3A_915 = tpu.memref_slice %arg3[%add3A_912, %dma_wait3A_913, %dma_wait3A_914] : memref<2560x2x128xi32, #tpu.memory_space<hbm>> -> memref<1x2x128xi32, #tpu.memory_space<hbm>>
      %dma_wait3A_916 = tpu.memref_squeeze %dma_wait3A_915 : memref<1x2x128xi32, #tpu.memory_space<hbm>> -> memref<2x128xi32, #tpu.memory_space<hbm>>
      %dma_wait3A_917 = arith.constant 0 : i32
      %dma_wait3A_918 = arith.constant 0 : i32
      %dma_wait3A_919 = tpu.memref_slice %arg3[%add3A_912, %dma_wait3A_917, %dma_wait3A_918] : memref<2560x2x128xi32, #tpu.memory_space<hbm>> -> memref<1x2x128xi32, #tpu.memory_space<hbm>>
      %dma_wait3A_920 = tpu.memref_squeeze %dma_wait3A_919 : memref<1x2x128xi32, #tpu.memory_space<hbm>> -> memref<2x128xi32, #tpu.memory_space<hbm>>
      tpu.wait_dma2 semaphore(%arg16 : memref<!tpu.dma_semaphore, #tpu.memory_space<semaphore_mem>>) src(%dma_wait3A_920 : memref<2x128xi32, #tpu.memory_space<hbm>>) dst(%arg6 : memref<2x128xi32, #tpu.memory_space<vmem>>)
      %dma_start3A_921 = arith.constant 0 : i32
      %dma_start3A_922 = arith.constant 0 : i32
      %dma_start3A_923 = tpu.memref_slice %arg6[%dma_start3A_921, %dma_start3A_922] : memref<2x128xi32, #tpu.memory_space<vmem>> -> memref<1x128xi32, #tpu.memory_space<vmem>>
      %dma_start3A_924 = tpu.memref_squeeze %dma_start3A_923 : memref<1x128xi32, #tpu.memory_space<vmem>> -> memref<128xi32, #tpu.memory_space<vmem>>
      %dma_start3A_925 = arith.constant 0 : i32
      %dma_start3A_926 = arith.constant 0 : i32
      %dma_start3A_927 = tpu.memref_slice %arg2[%dma_start3A_925, %dma_start3A_926] : memref<30000x128xf32, #tpu.memory_space<hbm>> -> memref<30000x128xf32, #tpu.memory_space<hbm>>
      tpu.enqueue_indirect_dma source(%dma_start3A_927 : memref<30000x128xf32, #tpu.memory_space<hbm>>) target(%arg12 : memref<128x128xf32, #tpu.memory_space<vmem>>) offsets(%dma_start3A_924 : memref<128xi32, #tpu.memory_space<vmem>>) semaphore(%arg22 : memref<!tpu.dma_semaphore, #tpu.memory_space<semaphore_mem>>)
      %dma_wait3A_928 = arith.constant 0 : i32
      %dma_wait3A_929 = arith.constant 0 : i32
      %dma_wait3A_930 = tpu.memref_slice %arg10[%dma_wait3A_928, %dma_wait3A_929] : memref<2x128xi32, #tpu.memory_space<vmem>> -> memref<1x128xi32, #tpu.memory_space<vmem>>
      %dma_wait3A_931 = tpu.memref_squeeze %dma_wait3A_930 : memref<1x128xi32, #tpu.memory_space<vmem>> -> memref<128xi32, #tpu.memory_space<vmem>>
      %dma_wait3A_932 = arith.constant 0 : i32
      %dma_wait3A_933 = arith.constant 0 : i32
      %dma_wait3A_934 = tpu.memref_slice %arg2[%dma_wait3A_932, %dma_wait3A_933] : memref<30000x128xf32, #tpu.memory_space<hbm>> -> memref<30000x128xf32, #tpu.memory_space<hbm>>
      tpu.wait_indirect_dma semaphore(%arg23 : memref<!tpu.dma_semaphore, #tpu.memory_space<semaphore_mem>>) src(%dma_wait3A_934 : memref<30000x128xf32, #tpu.memory_space<hbm>>) dst(%arg13 : memref<128x128xf32, #tpu.memory_space<vmem>>)
      %dma_start3A_935 = arith.constant 1 : i32
      %dma_start3A_936 = arith.constant 0 : i32
      %dma_start3A_937 = tpu.memref_slice %arg10[%dma_start3A_935, %dma_start3A_936] : memref<2x128xi32, #tpu.memory_space<vmem>> -> memref<1x128xi32, #tpu.memory_space<vmem>>
      %dma_start3A_938 = tpu.memref_squeeze %dma_start3A_937 : memref<1x128xi32, #tpu.memory_space<vmem>> -> memref<128xi32, #tpu.memory_space<vmem>>
      %dma_start3A_939 = arith.constant 0 : i32
      %dma_start3A_940 = arith.constant 0 : i32
      %dma_start3A_941 = tpu.memref_slice %arg15[%dma_start3A_939, %dma_start3A_940] : memref<10032x128xf32, #tpu.memory_space<vmem_shared>> -> memref<10032x128xf32, #tpu.memory_space<vmem_shared>>
      tpu.enqueue_indirect_dma source(%arg13 : memref<128x128xf32, #tpu.memory_space<vmem>>) target(%dma_start3A_941 : memref<10032x128xf32, #tpu.memory_space<vmem_shared>>) offsets(%dma_start3A_938 : memref<128xi32, #tpu.memory_space<vmem>>) semaphore(%arg26 : memref<!tpu.dma_semaphore, #tpu.memory_space<semaphore_mem>>) {add = true}
      %add3A_942 = arith.constant 5 : i32
      %add3A_943 = arith.addi %add3A_902, %add3A_942 : i32
      %add3A_944 = arith.addi %mul3A_2, %add3A_943 : i32
      %dma_start3A_945 = arith.constant 0 : i32
      %dma_start3A_946 = arith.constant 0 : i32
      %dma_start3A_947 = tpu.memref_slice %arg3[%add3A_944, %dma_start3A_945, %dma_start3A_946] : memref<2560x2x128xi32, #tpu.memory_space<hbm>> -> memref<1x2x128xi32, #tpu.memory_space<hbm>>
      %dma_start3A_948 = tpu.memref_squeeze %dma_start3A_947 : memref<1x2x128xi32, #tpu.memory_space<hbm>> -> memref<2x128xi32, #tpu.memory_space<hbm>>
      %dma_start3A_949 = arith.constant 0 : i32
      %dma_start3A_950 = arith.constant 0 : i32
      %dma_start3A_951 = tpu.memref_slice %arg3[%add3A_944, %dma_start3A_949, %dma_start3A_950] : memref<2560x2x128xi32, #tpu.memory_space<hbm>> -> memref<1x2x128xi32, #tpu.memory_space<hbm>>
      %dma_start3A_952 = tpu.memref_squeeze %dma_start3A_951 : memref<1x2x128xi32, #tpu.memory_space<hbm>> -> memref<2x128xi32, #tpu.memory_space<hbm>>
      tpu.enqueue_dma source(%dma_start3A_952 : memref<2x128xi32, #tpu.memory_space<hbm>>) target(%arg9 : memref<2x128xi32, #tpu.memory_space<vmem>>) target_semaphore(%arg19 : memref<!tpu.dma_semaphore, #tpu.memory_space<semaphore_mem>>)
      %mul3A_953 = arith.constant 6 : i32
      %mul3A_954 = arith.muli %scan3A_682, %mul3A_953 : i32
      %add3A_955 = arith.constant 5 : i32
      %add3A_956 = arith.addi %mul3A_954, %add3A_955 : i32
      %dma_wait3A_957 = arith.constant 1 : i32
      %dma_wait3A_958 = arith.constant 0 : i32
      %dma_wait3A_959 = tpu.memref_slice %arg10[%dma_wait3A_957, %dma_wait3A_958] : memref<2x128xi32, #tpu.memory_space<vmem>> -> memref<1x128xi32, #tpu.memory_space<vmem>>
      %dma_wait3A_960 = tpu.memref_squeeze %dma_wait3A_959 : memref<1x128xi32, #tpu.memory_space<vmem>> -> memref<128xi32, #tpu.memory_space<vmem>>
      %dma_wait3A_961 = arith.constant 0 : i32
      %dma_wait3A_962 = arith.constant 0 : i32
      %dma_wait3A_963 = tpu.memref_slice %arg15[%dma_wait3A_961, %dma_wait3A_962] : memref<10032x128xf32, #tpu.memory_space<vmem_shared>> -> memref<10032x128xf32, #tpu.memory_space<vmem_shared>>
      tpu.wait_indirect_dma semaphore(%arg26 : memref<!tpu.dma_semaphore, #tpu.memory_space<semaphore_mem>>) src(%arg13 : memref<128x128xf32, #tpu.memory_space<vmem>>) dst(%dma_wait3A_963 : memref<10032x128xf32, #tpu.memory_space<vmem_shared>>)
      %add3A_964 = arith.constant 2 : i32
      %add3A_965 = arith.addi %add3A_956, %add3A_964 : i32
      %add3A_966 = arith.addi %mul3A_2, %add3A_965 : i32
      %dma_wait3A_967 = arith.constant 0 : i32
      %dma_wait3A_968 = arith.constant 0 : i32
      %dma_wait3A_969 = tpu.memref_slice %arg3[%add3A_966, %dma_wait3A_967, %dma_wait3A_968] : memref<2560x2x128xi32, #tpu.memory_space<hbm>> -> memref<1x2x128xi32, #tpu.memory_space<hbm>>
      %dma_wait3A_970 = tpu.memref_squeeze %dma_wait3A_969 : memref<1x2x128xi32, #tpu.memory_space<hbm>> -> memref<2x128xi32, #tpu.memory_space<hbm>>
      %dma_wait3A_971 = arith.constant 0 : i32
      %dma_wait3A_972 = arith.constant 0 : i32
      %dma_wait3A_973 = tpu.memref_slice %arg3[%add3A_966, %dma_wait3A_971, %dma_wait3A_972] : memref<2560x2x128xi32, #tpu.memory_space<hbm>> -> memref<1x2x128xi32, #tpu.memory_space<hbm>>
      %dma_wait3A_974 = tpu.memref_squeeze %dma_wait3A_973 : memref<1x2x128xi32, #tpu.memory_space<hbm>> -> memref<2x128xi32, #tpu.memory_space<hbm>>
      tpu.wait_dma2 semaphore(%arg17 : memref<!tpu.dma_semaphore, #tpu.memory_space<semaphore_mem>>) src(%dma_wait3A_974 : memref<2x128xi32, #tpu.memory_space<hbm>>) dst(%arg7 : memref<2x128xi32, #tpu.memory_space<vmem>>)
      %dma_start3A_975 = arith.constant 0 : i32
      %dma_start3A_976 = arith.constant 0 : i32
      %dma_start3A_977 = tpu.memref_slice %arg7[%dma_start3A_975, %dma_start3A_976] : memref<2x128xi32, #tpu.memory_space<vmem>> -> memref<1x128xi32, #tpu.memory_space<vmem>>
      %dma_start3A_978 = tpu.memref_squeeze %dma_start3A_977 : memref<1x128xi32, #tpu.memory_space<vmem>> -> memref<128xi32, #tpu.memory_space<vmem>>
      %dma_start3A_979 = arith.constant 0 : i32
      %dma_start3A_980 = arith.constant 0 : i32
      %dma_start3A_981 = tpu.memref_slice %arg2[%dma_start3A_979, %dma_start3A_980] : memref<30000x128xf32, #tpu.memory_space<hbm>> -> memref<30000x128xf32, #tpu.memory_space<hbm>>
      tpu.enqueue_indirect_dma source(%dma_start3A_981 : memref<30000x128xf32, #tpu.memory_space<hbm>>) target(%arg13 : memref<128x128xf32, #tpu.memory_space<vmem>>) offsets(%dma_start3A_978 : memref<128xi32, #tpu.memory_space<vmem>>) semaphore(%arg23 : memref<!tpu.dma_semaphore, #tpu.memory_space<semaphore_mem>>)
      %dma_wait3A_982 = arith.constant 0 : i32
      %dma_wait3A_983 = arith.constant 0 : i32
      %dma_wait3A_984 = tpu.memref_slice %arg11[%dma_wait3A_982, %dma_wait3A_983] : memref<2x128xi32, #tpu.memory_space<vmem>> -> memref<1x128xi32, #tpu.memory_space<vmem>>
      %dma_wait3A_985 = tpu.memref_squeeze %dma_wait3A_984 : memref<1x128xi32, #tpu.memory_space<vmem>> -> memref<128xi32, #tpu.memory_space<vmem>>
      %dma_wait3A_986 = arith.constant 0 : i32
      %dma_wait3A_987 = arith.constant 0 : i32
      %dma_wait3A_988 = tpu.memref_slice %arg2[%dma_wait3A_986, %dma_wait3A_987] : memref<30000x128xf32, #tpu.memory_space<hbm>> -> memref<30000x128xf32, #tpu.memory_space<hbm>>
      tpu.wait_indirect_dma semaphore(%arg24 : memref<!tpu.dma_semaphore, #tpu.memory_space<semaphore_mem>>) src(%dma_wait3A_988 : memref<30000x128xf32, #tpu.memory_space<hbm>>) dst(%arg14 : memref<128x128xf32, #tpu.memory_space<vmem>>)
      %dma_start3A_989 = arith.constant 1 : i32
      %dma_start3A_990 = arith.constant 0 : i32
      %dma_start3A_991 = tpu.memref_slice %arg11[%dma_start3A_989, %dma_start3A_990] : memref<2x128xi32, #tpu.memory_space<vmem>> -> memref<1x128xi32, #tpu.memory_space<vmem>>
      %dma_start3A_992 = tpu.memref_squeeze %dma_start3A_991 : memref<1x128xi32, #tpu.memory_space<vmem>> -> memref<128xi32, #tpu.memory_space<vmem>>
      %dma_start3A_993 = arith.constant 0 : i32
      %dma_start3A_994 = arith.constant 0 : i32
      %dma_start3A_995 = tpu.memref_slice %arg15[%dma_start3A_993, %dma_start3A_994] : memref<10032x128xf32, #tpu.memory_space<vmem_shared>> -> memref<10032x128xf32, #tpu.memory_space<vmem_shared>>
      tpu.enqueue_indirect_dma source(%arg14 : memref<128x128xf32, #tpu.memory_space<vmem>>) target(%dma_start3A_995 : memref<10032x128xf32, #tpu.memory_space<vmem_shared>>) offsets(%dma_start3A_992 : memref<128xi32, #tpu.memory_space<vmem>>) semaphore(%arg27 : memref<!tpu.dma_semaphore, #tpu.memory_space<semaphore_mem>>) {add = true}
      %add3A_996 = arith.constant 5 : i32
      %add3A_997 = arith.addi %add3A_956, %add3A_996 : i32
      %add3A_998 = arith.addi %mul3A_2, %add3A_997 : i32
      %dma_start3A_999 = arith.constant 0 : i32
      %dma_start3A_1000 = arith.constant 0 : i32
      %dma_start3A_1001 = tpu.memref_slice %arg3[%add3A_998, %dma_start3A_999, %dma_start3A_1000] : memref<2560x2x128xi32, #tpu.memory_space<hbm>> -> memref<1x2x128xi32, #tpu.memory_space<hbm>>
      %dma_start3A_1002 = tpu.memref_squeeze %dma_start3A_1001 : memref<1x2x128xi32, #tpu.memory_space<hbm>> -> memref<2x128xi32, #tpu.memory_space<hbm>>
      %dma_start3A_1003 = arith.constant 0 : i32
      %dma_start3A_1004 = arith.constant 0 : i32
      %dma_start3A_1005 = tpu.memref_slice %arg3[%add3A_998, %dma_start3A_1003, %dma_start3A_1004] : memref<2560x2x128xi32, #tpu.memory_space<hbm>> -> memref<1x2x128xi32, #tpu.memory_space<hbm>>
      %dma_start3A_1006 = tpu.memref_squeeze %dma_start3A_1005 : memref<1x2x128xi32, #tpu.memory_space<hbm>> -> memref<2x128xi32, #tpu.memory_space<hbm>>
      tpu.enqueue_dma source(%dma_start3A_1006 : memref<2x128xi32, #tpu.memory_space<hbm>>) target(%arg10 : memref<2x128xi32, #tpu.memory_space<vmem>>) target_semaphore(%arg20 : memref<!tpu.dma_semaphore, #tpu.memory_space<semaphore_mem>>)
    }
    %scan3A_373 = arith.constant 11 : i32
    %dma_wait3A_374 = arith.constant 1 : i32
    %dma_wait3A_375 = arith.constant 0 : i32
    %dma_wait3A_376 = tpu.memref_slice %arg11[%dma_wait3A_374, %dma_wait3A_375] : memref<2x128xi32, #tpu.memory_space<vmem>> -> memref<1x128xi32, #tpu.memory_space<vmem>>
    %dma_wait3A_377 = tpu.memref_squeeze %dma_wait3A_376 : memref<1x128xi32, #tpu.memory_space<vmem>> -> memref<128xi32, #tpu.memory_space<vmem>>
    %dma_wait3A_378 = arith.constant 0 : i32
    %dma_wait3A_379 = arith.constant 0 : i32
    %dma_wait3A_380 = tpu.memref_slice %arg15[%dma_wait3A_378, %dma_wait3A_379] : memref<10032x128xf32, #tpu.memory_space<vmem_shared>> -> memref<10032x128xf32, #tpu.memory_space<vmem_shared>>
    tpu.wait_indirect_dma semaphore(%arg27 : memref<!tpu.dma_semaphore, #tpu.memory_space<semaphore_mem>>) src(%arg14 : memref<128x128xf32, #tpu.memory_space<vmem>>) dst(%dma_wait3A_380 : memref<10032x128xf32, #tpu.memory_space<vmem_shared>>)
    %add3A_381 = arith.constant 74 : i32
    %add3A_382 = arith.addi %mul3A_2, %add3A_381 : i32
    %dma_wait3A_383 = arith.constant 0 : i32
    %dma_wait3A_384 = arith.constant 0 : i32
    %dma_wait3A_385 = tpu.memref_slice %arg3[%add3A_382, %dma_wait3A_383, %dma_wait3A_384] : memref<2560x2x128xi32, #tpu.memory_space<hbm>> -> memref<1x2x128xi32, #tpu.memory_space<hbm>>
    %dma_wait3A_386 = tpu.memref_squeeze %dma_wait3A_385 : memref<1x2x128xi32, #tpu.memory_space<hbm>> -> memref<2x128xi32, #tpu.memory_space<hbm>>
    %dma_wait3A_387 = arith.constant 0 : i32
    %dma_wait3A_388 = arith.constant 0 : i32
    %dma_wait3A_389 = tpu.memref_slice %arg3[%add3A_382, %dma_wait3A_387, %dma_wait3A_388] : memref<2560x2x128xi32, #tpu.memory_space<hbm>> -> memref<1x2x128xi32, #tpu.memory_space<hbm>>
    %dma_wait3A_390 = tpu.memref_squeeze %dma_wait3A_389 : memref<1x2x128xi32, #tpu.memory_space<hbm>> -> memref<2x128xi32, #tpu.memory_space<hbm>>
    tpu.wait_dma2 semaphore(%arg18 : memref<!tpu.dma_semaphore, #tpu.memory_space<semaphore_mem>>) src(%dma_wait3A_390 : memref<2x128xi32, #tpu.memory_space<hbm>>) dst(%arg8 : memref<2x128xi32, #tpu.memory_space<vmem>>)
    %dma_start3A_391 = arith.constant 0 : i32
    %dma_start3A_392 = arith.constant 0 : i32
    %dma_start3A_393 = tpu.memref_slice %arg8[%dma_start3A_391, %dma_start3A_392] : memref<2x128xi32, #tpu.memory_space<vmem>> -> memref<1x128xi32, #tpu.memory_space<vmem>>
    %dma_start3A_394 = tpu.memref_squeeze %dma_start3A_393 : memref<1x128xi32, #tpu.memory_space<vmem>> -> memref<128xi32, #tpu.memory_space<vmem>>
    %dma_start3A_395 = arith.constant 0 : i32
    %dma_start3A_396 = arith.constant 0 : i32
    %dma_start3A_397 = tpu.memref_slice %arg2[%dma_start3A_395, %dma_start3A_396] : memref<30000x128xf32, #tpu.memory_space<hbm>> -> memref<30000x128xf32, #tpu.memory_space<hbm>>
    tpu.enqueue_indirect_dma source(%dma_start3A_397 : memref<30000x128xf32, #tpu.memory_space<hbm>>) target(%arg14 : memref<128x128xf32, #tpu.memory_space<vmem>>) offsets(%dma_start3A_394 : memref<128xi32, #tpu.memory_space<vmem>>) semaphore(%arg24 : memref<!tpu.dma_semaphore, #tpu.memory_space<semaphore_mem>>)
    %dma_wait3A_398 = arith.constant 0 : i32
    %dma_wait3A_399 = arith.constant 0 : i32
    %dma_wait3A_400 = tpu.memref_slice %arg6[%dma_wait3A_398, %dma_wait3A_399] : memref<2x128xi32, #tpu.memory_space<vmem>> -> memref<1x128xi32, #tpu.memory_space<vmem>>
    %dma_wait3A_401 = tpu.memref_squeeze %dma_wait3A_400 : memref<1x128xi32, #tpu.memory_space<vmem>> -> memref<128xi32, #tpu.memory_space<vmem>>
    %dma_wait3A_402 = arith.constant 0 : i32
    %dma_wait3A_403 = arith.constant 0 : i32
    %dma_wait3A_404 = tpu.memref_slice %arg2[%dma_wait3A_402, %dma_wait3A_403] : memref<30000x128xf32, #tpu.memory_space<hbm>> -> memref<30000x128xf32, #tpu.memory_space<hbm>>
    tpu.wait_indirect_dma semaphore(%arg22 : memref<!tpu.dma_semaphore, #tpu.memory_space<semaphore_mem>>) src(%dma_wait3A_404 : memref<30000x128xf32, #tpu.memory_space<hbm>>) dst(%arg12 : memref<128x128xf32, #tpu.memory_space<vmem>>)
    %dma_start3A_405 = arith.constant 1 : i32
    %dma_start3A_406 = arith.constant 0 : i32
    %dma_start3A_407 = tpu.memref_slice %arg6[%dma_start3A_405, %dma_start3A_406] : memref<2x128xi32, #tpu.memory_space<vmem>> -> memref<1x128xi32, #tpu.memory_space<vmem>>
    %dma_start3A_408 = tpu.memref_squeeze %dma_start3A_407 : memref<1x128xi32, #tpu.memory_space<vmem>> -> memref<128xi32, #tpu.memory_space<vmem>>
    %dma_start3A_409 = arith.constant 0 : i32
    %dma_start3A_410 = arith.constant 0 : i32
    %dma_start3A_411 = tpu.memref_slice %arg15[%dma_start3A_409, %dma_start3A_410] : memref<10032x128xf32, #tpu.memory_space<vmem_shared>> -> memref<10032x128xf32, #tpu.memory_space<vmem_shared>>
    tpu.enqueue_indirect_dma source(%arg12 : memref<128x128xf32, #tpu.memory_space<vmem>>) target(%dma_start3A_411 : memref<10032x128xf32, #tpu.memory_space<vmem_shared>>) offsets(%dma_start3A_408 : memref<128xi32, #tpu.memory_space<vmem>>) semaphore(%arg25 : memref<!tpu.dma_semaphore, #tpu.memory_space<semaphore_mem>>) {add = true}
    %add3A_412 = arith.constant 77 : i32
    %add3A_413 = arith.addi %mul3A_2, %add3A_412 : i32
    %dma_start3A_414 = arith.constant 0 : i32
    %dma_start3A_415 = arith.constant 0 : i32
    %dma_start3A_416 = tpu.memref_slice %arg3[%add3A_413, %dma_start3A_414, %dma_start3A_415] : memref<2560x2x128xi32, #tpu.memory_space<hbm>> -> memref<1x2x128xi32, #tpu.memory_space<hbm>>
    %dma_start3A_417 = tpu.memref_squeeze %dma_start3A_416 : memref<1x2x128xi32, #tpu.memory_space<hbm>> -> memref<2x128xi32, #tpu.memory_space<hbm>>
    %dma_start3A_418 = arith.constant 0 : i32
    %dma_start3A_419 = arith.constant 0 : i32
    %dma_start3A_420 = tpu.memref_slice %arg3[%add3A_413, %dma_start3A_418, %dma_start3A_419] : memref<2560x2x128xi32, #tpu.memory_space<hbm>> -> memref<1x2x128xi32, #tpu.memory_space<hbm>>
    %dma_start3A_421 = tpu.memref_squeeze %dma_start3A_420 : memref<1x2x128xi32, #tpu.memory_space<hbm>> -> memref<2x128xi32, #tpu.memory_space<hbm>>
    tpu.enqueue_dma source(%dma_start3A_421 : memref<2x128xi32, #tpu.memory_space<hbm>>) target(%arg11 : memref<2x128xi32, #tpu.memory_space<vmem>>) target_semaphore(%arg21 : memref<!tpu.dma_semaphore, #tpu.memory_space<semaphore_mem>>)
    %dma_wait3A_422 = arith.constant 1 : i32
    %dma_wait3A_423 = arith.constant 0 : i32
    %dma_wait3A_424 = tpu.memref_slice %arg6[%dma_wait3A_422, %dma_wait3A_423] : memref<2x128xi32, #tpu.memory_space<vmem>> -> memref<1x128xi32, #tpu.memory_space<vmem>>
    %dma_wait3A_425 = tpu.memref_squeeze %dma_wait3A_424 : memref<1x128xi32, #tpu.memory_space<vmem>> -> memref<128xi32, #tpu.memory_space<vmem>>
    %dma_wait3A_426 = arith.constant 0 : i32
    %dma_wait3A_427 = arith.constant 0 : i32
    %dma_wait3A_428 = tpu.memref_slice %arg15[%dma_wait3A_426, %dma_wait3A_427] : memref<10032x128xf32, #tpu.memory_space<vmem_shared>> -> memref<10032x128xf32, #tpu.memory_space<vmem_shared>>
    tpu.wait_indirect_dma semaphore(%arg25 : memref<!tpu.dma_semaphore, #tpu.memory_space<semaphore_mem>>) src(%arg12 : memref<128x128xf32, #tpu.memory_space<vmem>>) dst(%dma_wait3A_428 : memref<10032x128xf32, #tpu.memory_space<vmem_shared>>)
    %add3A_429 = arith.constant 75 : i32
    %add3A_430 = arith.addi %mul3A_2, %add3A_429 : i32
    %dma_wait3A_431 = arith.constant 0 : i32
    %dma_wait3A_432 = arith.constant 0 : i32
    %dma_wait3A_433 = tpu.memref_slice %arg3[%add3A_430, %dma_wait3A_431, %dma_wait3A_432] : memref<2560x2x128xi32, #tpu.memory_space<hbm>> -> memref<1x2x128xi32, #tpu.memory_space<hbm>>
    %dma_wait3A_434 = tpu.memref_squeeze %dma_wait3A_433 : memref<1x2x128xi32, #tpu.memory_space<hbm>> -> memref<2x128xi32, #tpu.memory_space<hbm>>
    %dma_wait3A_435 = arith.constant 0 : i32
    %dma_wait3A_436 = arith.constant 0 : i32
    %dma_wait3A_437 = tpu.memref_slice %arg3[%add3A_430, %dma_wait3A_435, %dma_wait3A_436] : memref<2560x2x128xi32, #tpu.memory_space<hbm>> -> memref<1x2x128xi32, #tpu.memory_space<hbm>>
    %dma_wait3A_438 = tpu.memref_squeeze %dma_wait3A_437 : memref<1x2x128xi32, #tpu.memory_space<hbm>> -> memref<2x128xi32, #tpu.memory_space<hbm>>
    tpu.wait_dma2 semaphore(%arg19 : memref<!tpu.dma_semaphore, #tpu.memory_space<semaphore_mem>>) src(%dma_wait3A_438 : memref<2x128xi32, #tpu.memory_space<hbm>>) dst(%arg9 : memref<2x128xi32, #tpu.memory_space<vmem>>)
    %dma_start3A_439 = arith.constant 0 : i32
    %dma_start3A_440 = arith.constant 0 : i32
    %dma_start3A_441 = tpu.memref_slice %arg9[%dma_start3A_439, %dma_start3A_440] : memref<2x128xi32, #tpu.memory_space<vmem>> -> memref<1x128xi32, #tpu.memory_space<vmem>>
    %dma_start3A_442 = tpu.memref_squeeze %dma_start3A_441 : memref<1x128xi32, #tpu.memory_space<vmem>> -> memref<128xi32, #tpu.memory_space<vmem>>
    %dma_start3A_443 = arith.constant 0 : i32
    %dma_start3A_444 = arith.constant 0 : i32
    %dma_start3A_445 = tpu.memref_slice %arg2[%dma_start3A_443, %dma_start3A_444] : memref<30000x128xf32, #tpu.memory_space<hbm>> -> memref<30000x128xf32, #tpu.memory_space<hbm>>
    tpu.enqueue_indirect_dma source(%dma_start3A_445 : memref<30000x128xf32, #tpu.memory_space<hbm>>) target(%arg12 : memref<128x128xf32, #tpu.memory_space<vmem>>) offsets(%dma_start3A_442 : memref<128xi32, #tpu.memory_space<vmem>>) semaphore(%arg22 : memref<!tpu.dma_semaphore, #tpu.memory_space<semaphore_mem>>)
    %dma_wait3A_446 = arith.constant 0 : i32
    %dma_wait3A_447 = arith.constant 0 : i32
    %dma_wait3A_448 = tpu.memref_slice %arg7[%dma_wait3A_446, %dma_wait3A_447] : memref<2x128xi32, #tpu.memory_space<vmem>> -> memref<1x128xi32, #tpu.memory_space<vmem>>
    %dma_wait3A_449 = tpu.memref_squeeze %dma_wait3A_448 : memref<1x128xi32, #tpu.memory_space<vmem>> -> memref<128xi32, #tpu.memory_space<vmem>>
    %dma_wait3A_450 = arith.constant 0 : i32
    %dma_wait3A_451 = arith.constant 0 : i32
    %dma_wait3A_452 = tpu.memref_slice %arg2[%dma_wait3A_450, %dma_wait3A_451] : memref<30000x128xf32, #tpu.memory_space<hbm>> -> memref<30000x128xf32, #tpu.memory_space<hbm>>
    tpu.wait_indirect_dma semaphore(%arg23 : memref<!tpu.dma_semaphore, #tpu.memory_space<semaphore_mem>>) src(%dma_wait3A_452 : memref<30000x128xf32, #tpu.memory_space<hbm>>) dst(%arg13 : memref<128x128xf32, #tpu.memory_space<vmem>>)
    %dma_start3A_453 = arith.constant 1 : i32
    %dma_start3A_454 = arith.constant 0 : i32
    %dma_start3A_455 = tpu.memref_slice %arg7[%dma_start3A_453, %dma_start3A_454] : memref<2x128xi32, #tpu.memory_space<vmem>> -> memref<1x128xi32, #tpu.memory_space<vmem>>
    %dma_start3A_456 = tpu.memref_squeeze %dma_start3A_455 : memref<1x128xi32, #tpu.memory_space<vmem>> -> memref<128xi32, #tpu.memory_space<vmem>>
    %dma_start3A_457 = arith.constant 0 : i32
    %dma_start3A_458 = arith.constant 0 : i32
    %dma_start3A_459 = tpu.memref_slice %arg15[%dma_start3A_457, %dma_start3A_458] : memref<10032x128xf32, #tpu.memory_space<vmem_shared>> -> memref<10032x128xf32, #tpu.memory_space<vmem_shared>>
    tpu.enqueue_indirect_dma source(%arg13 : memref<128x128xf32, #tpu.memory_space<vmem>>) target(%dma_start3A_459 : memref<10032x128xf32, #tpu.memory_space<vmem_shared>>) offsets(%dma_start3A_456 : memref<128xi32, #tpu.memory_space<vmem>>) semaphore(%arg26 : memref<!tpu.dma_semaphore, #tpu.memory_space<semaphore_mem>>) {add = true}
    %add3A_460 = arith.constant 78 : i32
    %add3A_461 = arith.addi %mul3A_2, %add3A_460 : i32
    %dma_start3A_462 = arith.constant 0 : i32
    %dma_start3A_463 = arith.constant 0 : i32
    %dma_start3A_464 = tpu.memref_slice %arg3[%add3A_461, %dma_start3A_462, %dma_start3A_463] : memref<2560x2x128xi32, #tpu.memory_space<hbm>> -> memref<1x2x128xi32, #tpu.memory_space<hbm>>
    %dma_start3A_465 = tpu.memref_squeeze %dma_start3A_464 : memref<1x2x128xi32, #tpu.memory_space<hbm>> -> memref<2x128xi32, #tpu.memory_space<hbm>>
    %dma_start3A_466 = arith.constant 0 : i32
    %dma_start3A_467 = arith.constant 0 : i32
    %dma_start3A_468 = tpu.memref_slice %arg3[%add3A_461, %dma_start3A_466, %dma_start3A_467] : memref<2560x2x128xi32, #tpu.memory_space<hbm>> -> memref<1x2x128xi32, #tpu.memory_space<hbm>>
    %dma_start3A_469 = tpu.memref_squeeze %dma_start3A_468 : memref<1x2x128xi32, #tpu.memory_space<hbm>> -> memref<2x128xi32, #tpu.memory_space<hbm>>
    tpu.enqueue_dma source(%dma_start3A_469 : memref<2x128xi32, #tpu.memory_space<hbm>>) target(%arg6 : memref<2x128xi32, #tpu.memory_space<vmem>>) target_semaphore(%arg16 : memref<!tpu.dma_semaphore, #tpu.memory_space<semaphore_mem>>)
    %dma_wait3A_470 = arith.constant 1 : i32
    %dma_wait3A_471 = arith.constant 0 : i32
    %dma_wait3A_472 = tpu.memref_slice %arg7[%dma_wait3A_470, %dma_wait3A_471] : memref<2x128xi32, #tpu.memory_space<vmem>> -> memref<1x128xi32, #tpu.memory_space<vmem>>
    %dma_wait3A_473 = tpu.memref_squeeze %dma_wait3A_472 : memref<1x128xi32, #tpu.memory_space<vmem>> -> memref<128xi32, #tpu.memory_space<vmem>>
    %dma_wait3A_474 = arith.constant 0 : i32
    %dma_wait3A_475 = arith.constant 0 : i32
    %dma_wait3A_476 = tpu.memref_slice %arg15[%dma_wait3A_474, %dma_wait3A_475] : memref<10032x128xf32, #tpu.memory_space<vmem_shared>> -> memref<10032x128xf32, #tpu.memory_space<vmem_shared>>
    tpu.wait_indirect_dma semaphore(%arg26 : memref<!tpu.dma_semaphore, #tpu.memory_space<semaphore_mem>>) src(%arg13 : memref<128x128xf32, #tpu.memory_space<vmem>>) dst(%dma_wait3A_476 : memref<10032x128xf32, #tpu.memory_space<vmem_shared>>)
    %add3A_477 = arith.constant 76 : i32
    %add3A_478 = arith.addi %mul3A_2, %add3A_477 : i32
    %dma_wait3A_479 = arith.constant 0 : i32
    %dma_wait3A_480 = arith.constant 0 : i32
    %dma_wait3A_481 = tpu.memref_slice %arg3[%add3A_478, %dma_wait3A_479, %dma_wait3A_480] : memref<2560x2x128xi32, #tpu.memory_space<hbm>> -> memref<1x2x128xi32, #tpu.memory_space<hbm>>
    %dma_wait3A_482 = tpu.memref_squeeze %dma_wait3A_481 : memref<1x2x128xi32, #tpu.memory_space<hbm>> -> memref<2x128xi32, #tpu.memory_space<hbm>>
    %dma_wait3A_483 = arith.constant 0 : i32
    %dma_wait3A_484 = arith.constant 0 : i32
    %dma_wait3A_485 = tpu.memref_slice %arg3[%add3A_478, %dma_wait3A_483, %dma_wait3A_484] : memref<2560x2x128xi32, #tpu.memory_space<hbm>> -> memref<1x2x128xi32, #tpu.memory_space<hbm>>
    %dma_wait3A_486 = tpu.memref_squeeze %dma_wait3A_485 : memref<1x2x128xi32, #tpu.memory_space<hbm>> -> memref<2x128xi32, #tpu.memory_space<hbm>>
    tpu.wait_dma2 semaphore(%arg20 : memref<!tpu.dma_semaphore, #tpu.memory_space<semaphore_mem>>) src(%dma_wait3A_486 : memref<2x128xi32, #tpu.memory_space<hbm>>) dst(%arg10 : memref<2x128xi32, #tpu.memory_space<vmem>>)
    %dma_start3A_487 = arith.constant 0 : i32
    %dma_start3A_488 = arith.constant 0 : i32
    %dma_start3A_489 = tpu.memref_slice %arg10[%dma_start3A_487, %dma_start3A_488] : memref<2x128xi32, #tpu.memory_space<vmem>> -> memref<1x128xi32, #tpu.memory_space<vmem>>
    %dma_start3A_490 = tpu.memref_squeeze %dma_start3A_489 : memref<1x128xi32, #tpu.memory_space<vmem>> -> memref<128xi32, #tpu.memory_space<vmem>>
    %dma_start3A_491 = arith.constant 0 : i32
    %dma_start3A_492 = arith.constant 0 : i32
    %dma_start3A_493 = tpu.memref_slice %arg2[%dma_start3A_491, %dma_start3A_492] : memref<30000x128xf32, #tpu.memory_space<hbm>> -> memref<30000x128xf32, #tpu.memory_space<hbm>>
    tpu.enqueue_indirect_dma source(%dma_start3A_493 : memref<30000x128xf32, #tpu.memory_space<hbm>>) target(%arg13 : memref<128x128xf32, #tpu.memory_space<vmem>>) offsets(%dma_start3A_490 : memref<128xi32, #tpu.memory_space<vmem>>) semaphore(%arg23 : memref<!tpu.dma_semaphore, #tpu.memory_space<semaphore_mem>>)
    %dma_wait3A_494 = arith.constant 0 : i32
    %dma_wait3A_495 = arith.constant 0 : i32
    %dma_wait3A_496 = tpu.memref_slice %arg8[%dma_wait3A_494, %dma_wait3A_495] : memref<2x128xi32, #tpu.memory_space<vmem>> -> memref<1x128xi32, #tpu.memory_space<vmem>>
    %dma_wait3A_497 = tpu.memref_squeeze %dma_wait3A_496 : memref<1x128xi32, #tpu.memory_space<vmem>> -> memref<128xi32, #tpu.memory_space<vmem>>
    %dma_wait3A_498 = arith.constant 0 : i32
    %dma_wait3A_499 = arith.constant 0 : i32
    %dma_wait3A_500 = tpu.memref_slice %arg2[%dma_wait3A_498, %dma_wait3A_499] : memref<30000x128xf32, #tpu.memory_space<hbm>> -> memref<30000x128xf32, #tpu.memory_space<hbm>>
    tpu.wait_indirect_dma semaphore(%arg24 : memref<!tpu.dma_semaphore, #tpu.memory_space<semaphore_mem>>) src(%dma_wait3A_500 : memref<30000x128xf32, #tpu.memory_space<hbm>>) dst(%arg14 : memref<128x128xf32, #tpu.memory_space<vmem>>)
    %dma_start3A_501 = arith.constant 1 : i32
    %dma_start3A_502 = arith.constant 0 : i32
    %dma_start3A_503 = tpu.memref_slice %arg8[%dma_start3A_501, %dma_start3A_502] : memref<2x128xi32, #tpu.memory_space<vmem>> -> memref<1x128xi32, #tpu.memory_space<vmem>>
    %dma_start3A_504 = tpu.memref_squeeze %dma_start3A_503 : memref<1x128xi32, #tpu.memory_space<vmem>> -> memref<128xi32, #tpu.memory_space<vmem>>
    %dma_start3A_505 = arith.constant 0 : i32
    %dma_start3A_506 = arith.constant 0 : i32
    %dma_start3A_507 = tpu.memref_slice %arg15[%dma_start3A_505, %dma_start3A_506] : memref<10032x128xf32, #tpu.memory_space<vmem_shared>> -> memref<10032x128xf32, #tpu.memory_space<vmem_shared>>
    tpu.enqueue_indirect_dma source(%arg14 : memref<128x128xf32, #tpu.memory_space<vmem>>) target(%dma_start3A_507 : memref<10032x128xf32, #tpu.memory_space<vmem_shared>>) offsets(%dma_start3A_504 : memref<128xi32, #tpu.memory_space<vmem>>) semaphore(%arg27 : memref<!tpu.dma_semaphore, #tpu.memory_space<semaphore_mem>>) {add = true}
    %add3A_508 = arith.constant 79 : i32
    %add3A_509 = arith.addi %mul3A_2, %add3A_508 : i32
    %dma_start3A_510 = arith.constant 0 : i32
    %dma_start3A_511 = arith.constant 0 : i32
    %dma_start3A_512 = tpu.memref_slice %arg3[%add3A_509, %dma_start3A_510, %dma_start3A_511] : memref<2560x2x128xi32, #tpu.memory_space<hbm>> -> memref<1x2x128xi32, #tpu.memory_space<hbm>>
    %dma_start3A_513 = tpu.memref_squeeze %dma_start3A_512 : memref<1x2x128xi32, #tpu.memory_space<hbm>> -> memref<2x128xi32, #tpu.memory_space<hbm>>
    %dma_start3A_514 = arith.constant 0 : i32
    %dma_start3A_515 = arith.constant 0 : i32
    %dma_start3A_516 = tpu.memref_slice %arg3[%add3A_509, %dma_start3A_514, %dma_start3A_515] : memref<2560x2x128xi32, #tpu.memory_space<hbm>> -> memref<1x2x128xi32, #tpu.memory_space<hbm>>
    %dma_start3A_517 = tpu.memref_squeeze %dma_start3A_516 : memref<1x2x128xi32, #tpu.memory_space<hbm>> -> memref<2x128xi32, #tpu.memory_space<hbm>>
    tpu.enqueue_dma source(%dma_start3A_517 : memref<2x128xi32, #tpu.memory_space<hbm>>) target(%arg7 : memref<2x128xi32, #tpu.memory_space<vmem>>) target_semaphore(%arg17 : memref<!tpu.dma_semaphore, #tpu.memory_space<semaphore_mem>>)
    %dma_wait3A_518 = arith.constant 1 : i32
    %dma_wait3A_519 = arith.constant 0 : i32
    %dma_wait3A_520 = tpu.memref_slice %arg8[%dma_wait3A_518, %dma_wait3A_519] : memref<2x128xi32, #tpu.memory_space<vmem>> -> memref<1x128xi32, #tpu.memory_space<vmem>>
    %dma_wait3A_521 = tpu.memref_squeeze %dma_wait3A_520 : memref<1x128xi32, #tpu.memory_space<vmem>> -> memref<128xi32, #tpu.memory_space<vmem>>
    %dma_wait3A_522 = arith.constant 0 : i32
    %dma_wait3A_523 = arith.constant 0 : i32
    %dma_wait3A_524 = tpu.memref_slice %arg15[%dma_wait3A_522, %dma_wait3A_523] : memref<10032x128xf32, #tpu.memory_space<vmem_shared>> -> memref<10032x128xf32, #tpu.memory_space<vmem_shared>>
    tpu.wait_indirect_dma semaphore(%arg27 : memref<!tpu.dma_semaphore, #tpu.memory_space<semaphore_mem>>) src(%arg14 : memref<128x128xf32, #tpu.memory_space<vmem>>) dst(%dma_wait3A_524 : memref<10032x128xf32, #tpu.memory_space<vmem_shared>>)
    %add3A_525 = arith.constant 77 : i32
    %add3A_526 = arith.addi %mul3A_2, %add3A_525 : i32
    %dma_wait3A_527 = arith.constant 0 : i32
    %dma_wait3A_528 = arith.constant 0 : i32
    %dma_wait3A_529 = tpu.memref_slice %arg3[%add3A_526, %dma_wait3A_527, %dma_wait3A_528] : memref<2560x2x128xi32, #tpu.memory_space<hbm>> -> memref<1x2x128xi32, #tpu.memory_space<hbm>>
    %dma_wait3A_530 = tpu.memref_squeeze %dma_wait3A_529 : memref<1x2x128xi32, #tpu.memory_space<hbm>> -> memref<2x128xi32, #tpu.memory_space<hbm>>
    %dma_wait3A_531 = arith.constant 0 : i32
    %dma_wait3A_532 = arith.constant 0 : i32
    %dma_wait3A_533 = tpu.memref_slice %arg3[%add3A_526, %dma_wait3A_531, %dma_wait3A_532] : memref<2560x2x128xi32, #tpu.memory_space<hbm>> -> memref<1x2x128xi32, #tpu.memory_space<hbm>>
    %dma_wait3A_534 = tpu.memref_squeeze %dma_wait3A_533 : memref<1x2x128xi32, #tpu.memory_space<hbm>> -> memref<2x128xi32, #tpu.memory_space<hbm>>
    tpu.wait_dma2 semaphore(%arg21 : memref<!tpu.dma_semaphore, #tpu.memory_space<semaphore_mem>>) src(%dma_wait3A_534 : memref<2x128xi32, #tpu.memory_space<hbm>>) dst(%arg11 : memref<2x128xi32, #tpu.memory_space<vmem>>)
    %dma_start3A_535 = arith.constant 0 : i32
    %dma_start3A_536 = arith.constant 0 : i32
    %dma_start3A_537 = tpu.memref_slice %arg11[%dma_start3A_535, %dma_start3A_536] : memref<2x128xi32, #tpu.memory_space<vmem>> -> memref<1x128xi32, #tpu.memory_space<vmem>>
    %dma_start3A_538 = tpu.memref_squeeze %dma_start3A_537 : memref<1x128xi32, #tpu.memory_space<vmem>> -> memref<128xi32, #tpu.memory_space<vmem>>
    %dma_start3A_539 = arith.constant 0 : i32
    %dma_start3A_540 = arith.constant 0 : i32
    %dma_start3A_541 = tpu.memref_slice %arg2[%dma_start3A_539, %dma_start3A_540] : memref<30000x128xf32, #tpu.memory_space<hbm>> -> memref<30000x128xf32, #tpu.memory_space<hbm>>
    tpu.enqueue_indirect_dma source(%dma_start3A_541 : memref<30000x128xf32, #tpu.memory_space<hbm>>) target(%arg14 : memref<128x128xf32, #tpu.memory_space<vmem>>) offsets(%dma_start3A_538 : memref<128xi32, #tpu.memory_space<vmem>>) semaphore(%arg24 : memref<!tpu.dma_semaphore, #tpu.memory_space<semaphore_mem>>)
    %dma_wait3A_542 = arith.constant 0 : i32
    %dma_wait3A_543 = arith.constant 0 : i32
    %dma_wait3A_544 = tpu.memref_slice %arg9[%dma_wait3A_542, %dma_wait3A_543] : memref<2x128xi32, #tpu.memory_space<vmem>> -> memref<1x128xi32, #tpu.memory_space<vmem>>
    %dma_wait3A_545 = tpu.memref_squeeze %dma_wait3A_544 : memref<1x128xi32, #tpu.memory_space<vmem>> -> memref<128xi32, #tpu.memory_space<vmem>>
    %dma_wait3A_546 = arith.constant 0 : i32
    %dma_wait3A_547 = arith.constant 0 : i32
    %dma_wait3A_548 = tpu.memref_slice %arg2[%dma_wait3A_546, %dma_wait3A_547] : memref<30000x128xf32, #tpu.memory_space<hbm>> -> memref<30000x128xf32, #tpu.memory_space<hbm>>
    tpu.wait_indirect_dma semaphore(%arg22 : memref<!tpu.dma_semaphore, #tpu.memory_space<semaphore_mem>>) src(%dma_wait3A_548 : memref<30000x128xf32, #tpu.memory_space<hbm>>) dst(%arg12 : memref<128x128xf32, #tpu.memory_space<vmem>>)
    %dma_start3A_549 = arith.constant 1 : i32
    %dma_start3A_550 = arith.constant 0 : i32
    %dma_start3A_551 = tpu.memref_slice %arg9[%dma_start3A_549, %dma_start3A_550] : memref<2x128xi32, #tpu.memory_space<vmem>> -> memref<1x128xi32, #tpu.memory_space<vmem>>
    %dma_start3A_552 = tpu.memref_squeeze %dma_start3A_551 : memref<1x128xi32, #tpu.memory_space<vmem>> -> memref<128xi32, #tpu.memory_space<vmem>>
    %dma_start3A_553 = arith.constant 0 : i32
    %dma_start3A_554 = arith.constant 0 : i32
    %dma_start3A_555 = tpu.memref_slice %arg15[%dma_start3A_553, %dma_start3A_554] : memref<10032x128xf32, #tpu.memory_space<vmem_shared>> -> memref<10032x128xf32, #tpu.memory_space<vmem_shared>>
    tpu.enqueue_indirect_dma source(%arg12 : memref<128x128xf32, #tpu.memory_space<vmem>>) target(%dma_start3A_555 : memref<10032x128xf32, #tpu.memory_space<vmem_shared>>) offsets(%dma_start3A_552 : memref<128xi32, #tpu.memory_space<vmem>>) semaphore(%arg25 : memref<!tpu.dma_semaphore, #tpu.memory_space<semaphore_mem>>) {add = true}
    %dma_wait3A_556 = arith.constant 1 : i32
    %dma_wait3A_557 = arith.constant 0 : i32
    %dma_wait3A_558 = tpu.memref_slice %arg9[%dma_wait3A_556, %dma_wait3A_557] : memref<2x128xi32, #tpu.memory_space<vmem>> -> memref<1x128xi32, #tpu.memory_space<vmem>>
    %dma_wait3A_559 = tpu.memref_squeeze %dma_wait3A_558 : memref<1x128xi32, #tpu.memory_space<vmem>> -> memref<128xi32, #tpu.memory_space<vmem>>
    %dma_wait3A_560 = arith.constant 0 : i32
    %dma_wait3A_561 = arith.constant 0 : i32
    %dma_wait3A_562 = tpu.memref_slice %arg15[%dma_wait3A_560, %dma_wait3A_561] : memref<10032x128xf32, #tpu.memory_space<vmem_shared>> -> memref<10032x128xf32, #tpu.memory_space<vmem_shared>>
    tpu.wait_indirect_dma semaphore(%arg25 : memref<!tpu.dma_semaphore, #tpu.memory_space<semaphore_mem>>) src(%arg12 : memref<128x128xf32, #tpu.memory_space<vmem>>) dst(%dma_wait3A_562 : memref<10032x128xf32, #tpu.memory_space<vmem_shared>>)
    %add3A_563 = arith.constant 78 : i32
    %add3A_564 = arith.addi %mul3A_2, %add3A_563 : i32
    %dma_wait3A_565 = arith.constant 0 : i32
    %dma_wait3A_566 = arith.constant 0 : i32
    %dma_wait3A_567 = tpu.memref_slice %arg3[%add3A_564, %dma_wait3A_565, %dma_wait3A_566] : memref<2560x2x128xi32, #tpu.memory_space<hbm>> -> memref<1x2x128xi32, #tpu.memory_space<hbm>>
    %dma_wait3A_568 = tpu.memref_squeeze %dma_wait3A_567 : memref<1x2x128xi32, #tpu.memory_space<hbm>> -> memref<2x128xi32, #tpu.memory_space<hbm>>
    %dma_wait3A_569 = arith.constant 0 : i32
    %dma_wait3A_570 = arith.constant 0 : i32
    %dma_wait3A_571 = tpu.memref_slice %arg3[%add3A_564, %dma_wait3A_569, %dma_wait3A_570] : memref<2560x2x128xi32, #tpu.memory_space<hbm>> -> memref<1x2x128xi32, #tpu.memory_space<hbm>>
    %dma_wait3A_572 = tpu.memref_squeeze %dma_wait3A_571 : memref<1x2x128xi32, #tpu.memory_space<hbm>> -> memref<2x128xi32, #tpu.memory_space<hbm>>
    tpu.wait_dma2 semaphore(%arg16 : memref<!tpu.dma_semaphore, #tpu.memory_space<semaphore_mem>>) src(%dma_wait3A_572 : memref<2x128xi32, #tpu.memory_space<hbm>>) dst(%arg6 : memref<2x128xi32, #tpu.memory_space<vmem>>)
    %dma_start3A_573 = arith.constant 0 : i32
    %dma_start3A_574 = arith.constant 0 : i32
    %dma_start3A_575 = tpu.memref_slice %arg6[%dma_start3A_573, %dma_start3A_574] : memref<2x128xi32, #tpu.memory_space<vmem>> -> memref<1x128xi32, #tpu.memory_space<vmem>>
    %dma_start3A_576 = tpu.memref_squeeze %dma_start3A_575 : memref<1x128xi32, #tpu.memory_space<vmem>> -> memref<128xi32, #tpu.memory_space<vmem>>
    %dma_start3A_577 = arith.constant 0 : i32
    %dma_start3A_578 = arith.constant 0 : i32
    %dma_start3A_579 = tpu.memref_slice %arg2[%dma_start3A_577, %dma_start3A_578] : memref<30000x128xf32, #tpu.memory_space<hbm>> -> memref<30000x128xf32, #tpu.memory_space<hbm>>
    tpu.enqueue_indirect_dma source(%dma_start3A_579 : memref<30000x128xf32, #tpu.memory_space<hbm>>) target(%arg12 : memref<128x128xf32, #tpu.memory_space<vmem>>) offsets(%dma_start3A_576 : memref<128xi32, #tpu.memory_space<vmem>>) semaphore(%arg22 : memref<!tpu.dma_semaphore, #tpu.memory_space<semaphore_mem>>)
    %dma_wait3A_580 = arith.constant 0 : i32
    %dma_wait3A_581 = arith.constant 0 : i32
    %dma_wait3A_582 = tpu.memref_slice %arg10[%dma_wait3A_580, %dma_wait3A_581] : memref<2x128xi32, #tpu.memory_space<vmem>> -> memref<1x128xi32, #tpu.memory_space<vmem>>
    %dma_wait3A_583 = tpu.memref_squeeze %dma_wait3A_582 : memref<1x128xi32, #tpu.memory_space<vmem>> -> memref<128xi32, #tpu.memory_space<vmem>>
    %dma_wait3A_584 = arith.constant 0 : i32
    %dma_wait3A_585 = arith.constant 0 : i32
    %dma_wait3A_586 = tpu.memref_slice %arg2[%dma_wait3A_584, %dma_wait3A_585] : memref<30000x128xf32, #tpu.memory_space<hbm>> -> memref<30000x128xf32, #tpu.memory_space<hbm>>
    tpu.wait_indirect_dma semaphore(%arg23 : memref<!tpu.dma_semaphore, #tpu.memory_space<semaphore_mem>>) src(%dma_wait3A_586 : memref<30000x128xf32, #tpu.memory_space<hbm>>) dst(%arg13 : memref<128x128xf32, #tpu.memory_space<vmem>>)
    %dma_start3A_587 = arith.constant 1 : i32
    %dma_start3A_588 = arith.constant 0 : i32
    %dma_start3A_589 = tpu.memref_slice %arg10[%dma_start3A_587, %dma_start3A_588] : memref<2x128xi32, #tpu.memory_space<vmem>> -> memref<1x128xi32, #tpu.memory_space<vmem>>
    %dma_start3A_590 = tpu.memref_squeeze %dma_start3A_589 : memref<1x128xi32, #tpu.memory_space<vmem>> -> memref<128xi32, #tpu.memory_space<vmem>>
    %dma_start3A_591 = arith.constant 0 : i32
    %dma_start3A_592 = arith.constant 0 : i32
    %dma_start3A_593 = tpu.memref_slice %arg15[%dma_start3A_591, %dma_start3A_592] : memref<10032x128xf32, #tpu.memory_space<vmem_shared>> -> memref<10032x128xf32, #tpu.memory_space<vmem_shared>>
    tpu.enqueue_indirect_dma source(%arg13 : memref<128x128xf32, #tpu.memory_space<vmem>>) target(%dma_start3A_593 : memref<10032x128xf32, #tpu.memory_space<vmem_shared>>) offsets(%dma_start3A_590 : memref<128xi32, #tpu.memory_space<vmem>>) semaphore(%arg26 : memref<!tpu.dma_semaphore, #tpu.memory_space<semaphore_mem>>) {add = true}
    %dma_wait3A_594 = arith.constant 1 : i32
    %dma_wait3A_595 = arith.constant 0 : i32
    %dma_wait3A_596 = tpu.memref_slice %arg10[%dma_wait3A_594, %dma_wait3A_595] : memref<2x128xi32, #tpu.memory_space<vmem>> -> memref<1x128xi32, #tpu.memory_space<vmem>>
    %dma_wait3A_597 = tpu.memref_squeeze %dma_wait3A_596 : memref<1x128xi32, #tpu.memory_space<vmem>> -> memref<128xi32, #tpu.memory_space<vmem>>
    %dma_wait3A_598 = arith.constant 0 : i32
    %dma_wait3A_599 = arith.constant 0 : i32
    %dma_wait3A_600 = tpu.memref_slice %arg15[%dma_wait3A_598, %dma_wait3A_599] : memref<10032x128xf32, #tpu.memory_space<vmem_shared>> -> memref<10032x128xf32, #tpu.memory_space<vmem_shared>>
    tpu.wait_indirect_dma semaphore(%arg26 : memref<!tpu.dma_semaphore, #tpu.memory_space<semaphore_mem>>) src(%arg13 : memref<128x128xf32, #tpu.memory_space<vmem>>) dst(%dma_wait3A_600 : memref<10032x128xf32, #tpu.memory_space<vmem_shared>>)
    %add3A_601 = arith.constant 79 : i32
    %add3A_602 = arith.addi %mul3A_2, %add3A_601 : i32
    %dma_wait3A_603 = arith.constant 0 : i32
    %dma_wait3A_604 = arith.constant 0 : i32
    %dma_wait3A_605 = tpu.memref_slice %arg3[%add3A_602, %dma_wait3A_603, %dma_wait3A_604] : memref<2560x2x128xi32, #tpu.memory_space<hbm>> -> memref<1x2x128xi32, #tpu.memory_space<hbm>>
    %dma_wait3A_606 = tpu.memref_squeeze %dma_wait3A_605 : memref<1x2x128xi32, #tpu.memory_space<hbm>> -> memref<2x128xi32, #tpu.memory_space<hbm>>
    %dma_wait3A_607 = arith.constant 0 : i32
    %dma_wait3A_608 = arith.constant 0 : i32
    %dma_wait3A_609 = tpu.memref_slice %arg3[%add3A_602, %dma_wait3A_607, %dma_wait3A_608] : memref<2560x2x128xi32, #tpu.memory_space<hbm>> -> memref<1x2x128xi32, #tpu.memory_space<hbm>>
    %dma_wait3A_610 = tpu.memref_squeeze %dma_wait3A_609 : memref<1x2x128xi32, #tpu.memory_space<hbm>> -> memref<2x128xi32, #tpu.memory_space<hbm>>
    tpu.wait_dma2 semaphore(%arg17 : memref<!tpu.dma_semaphore, #tpu.memory_space<semaphore_mem>>) src(%dma_wait3A_610 : memref<2x128xi32, #tpu.memory_space<hbm>>) dst(%arg7 : memref<2x128xi32, #tpu.memory_space<vmem>>)
    %dma_start3A_611 = arith.constant 0 : i32
    %dma_start3A_612 = arith.constant 0 : i32
    %dma_start3A_613 = tpu.memref_slice %arg7[%dma_start3A_611, %dma_start3A_612] : memref<2x128xi32, #tpu.memory_space<vmem>> -> memref<1x128xi32, #tpu.memory_space<vmem>>
    %dma_start3A_614 = tpu.memref_squeeze %dma_start3A_613 : memref<1x128xi32, #tpu.memory_space<vmem>> -> memref<128xi32, #tpu.memory_space<vmem>>
    %dma_start3A_615 = arith.constant 0 : i32
    %dma_start3A_616 = arith.constant 0 : i32
    %dma_start3A_617 = tpu.memref_slice %arg2[%dma_start3A_615, %dma_start3A_616] : memref<30000x128xf32, #tpu.memory_space<hbm>> -> memref<30000x128xf32, #tpu.memory_space<hbm>>
    tpu.enqueue_indirect_dma source(%dma_start3A_617 : memref<30000x128xf32, #tpu.memory_space<hbm>>) target(%arg13 : memref<128x128xf32, #tpu.memory_space<vmem>>) offsets(%dma_start3A_614 : memref<128xi32, #tpu.memory_space<vmem>>) semaphore(%arg23 : memref<!tpu.dma_semaphore, #tpu.memory_space<semaphore_mem>>)
    %dma_wait3A_618 = arith.constant 0 : i32
    %dma_wait3A_619 = arith.constant 0 : i32
    %dma_wait3A_620 = tpu.memref_slice %arg11[%dma_wait3A_618, %dma_wait3A_619] : memref<2x128xi32, #tpu.memory_space<vmem>> -> memref<1x128xi32, #tpu.memory_space<vmem>>
    %dma_wait3A_621 = tpu.memref_squeeze %dma_wait3A_620 : memref<1x128xi32, #tpu.memory_space<vmem>> -> memref<128xi32, #tpu.memory_space<vmem>>
    %dma_wait3A_622 = arith.constant 0 : i32
    %dma_wait3A_623 = arith.constant 0 : i32
    %dma_wait3A_624 = tpu.memref_slice %arg2[%dma_wait3A_622, %dma_wait3A_623] : memref<30000x128xf32, #tpu.memory_space<hbm>> -> memref<30000x128xf32, #tpu.memory_space<hbm>>
    tpu.wait_indirect_dma semaphore(%arg24 : memref<!tpu.dma_semaphore, #tpu.memory_space<semaphore_mem>>) src(%dma_wait3A_624 : memref<30000x128xf32, #tpu.memory_space<hbm>>) dst(%arg14 : memref<128x128xf32, #tpu.memory_space<vmem>>)
    %dma_start3A_625 = arith.constant 1 : i32
    %dma_start3A_626 = arith.constant 0 : i32
    %dma_start3A_627 = tpu.memref_slice %arg11[%dma_start3A_625, %dma_start3A_626] : memref<2x128xi32, #tpu.memory_space<vmem>> -> memref<1x128xi32, #tpu.memory_space<vmem>>
    %dma_start3A_628 = tpu.memref_squeeze %dma_start3A_627 : memref<1x128xi32, #tpu.memory_space<vmem>> -> memref<128xi32, #tpu.memory_space<vmem>>
    %dma_start3A_629 = arith.constant 0 : i32
    %dma_start3A_630 = arith.constant 0 : i32
    %dma_start3A_631 = tpu.memref_slice %arg15[%dma_start3A_629, %dma_start3A_630] : memref<10032x128xf32, #tpu.memory_space<vmem_shared>> -> memref<10032x128xf32, #tpu.memory_space<vmem_shared>>
    tpu.enqueue_indirect_dma source(%arg14 : memref<128x128xf32, #tpu.memory_space<vmem>>) target(%dma_start3A_631 : memref<10032x128xf32, #tpu.memory_space<vmem_shared>>) offsets(%dma_start3A_628 : memref<128xi32, #tpu.memory_space<vmem>>) semaphore(%arg27 : memref<!tpu.dma_semaphore, #tpu.memory_space<semaphore_mem>>) {add = true}
    %dma_wait3A_632 = arith.constant 1 : i32
    %dma_wait3A_633 = arith.constant 0 : i32
    %dma_wait3A_634 = tpu.memref_slice %arg11[%dma_wait3A_632, %dma_wait3A_633] : memref<2x128xi32, #tpu.memory_space<vmem>> -> memref<1x128xi32, #tpu.memory_space<vmem>>
    %dma_wait3A_635 = tpu.memref_squeeze %dma_wait3A_634 : memref<1x128xi32, #tpu.memory_space<vmem>> -> memref<128xi32, #tpu.memory_space<vmem>>
    %dma_wait3A_636 = arith.constant 0 : i32
    %dma_wait3A_637 = arith.constant 0 : i32
    %dma_wait3A_638 = tpu.memref_slice %arg15[%dma_wait3A_636, %dma_wait3A_637] : memref<10032x128xf32, #tpu.memory_space<vmem_shared>> -> memref<10032x128xf32, #tpu.memory_space<vmem_shared>>
    tpu.wait_indirect_dma semaphore(%arg27 : memref<!tpu.dma_semaphore, #tpu.memory_space<semaphore_mem>>) src(%arg14 : memref<128x128xf32, #tpu.memory_space<vmem>>) dst(%dma_wait3A_638 : memref<10032x128xf32, #tpu.memory_space<vmem_shared>>)
    %dma_wait3A_639 = arith.constant 0 : i32
    %dma_wait3A_640 = arith.constant 0 : i32
    %dma_wait3A_641 = tpu.memref_slice %arg6[%dma_wait3A_639, %dma_wait3A_640] : memref<2x128xi32, #tpu.memory_space<vmem>> -> memref<1x128xi32, #tpu.memory_space<vmem>>
    %dma_wait3A_642 = tpu.memref_squeeze %dma_wait3A_641 : memref<1x128xi32, #tpu.memory_space<vmem>> -> memref<128xi32, #tpu.memory_space<vmem>>
    %dma_wait3A_643 = arith.constant 0 : i32
    %dma_wait3A_644 = arith.constant 0 : i32
    %dma_wait3A_645 = tpu.memref_slice %arg2[%dma_wait3A_643, %dma_wait3A_644] : memref<30000x128xf32, #tpu.memory_space<hbm>> -> memref<30000x128xf32, #tpu.memory_space<hbm>>
    tpu.wait_indirect_dma semaphore(%arg22 : memref<!tpu.dma_semaphore, #tpu.memory_space<semaphore_mem>>) src(%dma_wait3A_645 : memref<30000x128xf32, #tpu.memory_space<hbm>>) dst(%arg12 : memref<128x128xf32, #tpu.memory_space<vmem>>)
    %dma_start3A_646 = arith.constant 1 : i32
    %dma_start3A_647 = arith.constant 0 : i32
    %dma_start3A_648 = tpu.memref_slice %arg6[%dma_start3A_646, %dma_start3A_647] : memref<2x128xi32, #tpu.memory_space<vmem>> -> memref<1x128xi32, #tpu.memory_space<vmem>>
    %dma_start3A_649 = tpu.memref_squeeze %dma_start3A_648 : memref<1x128xi32, #tpu.memory_space<vmem>> -> memref<128xi32, #tpu.memory_space<vmem>>
    %dma_start3A_650 = arith.constant 0 : i32
    %dma_start3A_651 = arith.constant 0 : i32
    %dma_start3A_652 = tpu.memref_slice %arg15[%dma_start3A_650, %dma_start3A_651] : memref<10032x128xf32, #tpu.memory_space<vmem_shared>> -> memref<10032x128xf32, #tpu.memory_space<vmem_shared>>
    tpu.enqueue_indirect_dma source(%arg12 : memref<128x128xf32, #tpu.memory_space<vmem>>) target(%dma_start3A_652 : memref<10032x128xf32, #tpu.memory_space<vmem_shared>>) offsets(%dma_start3A_649 : memref<128xi32, #tpu.memory_space<vmem>>) semaphore(%arg25 : memref<!tpu.dma_semaphore, #tpu.memory_space<semaphore_mem>>) {add = true}
    %dma_wait3A_653 = arith.constant 1 : i32
    %dma_wait3A_654 = arith.constant 0 : i32
    %dma_wait3A_655 = tpu.memref_slice %arg6[%dma_wait3A_653, %dma_wait3A_654] : memref<2x128xi32, #tpu.memory_space<vmem>> -> memref<1x128xi32, #tpu.memory_space<vmem>>
    %dma_wait3A_656 = tpu.memref_squeeze %dma_wait3A_655 : memref<1x128xi32, #tpu.memory_space<vmem>> -> memref<128xi32, #tpu.memory_space<vmem>>
    %dma_wait3A_657 = arith.constant 0 : i32
    %dma_wait3A_658 = arith.constant 0 : i32
    %dma_wait3A_659 = tpu.memref_slice %arg15[%dma_wait3A_657, %dma_wait3A_658] : memref<10032x128xf32, #tpu.memory_space<vmem_shared>> -> memref<10032x128xf32, #tpu.memory_space<vmem_shared>>
    tpu.wait_indirect_dma semaphore(%arg25 : memref<!tpu.dma_semaphore, #tpu.memory_space<semaphore_mem>>) src(%arg12 : memref<128x128xf32, #tpu.memory_space<vmem>>) dst(%dma_wait3A_659 : memref<10032x128xf32, #tpu.memory_space<vmem_shared>>)
    %dma_wait3A_660 = arith.constant 0 : i32
    %dma_wait3A_661 = arith.constant 0 : i32
    %dma_wait3A_662 = tpu.memref_slice %arg7[%dma_wait3A_660, %dma_wait3A_661] : memref<2x128xi32, #tpu.memory_space<vmem>> -> memref<1x128xi32, #tpu.memory_space<vmem>>
    %dma_wait3A_663 = tpu.memref_squeeze %dma_wait3A_662 : memref<1x128xi32, #tpu.memory_space<vmem>> -> memref<128xi32, #tpu.memory_space<vmem>>
    %dma_wait3A_664 = arith.constant 0 : i32
    %dma_wait3A_665 = arith.constant 0 : i32
    %dma_wait3A_666 = tpu.memref_slice %arg2[%dma_wait3A_664, %dma_wait3A_665] : memref<30000x128xf32, #tpu.memory_space<hbm>> -> memref<30000x128xf32, #tpu.memory_space<hbm>>
    tpu.wait_indirect_dma semaphore(%arg23 : memref<!tpu.dma_semaphore, #tpu.memory_space<semaphore_mem>>) src(%dma_wait3A_666 : memref<30000x128xf32, #tpu.memory_space<hbm>>) dst(%arg13 : memref<128x128xf32, #tpu.memory_space<vmem>>)
    %dma_start3A_667 = arith.constant 1 : i32
    %dma_start3A_668 = arith.constant 0 : i32
    %dma_start3A_669 = tpu.memref_slice %arg7[%dma_start3A_667, %dma_start3A_668] : memref<2x128xi32, #tpu.memory_space<vmem>> -> memref<1x128xi32, #tpu.memory_space<vmem>>
    %dma_start3A_670 = tpu.memref_squeeze %dma_start3A_669 : memref<1x128xi32, #tpu.memory_space<vmem>> -> memref<128xi32, #tpu.memory_space<vmem>>
    %dma_start3A_671 = arith.constant 0 : i32
    %dma_start3A_672 = arith.constant 0 : i32
    %dma_start3A_673 = tpu.memref_slice %arg15[%dma_start3A_671, %dma_start3A_672] : memref<10032x128xf32, #tpu.memory_space<vmem_shared>> -> memref<10032x128xf32, #tpu.memory_space<vmem_shared>>
    tpu.enqueue_indirect_dma source(%arg13 : memref<128x128xf32, #tpu.memory_space<vmem>>) target(%dma_start3A_673 : memref<10032x128xf32, #tpu.memory_space<vmem_shared>>) offsets(%dma_start3A_670 : memref<128xi32, #tpu.memory_space<vmem>>) semaphore(%arg26 : memref<!tpu.dma_semaphore, #tpu.memory_space<semaphore_mem>>) {add = true}
    %dma_wait3A_674 = arith.constant 1 : i32
    %dma_wait3A_675 = arith.constant 0 : i32
    %dma_wait3A_676 = tpu.memref_slice %arg7[%dma_wait3A_674, %dma_wait3A_675] : memref<2x128xi32, #tpu.memory_space<vmem>> -> memref<1x128xi32, #tpu.memory_space<vmem>>
    %dma_wait3A_677 = tpu.memref_squeeze %dma_wait3A_676 : memref<1x128xi32, #tpu.memory_space<vmem>> -> memref<128xi32, #tpu.memory_space<vmem>>
    %dma_wait3A_678 = arith.constant 0 : i32
    %dma_wait3A_679 = arith.constant 0 : i32
    %dma_wait3A_680 = tpu.memref_slice %arg15[%dma_wait3A_678, %dma_wait3A_679] : memref<10032x128xf32, #tpu.memory_space<vmem_shared>> -> memref<10032x128xf32, #tpu.memory_space<vmem_shared>>
    tpu.wait_indirect_dma semaphore(%arg26 : memref<!tpu.dma_semaphore, #tpu.memory_space<semaphore_mem>>) src(%arg13 : memref<128x128xf32, #tpu.memory_space<vmem>>) dst(%dma_wait3A_680 : memref<10032x128xf32, #tpu.memory_space<vmem_shared>>)
    "tpu.trace_stop"() : () -> ()
    "tpu.trace_start"() <{level = 10 : i32, message = "pub"}> : () -> ()
    %barrier3A_681 = arith.constant 0 : index
    tpu.barrier barrier_id(%barrier3A_681)
    "tpu.region"() ({
      %run_scoped3A = tpu.sem_alloc : memref<!tpu.dma_semaphore, #tpu.memory_space<semaphore_mem>>
      %dma_start3A_682 = arith.constant 0 : i32
      %dma_start3A_683 = tpu.memref_slice %arg5[%arg0, %min3A_5, %dma_start3A_682] : memref<2x10032x128xf32, #tpu.memory_space<hbm>> -> memref<1x632x128xf32, #tpu.memory_space<hbm>>
      %dma_start3A_684 = tpu.memref_squeeze %dma_start3A_683 : memref<1x632x128xf32, #tpu.memory_space<hbm>> -> memref<632x128xf32, #tpu.memory_space<hbm>>
      %dma_start3A_685 = arith.constant 0 : i32
      %dma_start3A_686 = tpu.memref_slice %arg15[%min3A_5, %dma_start3A_685] : memref<10032x128xf32, #tpu.memory_space<vmem_shared>> -> memref<632x128xf32, #tpu.memory_space<vmem_shared>>
      tpu.enqueue_dma source(%dma_start3A_686 : memref<632x128xf32, #tpu.memory_space<vmem_shared>>) target(%dma_start3A_684 : memref<632x128xf32, #tpu.memory_space<hbm>>) target_semaphore(%run_scoped3A : memref<!tpu.dma_semaphore, #tpu.memory_space<semaphore_mem>>)
      %dma_wait3A_687 = arith.constant 0 : i32
      %dma_wait3A_688 = tpu.memref_slice %arg5[%arg0, %min3A_5, %dma_wait3A_687] : memref<2x10032x128xf32, #tpu.memory_space<hbm>> -> memref<1x632x128xf32, #tpu.memory_space<hbm>>
      %dma_wait3A_689 = tpu.memref_squeeze %dma_wait3A_688 : memref<1x632x128xf32, #tpu.memory_space<hbm>> -> memref<632x128xf32, #tpu.memory_space<hbm>>
      %dma_wait3A_690 = arith.constant 0 : i32
      %dma_wait3A_691 = tpu.memref_slice %arg15[%min3A_5, %dma_wait3A_690] : memref<10032x128xf32, #tpu.memory_space<vmem_shared>> -> memref<632x128xf32, #tpu.memory_space<vmem_shared>>
      tpu.wait_dma2 semaphore(%run_scoped3A : memref<!tpu.dma_semaphore, #tpu.memory_space<semaphore_mem>>) src(%dma_wait3A_691 : memref<632x128xf32, #tpu.memory_space<vmem_shared>>) dst(%dma_wait3A_689 : memref<632x128xf32, #tpu.memory_space<hbm>>)
      tpu.yield
    }) : () -> ()
    "tpu.trace_stop"() : () -> ()
    return
  }
}

module attributes {stable_mosaic.version = 14 : i64} {
  func.func @_mm_body(%arg0: i32, %arg1: i32, %arg2: memref<2000x128xf32, #tpu.memory_space<vmem>>, %arg3: memref<1x128x128xf32, #tpu.memory_space<vmem>>, %arg4: memref<2000x128xf32, #tpu.memory_space<vmem>>) attributes {dimension_semantics = [#tpu.dimension_semantics<arbitrary>, #tpu.dimension_semantics<arbitrary>], iteration_bounds = array<i64: 5, 3>, scalar_prefetch = 0 : i64, scratch_operands = 0 : i64, tpu.core_type = #tpu.core_type<tc>, window_params = [{transform_indices = @transform_0, window_bounds = array<i64: 2000, 128>}, {transform_indices = @transform_1, window_bounds = array<i64: 1, 128, 128>}, {transform_indices = @transform_2, window_bounds = array<i64: 2000, 128>}]} {
    %get3A = arith.constant 0 : index
    %get3A_0 = arith.constant 0 : index
    %get3A_1 = vector.load %arg2[%get3A, %get3A_0] : memref<2000x128xf32, #tpu.memory_space<vmem>>, vector<2000x128xf32>
    %get3A_2 = arith.constant 0 : index
    %get3A_3 = arith.constant 0 : index
    %get3A_4 = arith.constant 0 : index
    %get3A_5 = vector.load %arg3[%get3A_2, %get3A_3, %get3A_4] : memref<1x128x128xf32, #tpu.memory_space<vmem>>, vector<1x128x128xf32>
    %get3A_6 = vector.shape_cast %get3A_5 : vector<1x128x128xf32> to vector<128x128xf32>
    %dot_general3A = arith.constant dense<0.000000e+00> : vector<2000x128xf32>
    %dot_general3A_7 = tpu.matmul %get3A_1, %get3A_6, %dot_general3A {dimension_numbers = #tpu.dot_dimension_numbers<[1], [0], [0], [1], [0, 0, 1, 1], [], []>, transpose_lhs_hint = false} : vector<2000x128xf32>, vector<128x128xf32>, vector<2000x128xf32> -> vector<2000x128xf32>
    %swap3A = arith.constant 0 : index
    %swap3A_8 = arith.constant 0 : index
    %swap3A_9 = vector.load %arg4[%swap3A, %swap3A_8] : memref<2000x128xf32, #tpu.memory_space<vmem>>, vector<2000x128xf32>
    tpu.vector_store %arg4[%swap3A, %swap3A_8], %dot_general3A_7 {strides = array<i32>} : memref<2000x128xf32, #tpu.memory_space<vmem>>, vector<2000x128xf32>,
    return
  }
  func.func @transform_0(%arg0: i32, %arg1: i32) -> (i32, i32) {
    %c0_i32 = arith.constant 0 : i32
    %c0_i32_0 = arith.constant 0 : i32
    return %arg0, %c0_i32 : i32, i32
  }
  func.func @transform_1(%arg0: i32, %arg1: i32) -> (i32, i32, i32) {
    %c0_i32 = arith.constant 0 : i32
    %c0_i32_0 = arith.constant 0 : i32
    %c0_i32_1 = arith.constant 0 : i32
    return %arg1, %c0_i32, %c0_i32_0 : i32, i32, i32
  }
  func.func @transform_2(%arg0: i32, %arg1: i32) -> (i32, i32) {
    %mul3A = arith.constant 5 : i32
    %mul3A_0 = arith.muli %arg1, %mul3A : i32
    %add3A = arith.addi %mul3A_0, %arg0 : i32
    %c0_i32 = arith.constant 0 : i32
    %c0_i32_1 = arith.constant 0 : i32
    return %add3A, %c0_i32 : i32, i32
  }
}

module attributes {stable_mosaic.version = 14 : i64} {
  func.func @_pack_body(%arg0: i32, %arg1: memref<2x32768xi32, #tpu.memory_space<vmem>>, %arg2: memref<256x128xi32, #tpu.memory_space<vmem>>, %arg3: memref<256x2x128xi32, #tpu.memory_space<vmem>>) attributes {dimension_semantics = [#tpu.dimension_semantics<arbitrary>], iteration_bounds = array<i64: 10>, scalar_prefetch = 0 : i64, scratch_operands = 0 : i64, tpu.core_type = #tpu.core_type<tc>, window_params = [{transform_indices = @transform_0, window_bounds = array<i64: 2, 32768>}, {transform_indices = @transform_1, window_bounds = array<i64: 256, 128>}, {transform_indices = @transform_2, window_bounds = array<i64: 256, 2, 128>}]} {
    %iota3A = tpu.iota {dimensions = array<i32: 0>} : vector<256x128xi32>
    %iota3A_0 = tpu.iota {dimensions = array<i32: 1>} : vector<256x128xi32>
    %mul3A = arith.constant 256 : i32
    %mul3A_1 = arith.muli %arg0, %mul3A : i32
    %add3A = vector.broadcast %mul3A_1 : i32 to vector<256x128xi32>
    %add3A_2 = arith.addi %add3A, %iota3A : vector<256x128xi32>
    %mul3A_3 = arith.constant 128 : i32
    %mul3A_4 = vector.broadcast %mul3A_3 : i32 to vector<256x128xi32>
    %mul3A_5 = arith.muli %add3A_2, %mul3A_4 : vector<256x128xi32>
    %add3A_6 = arith.addi %mul3A_5, %iota3A_0 : vector<256x128xi32>
    %lt3A = arith.constant 320000 : i32
    %lt3A_7 = vector.broadcast %lt3A : i32 to vector<256x128xi32>
    %lt3A_8 = arith.cmpi slt, %add3A_6, %lt3A_7 : vector<256x128xi32>
    %get3A = arith.constant 0 : index
    %get3A_9 = arith.constant 0 : index
    %get3A_10 = vector.load %arg1[%get3A, %get3A_9] : memref<2x32768xi32, #tpu.memory_space<vmem>>, vector<1x32768xi32>
    %get3A_11 = vector.shape_cast %get3A_10 : vector<1x32768xi32> to vector<32768xi32>
    %reshape3A = vector.shape_cast %get3A_11 : vector<32768xi32> to vector<256x128xi32>
    %jit3A = arith.constant 10000 : i32
    %eq3A = arith.constant 0 : i32
    %eq3A_12 = arith.cmpi eq, %jit3A, %eq3A : i32
    %jit3A_13 = arith.constant 1 : i32
    %select_n3A = arith.select %eq3A_12, %jit3A_13, %jit3A : i32
    %rem3A = vector.broadcast %select_n3A : i32 to vector<256x128xi32>
    %rem3A_14 = arith.remsi %add3A_6, %rem3A : vector<256x128xi32>
    %ne3A = arith.constant 0 : i32
    %ne3A_15 = vector.broadcast %ne3A : i32 to vector<256x128xi32>
    %ne3A_16 = arith.cmpi ne, %rem3A_14, %ne3A_15 : vector<256x128xi32>
    %lt3A_17 = arith.constant 0 : i32
    %lt3A_18 = vector.broadcast %lt3A_17 : i32 to vector<256x128xi32>
    %lt3A_19 = arith.cmpi slt, %rem3A_14, %lt3A_18 : vector<256x128xi32>
    %lt3A_20 = arith.constant 0 : i32
    %lt3A_21 = arith.cmpi slt, %select_n3A, %lt3A_20 : i32
    %ne3A_22 = vector.broadcast %lt3A_21 : i1 to vector<256x128xi1>
    %ne3A_23 = vector.broadcast %ne3A_22 : vector<256x128xi1> to vector<256x128xi1>
    %ne3A_24 = arith.xori %lt3A_19, %ne3A_23 : vector<256x128xi1>
    %and3A = arith.andi %ne3A_24, %ne3A_16 : vector<256x128xi1>
    %add3A_25 = vector.broadcast %select_n3A : i32 to vector<256x128xi32>
    %add3A_26 = arith.addi %rem3A_14, %add3A_25 : vector<256x128xi32>
    %select_n3A_27 = arith.select %and3A, %add3A_26, %rem3A_14 : vector<256x128xi1>, vector<256x128xi32>
    %select_n3A_28 = arith.select %lt3A_8, %reshape3A, %select_n3A_27 : vector<256x128xi1>, vector<256x128xi32>
    %get3A_29 = arith.constant 0 : index
    %get3A_30 = arith.constant 0 : index
    %get3A_31 = vector.load %arg2[%get3A_29, %get3A_30] : memref<256x128xi32, #tpu.memory_space<vmem>>, vector<256x128xi32>
    %jit3A_32 = arith.constant 0 : i32
    %broadcast_in_dim3A = vector.broadcast %jit3A_32 : i32 to vector<256x128xi32>
    %select_n3A_33 = arith.select %lt3A_8, %get3A_31, %broadcast_in_dim3A : vector<256x128xi1>, vector<256x128xi32>
    %get3A_34 = arith.constant 1 : index
    %get3A_35 = arith.constant 0 : index
    %get3A_36 = vector.load %arg1[%get3A_34, %get3A_35] : memref<2x32768xi32, #tpu.memory_space<vmem>>, vector<1x32768xi32>
    %get3A_37 = vector.shape_cast %get3A_36 : vector<1x32768xi32> to vector<32768xi32>
    %reshape3A_38 = vector.shape_cast %get3A_37 : vector<32768xi32> to vector<256x128xi32>
    %jit3A_39 = arith.constant 32 : i32
    %eq3A_40 = arith.constant 0 : i32
    %eq3A_41 = arith.cmpi eq, %jit3A_39, %eq3A_40 : i32
    %jit3A_42 = arith.constant 1 : i32
    %select_n3A_43 = arith.select %eq3A_41, %jit3A_42, %jit3A_39 : i32
    %rem3A_44 = vector.broadcast %select_n3A_43 : i32 to vector<256x128xi32>
    %rem3A_45 = arith.remsi %add3A_6, %rem3A_44 : vector<256x128xi32>
    %ne3A_46 = arith.constant 0 : i32
    %ne3A_47 = vector.broadcast %ne3A_46 : i32 to vector<256x128xi32>
    %ne3A_48 = arith.cmpi ne, %rem3A_45, %ne3A_47 : vector<256x128xi32>
    %lt3A_49 = arith.constant 0 : i32
    %lt3A_50 = vector.broadcast %lt3A_49 : i32 to vector<256x128xi32>
    %lt3A_51 = arith.cmpi slt, %rem3A_45, %lt3A_50 : vector<256x128xi32>
    %lt3A_52 = arith.constant 0 : i32
    %lt3A_53 = arith.cmpi slt, %select_n3A_43, %lt3A_52 : i32
    %ne3A_54 = vector.broadcast %lt3A_53 : i1 to vector<256x128xi1>
    %ne3A_55 = vector.broadcast %ne3A_54 : vector<256x128xi1> to vector<256x128xi1>
    %ne3A_56 = arith.xori %lt3A_51, %ne3A_55 : vector<256x128xi1>
    %and3A_57 = arith.andi %ne3A_56, %ne3A_48 : vector<256x128xi1>
    %add3A_58 = vector.broadcast %select_n3A_43 : i32 to vector<256x128xi32>
    %add3A_59 = arith.addi %rem3A_45, %add3A_58 : vector<256x128xi32>
    %select_n3A_60 = arith.select %and3A_57, %add3A_59, %rem3A_45 : vector<256x128xi1>, vector<256x128xi32>
    %add3A_61 = arith.constant 10000 : i32
    %add3A_62 = vector.broadcast %add3A_61 : i32 to vector<256x128xi32>
    %add3A_63 = arith.addi %add3A_62, %select_n3A_60 : vector<256x128xi32>
    %select_n3A_64 = arith.select %lt3A_8, %reshape3A_38, %add3A_63 : vector<256x128xi1>, vector<256x128xi32>
    %mul3A_65 = arith.constant 10000 : i32
    %mul3A_66 = vector.broadcast %mul3A_65 : i32 to vector<256x128xi32>
    %mul3A_67 = arith.muli %select_n3A_33, %mul3A_66 : vector<256x128xi32>
    %add3A_68 = arith.addi %mul3A_67, %select_n3A_28 : vector<256x128xi32>
    %swap3A = arith.constant 0 : index
    %swap3A_69 = arith.constant 0 : index
    %swap3A_70 = arith.constant 0 : index
    %swap3A_71 = vector.load %arg3[%swap3A, %swap3A_69, %swap3A_70] : memref<256x2x128xi32, #tpu.memory_space<vmem>>, vector<256x1x128xi32>
    %swap3A_72 = vector.shape_cast %swap3A_71 : vector<256x1x128xi32> to vector<256x128xi32>
    %swap3A_73 = vector.shape_cast %add3A_68 : vector<256x128xi32> to vector<256x1x128xi32>
    tpu.vector_store %arg3[%swap3A, %swap3A_69, %swap3A_70], %swap3A_73 {strides = array<i32>} : memref<256x2x128xi32, #tpu.memory_space<vmem>>, vector<256x1x128xi32>,
    %swap3A_74 = arith.constant 0 : index
    %swap3A_75 = arith.constant 1 : index
    %swap3A_76 = arith.constant 0 : index
    %swap3A_77 = vector.load %arg3[%swap3A_74, %swap3A_75, %swap3A_76] : memref<256x2x128xi32, #tpu.memory_space<vmem>>, vector<256x1x128xi32>
    %swap3A_78 = vector.shape_cast %swap3A_77 : vector<256x1x128xi32> to vector<256x128xi32>
    %swap3A_79 = vector.shape_cast %select_n3A_64 : vector<256x128xi32> to vector<256x1x128xi32>
    tpu.vector_store %arg3[%swap3A_74, %swap3A_75, %swap3A_76], %swap3A_79 {strides = array<i32>} : memref<256x2x128xi32, #tpu.memory_space<vmem>>, vector<256x1x128xi32>,
    return
  }
  func.func @transform_0(%arg0: i32) -> (i32, i32) {
    %c0_i32 = arith.constant 0 : i32
    %c0_i32_0 = arith.constant 0 : i32
    return %c0_i32, %arg0 : i32, i32
  }
  func.func @transform_1(%arg0: i32) -> (i32, i32) {
    %c0_i32 = arith.constant 0 : i32
    %c0_i32_0 = arith.constant 0 : i32
    return %arg0, %c0_i32 : i32, i32
  }
  func.func @transform_2(%arg0: i32) -> (i32, i32, i32) {
    %c0_i32 = arith.constant 0 : i32
    %c0_i32_0 = arith.constant 0 : i32
    %c0_i32_1 = arith.constant 0 : i32
    return %arg0, %c0_i32, %c0_i32_0 : i32, i32, i32
  }
}

module attributes {stable_mosaic.version = 14 : i64} {
  func.func @_relu_mm_body(%arg0: i32, %arg1: i32, %arg2: memref<2x2000x128xf32, #tpu.memory_space<vmem>>, %arg3: memref<1x128x128xf32, #tpu.memory_space<vmem>>, %arg4: memref<2000x128xf32, #tpu.memory_space<vmem>>) attributes {dimension_semantics = [#tpu.dimension_semantics<arbitrary>, #tpu.dimension_semantics<arbitrary>], iteration_bounds = array<i64: 5, 3>, scalar_prefetch = 0 : i64, scratch_operands = 0 : i64, tpu.core_type = #tpu.core_type<tc>, window_params = [{transform_indices = @transform_0, window_bounds = array<i64: 2, 2000, 128>}, {transform_indices = @transform_1, window_bounds = array<i64: 1, 128, 128>}, {transform_indices = @transform_2, window_bounds = array<i64: 2000, 128>}]} {
    %get3A = arith.constant 0 : index
    %get3A_0 = arith.constant 0 : index
    %get3A_1 = arith.constant 0 : index
    %get3A_2 = vector.load %arg2[%get3A, %get3A_0, %get3A_1] : memref<2x2000x128xf32, #tpu.memory_space<vmem>>, vector<1x2000x128xf32>
    %get3A_3 = vector.shape_cast %get3A_2 : vector<1x2000x128xf32> to vector<2000x128xf32>
    %get3A_4 = arith.constant 1 : index
    %get3A_5 = arith.constant 0 : index
    %get3A_6 = arith.constant 0 : index
    %get3A_7 = vector.load %arg2[%get3A_4, %get3A_5, %get3A_6] : memref<2x2000x128xf32, #tpu.memory_space<vmem>>, vector<1x2000x128xf32>
    %get3A_8 = vector.shape_cast %get3A_7 : vector<1x2000x128xf32> to vector<2000x128xf32>
    %add3A = arith.addf %get3A_3, %get3A_8 : vector<2000x128xf32>
    %max3A = arith.constant 0.000000e+00 : f32
    %max3A_9 = vector.broadcast %max3A : f32 to vector<2000x128xf32>
    %max3A_10 = arith.maximumf %add3A, %max3A_9 : vector<2000x128xf32>
    %get3A_11 = arith.constant 0 : index
    %get3A_12 = arith.constant 0 : index
    %get3A_13 = arith.constant 0 : index
    %get3A_14 = vector.load %arg3[%get3A_11, %get3A_12, %get3A_13] : memref<1x128x128xf32, #tpu.memory_space<vmem>>, vector<1x128x128xf32>
    %get3A_15 = vector.shape_cast %get3A_14 : vector<1x128x128xf32> to vector<128x128xf32>
    %dot_general3A = arith.constant dense<0.000000e+00> : vector<2000x128xf32>
    %dot_general3A_16 = tpu.matmul %max3A_10, %get3A_15, %dot_general3A {dimension_numbers = #tpu.dot_dimension_numbers<[1], [0], [0], [1], [0, 0, 1, 1], [], []>, transpose_lhs_hint = false} : vector<2000x128xf32>, vector<128x128xf32>, vector<2000x128xf32> -> vector<2000x128xf32>
    %swap3A = arith.constant 0 : index
    %swap3A_17 = arith.constant 0 : index
    %swap3A_18 = vector.load %arg4[%swap3A, %swap3A_17] : memref<2000x128xf32, #tpu.memory_space<vmem>>, vector<2000x128xf32>
    tpu.vector_store %arg4[%swap3A, %swap3A_17], %dot_general3A_16 {strides = array<i32>} : memref<2000x128xf32, #tpu.memory_space<vmem>>, vector<2000x128xf32>,
    return
  }
  func.func @transform_0(%arg0: i32, %arg1: i32) -> (i32, i32, i32) {
    %c0_i32 = arith.constant 0 : i32
    %c0_i32_0 = arith.constant 0 : i32
    %c0_i32_1 = arith.constant 0 : i32
    return %c0_i32, %arg0, %c0_i32_0 : i32, i32, i32
  }
  func.func @transform_1(%arg0: i32, %arg1: i32) -> (i32, i32, i32) {
    %c0_i32 = arith.constant 0 : i32
    %c0_i32_0 = arith.constant 0 : i32
    %c0_i32_1 = arith.constant 0 : i32
    return %arg1, %c0_i32, %c0_i32_0 : i32, i32, i32
  }
  func.func @transform_2(%arg0: i32, %arg1: i32) -> (i32, i32) {
    %mul3A = arith.constant 5 : i32
    %mul3A_0 = arith.muli %arg1, %mul3A : i32
    %add3A = arith.addi %mul3A_0, %arg0 : i32
    %c0_i32 = arith.constant 0 : i32
    %c0_i32_1 = arith.constant 0 : i32
    return %add3A, %c0_i32 : i32, i32
  }
}

module attributes {stable_mosaic.version = 14 : i64} {
  func.func @_logsoftmax_body(%arg0: i32, %arg1: memref<2x2000x128xf32, #tpu.memory_space<vmem>>, %arg2: memref<2000x128xf32, #tpu.memory_space<vmem>>) attributes {dimension_semantics = [#tpu.dimension_semantics<arbitrary>], iteration_bounds = array<i64: 5>, scalar_prefetch = 0 : i64, scratch_operands = 0 : i64, tpu.core_type = #tpu.core_type<tc>, window_params = [{transform_indices = @transform_0, window_bounds = array<i64: 2, 2000, 128>}, {transform_indices = @transform_1, window_bounds = array<i64: 2000, 128>}]} {
    %get3A = arith.constant 0 : index
    %get3A_0 = arith.constant 0 : index
    %get3A_1 = arith.constant 0 : index
    %get3A_2 = vector.load %arg1[%get3A, %get3A_0, %get3A_1] : memref<2x2000x128xf32, #tpu.memory_space<vmem>>, vector<1x2000x128xf32>
    %get3A_3 = vector.shape_cast %get3A_2 : vector<1x2000x128xf32> to vector<2000x128xf32>
    %get3A_4 = arith.constant 1 : index
    %get3A_5 = arith.constant 0 : index
    %get3A_6 = arith.constant 0 : index
    %get3A_7 = vector.load %arg1[%get3A_4, %get3A_5, %get3A_6] : memref<2x2000x128xf32, #tpu.memory_space<vmem>>, vector<1x2000x128xf32>
    %get3A_8 = vector.shape_cast %get3A_7 : vector<1x2000x128xf32> to vector<2000x128xf32>
    %add3A = arith.addf %get3A_3, %get3A_8 : vector<2000x128xf32>
    %reduce_max3A = arith.constant dense<0xFF800000> : vector<2000xf32>
    %reduce_max3A_9 = vector.multi_reduction <maximumf>, %add3A, %reduce_max3A [1] : vector<2000x128xf32> to vector<2000xf32>
    %broadcast_in_dim3A = vector.shape_cast %reduce_max3A_9 : vector<2000xf32> to vector<2000x1xf32>
    %sub3A = vector.broadcast %broadcast_in_dim3A : vector<2000x1xf32> to vector<2000x128xf32>
    %sub3A_10 = arith.subf %add3A, %sub3A : vector<2000x128xf32>
    %exp3A = math.exp %sub3A_10 : vector<2000x128xf32>
    %reduce_sum3A = arith.constant dense<0.000000e+00> : vector<2000xf32>
    %reduce_sum3A_11 = vector.multi_reduction <add>, %exp3A, %reduce_sum3A [1] : vector<2000x128xf32> to vector<2000xf32>
    %broadcast_in_dim3A_12 = vector.shape_cast %reduce_sum3A_11 : vector<2000xf32> to vector<2000x1xf32>
    %log3A = math.log %broadcast_in_dim3A_12 : vector<2000x1xf32>
    %add3A_13 = arith.addf %log3A, %broadcast_in_dim3A : vector<2000x1xf32>
    %sub3A_14 = vector.broadcast %add3A_13 : vector<2000x1xf32> to vector<2000x128xf32>
    %sub3A_15 = arith.subf %add3A, %sub3A_14 : vector<2000x128xf32>
    %swap3A = arith.constant 0 : index
    %swap3A_16 = arith.constant 0 : index
    %swap3A_17 = vector.load %arg2[%swap3A, %swap3A_16] : memref<2000x128xf32, #tpu.memory_space<vmem>>, vector<2000x128xf32>
    tpu.vector_store %arg2[%swap3A, %swap3A_16], %sub3A_15 {strides = array<i32>} : memref<2000x128xf32, #tpu.memory_space<vmem>>, vector<2000x128xf32>,
    return
  }
  func.func @transform_0(%arg0: i32) -> (i32, i32, i32) {
    %c0_i32 = arith.constant 0 : i32
    %c0_i32_0 = arith.constant 0 : i32
    %c0_i32_1 = arith.constant 0 : i32
    return %c0_i32, %arg0, %c0_i32_0 : i32, i32, i32
  }
  func.func @transform_1(%arg0: i32) -> (i32, i32) {
    %c0_i32 = arith.constant 0 : i32
    %c0_i32_0 = arith.constant 0 : i32
    return %arg0, %c0_i32 : i32, i32
  }
}

</mosaic_0001>

<sc_bundles>
// kernel: kernel.11.cloned.1.call-start
scs
__scs_entry_jumppad:
0x0: {  	(pc) =	sbr.rel $0x88, $3  }
0x1: {  	(tag) =	ssettag $0x0;
	lr =	simm.s32 $0x1  }
0x2: {  	[smem:$0x3F9C] =	sst lr;
	_ =	strace $0xD0000000  }
0x3: {  	_ = 	snop  }
0x4: {  	_ = 	snop  }
0x5: {  	_ = 	snop  }
0x6: {  	_ = 	snop  }
0x7: {  	_ = 	snop  }
__scs_overlays_trampoline_lowered:
0x8: {  	[smem:$0x3FAB] =	sst s0  }
0x9: {  	[smem:$0x3FAC] =	sst s1  }
0xa: {  	[smem:$0x3FAD] =	sst s2  }
0xb: {  	[smem:$0x3FAE] =	sst s3  }
0xc: {  	[smem:$0x3FAF] =	sst s4  }
0xd: {  	[smem:$0x3FB0] =	sst s5  }
0xe: {  	[smem:$0x3FB1] =	sst s6  }
0xf: {  	[smem:$0x3FB2] =	sst s7  }
0x10: {  	[smem:$0x3FB3] =	sst s8  }
0x11: {  	[smem:$0x3FB4] =	sst s9;
	s0 =	simm.s32 @!p0 $0x0  }
0x12: {  	s1 =	sld [smem:$0x3F9A];
	s0 =	simm.s32 @p0 $0x1  }
0x13: {  	[smem:$0x3FB5] =	sst s0;
	s0 =	simm.s32 @!p1 $0x0  }
0x14: {  	s2 =	sld [smem:$0x3F99];
	s0 =	simm.s32 @p1 $0x1  }
0x15: {  	[smem:$0x3FB6] =	sst s0;
	s0 =	simm.s32 @!p2 $0x0  }
0x16: {  	s3 =	sld [smem:$0x3FDB];
	s0 =	simm.s32 @p2 $0x1  }
0x17: {  	s4 =	simm.s32 $0x1BF5;
	[smem:$0x3FB8] =	sst s0  }
0x18: {  	s0 =	sld [smem:$0x3F9B];
	_ =	swait.ge [sflag:s4], $0x0  }
0x19: {  	s7 =	sld [smem:$0x3F9C]  }
0x1a: {  	s8 =	sadd.s32 $0xFFFFE003, lr  }
0x1b: {  	s9 =	sadd.s32 $0xFFFFFEF7, lr;
	s5 =	simm.s32 $0xFFFFFFFF;
	p2 =	slt.u32 s8, $0xFFFFF086  }
0x1c: {  	p1 =	slt.u32 s9, $0xF7A;
	s5 =	simm.s32 @!p2 $0x0  }
0x1d: {  	s5 =	simm.s32 @p1 $0x1;
	p0 =	seq.s32 s7, s2  }
0x1e: {  	s7 =	smul.u32 @!p0 $0xF7A, s2;
	p2 =	seq.s32 @!p0 s5, $0x0  }
0x1f: {  	s9 =	smul.u32 $0xF7A, s1;
	s8 =	simm.s32 @!p0 $0x1BF5;
	p2 =	por !p2, p0  }
0x20: {  	[sflag:s8] =	ssyncset.s32 @!p0 $0xFFFFF086;
	s6 =	sadd.s32 @!p0 s3, s7;
	s7 =	simm.s32 @!p0 $0x108  }
0x21: {  	s3 =	sadd.s32 s3, s9;
	s6 =	sadd.s32 @!p0 $0x88, s6;
	s7 =	simm.s32 @p2 $0x1082  }
0x22: {  	[simem:s7], [sflag:s8] =	dma.local @!p0 [hbm:s6], $0xF7A  }
0x23: {  	s9 =	sor.u32 $0xD0000000, s2;
	s6 =	simm.s32 $0x108;
	_ =	swait.ge @!p0 [sflag:s8], $0x0  }
0x24: {  	s3 =	sadd.s32 $0x88, s3;
	s6 =	simm.s32 @!p1 $0x1082;
	[sflag:s4] =	ssyncset.s32 $0xFFFFF086  }
0x25: {  	[simem:s6], [sflag:s4] =	dma.local [hbm:s3], $0xF7A  }
0x26: {  	[smem:$0x3F9C] =	sst s1;
	(tag) =	ssettag s2;
	_ =	strace s9  }
0x27: {  	s1 =	sld [smem:$0x3FAC]  }
0x28: {  	s2 =	sld [smem:$0x3FAD]  }
0x29: {  	s4 =	sld [smem:$0x3FAF]  }
0x2a: {  	p0 =	seq.s32 s5, $0x0;
	s5 =	sld [smem:$0x3FB0]  }
0x2b: {  	s6 =	sld [smem:$0x3FB1]  }
0x2c: {  	s7 =	sld [smem:$0x3FB2]  }
0x2d: {  	s3 =	simm.s32 $0x108;
	s8 =	sld [smem:$0x3FB3]  }
0x2e: {  	s3 =	simm.s32 @!p0 $0x1082;
	s9 =	sld [smem:$0x3FB4]  }
0x2f: {  	lr =	sadd.s32 s0, s3;
	s0 =	sld [smem:$0x3FAB]  }
0x30: {  	s3 =	sld [smem:$0x3FAE]  }
0x31: {  	[smem:$0x3FB7] =	sst s10  }
0x32: {  	s10 =	sld [smem:$0x3FB5];
	_ =	sdelay $0x3  }
0x33: {  	p0 =	seq.s32 s10, $0x1;
	s10 =	sld [smem:$0x3FB7];
	_ =	sdelay $0x3  }
0x34: {  	[smem:$0x3FB7] =	sst s10  }
0x35: {  	s10 =	sld [smem:$0x3FB6];
	_ =	sdelay $0x3  }
0x36: {  	p1 =	seq.s32 s10, $0x1;
	s10 =	sld [smem:$0x3FB7];
	_ =	sdelay $0x3  }
0x37: {  	[smem:$0x3FB7] =	sst s10  }
0x38: {  	s10 =	sld [smem:$0x3FB8]  }
0x39: {  	_ = 	snop;
	(pc) =	sbr.ind lr, $3  }
0x3a: {  	_ = 	snop  }
0x3b: {  	_ = 	snop  }
0x3c: {  	p2 =	seq.s32 s10, $0x1;
	s10 =	sld [smem:$0x3FB7]  }
0x3d: {  	_ =	shalt  }
0x3e: {  	_ =	shalt  }
0x3f: {  	_ =	shalt  }
0x40: {  	_ =	shalt  }
0x41: {  	_ =	shalt  }
0x42: {  	_ =	shalt  }
0x43: {  	_ =	shalt  }
0x44: {  	_ =	shalt  }
0x45: {  	_ =	shalt  }
0x46: {  	_ =	shalt  }
0x47: {  	_ =	shalt  }
0x48: {  	_ =	shalt  }
0x49: {  	_ =	shalt  }
0x4a: {  	_ =	shalt  }
0x4b: {  	_ =	shalt  }
0x4c: {  	_ =	shalt  }
0x4d: {  	_ =	shalt  }
0x4e: {  	_ =	shalt  }
0x4f: {  	_ =	shalt  }
0x50: {  	_ =	shalt  }
0x51: {  	_ =	shalt  }
0x52: {  	_ =	shalt  }
0x53: {  	_ =	shalt  }
0x54: {  	_ =	shalt  }
0x55: {  	_ =	shalt  }
0x56: {  	_ =	shalt  }
0x57: {  	_ =	shalt  }
0x58: {  	_ =	shalt  }
0x59: {  	_ =	shalt  }
0x5a: {  	_ =	shalt  }
0x5b: {  	_ =	shalt  }
0x5c: {  	_ =	shalt  }
0x5d: {  	_ =	shalt  }
0x5e: {  	_ =	shalt  }
0x5f: {  	_ =	shalt  }
0x60: {  	_ =	shalt  }
0x61: {  	_ =	shalt  }
0x62: {  	_ =	shalt  }
0x63: {  	_ =	shalt  }
0x64: {  	_ =	shalt  }
0x65: {  	_ =	shalt  }
0x66: {  	_ =	shalt  }
0x67: {  	_ =	shalt  }
0x68: {  	_ =	shalt  }
0x69: {  	_ =	shalt  }
0x6a: {  	_ =	shalt  }
0x6b: {  	_ =	shalt  }
0x6c: {  	_ =	shalt  }
0x6d: {  	_ =	shalt  }
0x6e: {  	_ =	shalt  }
0x6f: {  	_ =	shalt  }
0x70: {  	_ =	shalt  }
0x71: {  	_ =	shalt  }
0x72: {  	_ =	shalt  }
0x73: {  	_ =	shalt  }
0x74: {  	_ =	shalt  }
0x75: {  	_ =	shalt  }
0x76: {  	_ =	shalt  }
0x77: {  	_ =	shalt  }
0x78: {  	_ =	shalt  }
0x79: {  	_ =	shalt  }
0x7a: {  	_ =	shalt  }
0x7b: {  	_ =	shalt  }
0x7c: {  	_ =	shalt  }
0x7d: {  	_ =	shalt  }
0x7e: {  	_ =	shalt  }
0x7f: {  	_ =	shalt  }
0x80: {  	_ =	shalt  }
0x81: {  	_ =	shalt  }
0x82: {  	_ =	shalt  }
0x83: {  	_ =	shalt  }
0x84: {  	_ =	shalt  }
0x85: {  	_ =	shalt  }
0x86: {  	_ =	shalt  }
0x87: {  	_ =	shalt  }
.Lfunc_end0:
.L_simem_size_0:
called_computation.1_lowered:
.L_overlay_start_0:
0x88: {  	s2 =	sld [smem:$0x3FD9]  }
0x89: {  	s3 =	sld [smem:$0x3FFE];
	_ =	sdelay $0x1  }
0x8a: {  	s1 =	srdreg.scid  }
0x8b: {  	s0 =	sand.u32 $0x1, s1  }
0x8c: {  	s17 =	sshll.u32 s0, $0xA;
	s2 =	sadd.s32 s3, s2  }
0x8d: {  	s2 =	sadd.s32 s2, s17  }
0x8e: {  	[smem:$0x3FC3] =	sst s2  }
0x8f: {  	_ = 	snop  }
0x90: {  	s2 =	sld [smem:$0x3FD0];
	(tm) =	ssettm $0x1  }
0x91: {  	s18 =	sld [smem:$0x3FFB];
	_ =	sdelay $0x3  }
0x92: {  	_ =	strace s18  }
0x93: {  	s3 =	sld [smem:$0x3FFC];
	_ =	sdelay $0x3  }
0x94: {  	_ =	strace s3  }
0x95: {  	s3 =	sld [smem:$0x3FFD];
	_ =	sdelay $0x3  }
0x96: {  	_ =	strace s3  }
0x97: {  	_ =	strace $0x8FFFFFFF  }
0x98: {  	s19 =	sld [smem:$0x3FDB];
	_ =	sdelay $0x1  }
0x99: {  	s4 =	simm.s32 $_scs_section_size  }
0x9a: {  	s5 =	simm.s32 $_size__tile_overlayer_lowered;
	s6 =	simm.s32 $_tile_overlayer_lowered  }
0x9b: {  	s22 =	simm.s32 $0x1BFF;
	s21 =	sshll.u32 s6, $0x1;
	s3 =	sadd.s32 s4, s19  }
0x9c: {  	s7 =	simm.s32 $0x0;
	s20 =	sshll.u32 s5, $0x1;
	s5 =	sadd.s32 s21, s3  }
0x9d: {  	[timem:s7], [sflag:s22] =	dma.local [hbm:s5], s20  }
0x9e: {  	_ =	swait.ge [sflag:s22], s20  }
0x9f: {  	s4 =	ssub.s32 $0x0, s20;
	[sflag:s22] =	ssyncset.done $0x0  }
0xa0: {  	[sflag:s22] =	ssyncadd.s32 s4;
	_ =	sdelay $0x1  }
0xa1: {  	s23 =	simm.s32 $0x1B8B  }
0xa2: {  	_ =	swait.ge [sflag:s23], $0x1  }
0xa3: {  	[sflag:s23] =	ssyncset.done $0x0  }
0xa4: {  	s25 =	simm.s32 $0x1B8E;
	s24 =	sld [smem:$0x3FFE];
	[sflag:s23] =	ssyncadd.s32 $0xFFFFFFFF  }
0xa5: {  	s26 =	simm.s32 $execute0_lowered;
	[smem:$0x3FD2] =	sst s25  }
0xa6: {  	s5 =	sshll.u32 s26, $0x1;
	_ =	strace $0x8000004C;
	[dreg:$0x1] =	wrdreg $0xFFFFFFFF  }
0xa7: {  	s28 =	simm.s32 $_size_execute0_lowered;
	s3 =	sadd.s32 s3, s5;
	[dreg:$0x0] =	wrdreg $0x0  }
0xa8: {  	s5 =	sshll.u32 s28, $0x1;
	[dreg:$0x2] =	wrdreg s3  }
0xa9: {  	[dreg:$0x3] =	wrdreg s5  }
0xaa: {  	[dreg:$0x4] =	wrdreg $0xC0  }
0xab: {  	_ =	task [dreg:s7], $0x5FFFF  }
0xac: {  	[dreg:$0x1] =	wrdreg $0xFFFFFFFF  }
0xad: {  	[dreg:$0x0] =	wrdreg $0x60  }
0xae: {  	[dreg:$0x2] =	wrdreg s24  }
0xaf: {  	[dreg:$0x3] =	wrdreg s2  }
0xb0: {  	[dreg:$0x4] =	wrdreg $0xC6000  }
0xb1: {  	[dreg:$0x5] =	wrdreg $0x9  }
0xb2: {  	_ =	task.clear_ibuf [dreg:s7], $0x6FFFF;
	_ =	strace $0x9000004C  }
0xb3: {  	s29 =	simm.s32 $0x9;
	_ =	strace $0x80000051  }
0xb4: {  	_ =	swait.ge [sflag:s29], $0x1  }
0xb5: {  	[sflag:s29] =	ssyncadd.s32 $0xFFFFFFFF  }
0xb6: {  	_ =	strace $0x90000051  }
0xb7: {  	_ =	sfence  }
0xb8: {  	s30 =	sld [smem:$0x0];
	_ =	sdelay $0x2  }
0xb9: {  	s31 =	sshll.u32 s1, $0xD;
	s1 =	sshrl.u32 s1, $0x2  }
0xba: {  	s3 =	sand.u32 $0x4000, s31;
	s1 =	sadd.s32 s1, s30  }
0xbb: {  	s0 =	sor.u32 s3, s0;
	s1 =	sshll.u32 s1, $0x11  }
0xbc: {  	s0 =	sor.u32 s1, s0  }
0xbd: {  	s0 =	sadd.s32 $0x8F2B, s0  }
0xbe: {  	[sflag:s0] =	ssyncadd.remote.s32 $0x1  }
0xbf: {  	_ =	sfence.sel $0xFFFF  }
0xc0: {  	[dreg:$0x0] =	wrdreg $0xFFFFFFFF;
	(pc) =	sbr.abs _section_cstart, $3  }
0xc1: {  	[dreg:$0x1] =	wrdreg $0xFFFFFFFF  }
0xc2: {  	_ =	task.clear_ibuf [dreg:s7], $0x2FFFF;
	_ =	strace $0x9FFFFFFF  }
0xc3: {  	(tm) =	ssettm $0x7FFFFFFF  }
tec
execute0_lowered:
.L_overlay_start_1:
0x0: {  	(tag) =	ssettag $0x1  }
0x1: {  	s0 =	rddreg [dreg:$0x0]  }
0x2: {  	s1 =	rddreg [dreg:$0x1]  }
0x3: {  	s2 =	rddreg [dreg:$0x2];
	s3 =	simm.s32 $0x0  }
0x4: {  	s4 =	srdreg.scid;
	s12 =	stileid.u32;
	s28 =	simm.s32 $0x400  }
0x5: {  	s30 =	simm.s32 $0x1;
	s31 =	simm.s32 $0x80;
	[smem:$0x7FF] =	sst s3  }
0x6: {  	s5 =	sand.u32 $0x1, s4;
	s24 =	smul.u32 $0x278, s12;
	s4 =	sadd.s32 $0x1A00, s0  }
0x7: {  	s10 =	sadd.s32 $0x76E00, s0;
	s14 =	smul.u32 $0x50, s12;
	_ =	strace $0x8000004D  }
0x8: {  	s6 =	sshll.u32 s5, $0x4;
	s8 =	smul.u32 $0x139800, s5;
	s25 =	ssub.s32 $0x2, s5  }
0x9: {  	s5 =	smul.u32 $0x500, s5;
	s7 =	smin.u32 s24, $0x24B8;
	s6 =	sor.u32 s12, s6  }
0xa: {  	[dreg:$0x7] =	wrdreg s10;
	s7 =	sshll.u32 s7, $0x7;
	s9 =	smul.u32 $0xA00, s6  }
0xb: {  	s10 =	simm.s32 $0x500;
	s8 =	sadd.s32 s8, s7;
	s7 =	sadd.s32 s7, s2  }
0xc: {  	s11 =	sshrl.u32 s25, $0x1;
	s9 =	sadd.s32 s1, s9;
	[dreg:$0xd] =	wrdreg s7  }
0xd: {  	s8 =	sshrl.u32 s8, $0x3;
	s26 =	sadd.s32 $0x20, s9;
	[dreg:$0x8] =	wrdreg s9  }
0xe: {  	s0 =	sadd.s32 s8, s0;
	s29 =	sadd.s32 $0x40, s9;
	[dreg:$0x9] =	wrdreg s26  }
0xf: {  	s8 =	ssub.s32 s25, s11;
	s11 =	sadd.s32 $0x60, s9;
	[dreg:$0xa] =	wrdreg s29  }
0x10: {  	s12 =	simm.s32 $0x4;
	s13 =	sadd.s32 $0x80, s9;
	[dreg:$0xb] =	wrdreg s11  }
0x11: {  	s6 =	smul.u32 $0x5000, s6;
	s15 =	sadd.s32 $0xA0, s9;
	[dreg:$0xc] =	wrdreg s13  }
0x12: {  	s5 =	sadd.s32 s14, s5;
	s16 =	sadd.s32 $0xC0, s9;
	[dreg:$0xe] =	wrdreg s15  }
0x13: {  	s5 =	sshll.u32 s5, $0x5;
	s17 =	sadd.s32 $0xE0, s9;
	[dreg:$0xf] =	wrdreg s16  }
0x14: {  	s6 =	sshrl.u32 s6, $0x3;
	s18 =	sadd.s32 $0x100, s9;
	[dreg:$0x10] =	wrdreg s17  }
0x15: {  	s7 =	simm.s32 $0x3;
	s19 =	sadd.s32 $0x120, s9;
	[dreg:$0x11] =	wrdreg s18  }
0x16: {  	s20 =	sadd.s32 $0x140, s9;
	s6 =	sadd.s32 s1, s6;
	[dreg:$0x12] =	wrdreg s19  }
0x17: {  	s9 =	simm.s32 $0x7;
	[dreg:$0x13] =	wrdreg s20;
	s18 =	sadd.s32 s5, s1  }
0x18: {  	s21 =	sadd.s32 $0x9A0, s6;
	s22 =	sadd.s32 $0x9C0, s6;
	s24 =	sadd.s32 $0x9E0, s6  }
0x19: {  	s0 =	sadd.s32 $0x79600, s0;
	s29 =	smax.u32 s8, $0x1;
	s19 =	simm.s32 $0xD  }
0x1a: {  	s1 =	simm.s32 $0x2;
	s5 =	simm.s32 $0x4600;
	[dreg:$0x14] =	wrdreg s21  }
0x1b: {  	s8 =	simm.s32 $0x8600;
	s11 =	simm.s32 $0xA;
	[dreg:$0x15] =	wrdreg s22  }
0x1c: {  	s13 =	simm.s32 $0x8;
	s15 =	simm.s32 $0xB;
	[dreg:$0x16] =	wrdreg s24  }
0x1d: {  	s16 =	simm.s32 $0x5;
	s17 =	simm.s32 $0x9;
	[dreg:$0x17] =	wrdreg s0  }
0x1e: {  	s20 =	simm.s32 $0xC;
	s23 =	sadd.s32 $0x200, s18;
	[dreg:$0x18] =	wrdreg s29  }
0x1f: {  	s6 =	simm.s32 $0x0;
	s25 =	sadd.s32 $0x1C0, s18;
	[dreg:$0x4] =	wrdreg s23  }
0x20: {  	s26 =	sadd.s32 $0x180, s18;
	s24 =	simm.s32 $0x100;
	[dreg:$0x5] =	wrdreg s25  }
0x21: {  	s0 =	simm.s32 $0x600;
	s21 =	simm.s32 $0x6;
	[dreg:$0x6] =	wrdreg s26  }
0x22: {  	s25 =	simm.s32 $0x200;
	s26 =	simm.s32 $0x300;
	s23 =	simm.s32 $0x180  }
.LBB2_1:
0x23: {  	[dreg:$0x19] =	wrdreg s6  }
0x24: {  	_ =	strace $0x8000004E  }
0x25: {  	s14 =	rddreg [dreg:$0x8]  }
0x26: {  	[tilespmem:s3], [sflag:$0x1] =	stream.linear.gather [hbm4b:s14+s3], $0x100, $0x200038;
	[tilespmem:$0x1FF80] =	vst v63  }
0x27: {  	s6 =	rddreg [dreg:$0x9]  }
0x28: {  	[tilespmem:s24], [sflag:$0x2] =	stream.linear.gather [hbm4b:s6+s3], $0x100, $0x200038;
	[tilespmem:$0x1FF80] =	vst v63  }
0x29: {  	s22 =	rddreg [dreg:$0xa]  }
0x2a: {  	[tilespmem:s25], [sflag:$0x3] =	stream.linear.gather [hbm4b:s22+s3], $0x100, $0x200038;
	[tilespmem:$0x1FF80] =	vst v63  }
0x2b: {  	s6 =	rddreg [dreg:$0xb]  }
0x2c: {  	[tilespmem:s26], [sflag:$0x4] =	stream.linear.gather [hbm4b:s6+s3], $0x100, $0x200038;
	[tilespmem:$0x1FF80] =	vst v63  }
0x2d: {  	s22 =	rddreg [dreg:$0xc];
	s6 =	stileid.u32  }
0x2e: {  	[tilespmem:s28], [sflag:$0x5] =	stream.linear.gather [hbm4b:s22+s3], $0x100, $0x200038;
	[tilespmem:$0x1FF80] =	vst v63  }
0x2f: {  	s14 =	sshll.u32 s6, $0x6;
	s22 =	rddreg [dreg:$0xd]  }
0x30: {  	s6 =	sor.u32 $0x1C0D, s14;
	s14 =	rddreg [dreg:$0x7]  }
0x31: {  	s22 =	sshrl.u32 s22, $0x3;
	[dreg:$0x1a] =	wrdreg s6  }
0x32: {  	[dreg:$0x1b] =	wrdreg s22  }
0x33: {  	[spmem:s22], [sflag:s6] =	dma.local [hbm:s14], $0x2780  }
0x34: {  	_ =	swait.ge [sflag:s19], $0x2780  }
0x35: {  	[sflag:s19] =	ssyncset.done $0x0  }
0x36: {  	[sflag:s19] =	ssyncadd.s32 $0xFFFFD880  }
0x37: {  	[bflag:$0x0] =	sbarrier.arrive $0xFFFF  }
0x38: {  	_ =	swait.ge [sflag:s30], $0x100  }
0x39: {  	[sflag:s30] =	ssyncset.done $0x0  }
0x3a: {  	[sflag:s30] =	ssyncadd.s32 $0xFFFFFF00  }
0x3b: {  	[tilespmem:s0], [sflag:$0x7] =	stream.indirect.gather [hbm4b:s4+s31], $0x80, s3, s31, $0x2000b8;
	[tilespmem:$0x1FF80] =	vst v63  }
0x3c: {  	_ =	swait.ge [sflag:s1], $0x100  }
0x3d: {  	[sflag:s1] =	ssyncset.done $0x0  }
0x3e: {  	[sflag:s1] =	ssyncadd.s32 $0xFFFFFF00  }
0x3f: {  	[tilespmem:s5], [sflag:$0x8] =	stream.indirect.gather [hbm4b:s4+s31], $0x80, s24, s31, $0x2000b8;
	[tilespmem:$0x1FF80] =	vst v63  }
0x40: {  	_ =	strace $0x9000004E  }
0x41: {  	_ =	strace $0x8000004F  }
0x42: {  	_ =	swait.ge [sflag:s7], $0x100  }
0x43: {  	[sflag:s7] =	ssyncset.done $0x0  }
0x44: {  	[sflag:s7] =	ssyncadd.s32 $0xFFFFFF00  }
0x45: {  	[tilespmem:s8], [sflag:$0x9] =	stream.indirect.gather [hbm4b:s4+s31], $0x80, s25, s31, $0x2000b8;
	[tilespmem:$0x1FF80] =	vst v63  }
0x46: {  	_ =	swait.ge [sflag:s9], $0x4000  }
0x47: {  	[sflag:s9] =	ssyncset.done $0x0  }
0x48: {  	[sflag:s9] =	ssyncadd.s32 $0xFFFFC000  }
0x49: {  	[spmem:s2] =	stream.indirect.scatter.add.f32 [tilespmem:s0], [sflag:$0xA], $0x80, s31, s31, $0x2000b8;
	[tilespmem:$0x1FF80] =	vst v63  }
0x4a: {  	s6 =	rddreg [dreg:$0xe]  }
0x4b: {  	[tilespmem:s10], [sflag:$0x6] =	stream.linear.gather [hbm4b:s6+s3], $0x100, $0x200038;
	[tilespmem:$0x1FF80] =	vst v63  }
0x4c: {  	_ =	swait.ge [sflag:s11], $0x4000  }
0x4d: {  	[sflag:s11] =	ssyncset.done $0x0  }
0x4e: {  	[sflag:s11] =	ssyncadd.s32 $0xFFFFC000  }
0x4f: {  	_ =	swait.ge [sflag:s12], $0x100  }
0x50: {  	[sflag:s12] =	ssyncset.done $0x0  }
0x51: {  	[sflag:s12] =	ssyncadd.s32 $0xFFFFFF00  }
0x52: {  	[tilespmem:s0], [sflag:$0x7] =	stream.indirect.gather [hbm4b:s4+s31], $0x80, s26, s31, $0x2000b8;
	[tilespmem:$0x1FF80] =	vst v63  }
0x53: {  	_ =	swait.ge [sflag:s13], $0x4000  }
0x54: {  	[sflag:s13] =	ssyncset.done $0x0  }
0x55: {  	s22 =	simm.s32 $0x180;
	[sflag:s13] =	ssyncadd.s32 $0xFFFFC000  }
0x56: {  	[spmem:s2] =	stream.indirect.scatter.add.f32 [tilespmem:s5], [sflag:$0xB], $0x80, s22, s31, $0x2000b8;
	[tilespmem:$0x1FF80] =	vst v63  }
0x57: {  	s19 =	rddreg [dreg:$0xf]  }
0x58: {  	[tilespmem:s3], [sflag:$0x1] =	stream.linear.gather [hbm4b:s19+s3], $0x100, $0x200038;
	[tilespmem:$0x1FF80] =	vst v63  }
0x59: {  	_ =	swait.ge [sflag:s15], $0x4000  }
0x5a: {  	[sflag:s15] =	ssyncset.done $0x0  }
0x5b: {  	[sflag:s15] =	ssyncadd.s32 $0xFFFFC000  }
0x5c: {  	_ =	swait.ge [sflag:s16], $0x100  }
0x5d: {  	[sflag:s16] =	ssyncset.done $0x0  }
0x5e: {  	[sflag:s16] =	ssyncadd.s32 $0xFFFFFF00  }
0x5f: {  	[tilespmem:s5], [sflag:$0x8] =	stream.indirect.gather [hbm4b:s4+s31], $0x80, s28, s31, $0x2000b8;
	[tilespmem:$0x1FF80] =	vst v63  }
0x60: {  	_ =	swait.ge [sflag:s17], $0x4000  }
0x61: {  	[sflag:s17] =	ssyncset.done $0x0  }
0x62: {  	s29 =	simm.s32 $0x280;
	[sflag:s17] =	ssyncadd.s32 $0xFFFFC000  }
0x63: {  	[spmem:s2] =	stream.indirect.scatter.add.f32 [tilespmem:s8], [sflag:$0xC], $0x80, s29, s31, $0x2000b8;
	[tilespmem:$0x1FF80] =	vst v63  }
0x64: {  	s6 =	rddreg [dreg:$0x10]  }
0x65: {  	[tilespmem:s24], [sflag:$0x2] =	stream.linear.gather [hbm4b:s6+s3], $0x100, $0x200038;
	[tilespmem:$0x1FF80] =	vst v63  }
0x66: {  	_ =	swait.ge [sflag:s20], $0x4000  }
0x67: {  	[sflag:s20] =	ssyncset.done $0x0  }
0x68: {  	[sflag:s20] =	ssyncadd.s32 $0xFFFFC000  }
0x69: {  	_ =	swait.ge [sflag:s21], $0x100  }
0x6a: {  	[sflag:s21] =	ssyncset.done $0x0  }
0x6b: {  	[sflag:s21] =	ssyncadd.s32 $0xFFFFFF00  }
0x6c: {  	[tilespmem:s8], [sflag:$0x9] =	stream.indirect.gather [hbm4b:s4+s31], $0x80, s10, s31, $0x2000b8;
	[tilespmem:$0x1FF80] =	vst v63  }
0x6d: {  	_ =	swait.ge [sflag:s9], $0x4000  }
0x6e: {  	[sflag:s9] =	ssyncset.done $0x0  }
0x6f: {  	s19 =	simm.s32 $0x380;
	[sflag:s9] =	ssyncadd.s32 $0xFFFFC000  }
0x70: {  	[spmem:s2] =	stream.indirect.scatter.add.f32 [tilespmem:s0], [sflag:$0xA], $0x80, s19, s31, $0x2000b8;
	[tilespmem:$0x1FF80] =	vst v63  }
0x71: {  	s6 =	rddreg [dreg:$0x11]  }
0x72: {  	[tilespmem:s25], [sflag:$0x3] =	stream.linear.gather [hbm4b:s6+s3], $0x100, $0x200038;
	[tilespmem:$0x1FF80] =	vst v63  }
0x73: {  	_ =	swait.ge [sflag:s11], $0x4000  }
0x74: {  	[sflag:s11] =	ssyncset.done $0x0  }
0x75: {  	[sflag:s11] =	ssyncadd.s32 $0xFFFFC000  }
0x76: {  	_ =	swait.ge [sflag:s30], $0x100  }
0x77: {  	[sflag:s30] =	ssyncset.done $0x0  }
0x78: {  	[sflag:s30] =	ssyncadd.s32 $0xFFFFFF00  }
0x79: {  	[tilespmem:s0], [sflag:$0x7] =	stream.indirect.gather [hbm4b:s4+s31], $0x80, s3, s31, $0x2000b8;
	[tilespmem:$0x1FF80] =	vst v63  }
0x7a: {  	_ =	swait.ge [sflag:s13], $0x4000  }
0x7b: {  	[sflag:s13] =	ssyncset.done $0x0  }
0x7c: {  	s19 =	simm.s32 $0x480;
	[sflag:s13] =	ssyncadd.s32 $0xFFFFC000  }
0x7d: {  	[spmem:s2] =	stream.indirect.scatter.add.f32 [tilespmem:s5], [sflag:$0xB], $0x80, s19, s31, $0x2000b8;
	[tilespmem:$0x1FF80] =	vst v63  }
0x7e: {  	s6 =	rddreg [dreg:$0x12]  }
0x7f: {  	[tilespmem:s26], [sflag:$0x4] =	stream.linear.gather [hbm4b:s6+s3], $0x100, $0x200038;
	[tilespmem:$0x1FF80] =	vst v63  }
0x80: {  	_ =	swait.ge [sflag:s15], $0x4000  }
0x81: {  	[sflag:s15] =	ssyncset.done $0x0  }
0x82: {  	[sflag:s15] =	ssyncadd.s32 $0xFFFFC000  }
0x83: {  	_ =	swait.ge [sflag:s1], $0x100  }
0x84: {  	[sflag:s1] =	ssyncset.done $0x0  }
0x85: {  	[sflag:s1] =	ssyncadd.s32 $0xFFFFFF00  }
0x86: {  	[tilespmem:s5], [sflag:$0x8] =	stream.indirect.gather [hbm4b:s4+s31], $0x80, s24, s31, $0x2000b8;
	[tilespmem:$0x1FF80] =	vst v63  }
0x87: {  	_ =	swait.ge [sflag:s17], $0x4000  }
0x88: {  	[sflag:s17] =	ssyncset.done $0x0  }
0x89: {  	s6 =	simm.s32 $0x580;
	[sflag:s17] =	ssyncadd.s32 $0xFFFFC000  }
0x8a: {  	[spmem:s2] =	stream.indirect.scatter.add.f32 [tilespmem:s8], [sflag:$0xC], $0x80, s6, s31, $0x2000b8;
	[tilespmem:$0x1FF80] =	vst v63  }
0x8b: {  	s19 =	rddreg [dreg:$0x13]  }
0x8c: {  	[tilespmem:s28], [sflag:$0x5] =	stream.linear.gather [hbm4b:s19+s3], $0x100, $0x200038;
	[tilespmem:$0x1FF80] =	vst v63  }
0x8d: {  	_ =	swait.ge [sflag:s20], $0x4000  }
0x8e: {  	[sflag:s20] =	ssyncset.done $0x0  }
0x8f: {  	[sflag:s20] =	ssyncadd.s32 $0xFFFFC000  }
0x90: {  	_ =	swait.ge [sflag:s7], $0x100  }
0x91: {  	[sflag:s7] =	ssyncset.done $0x0  }
0x92: {  	[sflag:s7] =	ssyncadd.s32 $0xFFFFFF00  }
0x93: {  	[tilespmem:s8], [sflag:$0x9] =	stream.indirect.gather [hbm4b:s4+s31], $0x80, s25, s31, $0x2000b8;
	[tilespmem:$0x1FF80] =	vst v63  }
0x94: {  	_ =	swait.ge [sflag:s9], $0x4000  }
0x95: {  	[sflag:s9] =	ssyncset.done $0x0  }
0x96: {  	s14 =	sadd.s32 $0x0, s18;
	[sflag:s9] =	ssyncadd.s32 $0xFFFFC000  }
0x97: {  	[spmem:s2] =	stream.indirect.scatter.add.f32 [tilespmem:s0], [sflag:$0xA], $0x80, s31, s31, $0x2000b8;
	[tilespmem:$0x1FF80] =	vst v63  }
0x98: {  	s19 =	sadd.s32 $0x160, s14  }
0x99: {  	[tilespmem:s10], [sflag:$0x6] =	stream.linear.gather [hbm4b:s19+s3], $0x100, $0x200038;
	[tilespmem:$0x1FF80] =	vst v63  }
0x9a: {  	_ =	swait.ge [sflag:s11], $0x4000  }
0x9b: {  	[sflag:s11] =	ssyncset.done $0x0  }
0x9c: {  	[sflag:s11] =	ssyncadd.s32 $0xFFFFC000  }
0x9d: {  	_ =	swait.ge [sflag:s12], $0x100  }
0x9e: {  	[sflag:s12] =	ssyncset.done $0x0  }
0x9f: {  	[sflag:s12] =	ssyncadd.s32 $0xFFFFFF00  }
0xa0: {  	[tilespmem:s0], [sflag:$0x7] =	stream.indirect.gather [hbm4b:s4+s31], $0x80, s26, s31, $0x2000b8;
	[tilespmem:$0x1FF80] =	vst v63  }
0xa1: {  	_ =	swait.ge [sflag:s13], $0x4000  }
0xa2: {  	[sflag:s13] =	ssyncset.done $0x0  }
0xa3: {  	s19 =	rddreg [dreg:$0x6];
	[sflag:s13] =	ssyncadd.s32 $0xFFFFC000  }
0xa4: {  	[spmem:s2] =	stream.indirect.scatter.add.f32 [tilespmem:s5], [sflag:$0xB], $0x80, s22, s31, $0x2000b8;
	[tilespmem:$0x1FF80] =	vst v63  }
0xa5: {  	s19 =	sadd.s32 $0x0, s19  }
0xa6: {  	[tilespmem:s3], [sflag:$0x1] =	stream.linear.gather [hbm4b:s19+s3], $0x100, $0x200038;
	[tilespmem:$0x1FF80] =	vst v63  }
0xa7: {  	_ =	swait.ge [sflag:s15], $0x4000  }
0xa8: {  	[sflag:s15] =	ssyncset.done $0x0  }
0xa9: {  	[sflag:s15] =	ssyncadd.s32 $0xFFFFC000  }
0xaa: {  	_ =	swait.ge [sflag:s16], $0x100  }
0xab: {  	[sflag:s16] =	ssyncset.done $0x0  }
0xac: {  	[sflag:s16] =	ssyncadd.s32 $0xFFFFFF00  }
0xad: {  	[tilespmem:s5], [sflag:$0x8] =	stream.indirect.gather [hbm4b:s4+s31], $0x80, s28, s31, $0x2000b8;
	[tilespmem:$0x1FF80] =	vst v63  }
0xae: {  	_ =	swait.ge [sflag:s17], $0x4000  }
0xaf: {  	[sflag:s17] =	ssyncset.done $0x0  }
0xb0: {  	[sflag:s17] =	ssyncadd.s32 $0xFFFFC000  }
0xb1: {  	[spmem:s2] =	stream.indirect.scatter.add.f32 [tilespmem:s8], [sflag:$0xC], $0x80, s29, s31, $0x2000b8;
	[tilespmem:$0x1FF80] =	vst v63  }
0xb2: {  	s22 =	sadd.s32 $0x1A0, s14  }
0xb3: {  	[tilespmem:s24], [sflag:$0x2] =	stream.linear.gather [hbm4b:s22+s3], $0x100, $0x200038;
	[tilespmem:$0x1FF80] =	vst v63  }
0xb4: {  	_ =	swait.ge [sflag:s20], $0x4000  }
0xb5: {  	[sflag:s20] =	ssyncset.done $0x0  }
0xb6: {  	[sflag:s20] =	ssyncadd.s32 $0xFFFFC000  }
0xb7: {  	_ =	swait.ge [sflag:s21], $0x100  }
0xb8: {  	[sflag:s21] =	ssyncset.done $0x0  }
0xb9: {  	[sflag:s21] =	ssyncadd.s32 $0xFFFFFF00  }
0xba: {  	[tilespmem:s8], [sflag:$0x9] =	stream.indirect.gather [hbm4b:s4+s31], $0x80, s10, s31, $0x2000b8;
	[tilespmem:$0x1FF80] =	vst v63  }
0xbb: {  	_ =	swait.ge [sflag:s9], $0x4000  }
0xbc: {  	[sflag:s9] =	ssyncset.done $0x0  }
0xbd: {  	s22 =	simm.s32 $0x380;
	s19 =	rddreg [dreg:$0x5];
	[sflag:s9] =	ssyncadd.s32 $0xFFFFC000  }
0xbe: {  	[spmem:s2] =	stream.indirect.scatter.add.f32 [tilespmem:s0], [sflag:$0xA], $0x80, s22, s31, $0x2000b8;
	[tilespmem:$0x1FF80] =	vst v63  }
0xbf: {  	s19 =	sadd.s32 $0x0, s19  }
0xc0: {  	[tilespmem:s25], [sflag:$0x3] =	stream.linear.gather [hbm4b:s19+s3], $0x100, $0x200038;
	[tilespmem:$0x1FF80] =	vst v63  }
0xc1: {  	_ =	swait.ge [sflag:s11], $0x4000  }
0xc2: {  	[sflag:s11] =	ssyncset.done $0x0  }
0xc3: {  	[sflag:s11] =	ssyncadd.s32 $0xFFFFC000  }
0xc4: {  	_ =	swait.ge [sflag:s30], $0x100  }
0xc5: {  	[sflag:s30] =	ssyncset.done $0x0  }
0xc6: {  	[sflag:s30] =	ssyncadd.s32 $0xFFFFFF00  }
0xc7: {  	[tilespmem:s0], [sflag:$0x7] =	stream.indirect.gather [hbm4b:s4+s31], $0x80, s3, s31, $0x2000b8;
	[tilespmem:$0x1FF80] =	vst v63  }
0xc8: {  	_ =	swait.ge [sflag:s13], $0x4000  }
0xc9: {  	[sflag:s13] =	ssyncset.done $0x0  }
0xca: {  	s22 =	simm.s32 $0x480;
	[sflag:s13] =	ssyncadd.s32 $0xFFFFC000  }
0xcb: {  	[spmem:s2] =	stream.indirect.scatter.add.f32 [tilespmem:s5], [sflag:$0xB], $0x80, s22, s31, $0x2000b8;
	[tilespmem:$0x1FF80] =	vst v63  }
0xcc: {  	s14 =	sadd.s32 $0x1E0, s14  }
0xcd: {  	[tilespmem:s26], [sflag:$0x4] =	stream.linear.gather [hbm4b:s14+s3], $0x100, $0x200038;
	[tilespmem:$0x1FF80] =	vst v63  }
0xce: {  	_ =	swait.ge [sflag:s15], $0x4000  }
0xcf: {  	[sflag:s15] =	ssyncset.done $0x0  }
0xd0: {  	[sflag:s15] =	ssyncadd.s32 $0xFFFFC000  }
0xd1: {  	_ =	swait.ge [sflag:s1], $0x100  }
0xd2: {  	[sflag:s1] =	ssyncset.done $0x0  }
0xd3: {  	[sflag:s1] =	ssyncadd.s32 $0xFFFFFF00  }
0xd4: {  	[tilespmem:s5], [sflag:$0x8] =	stream.indirect.gather [hbm4b:s4+s31], $0x80, s24, s31, $0x2000b8;
	[tilespmem:$0x1FF80] =	vst v63  }
0xd5: {  	_ =	swait.ge [sflag:s17], $0x4000  }
0xd6: {  	[sflag:s17] =	ssyncset.done $0x0;
	s22 =	rddreg [dreg:$0x4]  }
0xd7: {  	s29 =	simm.s32 $0xC0;
	[sflag:s17] =	ssyncadd.s32 $0xFFFFC000;
	s14 =	sadd.s32 $0x0, s22  }
0xd8: {  	[spmem:s2] =	stream.indirect.scatter.add.f32 [tilespmem:s8], [sflag:$0xC], $0x80, s6, s31, $0x2000b8;
	[tilespmem:$0x1FF80] =	vst v63  }
.LBB2_2:
0xd9: {  	[tilespmem:s28], [sflag:$0x5] =	stream.linear.gather [hbm4b:s14+s3], $0x100, $0x200038;
	[tilespmem:$0x1FF80] =	vst v63  }
0xda: {  	_ =	swait.ge [sflag:s20], $0x4000  }
0xdb: {  	[sflag:s20] =	ssyncset.done $0x0  }
0xdc: {  	[sflag:s20] =	ssyncadd.s32 $0xFFFFC000  }
0xdd: {  	_ =	swait.ge [sflag:s7], $0x100  }
0xde: {  	[sflag:s7] =	ssyncset.done $0x0  }
0xdf: {  	[sflag:s7] =	ssyncadd.s32 $0xFFFFFF00  }
0xe0: {  	[tilespmem:s8], [sflag:$0x9] =	stream.indirect.gather [hbm4b:s4+s31], $0x80, s25, s31, $0x2000b8;
	[tilespmem:$0x1FF80] =	vst v63  }
0xe1: {  	_ =	swait.ge [sflag:s9], $0x4000  }
0xe2: {  	s14 =	smov.u32 s29;
	[sflag:s9] =	ssyncset.done $0x0  }
0xe3: {  	s19 =	sadd.s32 s14, s18;
	[sflag:s9] =	ssyncadd.s32 $0xFFFFC000  }
0xe4: {  	[spmem:s2] =	stream.indirect.scatter.add.f32 [tilespmem:s0], [sflag:$0xA], $0x80, s31, s31, $0x2000b8;
	[tilespmem:$0x1FF80] =	vst v63  }
0xe5: {  	s22 =	sadd.s32 $0x160, s19  }
0xe6: {  	[tilespmem:s10], [sflag:$0x6] =	stream.linear.gather [hbm4b:s22+s3], $0x100, $0x200038;
	[tilespmem:$0x1FF80] =	vst v63  }
0xe7: {  	_ =	swait.ge [sflag:s11], $0x4000  }
0xe8: {  	[sflag:s11] =	ssyncset.done $0x0  }
0xe9: {  	[sflag:s11] =	ssyncadd.s32 $0xFFFFC000  }
0xea: {  	_ =	swait.ge [sflag:s12], $0x100  }
0xeb: {  	[sflag:s12] =	ssyncset.done $0x0  }
0xec: {  	[sflag:s12] =	ssyncadd.s32 $0xFFFFFF00  }
0xed: {  	[tilespmem:s0], [sflag:$0x7] =	stream.indirect.gather [hbm4b:s4+s31], $0x80, s26, s31, $0x2000b8;
	[tilespmem:$0x1FF80] =	vst v63  }
0xee: {  	_ =	swait.ge [sflag:s13], $0x4000  }
0xef: {  	[sflag:s13] =	ssyncset.done $0x0  }
0xf0: {  	s6 =	rddreg [dreg:$0x6];
	[sflag:s13] =	ssyncadd.s32 $0xFFFFC000  }
0xf1: {  	[spmem:s2] =	stream.indirect.scatter.add.f32 [tilespmem:s5], [sflag:$0xB], $0x80, s23, s31, $0x2000b8;
	[tilespmem:$0x1FF80] =	vst v63  }
0xf2: {  	s22 =	sadd.s32 s14, s6  }
0xf3: {  	[tilespmem:s3], [sflag:$0x1] =	stream.linear.gather [hbm4b:s22+s3], $0x100, $0x200038;
	[tilespmem:$0x1FF80] =	vst v63  }
0xf4: {  	_ =	swait.ge [sflag:s15], $0x4000  }
0xf5: {  	[sflag:s15] =	ssyncset.done $0x0  }
0xf6: {  	[sflag:s15] =	ssyncadd.s32 $0xFFFFC000  }
0xf7: {  	_ =	swait.ge [sflag:s16], $0x100  }
0xf8: {  	[sflag:s16] =	ssyncset.done $0x0  }
0xf9: {  	[sflag:s16] =	ssyncadd.s32 $0xFFFFFF00  }
0xfa: {  	[tilespmem:s5], [sflag:$0x8] =	stream.indirect.gather [hbm4b:s4+s31], $0x80, s28, s31, $0x2000b8;
	[tilespmem:$0x1FF80] =	vst v63  }
0xfb: {  	_ =	swait.ge [sflag:s17], $0x4000  }
0xfc: {  	[sflag:s17] =	ssyncset.done $0x0  }
0xfd: {  	s6 =	simm.s32 $0x280;
	[sflag:s17] =	ssyncadd.s32 $0xFFFFC000  }
0xfe: {  	[spmem:s2] =	stream.indirect.scatter.add.f32 [tilespmem:s8], [sflag:$0xC], $0x80, s6, s31, $0x2000b8;
	[tilespmem:$0x1FF80] =	vst v63  }
0xff: {  	s6 =	sadd.s32 $0x1A0, s19  }
0x100: {  	[tilespmem:s24], [sflag:$0x2] =	stream.linear.gather [hbm4b:s6+s3], $0x100, $0x200038;
	[tilespmem:$0x1FF80] =	vst v63  }
0x101: {  	_ =	swait.ge [sflag:s20], $0x4000  }
0x102: {  	[sflag:s20] =	ssyncset.done $0x0  }
0x103: {  	[sflag:s20] =	ssyncadd.s32 $0xFFFFC000  }
0x104: {  	_ =	swait.ge [sflag:s21], $0x100  }
0x105: {  	[sflag:s21] =	ssyncset.done $0x0  }
0x106: {  	[sflag:s21] =	ssyncadd.s32 $0xFFFFFF00  }
0x107: {  	[tilespmem:s8], [sflag:$0x9] =	stream.indirect.gather [hbm4b:s4+s31], $0x80, s10, s31, $0x2000b8;
	[tilespmem:$0x1FF80] =	vst v63  }
0x108: {  	_ =	swait.ge [sflag:s9], $0x4000  }
0x109: {  	[sflag:s9] =	ssyncset.done $0x0  }
0x10a: {  	s6 =	simm.s32 $0x380;
	s22 =	rddreg [dreg:$0x5];
	[sflag:s9] =	ssyncadd.s32 $0xFFFFC000  }
0x10b: {  	[spmem:s2] =	stream.indirect.scatter.add.f32 [tilespmem:s0], [sflag:$0xA], $0x80, s6, s31, $0x2000b8;
	[tilespmem:$0x1FF80] =	vst v63  }
0x10c: {  	s22 =	sadd.s32 s14, s22  }
0x10d: {  	[tilespmem:s25], [sflag:$0x3] =	stream.linear.gather [hbm4b:s22+s3], $0x100, $0x200038;
	[tilespmem:$0x1FF80] =	vst v63  }
0x10e: {  	_ =	swait.ge [sflag:s11], $0x4000  }
0x10f: {  	[sflag:s11] =	ssyncset.done $0x0  }
0x110: {  	[sflag:s11] =	ssyncadd.s32 $0xFFFFC000  }
0x111: {  	_ =	swait.ge [sflag:s30], $0x100  }
0x112: {  	[sflag:s30] =	ssyncset.done $0x0  }
0x113: {  	[sflag:s30] =	ssyncadd.s32 $0xFFFFFF00  }
0x114: {  	[tilespmem:s0], [sflag:$0x7] =	stream.indirect.gather [hbm4b:s4+s31], $0x80, s3, s31, $0x2000b8;
	[tilespmem:$0x1FF80] =	vst v63  }
0x115: {  	_ =	swait.ge [sflag:s13], $0x4000  }
0x116: {  	[sflag:s13] =	ssyncset.done $0x0  }
0x117: {  	s22 =	simm.s32 $0x480;
	[sflag:s13] =	ssyncadd.s32 $0xFFFFC000  }
0x118: {  	[spmem:s2] =	stream.indirect.scatter.add.f32 [tilespmem:s5], [sflag:$0xB], $0x80, s22, s31, $0x2000b8;
	[tilespmem:$0x1FF80] =	vst v63  }
0x119: {  	s19 =	sadd.s32 $0x1E0, s19  }
0x11a: {  	[tilespmem:s26], [sflag:$0x4] =	stream.linear.gather [hbm4b:s19+s3], $0x100, $0x200038;
	[tilespmem:$0x1FF80] =	vst v63  }
0x11b: {  	_ =	swait.ge [sflag:s15], $0x4000  }
0x11c: {  	[sflag:s15] =	ssyncset.done $0x0  }
0x11d: {  	[sflag:s15] =	ssyncadd.s32 $0xFFFFC000  }
0x11e: {  	_ =	swait.ge [sflag:s1], $0x100  }
0x11f: {  	[sflag:s1] =	ssyncset.done $0x0  }
0x120: {  	p0 =	sne.s32 s29, $0x780;
	[sflag:s1] =	ssyncadd.s32 $0xFFFFFF00  }
0x121: {  	[tilespmem:s5], [sflag:$0x8] =	stream.indirect.gather [hbm4b:s4+s31], $0x80, s24, s31, $0x2000b8;
	[tilespmem:$0x1FF80] =	vst v63  }
.Ltmp0:
0x122: {  	_ = 	snop;
	(pc) =	sbr.rel @p0 .LBB2_2-.Ltmp0, $4  }
0x123: {  	_ =	swait.ge [sflag:s17], $0x4000  }
0x124: {  	s29 =	sadd.s32 $0xC0, s29;
	[sflag:s17] =	ssyncset.done $0x0;
	s19 =	rddreg [dreg:$0x4]  }
0x125: {  	s22 =	simm.s32 $0x580;
	[sflag:s17] =	ssyncadd.s32 $0xFFFFC000;
	s14 =	sadd.s32 s14, s19  }
0x126: {  	[spmem:s2] =	stream.indirect.scatter.add.f32 [tilespmem:s8], [sflag:$0xC], $0x80, s22, s31, $0x2000b8;
	[tilespmem:$0x1FF80] =	vst v63  }
0x127: {  	[tilespmem:s28], [sflag:$0x5] =	stream.linear.gather [hbm4b:s14+s3], $0x100, $0x200038;
	[tilespmem:$0x1FF80] =	vst v63  }
0x128: {  	_ =	swait.ge [sflag:s20], $0x4000  }
0x129: {  	[sflag:s20] =	ssyncset.done $0x0  }
0x12a: {  	[sflag:s20] =	ssyncadd.s32 $0xFFFFC000  }
0x12b: {  	_ =	swait.ge [sflag:s7], $0x100  }
0x12c: {  	[sflag:s7] =	ssyncset.done $0x0  }
0x12d: {  	[sflag:s7] =	ssyncadd.s32 $0xFFFFFF00  }
0x12e: {  	[tilespmem:s8], [sflag:$0x9] =	stream.indirect.gather [hbm4b:s4+s31], $0x80, s25, s31, $0x2000b8;
	[tilespmem:$0x1FF80] =	vst v63  }
0x12f: {  	_ =	swait.ge [sflag:s9], $0x4000  }
0x130: {  	[sflag:s9] =	ssyncset.done $0x0  }
0x131: {  	[sflag:s9] =	ssyncadd.s32 $0xFFFFC000  }
0x132: {  	[spmem:s2] =	stream.indirect.scatter.add.f32 [tilespmem:s0], [sflag:$0xA], $0x80, s31, s31, $0x2000b8;
	[tilespmem:$0x1FF80] =	vst v63  }
0x133: {  	s29 =	rddreg [dreg:$0x14]  }
0x134: {  	[tilespmem:s10], [sflag:$0x6] =	stream.linear.gather [hbm4b:s29+s3], $0x100, $0x200038;
	[tilespmem:$0x1FF80] =	vst v63  }
0x135: {  	_ =	swait.ge [sflag:s11], $0x4000  }
0x136: {  	[sflag:s11] =	ssyncset.done $0x0  }
0x137: {  	[sflag:s11] =	ssyncadd.s32 $0xFFFFC000  }
0x138: {  	_ =	swait.ge [sflag:s12], $0x100  }
0x139: {  	[sflag:s12] =	ssyncset.done $0x0  }
0x13a: {  	[sflag:s12] =	ssyncadd.s32 $0xFFFFFF00  }
0x13b: {  	[tilespmem:s0], [sflag:$0x7] =	stream.indirect.gather [hbm4b:s4+s31], $0x80, s26, s31, $0x2000b8;
	[tilespmem:$0x1FF80] =	vst v63  }
0x13c: {  	_ =	swait.ge [sflag:s13], $0x4000  }
0x13d: {  	[sflag:s13] =	ssyncset.done $0x0  }
0x13e: {  	s19 =	simm.s32 $0x180;
	[sflag:s13] =	ssyncadd.s32 $0xFFFFC000  }
0x13f: {  	[spmem:s2] =	stream.indirect.scatter.add.f32 [tilespmem:s5], [sflag:$0xB], $0x80, s19, s31, $0x2000b8;
	[tilespmem:$0x1FF80] =	vst v63  }
0x140: {  	s6 =	rddreg [dreg:$0x15]  }
0x141: {  	[tilespmem:s3], [sflag:$0x1] =	stream.linear.gather [hbm4b:s6+s3], $0x100, $0x200038;
	[tilespmem:$0x1FF80] =	vst v63  }
0x142: {  	_ =	swait.ge [sflag:s15], $0x4000  }
0x143: {  	[sflag:s15] =	ssyncset.done $0x0  }
0x144: {  	[sflag:s15] =	ssyncadd.s32 $0xFFFFC000  }
0x145: {  	_ =	swait.ge [sflag:s16], $0x100  }
0x146: {  	[sflag:s16] =	ssyncset.done $0x0  }
0x147: {  	[sflag:s16] =	ssyncadd.s32 $0xFFFFFF00  }
0x148: {  	[tilespmem:s5], [sflag:$0x8] =	stream.indirect.gather [hbm4b:s4+s31], $0x80, s28, s31, $0x2000b8;
	[tilespmem:$0x1FF80] =	vst v63  }
0x149: {  	_ =	swait.ge [sflag:s17], $0x4000  }
0x14a: {  	[sflag:s17] =	ssyncset.done $0x0  }
0x14b: {  	s22 =	simm.s32 $0x280;
	[sflag:s17] =	ssyncadd.s32 $0xFFFFC000  }
0x14c: {  	[spmem:s2] =	stream.indirect.scatter.add.f32 [tilespmem:s8], [sflag:$0xC], $0x80, s22, s31, $0x2000b8;
	[tilespmem:$0x1FF80] =	vst v63  }
0x14d: {  	s29 =	rddreg [dreg:$0x16]  }
0x14e: {  	[tilespmem:s24], [sflag:$0x2] =	stream.linear.gather [hbm4b:s29+s3], $0x100, $0x200038;
	[tilespmem:$0x1FF80] =	vst v63  }
0x14f: {  	_ =	swait.ge [sflag:s20], $0x4000  }
0x150: {  	[sflag:s20] =	ssyncset.done $0x0  }
0x151: {  	[sflag:s20] =	ssyncadd.s32 $0xFFFFC000  }
0x152: {  	_ =	swait.ge [sflag:s21], $0x100  }
0x153: {  	[sflag:s21] =	ssyncset.done $0x0  }
0x154: {  	[sflag:s21] =	ssyncadd.s32 $0xFFFFFF00  }
0x155: {  	[tilespmem:s8], [sflag:$0x9] =	stream.indirect.gather [hbm4b:s4+s31], $0x80, s10, s31, $0x2000b8;
	[tilespmem:$0x1FF80] =	vst v63  }
0x156: {  	_ =	swait.ge [sflag:s9], $0x4000  }
0x157: {  	[sflag:s9] =	ssyncset.done $0x0  }
0x158: {  	s6 =	simm.s32 $0x380;
	[sflag:s9] =	ssyncadd.s32 $0xFFFFC000  }
0x159: {  	[spmem:s2] =	stream.indirect.scatter.add.f32 [tilespmem:s0], [sflag:$0xA], $0x80, s6, s31, $0x2000b8;
	[tilespmem:$0x1FF80] =	vst v63  }
0x15a: {  	_ =	swait.ge [sflag:s11], $0x4000  }
0x15b: {  	[sflag:s11] =	ssyncset.done $0x0  }
0x15c: {  	[sflag:s11] =	ssyncadd.s32 $0xFFFFC000  }
0x15d: {  	_ =	swait.ge [sflag:s30], $0x100  }
0x15e: {  	[sflag:s30] =	ssyncset.done $0x0  }
0x15f: {  	[sflag:s30] =	ssyncadd.s32 $0xFFFFFF00  }
0x160: {  	[tilespmem:s0], [sflag:$0x7] =	stream.indirect.gather [hbm4b:s4+s31], $0x80, s3, s31, $0x2000b8;
	[tilespmem:$0x1FF80] =	vst v63  }
0x161: {  	_ =	swait.ge [sflag:s13], $0x4000  }
0x162: {  	[sflag:s13] =	ssyncset.done $0x0  }
0x163: {  	s6 =	simm.s32 $0x480;
	[sflag:s13] =	ssyncadd.s32 $0xFFFFC000  }
0x164: {  	[spmem:s2] =	stream.indirect.scatter.add.f32 [tilespmem:s5], [sflag:$0xB], $0x80, s6, s31, $0x2000b8;
	[tilespmem:$0x1FF80] =	vst v63  }
0x165: {  	_ =	swait.ge [sflag:s15], $0x4000  }
0x166: {  	[sflag:s15] =	ssyncset.done $0x0  }
0x167: {  	[sflag:s15] =	ssyncadd.s32 $0xFFFFC000  }
0x168: {  	_ =	swait.ge [sflag:s1], $0x100  }
0x169: {  	[sflag:s1] =	ssyncset.done $0x0  }
0x16a: {  	[sflag:s1] =	ssyncadd.s32 $0xFFFFFF00  }
0x16b: {  	[tilespmem:s5], [sflag:$0x8] =	stream.indirect.gather [hbm4b:s4+s31], $0x80, s24, s31, $0x2000b8;
	[tilespmem:$0x1FF80] =	vst v63  }
0x16c: {  	_ =	swait.ge [sflag:s17], $0x4000  }
0x16d: {  	[sflag:s17] =	ssyncset.done $0x0  }
0x16e: {  	s14 =	simm.s32 $0x580;
	[sflag:s17] =	ssyncadd.s32 $0xFFFFC000  }
0x16f: {  	[spmem:s2] =	stream.indirect.scatter.add.f32 [tilespmem:s8], [sflag:$0xC], $0x80, s14, s31, $0x2000b8;
	[tilespmem:$0x1FF80] =	vst v63  }
0x170: {  	_ =	swait.ge [sflag:s20], $0x4000  }
0x171: {  	[sflag:s20] =	ssyncset.done $0x0  }
0x172: {  	[sflag:s20] =	ssyncadd.s32 $0xFFFFC000  }
0x173: {  	_ =	swait.ge [sflag:s9], $0x4000  }
0x174: {  	[sflag:s9] =	ssyncset.done $0x0  }
0x175: {  	[sflag:s9] =	ssyncadd.s32 $0xFFFFC000  }
0x176: {  	[spmem:s2] =	stream.indirect.scatter.add.f32 [tilespmem:s0], [sflag:$0xA], $0x80, s31, s31, $0x2000b8;
	[tilespmem:$0x1FF80] =	vst v63  }
0x177: {  	_ =	swait.ge [sflag:s11], $0x4000  }
0x178: {  	[sflag:s11] =	ssyncset.done $0x0  }
0x179: {  	[sflag:s11] =	ssyncadd.s32 $0xFFFFC000  }
0x17a: {  	_ =	swait.ge [sflag:s13], $0x4000  }
0x17b: {  	[sflag:s13] =	ssyncset.done $0x0  }
0x17c: {  	[sflag:s13] =	ssyncadd.s32 $0xFFFFC000  }
0x17d: {  	[spmem:s2] =	stream.indirect.scatter.add.f32 [tilespmem:s5], [sflag:$0xB], $0x80, s19, s31, $0x2000b8;
	[tilespmem:$0x1FF80] =	vst v63  }
0x17e: {  	_ =	swait.ge [sflag:s15], $0x4000  }
0x17f: {  	[sflag:s15] =	ssyncset.done $0x0  }
0x180: {  	[sflag:s15] =	ssyncadd.s32 $0xFFFFC000  }
0x181: {  	_ =	strace $0x9000004F  }
0x182: {  	_ =	strace $0x80000050  }
0x183: {  	[bflag:$0x0] =	sbarrier.arrive $0xFFFF  }
0x184: {  	s19 =	rddreg [dreg:$0x17]  }
0x185: {  	s22 =	rddreg [dreg:$0x1a]  }
0x186: {  	s29 =	rddreg [dreg:$0x1b]  }
0x187: {  	[hbm:s19], [sflag:s22] =	dma.local [spmem:s29], $0x2780  }
0x188: {  	s19 =	simm.s32 $0xD  }
0x189: {  	_ =	swait.ge [sflag:s19], $0x2780  }
0x18a: {  	s22 =	rddreg [dreg:$0x19]  }
0x18b: {  	s29 =	rddreg [dreg:$0x18];
	s6 =	sadd.s32 $0x1, s22  }
0x18c: {  	p0 =	sne.s32 s6, s29  }
.Ltmp1:
0x18d: {  	_ = 	snop;
	(pc) =	sbr.rel @p0 .LBB2_1-.Ltmp1, $4  }
0x18e: {  	_ = 	snop  }
0x18f: {  	[sflag:s19] =	ssyncset.done $0x0  }
0x190: {  	[sflag:s19] =	ssyncadd.s32 $0xFFFFD880  }
0x191: {  	_ =	strace $0x90000050  }
0x192: {  	_ =	sfence.sel $0x180000  }
0x193: {  	[bflag:$0x0] =	sbarrier.arrive $0xFFFF  }
0x194: {  	_ =	strace $0x9000004D  }
0x195: {  	s0 =	stileid.u32;
	[bflag:$0x2] =	sbarrier.arrive $0xFFFF  }
0x196: {  	p0 =	sne.s32 s0, $0x0;
	s0 =	rddreg [dreg:$0x3]  }
0x197: {  	s0 =	sadd.s32 @!p0 $0x100000, s0  }
0x198: {  	[sflag:s0] =	ssyncadd.tile.s32 @!p0 $0x1;
	_ =	shalt  }
.Lfunc_end2:
_tile_overlayer_lowered:
.L_overlay_start_2:
0x199: {  	(tag) =	ssettag $0x2  }
0x19a: {  	s0 =	rddreg [dreg:$0x0];
	s2 =	stileid.u32  }
0x19b: {  	s1 =	rddreg [dreg:$0x1];
	p0 =	sne.s32 s2, $0x0  }
0x19c: {  	s3 =	rddreg [dreg:$0x2];
	[bflag:$0x3] =	sbarrier.arrive $0xFFFF;
	s2 =	simm.s32 @!p0 $0x1C0D  }
0x19d: {  	[timem:s3], [sflag:s2] =	dma.local @!p0 [hbm:s0], s1  }
0x19e: {  	s0 =	simm.s32 @!p0 $0xD  }
0x19f: {  	_ =	swait.ge @!p0 [sflag:s0], s1  }
0x1a0: {  	s1 =	ssub.s32 @!p0 $0x0, s1;
	[sflag:s0] =	ssyncset.done @!p0 $0x0  }
0x1a1: {  	[sflag:s0] =	ssyncadd.s32 @!p0 s1  }
0x1a2: {  	[bflag:$0x3] =	sbarrier.arrive $0xFFFF  }
0x1a3: {  	_ =	shalt  }

// kernel: kernel.8.cloned.1.call-start
scs
__scs_entry_jumppad:
0x0: {  	(pc) =	sbr.rel $0x88, $3  }
0x1: {  	(tag) =	ssettag $0x0;
	lr =	simm.s32 $0x1  }
0x2: {  	[smem:$0x3F9C] =	sst lr;
	_ =	strace $0xD0000000  }
0x3: {  	_ = 	snop  }
0x4: {  	_ = 	snop  }
0x5: {  	_ = 	snop  }
0x6: {  	_ = 	snop  }
0x7: {  	_ = 	snop  }
__scs_overlays_trampoline_lowered:
0x8: {  	[smem:$0x3FAB] =	sst s0  }
0x9: {  	[smem:$0x3FAC] =	sst s1  }
0xa: {  	[smem:$0x3FAD] =	sst s2  }
0xb: {  	[smem:$0x3FAE] =	sst s3  }
0xc: {  	[smem:$0x3FAF] =	sst s4  }
0xd: {  	[smem:$0x3FB0] =	sst s5  }
0xe: {  	[smem:$0x3FB1] =	sst s6  }
0xf: {  	[smem:$0x3FB2] =	sst s7  }
0x10: {  	[smem:$0x3FB3] =	sst s8  }
0x11: {  	[smem:$0x3FB4] =	sst s9;
	s0 =	simm.s32 @!p0 $0x0  }
0x12: {  	s1 =	sld [smem:$0x3F9A];
	s0 =	simm.s32 @p0 $0x1  }
0x13: {  	[smem:$0x3FB5] =	sst s0;
	s0 =	simm.s32 @!p1 $0x0  }
0x14: {  	s2 =	sld [smem:$0x3F99];
	s0 =	simm.s32 @p1 $0x1  }
0x15: {  	[smem:$0x3FB6] =	sst s0;
	s0 =	simm.s32 @!p2 $0x0  }
0x16: {  	s3 =	sld [smem:$0x3FDB];
	s0 =	simm.s32 @p2 $0x1  }
0x17: {  	s4 =	simm.s32 $0x1BF5;
	[smem:$0x3FB8] =	sst s0  }
0x18: {  	s0 =	sld [smem:$0x3F9B];
	_ =	swait.ge [sflag:s4], $0x0  }
0x19: {  	s7 =	sld [smem:$0x3F9C]  }
0x1a: {  	s8 =	sadd.s32 $0xFFFFE003, lr  }
0x1b: {  	s9 =	sadd.s32 $0xFFFFFEF7, lr;
	s5 =	simm.s32 $0xFFFFFFFF;
	p2 =	slt.u32 s8, $0xFFFFF086  }
0x1c: {  	p1 =	slt.u32 s9, $0xF7A;
	s5 =	simm.s32 @!p2 $0x0  }
0x1d: {  	s5 =	simm.s32 @p1 $0x1;
	p0 =	seq.s32 s7, s2  }
0x1e: {  	s7 =	smul.u32 @!p0 $0xF7A, s2;
	p2 =	seq.s32 @!p0 s5, $0x0  }
0x1f: {  	s9 =	smul.u32 $0xF7A, s1;
	s8 =	simm.s32 @!p0 $0x1BF5;
	p2 =	por !p2, p0  }
0x20: {  	[sflag:s8] =	ssyncset.s32 @!p0 $0xFFFFF086;
	s6 =	sadd.s32 @!p0 s3, s7;
	s7 =	simm.s32 @!p0 $0x108  }
0x21: {  	s3 =	sadd.s32 s3, s9;
	s6 =	sadd.s32 @!p0 $0x88, s6;
	s7 =	simm.s32 @p2 $0x1082  }
0x22: {  	[simem:s7], [sflag:s8] =	dma.local @!p0 [hbm:s6], $0xF7A  }
0x23: {  	s9 =	sor.u32 $0xD0000000, s2;
	s6 =	simm.s32 $0x108;
	_ =	swait.ge @!p0 [sflag:s8], $0x0  }
0x24: {  	s3 =	sadd.s32 $0x88, s3;
	s6 =	simm.s32 @!p1 $0x1082;
	[sflag:s4] =	ssyncset.s32 $0xFFFFF086  }
0x25: {  	[simem:s6], [sflag:s4] =	dma.local [hbm:s3], $0xF7A  }
0x26: {  	[smem:$0x3F9C] =	sst s1;
	(tag) =	ssettag s2;
	_ =	strace s9  }
0x27: {  	s1 =	sld [smem:$0x3FAC]  }
0x28: {  	s2 =	sld [smem:$0x3FAD]  }
0x29: {  	s4 =	sld [smem:$0x3FAF]  }
0x2a: {  	p0 =	seq.s32 s5, $0x0;
	s5 =	sld [smem:$0x3FB0]  }
0x2b: {  	s6 =	sld [smem:$0x3FB1]  }
0x2c: {  	s7 =	sld [smem:$0x3FB2]  }
0x2d: {  	s3 =	simm.s32 $0x108;
	s8 =	sld [smem:$0x3FB3]  }
0x2e: {  	s3 =	simm.s32 @!p0 $0x1082;
	s9 =	sld [smem:$0x3FB4]  }
0x2f: {  	lr =	sadd.s32 s0, s3;
	s0 =	sld [smem:$0x3FAB]  }
0x30: {  	s3 =	sld [smem:$0x3FAE]  }
0x31: {  	[smem:$0x3FB7] =	sst s10  }
0x32: {  	s10 =	sld [smem:$0x3FB5];
	_ =	sdelay $0x3  }
0x33: {  	p0 =	seq.s32 s10, $0x1;
	s10 =	sld [smem:$0x3FB7];
	_ =	sdelay $0x3  }
0x34: {  	[smem:$0x3FB7] =	sst s10  }
0x35: {  	s10 =	sld [smem:$0x3FB6];
	_ =	sdelay $0x3  }
0x36: {  	p1 =	seq.s32 s10, $0x1;
	s10 =	sld [smem:$0x3FB7];
	_ =	sdelay $0x3  }
0x37: {  	[smem:$0x3FB7] =	sst s10  }
0x38: {  	s10 =	sld [smem:$0x3FB8]  }
0x39: {  	_ = 	snop;
	(pc) =	sbr.ind lr, $3  }
0x3a: {  	_ = 	snop  }
0x3b: {  	_ = 	snop  }
0x3c: {  	p2 =	seq.s32 s10, $0x1;
	s10 =	sld [smem:$0x3FB7]  }
0x3d: {  	_ =	shalt  }
0x3e: {  	_ =	shalt  }
0x3f: {  	_ =	shalt  }
0x40: {  	_ =	shalt  }
0x41: {  	_ =	shalt  }
0x42: {  	_ =	shalt  }
0x43: {  	_ =	shalt  }
0x44: {  	_ =	shalt  }
0x45: {  	_ =	shalt  }
0x46: {  	_ =	shalt  }
0x47: {  	_ =	shalt  }
0x48: {  	_ =	shalt  }
0x49: {  	_ =	shalt  }
0x4a: {  	_ =	shalt  }
0x4b: {  	_ =	shalt  }
0x4c: {  	_ =	shalt  }
0x4d: {  	_ =	shalt  }
0x4e: {  	_ =	shalt  }
0x4f: {  	_ =	shalt  }
0x50: {  	_ =	shalt  }
0x51: {  	_ =	shalt  }
0x52: {  	_ =	shalt  }
0x53: {  	_ =	shalt  }
0x54: {  	_ =	shalt  }
0x55: {  	_ =	shalt  }
0x56: {  	_ =	shalt  }
0x57: {  	_ =	shalt  }
0x58: {  	_ =	shalt  }
0x59: {  	_ =	shalt  }
0x5a: {  	_ =	shalt  }
0x5b: {  	_ =	shalt  }
0x5c: {  	_ =	shalt  }
0x5d: {  	_ =	shalt  }
0x5e: {  	_ =	shalt  }
0x5f: {  	_ =	shalt  }
0x60: {  	_ =	shalt  }
0x61: {  	_ =	shalt  }
0x62: {  	_ =	shalt  }
0x63: {  	_ =	shalt  }
0x64: {  	_ =	shalt  }
0x65: {  	_ =	shalt  }
0x66: {  	_ =	shalt  }
0x67: {  	_ =	shalt  }
0x68: {  	_ =	shalt  }
0x69: {  	_ =	shalt  }
0x6a: {  	_ =	shalt  }
0x6b: {  	_ =	shalt  }
0x6c: {  	_ =	shalt  }
0x6d: {  	_ =	shalt  }
0x6e: {  	_ =	shalt  }
0x6f: {  	_ =	shalt  }
0x70: {  	_ =	shalt  }
0x71: {  	_ =	shalt  }
0x72: {  	_ =	shalt  }
0x73: {  	_ =	shalt  }
0x74: {  	_ =	shalt  }
0x75: {  	_ =	shalt  }
0x76: {  	_ =	shalt  }
0x77: {  	_ =	shalt  }
0x78: {  	_ =	shalt  }
0x79: {  	_ =	shalt  }
0x7a: {  	_ =	shalt  }
0x7b: {  	_ =	shalt  }
0x7c: {  	_ =	shalt  }
0x7d: {  	_ =	shalt  }
0x7e: {  	_ =	shalt  }
0x7f: {  	_ =	shalt  }
0x80: {  	_ =	shalt  }
0x81: {  	_ =	shalt  }
0x82: {  	_ =	shalt  }
0x83: {  	_ =	shalt  }
0x84: {  	_ =	shalt  }
0x85: {  	_ =	shalt  }
0x86: {  	_ =	shalt  }
0x87: {  	_ =	shalt  }
.Lfunc_end0:
.L_simem_size_0:
called_computation_lowered:
.L_overlay_start_0:
0x88: {  	s2 =	sld [smem:$0x3FD9]  }
0x89: {  	s3 =	sld [smem:$0x3FFE];
	_ =	sdelay $0x1  }
0x8a: {  	s1 =	srdreg.scid  }
0x8b: {  	s0 =	sand.u32 $0x1, s1  }
0x8c: {  	s17 =	sshll.u32 s0, $0xA;
	s2 =	sadd.s32 s3, s2  }
0x8d: {  	s2 =	sadd.s32 s2, s17  }
0x8e: {  	[smem:$0x3FC3] =	sst s2  }
0x8f: {  	_ = 	snop  }
0x90: {  	s2 =	sld [smem:$0x3FD0];
	(tm) =	ssettm $0x1  }
0x91: {  	s18 =	sld [smem:$0x3FFB];
	_ =	sdelay $0x3  }
0x92: {  	_ =	strace s18  }
0x93: {  	s3 =	sld [smem:$0x3FFC];
	_ =	sdelay $0x3  }
0x94: {  	_ =	strace s3  }
0x95: {  	s3 =	sld [smem:$0x3FFD];
	_ =	sdelay $0x3  }
0x96: {  	_ =	strace s3  }
0x97: {  	_ =	strace $0x8FFFFFFF  }
0x98: {  	s19 =	sld [smem:$0x3FDB];
	_ =	sdelay $0x1  }
0x99: {  	s4 =	simm.s32 $_scs_section_size  }
0x9a: {  	s5 =	simm.s32 $_size__tile_overlayer_lowered;
	s6 =	simm.s32 $_tile_overlayer_lowered  }
0x9b: {  	s22 =	simm.s32 $0x1BFF;
	s21 =	sshll.u32 s6, $0x1;
	s3 =	sadd.s32 s4, s19  }
0x9c: {  	s7 =	simm.s32 $0x0;
	s20 =	sshll.u32 s5, $0x1;
	s5 =	sadd.s32 s21, s3  }
0x9d: {  	[timem:s7], [sflag:s22] =	dma.local [hbm:s5], s20  }
0x9e: {  	_ =	swait.ge [sflag:s22], s20  }
0x9f: {  	s4 =	ssub.s32 $0x0, s20;
	[sflag:s22] =	ssyncset.done $0x0  }
0xa0: {  	[sflag:s22] =	ssyncadd.s32 s4;
	_ =	sdelay $0x1  }
0xa1: {  	s23 =	simm.s32 $0x1B8B  }
0xa2: {  	_ =	swait.ge [sflag:s23], $0x1  }
0xa3: {  	[sflag:s23] =	ssyncset.done $0x0  }
0xa4: {  	s25 =	simm.s32 $0x1B8E;
	s24 =	sld [smem:$0x3FFE];
	[sflag:s23] =	ssyncadd.s32 $0xFFFFFFFF  }
0xa5: {  	s26 =	simm.s32 $execute0_lowered;
	[smem:$0x3FD2] =	sst s25  }
0xa6: {  	s5 =	sshll.u32 s26, $0x1;
	_ =	strace $0x80000046;
	[dreg:$0x1] =	wrdreg $0xFFFFFFFF  }
0xa7: {  	s28 =	simm.s32 $_size_execute0_lowered;
	s3 =	sadd.s32 s3, s5;
	[dreg:$0x0] =	wrdreg $0x0  }
0xa8: {  	s5 =	sshll.u32 s28, $0x1;
	[dreg:$0x2] =	wrdreg s3  }
0xa9: {  	[dreg:$0x3] =	wrdreg s5  }
0xaa: {  	[dreg:$0x4] =	wrdreg $0xC0  }
0xab: {  	_ =	task [dreg:s7], $0x5FFFF  }
0xac: {  	[dreg:$0x1] =	wrdreg $0xFFFFFFFF  }
0xad: {  	[dreg:$0x0] =	wrdreg $0x60  }
0xae: {  	[dreg:$0x2] =	wrdreg s24  }
0xaf: {  	[dreg:$0x3] =	wrdreg s2  }
0xb0: {  	[dreg:$0x4] =	wrdreg $0xC6000  }
0xb1: {  	[dreg:$0x5] =	wrdreg $0x9  }
0xb2: {  	_ =	task.clear_ibuf [dreg:s7], $0x6FFFF;
	_ =	strace $0x90000046  }
0xb3: {  	s29 =	simm.s32 $0x9;
	_ =	strace $0x8000004B  }
0xb4: {  	_ =	swait.ge [sflag:s29], $0x1  }
0xb5: {  	[sflag:s29] =	ssyncadd.s32 $0xFFFFFFFF  }
0xb6: {  	_ =	strace $0x9000004B  }
0xb7: {  	_ =	sfence  }
0xb8: {  	s30 =	sld [smem:$0x0];
	_ =	sdelay $0x2  }
0xb9: {  	s31 =	sshll.u32 s1, $0xD;
	s1 =	sshrl.u32 s1, $0x2  }
0xba: {  	s3 =	sand.u32 $0x4000, s31;
	s1 =	sadd.s32 s1, s30  }
0xbb: {  	s0 =	sor.u32 s3, s0;
	s1 =	sshll.u32 s1, $0x11  }
0xbc: {  	s0 =	sor.u32 s1, s0  }
0xbd: {  	s0 =	sadd.s32 $0x8F2B, s0  }
0xbe: {  	[sflag:s0] =	ssyncadd.remote.s32 $0x1  }
0xbf: {  	_ =	sfence.sel $0xFFFF  }
0xc0: {  	[dreg:$0x0] =	wrdreg $0xFFFFFFFF;
	(pc) =	sbr.abs _section_cstart, $3  }
0xc1: {  	[dreg:$0x1] =	wrdreg $0xFFFFFFFF  }
0xc2: {  	_ =	task.clear_ibuf [dreg:s7], $0x2FFFF;
	_ =	strace $0x9FFFFFFF  }
0xc3: {  	(tm) =	ssettm $0x7FFFFFFF  }
tec
execute0_lowered:
.L_overlay_start_1:
0x0: {  	(tag) =	ssettag $0x1  }
0x1: {  	s0 =	rddreg [dreg:$0x0]  }
0x2: {  	s1 =	rddreg [dreg:$0x1]  }
0x3: {  	s2 =	rddreg [dreg:$0x2];
	s3 =	simm.s32 $0x0  }
0x4: {  	s4 =	srdreg.scid;
	s12 =	stileid.u32;
	s28 =	simm.s32 $0x400  }
0x5: {  	s30 =	simm.s32 $0x1;
	s31 =	simm.s32 $0x80;
	[smem:$0x7FF] =	sst s3  }
0x6: {  	s5 =	sand.u32 $0x1, s4;
	s24 =	smul.u32 $0x278, s12;
	s4 =	sadd.s32 $0x1A00, s0  }
0x7: {  	s10 =	sadd.s32 $0x76E00, s0;
	s14 =	smul.u32 $0x50, s12;
	_ =	strace $0x80000047  }
0x8: {  	s6 =	sshll.u32 s5, $0x4;
	s8 =	smul.u32 $0x139800, s5;
	s25 =	ssub.s32 $0x2, s5  }
0x9: {  	s5 =	smul.u32 $0x500, s5;
	s7 =	smin.u32 s24, $0x24B8;
	s6 =	sor.u32 s12, s6  }
0xa: {  	[dreg:$0x7] =	wrdreg s10;
	s7 =	sshll.u32 s7, $0x7;
	s9 =	smul.u32 $0xA00, s6  }
0xb: {  	s10 =	simm.s32 $0x500;
	s8 =	sadd.s32 s8, s7;
	s7 =	sadd.s32 s7, s2  }
0xc: {  	s11 =	sshrl.u32 s25, $0x1;
	s9 =	sadd.s32 s1, s9;
	[dreg:$0xd] =	wrdreg s7  }
0xd: {  	s8 =	sshrl.u32 s8, $0x3;
	s26 =	sadd.s32 $0x20, s9;
	[dreg:$0x8] =	wrdreg s9  }
0xe: {  	s0 =	sadd.s32 s8, s0;
	s29 =	sadd.s32 $0x40, s9;
	[dreg:$0x9] =	wrdreg s26  }
0xf: {  	s8 =	ssub.s32 s25, s11;
	s11 =	sadd.s32 $0x60, s9;
	[dreg:$0xa] =	wrdreg s29  }
0x10: {  	s12 =	simm.s32 $0x4;
	s13 =	sadd.s32 $0x80, s9;
	[dreg:$0xb] =	wrdreg s11  }
0x11: {  	s6 =	smul.u32 $0x5000, s6;
	s15 =	sadd.s32 $0xA0, s9;
	[dreg:$0xc] =	wrdreg s13  }
0x12: {  	s5 =	sadd.s32 s14, s5;
	s16 =	sadd.s32 $0xC0, s9;
	[dreg:$0xe] =	wrdreg s15  }
0x13: {  	s5 =	sshll.u32 s5, $0x5;
	s17 =	sadd.s32 $0xE0, s9;
	[dreg:$0xf] =	wrdreg s16  }
0x14: {  	s6 =	sshrl.u32 s6, $0x3;
	s18 =	sadd.s32 $0x100, s9;
	[dreg:$0x10] =	wrdreg s17  }
0x15: {  	s7 =	simm.s32 $0x3;
	s19 =	sadd.s32 $0x120, s9;
	[dreg:$0x11] =	wrdreg s18  }
0x16: {  	s20 =	sadd.s32 $0x140, s9;
	s6 =	sadd.s32 s1, s6;
	[dreg:$0x12] =	wrdreg s19  }
0x17: {  	s9 =	simm.s32 $0x7;
	[dreg:$0x13] =	wrdreg s20;
	s18 =	sadd.s32 s5, s1  }
0x18: {  	s21 =	sadd.s32 $0x9A0, s6;
	s22 =	sadd.s32 $0x9C0, s6;
	s24 =	sadd.s32 $0x9E0, s6  }
0x19: {  	s0 =	sadd.s32 $0x79600, s0;
	s29 =	smax.u32 s8, $0x1;
	s19 =	simm.s32 $0xD  }
0x1a: {  	s1 =	simm.s32 $0x2;
	s5 =	simm.s32 $0x4600;
	[dreg:$0x14] =	wrdreg s21  }
0x1b: {  	s8 =	simm.s32 $0x8600;
	s11 =	simm.s32 $0xA;
	[dreg:$0x15] =	wrdreg s22  }
0x1c: {  	s13 =	simm.s32 $0x8;
	s15 =	simm.s32 $0xB;
	[dreg:$0x16] =	wrdreg s24  }
0x1d: {  	s16 =	simm.s32 $0x5;
	s17 =	simm.s32 $0x9;
	[dreg:$0x17] =	wrdreg s0  }
0x1e: {  	s20 =	simm.s32 $0xC;
	s23 =	sadd.s32 $0x200, s18;
	[dreg:$0x18] =	wrdreg s29  }
0x1f: {  	s6 =	simm.s32 $0x0;
	s25 =	sadd.s32 $0x1C0, s18;
	[dreg:$0x4] =	wrdreg s23  }
0x20: {  	s26 =	sadd.s32 $0x180, s18;
	s24 =	simm.s32 $0x100;
	[dreg:$0x5] =	wrdreg s25  }
0x21: {  	s0 =	simm.s32 $0x600;
	s21 =	simm.s32 $0x6;
	[dreg:$0x6] =	wrdreg s26  }
0x22: {  	s25 =	simm.s32 $0x200;
	s26 =	simm.s32 $0x300;
	s23 =	simm.s32 $0x180  }
.LBB2_1:
0x23: {  	[dreg:$0x19] =	wrdreg s6  }
0x24: {  	_ =	strace $0x80000048  }
0x25: {  	s14 =	rddreg [dreg:$0x8]  }
0x26: {  	[tilespmem:s3], [sflag:$0x1] =	stream.linear.gather [hbm4b:s14+s3], $0x100, $0x200038;
	[tilespmem:$0x1FF80] =	vst v63  }
0x27: {  	s6 =	rddreg [dreg:$0x9]  }
0x28: {  	[tilespmem:s24], [sflag:$0x2] =	stream.linear.gather [hbm4b:s6+s3], $0x100, $0x200038;
	[tilespmem:$0x1FF80] =	vst v63  }
0x29: {  	s22 =	rddreg [dreg:$0xa]  }
0x2a: {  	[tilespmem:s25], [sflag:$0x3] =	stream.linear.gather [hbm4b:s22+s3], $0x100, $0x200038;
	[tilespmem:$0x1FF80] =	vst v63  }
0x2b: {  	s6 =	rddreg [dreg:$0xb]  }
0x2c: {  	[tilespmem:s26], [sflag:$0x4] =	stream.linear.gather [hbm4b:s6+s3], $0x100, $0x200038;
	[tilespmem:$0x1FF80] =	vst v63  }
0x2d: {  	s22 =	rddreg [dreg:$0xc];
	s6 =	stileid.u32  }
0x2e: {  	[tilespmem:s28], [sflag:$0x5] =	stream.linear.gather [hbm4b:s22+s3], $0x100, $0x200038;
	[tilespmem:$0x1FF80] =	vst v63  }
0x2f: {  	s14 =	sshll.u32 s6, $0x6;
	s22 =	rddreg [dreg:$0xd]  }
0x30: {  	s6 =	sor.u32 $0x1C0D, s14;
	s14 =	rddreg [dreg:$0x7]  }
0x31: {  	s22 =	sshrl.u32 s22, $0x3;
	[dreg:$0x1a] =	wrdreg s6  }
0x32: {  	[dreg:$0x1b] =	wrdreg s22  }
0x33: {  	[spmem:s22], [sflag:s6] =	dma.local [hbm:s14], $0x2780  }
0x34: {  	_ =	swait.ge [sflag:s19], $0x2780  }
0x35: {  	[sflag:s19] =	ssyncset.done $0x0  }
0x36: {  	[sflag:s19] =	ssyncadd.s32 $0xFFFFD880  }
0x37: {  	[bflag:$0x0] =	sbarrier.arrive $0xFFFF  }
0x38: {  	_ =	swait.ge [sflag:s30], $0x100  }
0x39: {  	[sflag:s30] =	ssyncset.done $0x0  }
0x3a: {  	[sflag:s30] =	ssyncadd.s32 $0xFFFFFF00  }
0x3b: {  	[tilespmem:s0], [sflag:$0x7] =	stream.indirect.gather [hbm4b:s4+s31], $0x80, s3, s31, $0x2000b8;
	[tilespmem:$0x1FF80] =	vst v63  }
0x3c: {  	_ =	swait.ge [sflag:s1], $0x100  }
0x3d: {  	[sflag:s1] =	ssyncset.done $0x0  }
0x3e: {  	[sflag:s1] =	ssyncadd.s32 $0xFFFFFF00  }
0x3f: {  	[tilespmem:s5], [sflag:$0x8] =	stream.indirect.gather [hbm4b:s4+s31], $0x80, s24, s31, $0x2000b8;
	[tilespmem:$0x1FF80] =	vst v63  }
0x40: {  	_ =	strace $0x90000048  }
0x41: {  	_ =	strace $0x80000049  }
0x42: {  	_ =	swait.ge [sflag:s7], $0x100  }
0x43: {  	[sflag:s7] =	ssyncset.done $0x0  }
0x44: {  	[sflag:s7] =	ssyncadd.s32 $0xFFFFFF00  }
0x45: {  	[tilespmem:s8], [sflag:$0x9] =	stream.indirect.gather [hbm4b:s4+s31], $0x80, s25, s31, $0x2000b8;
	[tilespmem:$0x1FF80] =	vst v63  }
0x46: {  	_ =	swait.ge [sflag:s9], $0x4000  }
0x47: {  	[sflag:s9] =	ssyncset.done $0x0  }
0x48: {  	[sflag:s9] =	ssyncadd.s32 $0xFFFFC000  }
0x49: {  	[spmem:s2] =	stream.indirect.scatter.add.f32 [tilespmem:s0], [sflag:$0xA], $0x80, s31, s31, $0x2000b8;
	[tilespmem:$0x1FF80] =	vst v63  }
0x4a: {  	s6 =	rddreg [dreg:$0xe]  }
0x4b: {  	[tilespmem:s10], [sflag:$0x6] =	stream.linear.gather [hbm4b:s6+s3], $0x100, $0x200038;
	[tilespmem:$0x1FF80] =	vst v63  }
0x4c: {  	_ =	swait.ge [sflag:s11], $0x4000  }
0x4d: {  	[sflag:s11] =	ssyncset.done $0x0  }
0x4e: {  	[sflag:s11] =	ssyncadd.s32 $0xFFFFC000  }
0x4f: {  	_ =	swait.ge [sflag:s12], $0x100  }
0x50: {  	[sflag:s12] =	ssyncset.done $0x0  }
0x51: {  	[sflag:s12] =	ssyncadd.s32 $0xFFFFFF00  }
0x52: {  	[tilespmem:s0], [sflag:$0x7] =	stream.indirect.gather [hbm4b:s4+s31], $0x80, s26, s31, $0x2000b8;
	[tilespmem:$0x1FF80] =	vst v63  }
0x53: {  	_ =	swait.ge [sflag:s13], $0x4000  }
0x54: {  	[sflag:s13] =	ssyncset.done $0x0  }
0x55: {  	s22 =	simm.s32 $0x180;
	[sflag:s13] =	ssyncadd.s32 $0xFFFFC000  }
0x56: {  	[spmem:s2] =	stream.indirect.scatter.add.f32 [tilespmem:s5], [sflag:$0xB], $0x80, s22, s31, $0x2000b8;
	[tilespmem:$0x1FF80] =	vst v63  }
0x57: {  	s19 =	rddreg [dreg:$0xf]  }
0x58: {  	[tilespmem:s3], [sflag:$0x1] =	stream.linear.gather [hbm4b:s19+s3], $0x100, $0x200038;
	[tilespmem:$0x1FF80] =	vst v63  }
0x59: {  	_ =	swait.ge [sflag:s15], $0x4000  }
0x5a: {  	[sflag:s15] =	ssyncset.done $0x0  }
0x5b: {  	[sflag:s15] =	ssyncadd.s32 $0xFFFFC000  }
0x5c: {  	_ =	swait.ge [sflag:s16], $0x100  }
0x5d: {  	[sflag:s16] =	ssyncset.done $0x0  }
0x5e: {  	[sflag:s16] =	ssyncadd.s32 $0xFFFFFF00  }
0x5f: {  	[tilespmem:s5], [sflag:$0x8] =	stream.indirect.gather [hbm4b:s4+s31], $0x80, s28, s31, $0x2000b8;
	[tilespmem:$0x1FF80] =	vst v63  }
0x60: {  	_ =	swait.ge [sflag:s17], $0x4000  }
0x61: {  	[sflag:s17] =	ssyncset.done $0x0  }
0x62: {  	s29 =	simm.s32 $0x280;
	[sflag:s17] =	ssyncadd.s32 $0xFFFFC000  }
0x63: {  	[spmem:s2] =	stream.indirect.scatter.add.f32 [tilespmem:s8], [sflag:$0xC], $0x80, s29, s31, $0x2000b8;
	[tilespmem:$0x1FF80] =	vst v63  }
0x64: {  	s6 =	rddreg [dreg:$0x10]  }
0x65: {  	[tilespmem:s24], [sflag:$0x2] =	stream.linear.gather [hbm4b:s6+s3], $0x100, $0x200038;
	[tilespmem:$0x1FF80] =	vst v63  }
0x66: {  	_ =	swait.ge [sflag:s20], $0x4000  }
0x67: {  	[sflag:s20] =	ssyncset.done $0x0  }
0x68: {  	[sflag:s20] =	ssyncadd.s32 $0xFFFFC000  }
0x69: {  	_ =	swait.ge [sflag:s21], $0x100  }
0x6a: {  	[sflag:s21] =	ssyncset.done $0x0  }
0x6b: {  	[sflag:s21] =	ssyncadd.s32 $0xFFFFFF00  }
0x6c: {  	[tilespmem:s8], [sflag:$0x9] =	stream.indirect.gather [hbm4b:s4+s31], $0x80, s10, s31, $0x2000b8;
	[tilespmem:$0x1FF80] =	vst v63  }
0x6d: {  	_ =	swait.ge [sflag:s9], $0x4000  }
0x6e: {  	[sflag:s9] =	ssyncset.done $0x0  }
0x6f: {  	s19 =	simm.s32 $0x380;
	[sflag:s9] =	ssyncadd.s32 $0xFFFFC000  }
0x70: {  	[spmem:s2] =	stream.indirect.scatter.add.f32 [tilespmem:s0], [sflag:$0xA], $0x80, s19, s31, $0x2000b8;
	[tilespmem:$0x1FF80] =	vst v63  }
0x71: {  	s6 =	rddreg [dreg:$0x11]  }
0x72: {  	[tilespmem:s25], [sflag:$0x3] =	stream.linear.gather [hbm4b:s6+s3], $0x100, $0x200038;
	[tilespmem:$0x1FF80] =	vst v63  }
0x73: {  	_ =	swait.ge [sflag:s11], $0x4000  }
0x74: {  	[sflag:s11] =	ssyncset.done $0x0  }
0x75: {  	[sflag:s11] =	ssyncadd.s32 $0xFFFFC000  }
0x76: {  	_ =	swait.ge [sflag:s30], $0x100  }
0x77: {  	[sflag:s30] =	ssyncset.done $0x0  }
0x78: {  	[sflag:s30] =	ssyncadd.s32 $0xFFFFFF00  }
0x79: {  	[tilespmem:s0], [sflag:$0x7] =	stream.indirect.gather [hbm4b:s4+s31], $0x80, s3, s31, $0x2000b8;
	[tilespmem:$0x1FF80] =	vst v63  }
0x7a: {  	_ =	swait.ge [sflag:s13], $0x4000  }
0x7b: {  	[sflag:s13] =	ssyncset.done $0x0  }
0x7c: {  	s19 =	simm.s32 $0x480;
	[sflag:s13] =	ssyncadd.s32 $0xFFFFC000  }
0x7d: {  	[spmem:s2] =	stream.indirect.scatter.add.f32 [tilespmem:s5], [sflag:$0xB], $0x80, s19, s31, $0x2000b8;
	[tilespmem:$0x1FF80] =	vst v63  }
0x7e: {  	s6 =	rddreg [dreg:$0x12]  }
0x7f: {  	[tilespmem:s26], [sflag:$0x4] =	stream.linear.gather [hbm4b:s6+s3], $0x100, $0x200038;
	[tilespmem:$0x1FF80] =	vst v63  }
0x80: {  	_ =	swait.ge [sflag:s15], $0x4000  }
0x81: {  	[sflag:s15] =	ssyncset.done $0x0  }
0x82: {  	[sflag:s15] =	ssyncadd.s32 $0xFFFFC000  }
0x83: {  	_ =	swait.ge [sflag:s1], $0x100  }
0x84: {  	[sflag:s1] =	ssyncset.done $0x0  }
0x85: {  	[sflag:s1] =	ssyncadd.s32 $0xFFFFFF00  }
0x86: {  	[tilespmem:s5], [sflag:$0x8] =	stream.indirect.gather [hbm4b:s4+s31], $0x80, s24, s31, $0x2000b8;
	[tilespmem:$0x1FF80] =	vst v63  }
0x87: {  	_ =	swait.ge [sflag:s17], $0x4000  }
0x88: {  	[sflag:s17] =	ssyncset.done $0x0  }
0x89: {  	s6 =	simm.s32 $0x580;
	[sflag:s17] =	ssyncadd.s32 $0xFFFFC000  }
0x8a: {  	[spmem:s2] =	stream.indirect.scatter.add.f32 [tilespmem:s8], [sflag:$0xC], $0x80, s6, s31, $0x2000b8;
	[tilespmem:$0x1FF80] =	vst v63  }
0x8b: {  	s19 =	rddreg [dreg:$0x13]  }
0x8c: {  	[tilespmem:s28], [sflag:$0x5] =	stream.linear.gather [hbm4b:s19+s3], $0x100, $0x200038;
	[tilespmem:$0x1FF80] =	vst v63  }
0x8d: {  	_ =	swait.ge [sflag:s20], $0x4000  }
0x8e: {  	[sflag:s20] =	ssyncset.done $0x0  }
0x8f: {  	[sflag:s20] =	ssyncadd.s32 $0xFFFFC000  }
0x90: {  	_ =	swait.ge [sflag:s7], $0x100  }
0x91: {  	[sflag:s7] =	ssyncset.done $0x0  }
0x92: {  	[sflag:s7] =	ssyncadd.s32 $0xFFFFFF00  }
0x93: {  	[tilespmem:s8], [sflag:$0x9] =	stream.indirect.gather [hbm4b:s4+s31], $0x80, s25, s31, $0x2000b8;
	[tilespmem:$0x1FF80] =	vst v63  }
0x94: {  	_ =	swait.ge [sflag:s9], $0x4000  }
0x95: {  	[sflag:s9] =	ssyncset.done $0x0  }
0x96: {  	s14 =	sadd.s32 $0x0, s18;
	[sflag:s9] =	ssyncadd.s32 $0xFFFFC000  }
0x97: {  	[spmem:s2] =	stream.indirect.scatter.add.f32 [tilespmem:s0], [sflag:$0xA], $0x80, s31, s31, $0x2000b8;
	[tilespmem:$0x1FF80] =	vst v63  }
0x98: {  	s19 =	sadd.s32 $0x160, s14  }
0x99: {  	[tilespmem:s10], [sflag:$0x6] =	stream.linear.gather [hbm4b:s19+s3], $0x100, $0x200038;
	[tilespmem:$0x1FF80] =	vst v63  }
0x9a: {  	_ =	swait.ge [sflag:s11], $0x4000  }
0x9b: {  	[sflag:s11] =	ssyncset.done $0x0  }
0x9c: {  	[sflag:s11] =	ssyncadd.s32 $0xFFFFC000  }
0x9d: {  	_ =	swait.ge [sflag:s12], $0x100  }
0x9e: {  	[sflag:s12] =	ssyncset.done $0x0  }
0x9f: {  	[sflag:s12] =	ssyncadd.s32 $0xFFFFFF00  }
0xa0: {  	[tilespmem:s0], [sflag:$0x7] =	stream.indirect.gather [hbm4b:s4+s31], $0x80, s26, s31, $0x2000b8;
	[tilespmem:$0x1FF80] =	vst v63  }
0xa1: {  	_ =	swait.ge [sflag:s13], $0x4000  }
0xa2: {  	[sflag:s13] =	ssyncset.done $0x0  }
0xa3: {  	s19 =	rddreg [dreg:$0x6];
	[sflag:s13] =	ssyncadd.s32 $0xFFFFC000  }
0xa4: {  	[spmem:s2] =	stream.indirect.scatter.add.f32 [tilespmem:s5], [sflag:$0xB], $0x80, s22, s31, $0x2000b8;
	[tilespmem:$0x1FF80] =	vst v63  }
0xa5: {  	s19 =	sadd.s32 $0x0, s19  }
0xa6: {  	[tilespmem:s3], [sflag:$0x1] =	stream.linear.gather [hbm4b:s19+s3], $0x100, $0x200038;
	[tilespmem:$0x1FF80] =	vst v63  }
0xa7: {  	_ =	swait.ge [sflag:s15], $0x4000  }
0xa8: {  	[sflag:s15] =	ssyncset.done $0x0  }
0xa9: {  	[sflag:s15] =	ssyncadd.s32 $0xFFFFC000  }
0xaa: {  	_ =	swait.ge [sflag:s16], $0x100  }
0xab: {  	[sflag:s16] =	ssyncset.done $0x0  }
0xac: {  	[sflag:s16] =	ssyncadd.s32 $0xFFFFFF00  }
0xad: {  	[tilespmem:s5], [sflag:$0x8] =	stream.indirect.gather [hbm4b:s4+s31], $0x80, s28, s31, $0x2000b8;
	[tilespmem:$0x1FF80] =	vst v63  }
0xae: {  	_ =	swait.ge [sflag:s17], $0x4000  }
0xaf: {  	[sflag:s17] =	ssyncset.done $0x0  }
0xb0: {  	[sflag:s17] =	ssyncadd.s32 $0xFFFFC000  }
0xb1: {  	[spmem:s2] =	stream.indirect.scatter.add.f32 [tilespmem:s8], [sflag:$0xC], $0x80, s29, s31, $0x2000b8;
	[tilespmem:$0x1FF80] =	vst v63  }
0xb2: {  	s22 =	sadd.s32 $0x1A0, s14  }
0xb3: {  	[tilespmem:s24], [sflag:$0x2] =	stream.linear.gather [hbm4b:s22+s3], $0x100, $0x200038;
	[tilespmem:$0x1FF80] =	vst v63  }
0xb4: {  	_ =	swait.ge [sflag:s20], $0x4000  }
0xb5: {  	[sflag:s20] =	ssyncset.done $0x0  }
0xb6: {  	[sflag:s20] =	ssyncadd.s32 $0xFFFFC000  }
0xb7: {  	_ =	swait.ge [sflag:s21], $0x100  }
0xb8: {  	[sflag:s21] =	ssyncset.done $0x0  }
0xb9: {  	[sflag:s21] =	ssyncadd.s32 $0xFFFFFF00  }
0xba: {  	[tilespmem:s8], [sflag:$0x9] =	stream.indirect.gather [hbm4b:s4+s31], $0x80, s10, s31, $0x2000b8;
	[tilespmem:$0x1FF80] =	vst v63  }
0xbb: {  	_ =	swait.ge [sflag:s9], $0x4000  }
0xbc: {  	[sflag:s9] =	ssyncset.done $0x0  }
0xbd: {  	s22 =	simm.s32 $0x380;
	s19 =	rddreg [dreg:$0x5];
	[sflag:s9] =	ssyncadd.s32 $0xFFFFC000  }
0xbe: {  	[spmem:s2] =	stream.indirect.scatter.add.f32 [tilespmem:s0], [sflag:$0xA], $0x80, s22, s31, $0x2000b8;
	[tilespmem:$0x1FF80] =	vst v63  }
0xbf: {  	s19 =	sadd.s32 $0x0, s19  }
0xc0: {  	[tilespmem:s25], [sflag:$0x3] =	stream.linear.gather [hbm4b:s19+s3], $0x100, $0x200038;
	[tilespmem:$0x1FF80] =	vst v63  }
0xc1: {  	_ =	swait.ge [sflag:s11], $0x4000  }
0xc2: {  	[sflag:s11] =	ssyncset.done $0x0  }
0xc3: {  	[sflag:s11] =	ssyncadd.s32 $0xFFFFC000  }
0xc4: {  	_ =	swait.ge [sflag:s30], $0x100  }
0xc5: {  	[sflag:s30] =	ssyncset.done $0x0  }
0xc6: {  	[sflag:s30] =	ssyncadd.s32 $0xFFFFFF00  }
0xc7: {  	[tilespmem:s0], [sflag:$0x7] =	stream.indirect.gather [hbm4b:s4+s31], $0x80, s3, s31, $0x2000b8;
	[tilespmem:$0x1FF80] =	vst v63  }
0xc8: {  	_ =	swait.ge [sflag:s13], $0x4000  }
0xc9: {  	[sflag:s13] =	ssyncset.done $0x0  }
0xca: {  	s22 =	simm.s32 $0x480;
	[sflag:s13] =	ssyncadd.s32 $0xFFFFC000  }
0xcb: {  	[spmem:s2] =	stream.indirect.scatter.add.f32 [tilespmem:s5], [sflag:$0xB], $0x80, s22, s31, $0x2000b8;
	[tilespmem:$0x1FF80] =	vst v63  }
0xcc: {  	s14 =	sadd.s32 $0x1E0, s14  }
0xcd: {  	[tilespmem:s26], [sflag:$0x4] =	stream.linear.gather [hbm4b:s14+s3], $0x100, $0x200038;
	[tilespmem:$0x1FF80] =	vst v63  }
0xce: {  	_ =	swait.ge [sflag:s15], $0x4000  }
0xcf: {  	[sflag:s15] =	ssyncset.done $0x0  }
0xd0: {  	[sflag:s15] =	ssyncadd.s32 $0xFFFFC000  }
0xd1: {  	_ =	swait.ge [sflag:s1], $0x100  }
0xd2: {  	[sflag:s1] =	ssyncset.done $0x0  }
0xd3: {  	[sflag:s1] =	ssyncadd.s32 $0xFFFFFF00  }
0xd4: {  	[tilespmem:s5], [sflag:$0x8] =	stream.indirect.gather [hbm4b:s4+s31], $0x80, s24, s31, $0x2000b8;
	[tilespmem:$0x1FF80] =	vst v63  }
0xd5: {  	_ =	swait.ge [sflag:s17], $0x4000  }
0xd6: {  	[sflag:s17] =	ssyncset.done $0x0;
	s22 =	rddreg [dreg:$0x4]  }
0xd7: {  	s29 =	simm.s32 $0xC0;
	[sflag:s17] =	ssyncadd.s32 $0xFFFFC000;
	s14 =	sadd.s32 $0x0, s22  }
0xd8: {  	[spmem:s2] =	stream.indirect.scatter.add.f32 [tilespmem:s8], [sflag:$0xC], $0x80, s6, s31, $0x2000b8;
	[tilespmem:$0x1FF80] =	vst v63  }
.LBB2_2:
0xd9: {  	[tilespmem:s28], [sflag:$0x5] =	stream.linear.gather [hbm4b:s14+s3], $0x100, $0x200038;
	[tilespmem:$0x1FF80] =	vst v63  }
0xda: {  	_ =	swait.ge [sflag:s20], $0x4000  }
0xdb: {  	[sflag:s20] =	ssyncset.done $0x0  }
0xdc: {  	[sflag:s20] =	ssyncadd.s32 $0xFFFFC000  }
0xdd: {  	_ =	swait.ge [sflag:s7], $0x100  }
0xde: {  	[sflag:s7] =	ssyncset.done $0x0  }
0xdf: {  	[sflag:s7] =	ssyncadd.s32 $0xFFFFFF00  }
0xe0: {  	[tilespmem:s8], [sflag:$0x9] =	stream.indirect.gather [hbm4b:s4+s31], $0x80, s25, s31, $0x2000b8;
	[tilespmem:$0x1FF80] =	vst v63  }
0xe1: {  	_ =	swait.ge [sflag:s9], $0x4000  }
0xe2: {  	s14 =	smov.u32 s29;
	[sflag:s9] =	ssyncset.done $0x0  }
0xe3: {  	s19 =	sadd.s32 s14, s18;
	[sflag:s9] =	ssyncadd.s32 $0xFFFFC000  }
0xe4: {  	[spmem:s2] =	stream.indirect.scatter.add.f32 [tilespmem:s0], [sflag:$0xA], $0x80, s31, s31, $0x2000b8;
	[tilespmem:$0x1FF80] =	vst v63  }
0xe5: {  	s22 =	sadd.s32 $0x160, s19  }
0xe6: {  	[tilespmem:s10], [sflag:$0x6] =	stream.linear.gather [hbm4b:s22+s3], $0x100, $0x200038;
	[tilespmem:$0x1FF80] =	vst v63  }
0xe7: {  	_ =	swait.ge [sflag:s11], $0x4000  }
0xe8: {  	[sflag:s11] =	ssyncset.done $0x0  }
0xe9: {  	[sflag:s11] =	ssyncadd.s32 $0xFFFFC000  }
0xea: {  	_ =	swait.ge [sflag:s12], $0x100  }
0xeb: {  	[sflag:s12] =	ssyncset.done $0x0  }
0xec: {  	[sflag:s12] =	ssyncadd.s32 $0xFFFFFF00  }
0xed: {  	[tilespmem:s0], [sflag:$0x7] =	stream.indirect.gather [hbm4b:s4+s31], $0x80, s26, s31, $0x2000b8;
	[tilespmem:$0x1FF80] =	vst v63  }
0xee: {  	_ =	swait.ge [sflag:s13], $0x4000  }
0xef: {  	[sflag:s13] =	ssyncset.done $0x0  }
0xf0: {  	s6 =	rddreg [dreg:$0x6];
	[sflag:s13] =	ssyncadd.s32 $0xFFFFC000  }
0xf1: {  	[spmem:s2] =	stream.indirect.scatter.add.f32 [tilespmem:s5], [sflag:$0xB], $0x80, s23, s31, $0x2000b8;
	[tilespmem:$0x1FF80] =	vst v63  }
0xf2: {  	s22 =	sadd.s32 s14, s6  }
0xf3: {  	[tilespmem:s3], [sflag:$0x1] =	stream.linear.gather [hbm4b:s22+s3], $0x100, $0x200038;
	[tilespmem:$0x1FF80] =	vst v63  }
0xf4: {  	_ =	swait.ge [sflag:s15], $0x4000  }
0xf5: {  	[sflag:s15] =	ssyncset.done $0x0  }
0xf6: {  	[sflag:s15] =	ssyncadd.s32 $0xFFFFC000  }
0xf7: {  	_ =	swait.ge [sflag:s16], $0x100  }
0xf8: {  	[sflag:s16] =	ssyncset.done $0x0  }
0xf9: {  	[sflag:s16] =	ssyncadd.s32 $0xFFFFFF00  }
0xfa: {  	[tilespmem:s5], [sflag:$0x8] =	stream.indirect.gather [hbm4b:s4+s31], $0x80, s28, s31, $0x2000b8;
	[tilespmem:$0x1FF80] =	vst v63  }
0xfb: {  	_ =	swait.ge [sflag:s17], $0x4000  }
0xfc: {  	[sflag:s17] =	ssyncset.done $0x0  }
0xfd: {  	s6 =	simm.s32 $0x280;
	[sflag:s17] =	ssyncadd.s32 $0xFFFFC000  }
0xfe: {  	[spmem:s2] =	stream.indirect.scatter.add.f32 [tilespmem:s8], [sflag:$0xC], $0x80, s6, s31, $0x2000b8;
	[tilespmem:$0x1FF80] =	vst v63  }
0xff: {  	s6 =	sadd.s32 $0x1A0, s19  }
0x100: {  	[tilespmem:s24], [sflag:$0x2] =	stream.linear.gather [hbm4b:s6+s3], $0x100, $0x200038;
	[tilespmem:$0x1FF80] =	vst v63  }
0x101: {  	_ =	swait.ge [sflag:s20], $0x4000  }
0x102: {  	[sflag:s20] =	ssyncset.done $0x0  }
0x103: {  	[sflag:s20] =	ssyncadd.s32 $0xFFFFC000  }
0x104: {  	_ =	swait.ge [sflag:s21], $0x100  }
0x105: {  	[sflag:s21] =	ssyncset.done $0x0  }
0x106: {  	[sflag:s21] =	ssyncadd.s32 $0xFFFFFF00  }
0x107: {  	[tilespmem:s8], [sflag:$0x9] =	stream.indirect.gather [hbm4b:s4+s31], $0x80, s10, s31, $0x2000b8;
	[tilespmem:$0x1FF80] =	vst v63  }
0x108: {  	_ =	swait.ge [sflag:s9], $0x4000  }
0x109: {  	[sflag:s9] =	ssyncset.done $0x0  }
0x10a: {  	s6 =	simm.s32 $0x380;
	s22 =	rddreg [dreg:$0x5];
	[sflag:s9] =	ssyncadd.s32 $0xFFFFC000  }
0x10b: {  	[spmem:s2] =	stream.indirect.scatter.add.f32 [tilespmem:s0], [sflag:$0xA], $0x80, s6, s31, $0x2000b8;
	[tilespmem:$0x1FF80] =	vst v63  }
0x10c: {  	s22 =	sadd.s32 s14, s22  }
0x10d: {  	[tilespmem:s25], [sflag:$0x3] =	stream.linear.gather [hbm4b:s22+s3], $0x100, $0x200038;
	[tilespmem:$0x1FF80] =	vst v63  }
0x10e: {  	_ =	swait.ge [sflag:s11], $0x4000  }
0x10f: {  	[sflag:s11] =	ssyncset.done $0x0  }
0x110: {  	[sflag:s11] =	ssyncadd.s32 $0xFFFFC000  }
0x111: {  	_ =	swait.ge [sflag:s30], $0x100  }
0x112: {  	[sflag:s30] =	ssyncset.done $0x0  }
0x113: {  	[sflag:s30] =	ssyncadd.s32 $0xFFFFFF00  }
0x114: {  	[tilespmem:s0], [sflag:$0x7] =	stream.indirect.gather [hbm4b:s4+s31], $0x80, s3, s31, $0x2000b8;
	[tilespmem:$0x1FF80] =	vst v63  }
0x115: {  	_ =	swait.ge [sflag:s13], $0x4000  }
0x116: {  	[sflag:s13] =	ssyncset.done $0x0  }
0x117: {  	s22 =	simm.s32 $0x480;
	[sflag:s13] =	ssyncadd.s32 $0xFFFFC000  }
0x118: {  	[spmem:s2] =	stream.indirect.scatter.add.f32 [tilespmem:s5], [sflag:$0xB], $0x80, s22, s31, $0x2000b8;
	[tilespmem:$0x1FF80] =	vst v63  }
0x119: {  	s19 =	sadd.s32 $0x1E0, s19  }
0x11a: {  	[tilespmem:s26], [sflag:$0x4] =	stream.linear.gather [hbm4b:s19+s3], $0x100, $0x200038;
	[tilespmem:$0x1FF80] =	vst v63  }
0x11b: {  	_ =	swait.ge [sflag:s15], $0x4000  }
0x11c: {  	[sflag:s15] =	ssyncset.done $0x0  }
0x11d: {  	[sflag:s15] =	ssyncadd.s32 $0xFFFFC000  }
0x11e: {  	_ =	swait.ge [sflag:s1], $0x100  }
0x11f: {  	[sflag:s1] =	ssyncset.done $0x0  }
0x120: {  	p0 =	sne.s32 s29, $0x780;
	[sflag:s1] =	ssyncadd.s32 $0xFFFFFF00  }
0x121: {  	[tilespmem:s5], [sflag:$0x8] =	stream.indirect.gather [hbm4b:s4+s31], $0x80, s24, s31, $0x2000b8;
	[tilespmem:$0x1FF80] =	vst v63  }
.Ltmp0:
0x122: {  	_ = 	snop;
	(pc) =	sbr.rel @p0 .LBB2_2-.Ltmp0, $4  }
0x123: {  	_ =	swait.ge [sflag:s17], $0x4000  }
0x124: {  	s29 =	sadd.s32 $0xC0, s29;
	[sflag:s17] =	ssyncset.done $0x0;
	s19 =	rddreg [dreg:$0x4]  }
0x125: {  	s22 =	simm.s32 $0x580;
	[sflag:s17] =	ssyncadd.s32 $0xFFFFC000;
	s14 =	sadd.s32 s14, s19  }
0x126: {  	[spmem:s2] =	stream.indirect.scatter.add.f32 [tilespmem:s8], [sflag:$0xC], $0x80, s22, s31, $0x2000b8;
	[tilespmem:$0x1FF80] =	vst v63  }
0x127: {  	[tilespmem:s28], [sflag:$0x5] =	stream.linear.gather [hbm4b:s14+s3], $0x100, $0x200038;
	[tilespmem:$0x1FF80] =	vst v63  }
0x128: {  	_ =	swait.ge [sflag:s20], $0x4000  }
0x129: {  	[sflag:s20] =	ssyncset.done $0x0  }
0x12a: {  	[sflag:s20] =	ssyncadd.s32 $0xFFFFC000  }
0x12b: {  	_ =	swait.ge [sflag:s7], $0x100  }
0x12c: {  	[sflag:s7] =	ssyncset.done $0x0  }
0x12d: {  	[sflag:s7] =	ssyncadd.s32 $0xFFFFFF00  }
0x12e: {  	[tilespmem:s8], [sflag:$0x9] =	stream.indirect.gather [hbm4b:s4+s31], $0x80, s25, s31, $0x2000b8;
	[tilespmem:$0x1FF80] =	vst v63  }
0x12f: {  	_ =	swait.ge [sflag:s9], $0x4000  }
0x130: {  	[sflag:s9] =	ssyncset.done $0x0  }
0x131: {  	[sflag:s9] =	ssyncadd.s32 $0xFFFFC000  }
0x132: {  	[spmem:s2] =	stream.indirect.scatter.add.f32 [tilespmem:s0], [sflag:$0xA], $0x80, s31, s31, $0x2000b8;
	[tilespmem:$0x1FF80] =	vst v63  }
0x133: {  	s29 =	rddreg [dreg:$0x14]  }
0x134: {  	[tilespmem:s10], [sflag:$0x6] =	stream.linear.gather [hbm4b:s29+s3], $0x100, $0x200038;
	[tilespmem:$0x1FF80] =	vst v63  }
0x135: {  	_ =	swait.ge [sflag:s11], $0x4000  }
0x136: {  	[sflag:s11] =	ssyncset.done $0x0  }
0x137: {  	[sflag:s11] =	ssyncadd.s32 $0xFFFFC000  }
0x138: {  	_ =	swait.ge [sflag:s12], $0x100  }
0x139: {  	[sflag:s12] =	ssyncset.done $0x0  }
0x13a: {  	[sflag:s12] =	ssyncadd.s32 $0xFFFFFF00  }
0x13b: {  	[tilespmem:s0], [sflag:$0x7] =	stream.indirect.gather [hbm4b:s4+s31], $0x80, s26, s31, $0x2000b8;
	[tilespmem:$0x1FF80] =	vst v63  }
0x13c: {  	_ =	swait.ge [sflag:s13], $0x4000  }
0x13d: {  	[sflag:s13] =	ssyncset.done $0x0  }
0x13e: {  	s19 =	simm.s32 $0x180;
	[sflag:s13] =	ssyncadd.s32 $0xFFFFC000  }
0x13f: {  	[spmem:s2] =	stream.indirect.scatter.add.f32 [tilespmem:s5], [sflag:$0xB], $0x80, s19, s31, $0x2000b8;
	[tilespmem:$0x1FF80] =	vst v63  }
0x140: {  	s6 =	rddreg [dreg:$0x15]  }
0x141: {  	[tilespmem:s3], [sflag:$0x1] =	stream.linear.gather [hbm4b:s6+s3], $0x100, $0x200038;
	[tilespmem:$0x1FF80] =	vst v63  }
0x142: {  	_ =	swait.ge [sflag:s15], $0x4000  }
0x143: {  	[sflag:s15] =	ssyncset.done $0x0  }
0x144: {  	[sflag:s15] =	ssyncadd.s32 $0xFFFFC000  }
0x145: {  	_ =	swait.ge [sflag:s16], $0x100  }
0x146: {  	[sflag:s16] =	ssyncset.done $0x0  }
0x147: {  	[sflag:s16] =	ssyncadd.s32 $0xFFFFFF00  }
0x148: {  	[tilespmem:s5], [sflag:$0x8] =	stream.indirect.gather [hbm4b:s4+s31], $0x80, s28, s31, $0x2000b8;
	[tilespmem:$0x1FF80] =	vst v63  }
0x149: {  	_ =	swait.ge [sflag:s17], $0x4000  }
0x14a: {  	[sflag:s17] =	ssyncset.done $0x0  }
0x14b: {  	s22 =	simm.s32 $0x280;
	[sflag:s17] =	ssyncadd.s32 $0xFFFFC000  }
0x14c: {  	[spmem:s2] =	stream.indirect.scatter.add.f32 [tilespmem:s8], [sflag:$0xC], $0x80, s22, s31, $0x2000b8;
	[tilespmem:$0x1FF80] =	vst v63  }
0x14d: {  	s29 =	rddreg [dreg:$0x16]  }
0x14e: {  	[tilespmem:s24], [sflag:$0x2] =	stream.linear.gather [hbm4b:s29+s3], $0x100, $0x200038;
	[tilespmem:$0x1FF80] =	vst v63  }
0x14f: {  	_ =	swait.ge [sflag:s20], $0x4000  }
0x150: {  	[sflag:s20] =	ssyncset.done $0x0  }
0x151: {  	[sflag:s20] =	ssyncadd.s32 $0xFFFFC000  }
0x152: {  	_ =	swait.ge [sflag:s21], $0x100  }
0x153: {  	[sflag:s21] =	ssyncset.done $0x0  }
0x154: {  	[sflag:s21] =	ssyncadd.s32 $0xFFFFFF00  }
0x155: {  	[tilespmem:s8], [sflag:$0x9] =	stream.indirect.gather [hbm4b:s4+s31], $0x80, s10, s31, $0x2000b8;
	[tilespmem:$0x1FF80] =	vst v63  }
0x156: {  	_ =	swait.ge [sflag:s9], $0x4000  }
0x157: {  	[sflag:s9] =	ssyncset.done $0x0  }
0x158: {  	s6 =	simm.s32 $0x380;
	[sflag:s9] =	ssyncadd.s32 $0xFFFFC000  }
0x159: {  	[spmem:s2] =	stream.indirect.scatter.add.f32 [tilespmem:s0], [sflag:$0xA], $0x80, s6, s31, $0x2000b8;
	[tilespmem:$0x1FF80] =	vst v63  }
0x15a: {  	_ =	swait.ge [sflag:s11], $0x4000  }
0x15b: {  	[sflag:s11] =	ssyncset.done $0x0  }
0x15c: {  	[sflag:s11] =	ssyncadd.s32 $0xFFFFC000  }
0x15d: {  	_ =	swait.ge [sflag:s30], $0x100  }
0x15e: {  	[sflag:s30] =	ssyncset.done $0x0  }
0x15f: {  	[sflag:s30] =	ssyncadd.s32 $0xFFFFFF00  }
0x160: {  	[tilespmem:s0], [sflag:$0x7] =	stream.indirect.gather [hbm4b:s4+s31], $0x80, s3, s31, $0x2000b8;
	[tilespmem:$0x1FF80] =	vst v63  }
0x161: {  	_ =	swait.ge [sflag:s13], $0x4000  }
0x162: {  	[sflag:s13] =	ssyncset.done $0x0  }
0x163: {  	s6 =	simm.s32 $0x480;
	[sflag:s13] =	ssyncadd.s32 $0xFFFFC000  }
0x164: {  	[spmem:s2] =	stream.indirect.scatter.add.f32 [tilespmem:s5], [sflag:$0xB], $0x80, s6, s31, $0x2000b8;
	[tilespmem:$0x1FF80] =	vst v63  }
0x165: {  	_ =	swait.ge [sflag:s15], $0x4000  }
0x166: {  	[sflag:s15] =	ssyncset.done $0x0  }
0x167: {  	[sflag:s15] =	ssyncadd.s32 $0xFFFFC000  }
0x168: {  	_ =	swait.ge [sflag:s1], $0x100  }
0x169: {  	[sflag:s1] =	ssyncset.done $0x0  }
0x16a: {  	[sflag:s1] =	ssyncadd.s32 $0xFFFFFF00  }
0x16b: {  	[tilespmem:s5], [sflag:$0x8] =	stream.indirect.gather [hbm4b:s4+s31], $0x80, s24, s31, $0x2000b8;
	[tilespmem:$0x1FF80] =	vst v63  }
0x16c: {  	_ =	swait.ge [sflag:s17], $0x4000  }
0x16d: {  	[sflag:s17] =	ssyncset.done $0x0  }
0x16e: {  	s14 =	simm.s32 $0x580;
	[sflag:s17] =	ssyncadd.s32 $0xFFFFC000  }
0x16f: {  	[spmem:s2] =	stream.indirect.scatter.add.f32 [tilespmem:s8], [sflag:$0xC], $0x80, s14, s31, $0x2000b8;
	[tilespmem:$0x1FF80] =	vst v63  }
0x170: {  	_ =	swait.ge [sflag:s20], $0x4000  }
0x171: {  	[sflag:s20] =	ssyncset.done $0x0  }
0x172: {  	[sflag:s20] =	ssyncadd.s32 $0xFFFFC000  }
0x173: {  	_ =	swait.ge [sflag:s9], $0x4000  }
0x174: {  	[sflag:s9] =	ssyncset.done $0x0  }
0x175: {  	[sflag:s9] =	ssyncadd.s32 $0xFFFFC000  }
0x176: {  	[spmem:s2] =	stream.indirect.scatter.add.f32 [tilespmem:s0], [sflag:$0xA], $0x80, s31, s31, $0x2000b8;
	[tilespmem:$0x1FF80] =	vst v63  }
0x177: {  	_ =	swait.ge [sflag:s11], $0x4000  }
0x178: {  	[sflag:s11] =	ssyncset.done $0x0  }
0x179: {  	[sflag:s11] =	ssyncadd.s32 $0xFFFFC000  }
0x17a: {  	_ =	swait.ge [sflag:s13], $0x4000  }
0x17b: {  	[sflag:s13] =	ssyncset.done $0x0  }
0x17c: {  	[sflag:s13] =	ssyncadd.s32 $0xFFFFC000  }
0x17d: {  	[spmem:s2] =	stream.indirect.scatter.add.f32 [tilespmem:s5], [sflag:$0xB], $0x80, s19, s31, $0x2000b8;
	[tilespmem:$0x1FF80] =	vst v63  }
0x17e: {  	_ =	swait.ge [sflag:s15], $0x4000  }
0x17f: {  	[sflag:s15] =	ssyncset.done $0x0  }
0x180: {  	[sflag:s15] =	ssyncadd.s32 $0xFFFFC000  }
0x181: {  	_ =	strace $0x90000049  }
0x182: {  	_ =	strace $0x8000004A  }
0x183: {  	[bflag:$0x0] =	sbarrier.arrive $0xFFFF  }
0x184: {  	s19 =	rddreg [dreg:$0x17]  }
0x185: {  	s22 =	rddreg [dreg:$0x1a]  }
0x186: {  	s29 =	rddreg [dreg:$0x1b]  }
0x187: {  	[hbm:s19], [sflag:s22] =	dma.local [spmem:s29], $0x2780  }
0x188: {  	s19 =	simm.s32 $0xD  }
0x189: {  	_ =	swait.ge [sflag:s19], $0x2780  }
0x18a: {  	s22 =	rddreg [dreg:$0x19]  }
0x18b: {  	s29 =	rddreg [dreg:$0x18];
	s6 =	sadd.s32 $0x1, s22  }
0x18c: {  	p0 =	sne.s32 s6, s29  }
.Ltmp1:
0x18d: {  	_ = 	snop;
	(pc) =	sbr.rel @p0 .LBB2_1-.Ltmp1, $4  }
0x18e: {  	_ = 	snop  }
0x18f: {  	[sflag:s19] =	ssyncset.done $0x0  }
0x190: {  	[sflag:s19] =	ssyncadd.s32 $0xFFFFD880  }
0x191: {  	_ =	strace $0x9000004A  }
0x192: {  	_ =	sfence.sel $0x180000  }
0x193: {  	[bflag:$0x0] =	sbarrier.arrive $0xFFFF  }
0x194: {  	_ =	strace $0x90000047  }
0x195: {  	s0 =	stileid.u32;
	[bflag:$0x2] =	sbarrier.arrive $0xFFFF  }
0x196: {  	p0 =	sne.s32 s0, $0x0;
	s0 =	rddreg [dreg:$0x3]  }
0x197: {  	s0 =	sadd.s32 @!p0 $0x100000, s0  }
0x198: {  	[sflag:s0] =	ssyncadd.tile.s32 @!p0 $0x1;
	_ =	shalt  }
.Lfunc_end2:
_tile_overlayer_lowered:
.L_overlay_start_2:
0x199: {  	(tag) =	ssettag $0x2  }
0x19a: {  	s0 =	rddreg [dreg:$0x0];
	s2 =	stileid.u32  }
0x19b: {  	s1 =	rddreg [dreg:$0x1];
	p0 =	sne.s32 s2, $0x0  }
0x19c: {  	s3 =	rddreg [dreg:$0x2];
	[bflag:$0x3] =	sbarrier.arrive $0xFFFF;
	s2 =	simm.s32 @!p0 $0x1C0D  }
0x19d: {  	[timem:s3], [sflag:s2] =	dma.local @!p0 [hbm:s0], s1  }
0x19e: {  	s0 =	simm.s32 @!p0 $0xD  }
0x19f: {  	_ =	swait.ge @!p0 [sflag:s0], s1  }
0x1a0: {  	s1 =	ssub.s32 @!p0 $0x0, s1;
	[sflag:s0] =	ssyncset.done @!p0 $0x0  }
0x1a1: {  	[sflag:s0] =	ssyncadd.s32 @!p0 s1  }
0x1a2: {  	[bflag:$0x3] =	sbarrier.arrive $0xFFFF  }
0x1a3: {  	_ =	shalt  }

</sc_bundles>
